<compile_context>
chip_gen: v7x
topology: tpu7x:2x2x1
jax: 0.10.2.dev20260603
libtpu: 0.0.44.dev20260713+nightly
codegen_flags: <defaults>
</compile_context>

<pallas_src>
import functools

import jax
import jax.numpy as jnp
from jax import lax
from jax.experimental import pallas as pl
from jax.experimental.pallas import tpu as pltpu
from jax.experimental.pallas import tpu_sc as plsc

N = 10000
NP = 10240
E = 160000
IN_CH = 256
HID = 512
OUT_CH = 256

NC = 2
NS = 16
K = 128
EPS = 10240
NB = EPS // K
PE = NS * EPS
DUMP = NP - 1
RPS = NP // NS

RB = 1024
GRID = NP // RB

_mesh = lambda: plsc.VectorSubcoreMesh(core_axis_name="c", subcore_axis_name="s")


def _deg_pass(dst3, ones_t, zeros_d):

    @functools.partial(
        pl.kernel,
        out_type=jax.ShapeDtypeStruct((NC, NP, 128), jnp.float32),
        mesh=_mesh(),
        scratch_types=[
            pltpu.VMEM((NB, K), jnp.int32),
            pltpu.VMEM((K, 128), jnp.float32),
            pltpu.VMEM_SHARED((NP, 128), jnp.float32),
        ],
    )
    def deg_kernel(dst_hbm, ones_hbm, zeros_hbm, deg_out, dst_v, ones_v, deg_sh):
        core = lax.axis_index("c")
        s = lax.axis_index("s")
        pltpu.sync_copy(dst_hbm.at[s], dst_v)
        pltpu.sync_copy(ones_hbm, ones_v)
        pltpu.sync_copy(zeros_hbm.at[pl.ds(s * RPS, RPS)],
                        deg_sh.at[pl.ds(s * RPS, RPS)])
        plsc.subcore_barrier()

        half = NB // NC

        @pl.loop(0, half)
        def _(j):
            pltpu.sync_copy(ones_v, deg_sh.at[dst_v.at[core * half + j]],
                            add=True)

        plsc.subcore_barrier()
        pltpu.sync_copy(deg_sh.at[pl.ds(s * RPS, RPS)],
                        deg_out.at[core, pl.ds(s * RPS, RPS)])

    return deg_kernel(dst3, ones_t, zeros_d)


def _sc_pass(h_flat, srcC, dst3, n_chunks):
    cp = n_chunks // NC
    HB = NB // 2

    @functools.partial(
        pl.kernel,
        out_type=jax.ShapeDtypeStruct((n_chunks, NP, 128), jnp.float32),
        mesh=_mesh(),
        scratch_types=[
            pltpu.VMEM((NB, K), jnp.int32),
            pltpu.VMEM((HB, K), jnp.int32),
            pltpu.VMEM((K, 128), jnp.float32),
            pltpu.VMEM((K, 128), jnp.float32),
            pltpu.SemaphoreType.DMA,
            pltpu.SemaphoreType.DMA,
            pltpu.VMEM_SHARED((NP, 128), jnp.float32),
        ],
    )
    def sc_kernel(h_hbm, src_hbm, dst_hbm, acc_out, src_v, dst_v,
                  rows0, rows1, sem0, sem1, acc_sh):
        rows = (rows0, rows1)
        sems = (sem0, sem1)
        core = lax.axis_index("c")
        s = lax.axis_index("s")
        for i in range(cp):
            ch = core * cp + i
            pltpu.sync_copy(src_hbm.at[ch, s], src_v)
            pltpu.sync_copy(h_hbm.at[pl.ds(ch * NP + s * RPS, RPS)],
                            acc_sh.at[pl.ds(s * RPS, RPS)])
            plsc.subcore_barrier()

            pltpu.async_copy(h_hbm.at[src_v.at[0]], rows[0], sems[0])
            pltpu.async_copy(h_hbm.at[src_v.at[1]], rows[1], sems[1])
            for half in range(2):
                pltpu.sync_copy(dst_hbm.at[s, pl.ds(half * HB, HB)], dst_v)

                @pl.loop(0, HB // 2)
                def _(g):
                    for b in range(2):
                        jl = g * 2 + b
                        j = half * HB + jl
                        pltpu.make_async_copy(h_hbm.at[src_v.at[j]], rows[b],
                                              sems[b]).wait()
                        pltpu.sync_copy(rows[b], acc_sh.at[dst_v.at[jl]],
                                        add=True)

                        @pl.when(j + 2 < NB)
                        def _():
                            pltpu.async_copy(h_hbm.at[src_v.at[j + 2]],
                                             rows[b], sems[b])

            plsc.subcore_barrier()
            pltpu.sync_copy(acc_sh.at[pl.ds(s * RPS, RPS)],
                            acc_out.at[ch, pl.ds(s * RPS, RPS)])
            plsc.subcore_barrier()

    return sc_kernel(h_flat, srcC, dst3)


def _tc_first(degp, x, w1):

    def body(degp_ref, x_ref, w_ref, dis_ref, h_ref):
        degp = degp_ref[:, :, 0:1]
        deg = degp[0] + degp[1] + 1.0

        dis = lax.rsqrt(deg)
        dis_ref[...] = dis
        h = jnp.dot(x_ref[...], w_ref[...],
                    preferred_element_type=jnp.float32,
                    precision=lax.Precision.HIGHEST) * dis
        for c in range(HID // 128):
            h_ref[c] = h[:, c * 128:(c + 1) * 128]

    return pl.pallas_call(
        body,
        grid=(GRID,),
        in_specs=[
            pl.BlockSpec((NC, RB, 128), lambda r: (0, r, 0)),
            pl.BlockSpec((RB, IN_CH), lambda r: (r, 0)),
            pl.BlockSpec((IN_CH, HID), lambda r: (0, 0)),
        ],
        out_specs=[
            pl.BlockSpec((RB, 1), lambda r: (r, 0)),
            pl.BlockSpec((HID // 128, RB, 128), lambda r: (0, r, 0)),
        ],
        out_shape=[
            jax.ShapeDtypeStruct((NP, 1), jnp.float32),
            jax.ShapeDtypeStruct((HID // 128, NP, 128), jnp.float32),
        ],
    )(degp, x, w1)


def _tc_mid(acc, dis, b, w, c_out):
    c_in = acc.shape[0]
    k_dim = c_in * 128

    def body(acc_ref, dis_ref, b_ref, w_ref, h_ref):
        dis = dis_ref[...]
        zs = [
            jnp.maximum(acc_ref[c] * dis + b_ref[0:1, c * 128:(c + 1) * 128],
                        0.0)
            for c in range(c_in)
        ]
        z = jnp.concatenate(zs, axis=1)
        h = jnp.dot(z, w_ref[...],
                    preferred_element_type=jnp.float32,
                    precision=lax.Precision.HIGHEST) * dis
        for c in range(c_out):
            h_ref[c] = h[:, c * 128:(c + 1) * 128]

    return pl.pallas_call(
        body,
        grid=(GRID,),
        in_specs=[
            pl.BlockSpec((c_in, RB, 128), lambda r: (0, r, 0)),
            pl.BlockSpec((RB, 1), lambda r: (r, 0)),
            pl.BlockSpec((1, k_dim), lambda r: (0, 0)),
            pl.BlockSpec((k_dim, c_out * 128), lambda r: (0, 0)),
        ],
        out_specs=pl.BlockSpec((c_out, RB, 128), lambda r: (0, r, 0)),
        out_shape=jax.ShapeDtypeStruct((c_out, NP, 128), jnp.float32),
    )(acc, dis, b, w)


def _tc_final(acc, dis, b):
    c_in = acc.shape[0]
    rb = 1000

    def body(acc_ref, dis_ref, b_ref, o_ref):
        dis = dis_ref[...]
        for c in range(c_in):
            o_ref[:, c * 128:(c + 1) * 128] = (
                acc_ref[c] * dis + b_ref[0:1, c * 128:(c + 1) * 128])

    return pl.pallas_call(
        body,
        grid=(N // rb,),
        in_specs=[
            pl.BlockSpec((c_in, rb, 128), lambda r: (0, r, 0)),
            pl.BlockSpec((rb, 1), lambda r: (r, 0)),
            pl.BlockSpec((1, OUT_CH), lambda r: (0, 0)),
        ],
        out_specs=pl.BlockSpec((rb, OUT_CH), lambda r: (r, 0)),
        out_shape=jax.ShapeDtypeStruct((N, OUT_CH), jnp.float32),
    )(acc, dis, b)


def kernel(x, edge_index, W1, b1, W2, b2, W3, b3):
    src = edge_index[0].astype(jnp.int32)
    dst = edge_index[1].astype(jnp.int32)
    pad = PE - E
    src_p = jnp.concatenate([src, jnp.zeros((pad,), jnp.int32)])
    dst_p = jnp.concatenate([dst, jnp.full((pad,), DUMP, jnp.int32)])
    src3 = src_p.reshape(NS, NB, K)
    dst3 = dst_p.reshape(NS, NB, K)
    offs = (jnp.arange(4, dtype=jnp.int32) * NP)[:, None, None, None]
    src4 = src3[None] + offs
    src2 = src4[:2]
    ones_t = jnp.ones((K, 128), jnp.float32)
    zeros_d = jnp.zeros((NP, 128), jnp.float32)
    x_pad = jnp.zeros((NP, IN_CH), jnp.float32).at[:N].set(x)
    b1r = b1.reshape(1, HID)
    b2r = b2.reshape(1, HID)
    b3r = b3.reshape(1, OUT_CH)

    degp = _deg_pass(dst3, ones_t, zeros_d)
    dis, h1 = _tc_first(degp, x_pad, W1)
    acc1 = _sc_pass(h1.reshape(4 * NP, 128), src4, dst3, 4)
    h2 = _tc_mid(acc1, dis, b1r, W2, 4)
    acc2 = _sc_pass(h2.reshape(4 * NP, 128), src4, dst3, 4)
    h3 = _tc_mid(acc2, dis, b2r, W3, 2)
    acc3 = _sc_pass(h3.reshape(2 * NP, 128), src2, dst3, 2)
    return _tc_final(acc3, dis, b3r)

# --- scband reference (transcript-rebuilt; emitter-appended) ---
"""Pipeline reference for scband-gcn-28441273434664 (READ-ONLY COPY).

The authoritative reference and input builder live on the scoring server;
editing this copy changes nothing except your own understanding.
"""

import jax, jax.numpy as jnp
import numpy as np

N_NODES = 10000
IN_CH = 256
HID_CH = 512
OUT_CH = 256
N_EDGES = 160000


def glorot(key, shape):
    fan_in, fan_out = shape[0], shape[1]
    limit = jnp.sqrt(6.0 / (fan_in + fan_out))
    return jax.random.uniform(key, shape, dtype=jnp.float32, minval=-limit, maxval=limit)


def setup_inputs(seed: int = 0) -> dict:
    key = jax.random.key(seed)
    ks = jax.random.split(key, 8)
    x = jax.random.normal(ks[0], (N_NODES, IN_CH), dtype=jnp.float32)
    edge_index = jax.random.randint(ks[1], (2, N_EDGES), 0, N_NODES, dtype=jnp.int64)
    W1 = glorot(ks[2], (IN_CH, HID_CH))
    b1 = jnp.zeros((HID_CH,), dtype=jnp.float32)
    W2 = glorot(ks[3], (HID_CH, HID_CH))
    b2 = jnp.zeros((HID_CH,), dtype=jnp.float32)
    W3 = glorot(ks[4], (HID_CH, OUT_CH))
    b3 = jnp.zeros((OUT_CH,), dtype=jnp.float32)
    return {"x": x, "edge_index": edge_index, "W1": W1, "b1": b1, "W2": W2, "b2": b2, "W3": W3, "b3": b3}


def gcn_conv(x, src, dst, norm, W, b, n_nodes):
    # PyG GCNConv: h = x @ W; messages = norm * h[src]; scatter-add into dst; add bias
    h = x @ W
    msg = h[src] * norm[:, None]
    out = jnp.zeros((n_nodes, W.shape[1]), dtype=x.dtype).at[dst].add(msg)
    return out + b


def reference(x, edge_index, W1, b1, W2, b2, W3, b3):
    n_nodes = x.shape[0]
    # add self-loops
    loop = jnp.arange(n_nodes, dtype=edge_index.dtype)
    src = jnp.concatenate([edge_index[0], loop])
    dst = jnp.concatenate([edge_index[1], loop])
    # symmetric normalization D^{-1/2} (A+I) D^{-1/2}
    deg = jnp.zeros((n_nodes,), dtype=jnp.float32).at[dst].add(1.0)
    deg_inv_sqrt = jnp.where(deg > 0, 1.0 / jnp.sqrt(deg), 0.0)
    norm = deg_inv_sqrt[src] * deg_inv_sqrt[dst]
    h = jax.nn.relu(gcn_conv(x, src, dst, norm, W1, b1, n_nodes))
    h = jax.nn.relu(gcn_conv(h, src, dst, norm, W2, b2, n_nodes))
    out = gcn_conv(h, src, dst, norm, W3, b3, n_nodes)
    return out

if __name__ == "__main__":
    import jax
    _d = setup_inputs()
    print(jax.jit(kernel)(*tuple(_d.values())))

</pallas_src>

<mosaic_0001>
#map = affine_map<(d0, d1) -> (0, 0)>
#map1 = affine_map<(d0, d1) -> (0, 0, 0, 0)>
#map2 = affine_map<(d0, d1) -> (0, 0, 0)>
module attributes {stable_mosaic.version = 14 : i64} {
  func.func @sc_kernel(%arg0: i32, %arg1: i32, %arg2: memref<40960x128xf32, #tpu.memory_space<hbm>>, %arg3: memref<4x16x80x128xi32, #tpu.memory_space<hbm>>, %arg4: memref<16x80x128xi32, #tpu.memory_space<hbm>>, %arg5: memref<4x10240x128xf32, #tpu.memory_space<hbm>>, %arg6: memref<80x128xi32, #tpu.memory_space<vmem>>, %arg7: memref<40x128xi32, #tpu.memory_space<vmem>>, %arg8: memref<128x128xf32, #tpu.memory_space<vmem>>, %arg9: memref<128x128xf32, #tpu.memory_space<vmem>>, %arg10: memref<!tpu.dma_semaphore, #tpu.memory_space<semaphore_mem>>, %arg11: memref<!tpu.dma_semaphore, #tpu.memory_space<semaphore_mem>>, %arg12: memref<10240x128xf32, #tpu.memory_space<vmem_shared>>) attributes {dimension_semantics = [#tpu.dimension_semantics<core_parallel>, #tpu.dimension_semantics<subcore_parallel>], iteration_bounds = array<i64: 2, 16>, scalar_prefetch = 0 : i64, scratch_operands = 7 : i64, tpu.core_type = #tpu.core_type<sc_vector_subcore>, window_params = [{transform_indices = #map}, {transform_indices = #map1}, {transform_indices = #map2}, {transform_indices = #map2}]} {
    %mul3A = arith.constant 2 : i32
    %mul3A_0 = arith.muli %arg0, %mul3A : i32
    %add3A = arith.constant 0 : i32
    %add3A_1 = arith.addi %mul3A_0, %add3A : i32
    "tpu.region"() ({
      %run_scoped3A = tpu.sem_alloc : memref<!tpu.dma_semaphore, #tpu.memory_space<semaphore_mem>>
      %dma_start3A_79 = arith.constant 0 : i32
      %dma_start3A_80 = arith.constant 0 : i32
      %dma_start3A_81 = tpu.memref_slice %arg3[%add3A_1, %arg1, %dma_start3A_79, %dma_start3A_80] : memref<4x16x80x128xi32, #tpu.memory_space<hbm>> -> memref<1x1x80x128xi32, #tpu.memory_space<hbm>>
      %dma_start3A_82 = tpu.memref_squeeze %dma_start3A_81 : memref<1x1x80x128xi32, #tpu.memory_space<hbm>> -> memref<80x128xi32, #tpu.memory_space<hbm>>
      %dma_start3A_83 = arith.constant 0 : i32
      %dma_start3A_84 = arith.constant 0 : i32
      %dma_start3A_85 = tpu.memref_slice %arg3[%add3A_1, %arg1, %dma_start3A_83, %dma_start3A_84] : memref<4x16x80x128xi32, #tpu.memory_space<hbm>> -> memref<1x1x80x128xi32, #tpu.memory_space<hbm>>
      %dma_start3A_86 = tpu.memref_squeeze %dma_start3A_85 : memref<1x1x80x128xi32, #tpu.memory_space<hbm>> -> memref<80x128xi32, #tpu.memory_space<hbm>>
      tpu.enqueue_dma source(%dma_start3A_86 : memref<80x128xi32, #tpu.memory_space<hbm>>) target(%arg6 : memref<80x128xi32, #tpu.memory_space<vmem>>) target_semaphore(%run_scoped3A : memref<!tpu.dma_semaphore, #tpu.memory_space<semaphore_mem>>)
      %dma_wait3A = arith.constant 0 : i32
      %dma_wait3A_87 = arith.constant 0 : i32
      %dma_wait3A_88 = tpu.memref_slice %arg3[%add3A_1, %arg1, %dma_wait3A, %dma_wait3A_87] : memref<4x16x80x128xi32, #tpu.memory_space<hbm>> -> memref<1x1x80x128xi32, #tpu.memory_space<hbm>>
      %dma_wait3A_89 = tpu.memref_squeeze %dma_wait3A_88 : memref<1x1x80x128xi32, #tpu.memory_space<hbm>> -> memref<80x128xi32, #tpu.memory_space<hbm>>
      %dma_wait3A_90 = arith.constant 0 : i32
      %dma_wait3A_91 = arith.constant 0 : i32
      %dma_wait3A_92 = tpu.memref_slice %arg3[%add3A_1, %arg1, %dma_wait3A_90, %dma_wait3A_91] : memref<4x16x80x128xi32, #tpu.memory_space<hbm>> -> memref<1x1x80x128xi32, #tpu.memory_space<hbm>>
      %dma_wait3A_93 = tpu.memref_squeeze %dma_wait3A_92 : memref<1x1x80x128xi32, #tpu.memory_space<hbm>> -> memref<80x128xi32, #tpu.memory_space<hbm>>
      tpu.wait_dma2 semaphore(%run_scoped3A : memref<!tpu.dma_semaphore, #tpu.memory_space<semaphore_mem>>) src(%dma_wait3A_93 : memref<80x128xi32, #tpu.memory_space<hbm>>) dst(%arg6 : memref<80x128xi32, #tpu.memory_space<vmem>>)
      tpu.yield
    }) : () -> ()
    %mul3A_2 = arith.constant 10240 : i32
    %mul3A_3 = arith.muli %add3A_1, %mul3A_2 : i32
    %mul3A_4 = arith.constant 640 : i32
    %mul3A_5 = arith.muli %arg1, %mul3A_4 : i32
    %add3A_6 = arith.addi %mul3A_3, %mul3A_5 : i32
    %mul3A_7 = arith.constant 640 : i32
    %mul3A_8 = arith.muli %arg1, %mul3A_7 : i32
    "tpu.region"() ({
      %run_scoped3A = tpu.sem_alloc : memref<!tpu.dma_semaphore, #tpu.memory_space<semaphore_mem>>
      %dma_start3A_79 = arith.constant 0 : i32
      %dma_start3A_80 = tpu.memref_slice %arg12[%mul3A_8, %dma_start3A_79] : memref<10240x128xf32, #tpu.memory_space<vmem_shared>> -> memref<640x128xf32, #tpu.memory_space<vmem_shared>>
      %dma_start3A_81 = arith.constant 0 : i32
      %dma_start3A_82 = tpu.memref_slice %arg2[%add3A_6, %dma_start3A_81] : memref<40960x128xf32, #tpu.memory_space<hbm>> -> memref<640x128xf32, #tpu.memory_space<hbm>>
      tpu.enqueue_dma source(%dma_start3A_82 : memref<640x128xf32, #tpu.memory_space<hbm>>) target(%dma_start3A_80 : memref<640x128xf32, #tpu.memory_space<vmem_shared>>) target_semaphore(%run_scoped3A : memref<!tpu.dma_semaphore, #tpu.memory_space<semaphore_mem>>)
      %dma_wait3A = arith.constant 0 : i32
      %dma_wait3A_83 = tpu.memref_slice %arg12[%mul3A_8, %dma_wait3A] : memref<10240x128xf32, #tpu.memory_space<vmem_shared>> -> memref<640x128xf32, #tpu.memory_space<vmem_shared>>
      %dma_wait3A_84 = arith.constant 0 : i32
      %dma_wait3A_85 = tpu.memref_slice %arg2[%add3A_6, %dma_wait3A_84] : memref<40960x128xf32, #tpu.memory_space<hbm>> -> memref<640x128xf32, #tpu.memory_space<hbm>>
      tpu.wait_dma2 semaphore(%run_scoped3A : memref<!tpu.dma_semaphore, #tpu.memory_space<semaphore_mem>>) src(%dma_wait3A_85 : memref<640x128xf32, #tpu.memory_space<hbm>>) dst(%dma_wait3A_83 : memref<640x128xf32, #tpu.memory_space<vmem_shared>>)
      tpu.yield
    }) : () -> ()
    %barrier3A = arith.constant 0 : index
    tpu.barrier barrier_id(%barrier3A)
    %dma_start3A = arith.constant 0 : i32
    %dma_start3A_9 = arith.constant 0 : i32
    %dma_start3A_10 = tpu.memref_slice %arg6[%dma_start3A, %dma_start3A_9] : memref<80x128xi32, #tpu.memory_space<vmem>> -> memref<1x128xi32, #tpu.memory_space<vmem>>
    %dma_start3A_11 = tpu.memref_squeeze %dma_start3A_10 : memref<1x128xi32, #tpu.memory_space<vmem>> -> memref<128xi32, #tpu.memory_space<vmem>>
    %dma_start3A_12 = arith.constant 0 : i32
    %dma_start3A_13 = arith.constant 0 : i32
    %dma_start3A_14 = tpu.memref_slice %arg2[%dma_start3A_12, %dma_start3A_13] : memref<40960x128xf32, #tpu.memory_space<hbm>> -> memref<40960x128xf32, #tpu.memory_space<hbm>>
    tpu.enqueue_indirect_dma source(%dma_start3A_14 : memref<40960x128xf32, #tpu.memory_space<hbm>>) target(%arg8 : memref<128x128xf32, #tpu.memory_space<vmem>>) offsets(%dma_start3A_11 : memref<128xi32, #tpu.memory_space<vmem>>) semaphore(%arg10 : memref<!tpu.dma_semaphore, #tpu.memory_space<semaphore_mem>>)
    %dma_start3A_15 = arith.constant 1 : i32
    %dma_start3A_16 = arith.constant 0 : i32
    %dma_start3A_17 = tpu.memref_slice %arg6[%dma_start3A_15, %dma_start3A_16] : memref<80x128xi32, #tpu.memory_space<vmem>> -> memref<1x128xi32, #tpu.memory_space<vmem>>
    %dma_start3A_18 = tpu.memref_squeeze %dma_start3A_17 : memref<1x128xi32, #tpu.memory_space<vmem>> -> memref<128xi32, #tpu.memory_space<vmem>>
    %dma_start3A_19 = arith.constant 0 : i32
    %dma_start3A_20 = arith.constant 0 : i32
    %dma_start3A_21 = tpu.memref_slice %arg2[%dma_start3A_19, %dma_start3A_20] : memref<40960x128xf32, #tpu.memory_space<hbm>> -> memref<40960x128xf32, #tpu.memory_space<hbm>>
    tpu.enqueue_indirect_dma source(%dma_start3A_21 : memref<40960x128xf32, #tpu.memory_space<hbm>>) target(%arg9 : memref<128x128xf32, #tpu.memory_space<vmem>>) offsets(%dma_start3A_18 : memref<128xi32, #tpu.memory_space<vmem>>) semaphore(%arg11 : memref<!tpu.dma_semaphore, #tpu.memory_space<semaphore_mem>>)
    "tpu.region"() ({
      %run_scoped3A = tpu.sem_alloc : memref<!tpu.dma_semaphore, #tpu.memory_space<semaphore_mem>>
      %dma_start3A_79 = arith.constant 0 : i32
      %dma_start3A_80 = arith.constant 0 : i32
      %dma_start3A_81 = tpu.memref_slice %arg4[%arg1, %dma_start3A_79, %dma_start3A_80] : memref<16x80x128xi32, #tpu.memory_space<hbm>> -> memref<1x40x128xi32, #tpu.memory_space<hbm>>
      %dma_start3A_82 = tpu.memref_squeeze %dma_start3A_81 : memref<1x40x128xi32, #tpu.memory_space<hbm>> -> memref<40x128xi32, #tpu.memory_space<hbm>>
      %dma_start3A_83 = arith.constant 0 : i32
      %dma_start3A_84 = arith.constant 0 : i32
      %dma_start3A_85 = tpu.memref_slice %arg4[%arg1, %dma_start3A_83, %dma_start3A_84] : memref<16x80x128xi32, #tpu.memory_space<hbm>> -> memref<1x40x128xi32, #tpu.memory_space<hbm>>
      %dma_start3A_86 = tpu.memref_squeeze %dma_start3A_85 : memref<1x40x128xi32, #tpu.memory_space<hbm>> -> memref<40x128xi32, #tpu.memory_space<hbm>>
      tpu.enqueue_dma source(%dma_start3A_86 : memref<40x128xi32, #tpu.memory_space<hbm>>) target(%arg7 : memref<40x128xi32, #tpu.memory_space<vmem>>) target_semaphore(%run_scoped3A : memref<!tpu.dma_semaphore, #tpu.memory_space<semaphore_mem>>)
      %dma_wait3A = arith.constant 0 : i32
      %dma_wait3A_87 = arith.constant 0 : i32
      %dma_wait3A_88 = tpu.memref_slice %arg4[%arg1, %dma_wait3A, %dma_wait3A_87] : memref<16x80x128xi32, #tpu.memory_space<hbm>> -> memref<1x40x128xi32, #tpu.memory_space<hbm>>
      %dma_wait3A_89 = tpu.memref_squeeze %dma_wait3A_88 : memref<1x40x128xi32, #tpu.memory_space<hbm>> -> memref<40x128xi32, #tpu.memory_space<hbm>>
      %dma_wait3A_90 = arith.constant 0 : i32
      %dma_wait3A_91 = arith.constant 0 : i32
      %dma_wait3A_92 = tpu.memref_slice %arg4[%arg1, %dma_wait3A_90, %dma_wait3A_91] : memref<16x80x128xi32, #tpu.memory_space<hbm>> -> memref<1x40x128xi32, #tpu.memory_space<hbm>>
      %dma_wait3A_93 = tpu.memref_squeeze %dma_wait3A_92 : memref<1x40x128xi32, #tpu.memory_space<hbm>> -> memref<40x128xi32, #tpu.memory_space<hbm>>
      tpu.wait_dma2 semaphore(%run_scoped3A : memref<!tpu.dma_semaphore, #tpu.memory_space<semaphore_mem>>) src(%dma_wait3A_93 : memref<40x128xi32, #tpu.memory_space<hbm>>) dst(%arg7 : memref<40x128xi32, #tpu.memory_space<vmem>>)
      tpu.yield
    }) : () -> ()
    %scan3A = arith.constant 0 : i32
    %scan3A_22 = arith.constant 20 : i32
    %scan3A_23 = arith.addi %scan3A, %scan3A_22 : i32
    %scan3A_24 = arith.constant 1 : i32
    scf.for %scan3A_79 = %scan3A to %scan3A_23 step %scan3A_24  : i32 {
      %mul3A_80 = arith.constant 1 : i32
      %mul3A_81 = arith.muli %scan3A_79, %mul3A_80 : i32
      %add3A_82 = arith.constant 0 : i32
      %add3A_83 = arith.addi %add3A_82, %mul3A_81 : i32
      %mul3A_84 = arith.constant 2 : i32
      %mul3A_85 = arith.muli %add3A_83, %mul3A_84 : i32
      %add3A_86 = arith.constant 0 : i32
      %add3A_87 = arith.addi %mul3A_85, %add3A_86 : i32
      %add3A_88 = arith.constant 0 : i32
      %add3A_89 = arith.addi %add3A_88, %add3A_87 : i32
      %dma_wait3A = arith.constant 0 : i32
      %dma_wait3A_90 = tpu.memref_slice %arg6[%add3A_89, %dma_wait3A] : memref<80x128xi32, #tpu.memory_space<vmem>> -> memref<1x128xi32, #tpu.memory_space<vmem>>
      %dma_wait3A_91 = tpu.memref_squeeze %dma_wait3A_90 : memref<1x128xi32, #tpu.memory_space<vmem>> -> memref<128xi32, #tpu.memory_space<vmem>>
      %dma_wait3A_92 = arith.constant 0 : i32
      %dma_wait3A_93 = arith.constant 0 : i32
      %dma_wait3A_94 = tpu.memref_slice %arg2[%dma_wait3A_92, %dma_wait3A_93] : memref<40960x128xf32, #tpu.memory_space<hbm>> -> memref<40960x128xf32, #tpu.memory_space<hbm>>
      tpu.wait_indirect_dma semaphore(%arg10 : memref<!tpu.dma_semaphore, #tpu.memory_space<semaphore_mem>>) src(%dma_wait3A_94 : memref<40960x128xf32, #tpu.memory_space<hbm>>) dst(%arg8 : memref<128x128xf32, #tpu.memory_space<vmem>>)
      "tpu.region"() ({
        %run_scoped3A = tpu.sem_alloc : memref<!tpu.dma_semaphore, #tpu.memory_space<semaphore_mem>>
        %dma_start3A_118 = arith.constant 0 : i32
        %dma_start3A_119 = tpu.memref_slice %arg7[%add3A_87, %dma_start3A_118] : memref<40x128xi32, #tpu.memory_space<vmem>> -> memref<1x128xi32, #tpu.memory_space<vmem>>
        %dma_start3A_120 = tpu.memref_squeeze %dma_start3A_119 : memref<1x128xi32, #tpu.memory_space<vmem>> -> memref<128xi32, #tpu.memory_space<vmem>>
        %dma_start3A_121 = arith.constant 0 : i32
        %dma_start3A_122 = arith.constant 0 : i32
        %dma_start3A_123 = tpu.memref_slice %arg12[%dma_start3A_121, %dma_start3A_122] : memref<10240x128xf32, #tpu.memory_space<vmem_shared>> -> memref<10240x128xf32, #tpu.memory_space<vmem_shared>>
        tpu.enqueue_indirect_dma source(%arg8 : memref<128x128xf32, #tpu.memory_space<vmem>>) target(%dma_start3A_123 : memref<10240x128xf32, #tpu.memory_space<vmem_shared>>) offsets(%dma_start3A_120 : memref<128xi32, #tpu.memory_space<vmem>>) semaphore(%run_scoped3A : memref<!tpu.dma_semaphore, #tpu.memory_space<semaphore_mem>>) {add = true}
        %dma_wait3A_124 = arith.constant 0 : i32
        %dma_wait3A_125 = tpu.memref_slice %arg7[%add3A_87, %dma_wait3A_124] : memref<40x128xi32, #tpu.memory_space<vmem>> -> memref<1x128xi32, #tpu.memory_space<vmem>>
        %dma_wait3A_126 = tpu.memref_squeeze %dma_wait3A_125 : memref<1x128xi32, #tpu.memory_space<vmem>> -> memref<128xi32, #tpu.memory_space<vmem>>
        %dma_wait3A_127 = arith.constant 0 : i32
        %dma_wait3A_128 = arith.constant 0 : i32
        %dma_wait3A_129 = tpu.memref_slice %arg12[%dma_wait3A_127, %dma_wait3A_128] : memref<10240x128xf32, #tpu.memory_space<vmem_shared>> -> memref<10240x128xf32, #tpu.memory_space<vmem_shared>>
        tpu.wait_indirect_dma semaphore(%run_scoped3A : memref<!tpu.dma_semaphore, #tpu.memory_space<semaphore_mem>>) src(%arg8 : memref<128x128xf32, #tpu.memory_space<vmem>>) dst(%dma_wait3A_129 : memref<10240x128xf32, #tpu.memory_space<vmem_shared>>)
        tpu.yield
      }) : () -> ()
      %add3A_95 = arith.constant 2 : i32
      %add3A_96 = arith.addi %add3A_89, %add3A_95 : i32
      %lt3A = arith.constant 80 : i32
      %lt3A_97 = arith.cmpi slt, %add3A_96, %lt3A : i32
      %convert_element_type3A = arith.extui %lt3A_97 : i1 to i32
      %cond3A = arith.constant 0 : i32
      %cond3A_98 = arith.cmpi ne, %convert_element_type3A, %cond3A : i32
      scf.if %cond3A_98 {
        %add3A_118 = arith.constant 2 : i32
        %add3A_119 = arith.addi %add3A_89, %add3A_118 : i32
        %dma_start3A_120 = arith.constant 0 : i32
        %dma_start3A_121 = tpu.memref_slice %arg6[%add3A_119, %dma_start3A_120] : memref<80x128xi32, #tpu.memory_space<vmem>> -> memref<1x128xi32, #tpu.memory_space<vmem>>
        %dma_start3A_122 = tpu.memref_squeeze %dma_start3A_121 : memref<1x128xi32, #tpu.memory_space<vmem>> -> memref<128xi32, #tpu.memory_space<vmem>>
        %dma_start3A_123 = arith.constant 0 : i32
        %dma_start3A_124 = arith.constant 0 : i32
        %dma_start3A_125 = tpu.memref_slice %arg2[%dma_start3A_123, %dma_start3A_124] : memref<40960x128xf32, #tpu.memory_space<hbm>> -> memref<40960x128xf32, #tpu.memory_space<hbm>>
        tpu.enqueue_indirect_dma source(%dma_start3A_125 : memref<40960x128xf32, #tpu.memory_space<hbm>>) target(%arg8 : memref<128x128xf32, #tpu.memory_space<vmem>>) offsets(%dma_start3A_122 : memref<128xi32, #tpu.memory_space<vmem>>) semaphore(%arg10 : memref<!tpu.dma_semaphore, #tpu.memory_space<semaphore_mem>>)
      } else {
      }
      %mul3A_99 = arith.constant 2 : i32
      %mul3A_100 = arith.muli %add3A_83, %mul3A_99 : i32
      %add3A_101 = arith.constant 1 : i32
      %add3A_102 = arith.addi %mul3A_100, %add3A_101 : i32
      %add3A_103 = arith.constant 0 : i32
      %add3A_104 = arith.addi %add3A_103, %add3A_102 : i32
      %dma_wait3A_105 = arith.constant 0 : i32
      %dma_wait3A_106 = tpu.memref_slice %arg6[%add3A_104, %dma_wait3A_105] : memref<80x128xi32, #tpu.memory_space<vmem>> -> memref<1x128xi32, #tpu.memory_space<vmem>>
      %dma_wait3A_107 = tpu.memref_squeeze %dma_wait3A_106 : memref<1x128xi32, #tpu.memory_space<vmem>> -> memref<128xi32, #tpu.memory_space<vmem>>
      %dma_wait3A_108 = arith.constant 0 : i32
      %dma_wait3A_109 = arith.constant 0 : i32
      %dma_wait3A_110 = tpu.memref_slice %arg2[%dma_wait3A_108, %dma_wait3A_109] : memref<40960x128xf32, #tpu.memory_space<hbm>> -> memref<40960x128xf32, #tpu.memory_space<hbm>>
      tpu.wait_indirect_dma semaphore(%arg11 : memref<!tpu.dma_semaphore, #tpu.memory_space<semaphore_mem>>) src(%dma_wait3A_110 : memref<40960x128xf32, #tpu.memory_space<hbm>>) dst(%arg9 : memref<128x128xf32, #tpu.memory_space<vmem>>)
      "tpu.region"() ({
        %run_scoped3A = tpu.sem_alloc : memref<!tpu.dma_semaphore, #tpu.memory_space<semaphore_mem>>
        %dma_start3A_118 = arith.constant 0 : i32
        %dma_start3A_119 = tpu.memref_slice %arg7[%add3A_102, %dma_start3A_118] : memref<40x128xi32, #tpu.memory_space<vmem>> -> memref<1x128xi32, #tpu.memory_space<vmem>>
        %dma_start3A_120 = tpu.memref_squeeze %dma_start3A_119 : memref<1x128xi32, #tpu.memory_space<vmem>> -> memref<128xi32, #tpu.memory_space<vmem>>
        %dma_start3A_121 = arith.constant 0 : i32
        %dma_start3A_122 = arith.constant 0 : i32
        %dma_start3A_123 = tpu.memref_slice %arg12[%dma_start3A_121, %dma_start3A_122] : memref<10240x128xf32, #tpu.memory_space<vmem_shared>> -> memref<10240x128xf32, #tpu.memory_space<vmem_shared>>
        tpu.enqueue_indirect_dma source(%arg9 : memref<128x128xf32, #tpu.memory_space<vmem>>) target(%dma_start3A_123 : memref<10240x128xf32, #tpu.memory_space<vmem_shared>>) offsets(%dma_start3A_120 : memref<128xi32, #tpu.memory_space<vmem>>) semaphore(%run_scoped3A : memref<!tpu.dma_semaphore, #tpu.memory_space<semaphore_mem>>) {add = true}
        %dma_wait3A_124 = arith.constant 0 : i32
        %dma_wait3A_125 = tpu.memref_slice %arg7[%add3A_102, %dma_wait3A_124] : memref<40x128xi32, #tpu.memory_space<vmem>> -> memref<1x128xi32, #tpu.memory_space<vmem>>
        %dma_wait3A_126 = tpu.memref_squeeze %dma_wait3A_125 : memref<1x128xi32, #tpu.memory_space<vmem>> -> memref<128xi32, #tpu.memory_space<vmem>>
        %dma_wait3A_127 = arith.constant 0 : i32
        %dma_wait3A_128 = arith.constant 0 : i32
        %dma_wait3A_129 = tpu.memref_slice %arg12[%dma_wait3A_127, %dma_wait3A_128] : memref<10240x128xf32, #tpu.memory_space<vmem_shared>> -> memref<10240x128xf32, #tpu.memory_space<vmem_shared>>
        tpu.wait_indirect_dma semaphore(%run_scoped3A : memref<!tpu.dma_semaphore, #tpu.memory_space<semaphore_mem>>) src(%arg9 : memref<128x128xf32, #tpu.memory_space<vmem>>) dst(%dma_wait3A_129 : memref<10240x128xf32, #tpu.memory_space<vmem_shared>>)
        tpu.yield
      }) : () -> ()
      %add3A_111 = arith.constant 2 : i32
      %add3A_112 = arith.addi %add3A_104, %add3A_111 : i32
      %lt3A_113 = arith.constant 80 : i32
      %lt3A_114 = arith.cmpi slt, %add3A_112, %lt3A_113 : i32
      %convert_element_type3A_115 = arith.extui %lt3A_114 : i1 to i32
      %cond3A_116 = arith.constant 0 : i32
      %cond3A_117 = arith.cmpi ne, %convert_element_type3A_115, %cond3A_116 : i32
      scf.if %cond3A_117 {
        %add3A_118 = arith.constant 2 : i32
        %add3A_119 = arith.addi %add3A_104, %add3A_118 : i32
        %dma_start3A_120 = arith.constant 0 : i32
        %dma_start3A_121 = tpu.memref_slice %arg6[%add3A_119, %dma_start3A_120] : memref<80x128xi32, #tpu.memory_space<vmem>> -> memref<1x128xi32, #tpu.memory_space<vmem>>
        %dma_start3A_122 = tpu.memref_squeeze %dma_start3A_121 : memref<1x128xi32, #tpu.memory_space<vmem>> -> memref<128xi32, #tpu.memory_space<vmem>>
        %dma_start3A_123 = arith.constant 0 : i32
        %dma_start3A_124 = arith.constant 0 : i32
        %dma_start3A_125 = tpu.memref_slice %arg2[%dma_start3A_123, %dma_start3A_124] : memref<40960x128xf32, #tpu.memory_space<hbm>> -> memref<40960x128xf32, #tpu.memory_space<hbm>>
        tpu.enqueue_indirect_dma source(%dma_start3A_125 : memref<40960x128xf32, #tpu.memory_space<hbm>>) target(%arg9 : memref<128x128xf32, #tpu.memory_space<vmem>>) offsets(%dma_start3A_122 : memref<128xi32, #tpu.memory_space<vmem>>) semaphore(%arg11 : memref<!tpu.dma_semaphore, #tpu.memory_space<semaphore_mem>>)
      } else {
      }
    }
    %scan3A_25 = arith.constant 20 : i32
    "tpu.region"() ({
      %run_scoped3A = tpu.sem_alloc : memref<!tpu.dma_semaphore, #tpu.memory_space<semaphore_mem>>
      %dma_start3A_79 = arith.constant 40 : i32
      %dma_start3A_80 = arith.constant 0 : i32
      %dma_start3A_81 = tpu.memref_slice %arg4[%arg1, %dma_start3A_79, %dma_start3A_80] : memref<16x80x128xi32, #tpu.memory_space<hbm>> -> memref<1x40x128xi32, #tpu.memory_space<hbm>>
      %dma_start3A_82 = tpu.memref_squeeze %dma_start3A_81 : memref<1x40x128xi32, #tpu.memory_space<hbm>> -> memref<40x128xi32, #tpu.memory_space<hbm>>
      %dma_start3A_83 = arith.constant 40 : i32
      %dma_start3A_84 = arith.constant 0 : i32
      %dma_start3A_85 = tpu.memref_slice %arg4[%arg1, %dma_start3A_83, %dma_start3A_84] : memref<16x80x128xi32, #tpu.memory_space<hbm>> -> memref<1x40x128xi32, #tpu.memory_space<hbm>>
      %dma_start3A_86 = tpu.memref_squeeze %dma_start3A_85 : memref<1x40x128xi32, #tpu.memory_space<hbm>> -> memref<40x128xi32, #tpu.memory_space<hbm>>
      tpu.enqueue_dma source(%dma_start3A_86 : memref<40x128xi32, #tpu.memory_space<hbm>>) target(%arg7 : memref<40x128xi32, #tpu.memory_space<vmem>>) target_semaphore(%run_scoped3A : memref<!tpu.dma_semaphore, #tpu.memory_space<semaphore_mem>>)
      %dma_wait3A = arith.constant 40 : i32
      %dma_wait3A_87 = arith.constant 0 : i32
      %dma_wait3A_88 = tpu.memref_slice %arg4[%arg1, %dma_wait3A, %dma_wait3A_87] : memref<16x80x128xi32, #tpu.memory_space<hbm>> -> memref<1x40x128xi32, #tpu.memory_space<hbm>>
      %dma_wait3A_89 = tpu.memref_squeeze %dma_wait3A_88 : memref<1x40x128xi32, #tpu.memory_space<hbm>> -> memref<40x128xi32, #tpu.memory_space<hbm>>
      %dma_wait3A_90 = arith.constant 40 : i32
      %dma_wait3A_91 = arith.constant 0 : i32
      %dma_wait3A_92 = tpu.memref_slice %arg4[%arg1, %dma_wait3A_90, %dma_wait3A_91] : memref<16x80x128xi32, #tpu.memory_space<hbm>> -> memref<1x40x128xi32, #tpu.memory_space<hbm>>
      %dma_wait3A_93 = tpu.memref_squeeze %dma_wait3A_92 : memref<1x40x128xi32, #tpu.memory_space<hbm>> -> memref<40x128xi32, #tpu.memory_space<hbm>>
      tpu.wait_dma2 semaphore(%run_scoped3A : memref<!tpu.dma_semaphore, #tpu.memory_space<semaphore_mem>>) src(%dma_wait3A_93 : memref<40x128xi32, #tpu.memory_space<hbm>>) dst(%arg7 : memref<40x128xi32, #tpu.memory_space<vmem>>)
      tpu.yield
    }) : () -> ()
    %scan3A_26 = arith.constant 0 : i32
    %scan3A_27 = arith.constant 20 : i32
    %scan3A_28 = arith.addi %scan3A_26, %scan3A_27 : i32
    %scan3A_29 = arith.constant 1 : i32
    scf.for %scan3A_79 = %scan3A_26 to %scan3A_28 step %scan3A_29  : i32 {
      %mul3A_80 = arith.constant 1 : i32
      %mul3A_81 = arith.muli %scan3A_79, %mul3A_80 : i32
      %add3A_82 = arith.constant 0 : i32
      %add3A_83 = arith.addi %add3A_82, %mul3A_81 : i32
      %mul3A_84 = arith.constant 2 : i32
      %mul3A_85 = arith.muli %add3A_83, %mul3A_84 : i32
      %add3A_86 = arith.constant 0 : i32
      %add3A_87 = arith.addi %mul3A_85, %add3A_86 : i32
      %add3A_88 = arith.constant 40 : i32
      %add3A_89 = arith.addi %add3A_88, %add3A_87 : i32
      %dma_wait3A = arith.constant 0 : i32
      %dma_wait3A_90 = tpu.memref_slice %arg6[%add3A_89, %dma_wait3A] : memref<80x128xi32, #tpu.memory_space<vmem>> -> memref<1x128xi32, #tpu.memory_space<vmem>>
      %dma_wait3A_91 = tpu.memref_squeeze %dma_wait3A_90 : memref<1x128xi32, #tpu.memory_space<vmem>> -> memref<128xi32, #tpu.memory_space<vmem>>
      %dma_wait3A_92 = arith.constant 0 : i32
      %dma_wait3A_93 = arith.constant 0 : i32
      %dma_wait3A_94 = tpu.memref_slice %arg2[%dma_wait3A_92, %dma_wait3A_93] : memref<40960x128xf32, #tpu.memory_space<hbm>> -> memref<40960x128xf32, #tpu.memory_space<hbm>>
      tpu.wait_indirect_dma semaphore(%arg10 : memref<!tpu.dma_semaphore, #tpu.memory_space<semaphore_mem>>) src(%dma_wait3A_94 : memref<40960x128xf32, #tpu.memory_space<hbm>>) dst(%arg8 : memref<128x128xf32, #tpu.memory_space<vmem>>)
      "tpu.region"() ({
        %run_scoped3A = tpu.sem_alloc : memref<!tpu.dma_semaphore, #tpu.memory_space<semaphore_mem>>
        %dma_start3A_118 = arith.constant 0 : i32
        %dma_start3A_119 = tpu.memref_slice %arg7[%add3A_87, %dma_start3A_118] : memref<40x128xi32, #tpu.memory_space<vmem>> -> memref<1x128xi32, #tpu.memory_space<vmem>>
        %dma_start3A_120 = tpu.memref_squeeze %dma_start3A_119 : memref<1x128xi32, #tpu.memory_space<vmem>> -> memref<128xi32, #tpu.memory_space<vmem>>
        %dma_start3A_121 = arith.constant 0 : i32
        %dma_start3A_122 = arith.constant 0 : i32
        %dma_start3A_123 = tpu.memref_slice %arg12[%dma_start3A_121, %dma_start3A_122] : memref<10240x128xf32, #tpu.memory_space<vmem_shared>> -> memref<10240x128xf32, #tpu.memory_space<vmem_shared>>
        tpu.enqueue_indirect_dma source(%arg8 : memref<128x128xf32, #tpu.memory_space<vmem>>) target(%dma_start3A_123 : memref<10240x128xf32, #tpu.memory_space<vmem_shared>>) offsets(%dma_start3A_120 : memref<128xi32, #tpu.memory_space<vmem>>) semaphore(%run_scoped3A : memref<!tpu.dma_semaphore, #tpu.memory_space<semaphore_mem>>) {add = true}
        %dma_wait3A_124 = arith.constant 0 : i32
        %dma_wait3A_125 = tpu.memref_slice %arg7[%add3A_87, %dma_wait3A_124] : memref<40x128xi32, #tpu.memory_space<vmem>> -> memref<1x128xi32, #tpu.memory_space<vmem>>
        %dma_wait3A_126 = tpu.memref_squeeze %dma_wait3A_125 : memref<1x128xi32, #tpu.memory_space<vmem>> -> memref<128xi32, #tpu.memory_space<vmem>>
        %dma_wait3A_127 = arith.constant 0 : i32
        %dma_wait3A_128 = arith.constant 0 : i32
        %dma_wait3A_129 = tpu.memref_slice %arg12[%dma_wait3A_127, %dma_wait3A_128] : memref<10240x128xf32, #tpu.memory_space<vmem_shared>> -> memref<10240x128xf32, #tpu.memory_space<vmem_shared>>
        tpu.wait_indirect_dma semaphore(%run_scoped3A : memref<!tpu.dma_semaphore, #tpu.memory_space<semaphore_mem>>) src(%arg8 : memref<128x128xf32, #tpu.memory_space<vmem>>) dst(%dma_wait3A_129 : memref<10240x128xf32, #tpu.memory_space<vmem_shared>>)
        tpu.yield
      }) : () -> ()
      %add3A_95 = arith.constant 2 : i32
      %add3A_96 = arith.addi %add3A_89, %add3A_95 : i32
      %lt3A = arith.constant 80 : i32
      %lt3A_97 = arith.cmpi slt, %add3A_96, %lt3A : i32
      %convert_element_type3A = arith.extui %lt3A_97 : i1 to i32
      %cond3A = arith.constant 0 : i32
      %cond3A_98 = arith.cmpi ne, %convert_element_type3A, %cond3A : i32
      scf.if %cond3A_98 {
        %add3A_118 = arith.constant 2 : i32
        %add3A_119 = arith.addi %add3A_89, %add3A_118 : i32
        %dma_start3A_120 = arith.constant 0 : i32
        %dma_start3A_121 = tpu.memref_slice %arg6[%add3A_119, %dma_start3A_120] : memref<80x128xi32, #tpu.memory_space<vmem>> -> memref<1x128xi32, #tpu.memory_space<vmem>>
        %dma_start3A_122 = tpu.memref_squeeze %dma_start3A_121 : memref<1x128xi32, #tpu.memory_space<vmem>> -> memref<128xi32, #tpu.memory_space<vmem>>
        %dma_start3A_123 = arith.constant 0 : i32
        %dma_start3A_124 = arith.constant 0 : i32
        %dma_start3A_125 = tpu.memref_slice %arg2[%dma_start3A_123, %dma_start3A_124] : memref<40960x128xf32, #tpu.memory_space<hbm>> -> memref<40960x128xf32, #tpu.memory_space<hbm>>
        tpu.enqueue_indirect_dma source(%dma_start3A_125 : memref<40960x128xf32, #tpu.memory_space<hbm>>) target(%arg8 : memref<128x128xf32, #tpu.memory_space<vmem>>) offsets(%dma_start3A_122 : memref<128xi32, #tpu.memory_space<vmem>>) semaphore(%arg10 : memref<!tpu.dma_semaphore, #tpu.memory_space<semaphore_mem>>)
      } else {
      }
      %mul3A_99 = arith.constant 2 : i32
      %mul3A_100 = arith.muli %add3A_83, %mul3A_99 : i32
      %add3A_101 = arith.constant 1 : i32
      %add3A_102 = arith.addi %mul3A_100, %add3A_101 : i32
      %add3A_103 = arith.constant 40 : i32
      %add3A_104 = arith.addi %add3A_103, %add3A_102 : i32
      %dma_wait3A_105 = arith.constant 0 : i32
      %dma_wait3A_106 = tpu.memref_slice %arg6[%add3A_104, %dma_wait3A_105] : memref<80x128xi32, #tpu.memory_space<vmem>> -> memref<1x128xi32, #tpu.memory_space<vmem>>
      %dma_wait3A_107 = tpu.memref_squeeze %dma_wait3A_106 : memref<1x128xi32, #tpu.memory_space<vmem>> -> memref<128xi32, #tpu.memory_space<vmem>>
      %dma_wait3A_108 = arith.constant 0 : i32
      %dma_wait3A_109 = arith.constant 0 : i32
      %dma_wait3A_110 = tpu.memref_slice %arg2[%dma_wait3A_108, %dma_wait3A_109] : memref<40960x128xf32, #tpu.memory_space<hbm>> -> memref<40960x128xf32, #tpu.memory_space<hbm>>
      tpu.wait_indirect_dma semaphore(%arg11 : memref<!tpu.dma_semaphore, #tpu.memory_space<semaphore_mem>>) src(%dma_wait3A_110 : memref<40960x128xf32, #tpu.memory_space<hbm>>) dst(%arg9 : memref<128x128xf32, #tpu.memory_space<vmem>>)
      "tpu.region"() ({
        %run_scoped3A = tpu.sem_alloc : memref<!tpu.dma_semaphore, #tpu.memory_space<semaphore_mem>>
        %dma_start3A_118 = arith.constant 0 : i32
        %dma_start3A_119 = tpu.memref_slice %arg7[%add3A_102, %dma_start3A_118] : memref<40x128xi32, #tpu.memory_space<vmem>> -> memref<1x128xi32, #tpu.memory_space<vmem>>
        %dma_start3A_120 = tpu.memref_squeeze %dma_start3A_119 : memref<1x128xi32, #tpu.memory_space<vmem>> -> memref<128xi32, #tpu.memory_space<vmem>>
        %dma_start3A_121 = arith.constant 0 : i32
        %dma_start3A_122 = arith.constant 0 : i32
        %dma_start3A_123 = tpu.memref_slice %arg12[%dma_start3A_121, %dma_start3A_122] : memref<10240x128xf32, #tpu.memory_space<vmem_shared>> -> memref<10240x128xf32, #tpu.memory_space<vmem_shared>>
        tpu.enqueue_indirect_dma source(%arg9 : memref<128x128xf32, #tpu.memory_space<vmem>>) target(%dma_start3A_123 : memref<10240x128xf32, #tpu.memory_space<vmem_shared>>) offsets(%dma_start3A_120 : memref<128xi32, #tpu.memory_space<vmem>>) semaphore(%run_scoped3A : memref<!tpu.dma_semaphore, #tpu.memory_space<semaphore_mem>>) {add = true}
        %dma_wait3A_124 = arith.constant 0 : i32
        %dma_wait3A_125 = tpu.memref_slice %arg7[%add3A_102, %dma_wait3A_124] : memref<40x128xi32, #tpu.memory_space<vmem>> -> memref<1x128xi32, #tpu.memory_space<vmem>>
        %dma_wait3A_126 = tpu.memref_squeeze %dma_wait3A_125 : memref<1x128xi32, #tpu.memory_space<vmem>> -> memref<128xi32, #tpu.memory_space<vmem>>
        %dma_wait3A_127 = arith.constant 0 : i32
        %dma_wait3A_128 = arith.constant 0 : i32
        %dma_wait3A_129 = tpu.memref_slice %arg12[%dma_wait3A_127, %dma_wait3A_128] : memref<10240x128xf32, #tpu.memory_space<vmem_shared>> -> memref<10240x128xf32, #tpu.memory_space<vmem_shared>>
        tpu.wait_indirect_dma semaphore(%run_scoped3A : memref<!tpu.dma_semaphore, #tpu.memory_space<semaphore_mem>>) src(%arg9 : memref<128x128xf32, #tpu.memory_space<vmem>>) dst(%dma_wait3A_129 : memref<10240x128xf32, #tpu.memory_space<vmem_shared>>)
        tpu.yield
      }) : () -> ()
      %add3A_111 = arith.constant 2 : i32
      %add3A_112 = arith.addi %add3A_104, %add3A_111 : i32
      %lt3A_113 = arith.constant 80 : i32
      %lt3A_114 = arith.cmpi slt, %add3A_112, %lt3A_113 : i32
      %convert_element_type3A_115 = arith.extui %lt3A_114 : i1 to i32
      %cond3A_116 = arith.constant 0 : i32
      %cond3A_117 = arith.cmpi ne, %convert_element_type3A_115, %cond3A_116 : i32
      scf.if %cond3A_117 {
        %add3A_118 = arith.constant 2 : i32
        %add3A_119 = arith.addi %add3A_104, %add3A_118 : i32
        %dma_start3A_120 = arith.constant 0 : i32
        %dma_start3A_121 = tpu.memref_slice %arg6[%add3A_119, %dma_start3A_120] : memref<80x128xi32, #tpu.memory_space<vmem>> -> memref<1x128xi32, #tpu.memory_space<vmem>>
        %dma_start3A_122 = tpu.memref_squeeze %dma_start3A_121 : memref<1x128xi32, #tpu.memory_space<vmem>> -> memref<128xi32, #tpu.memory_space<vmem>>
        %dma_start3A_123 = arith.constant 0 : i32
        %dma_start3A_124 = arith.constant 0 : i32
        %dma_start3A_125 = tpu.memref_slice %arg2[%dma_start3A_123, %dma_start3A_124] : memref<40960x128xf32, #tpu.memory_space<hbm>> -> memref<40960x128xf32, #tpu.memory_space<hbm>>
        tpu.enqueue_indirect_dma source(%dma_start3A_125 : memref<40960x128xf32, #tpu.memory_space<hbm>>) target(%arg9 : memref<128x128xf32, #tpu.memory_space<vmem>>) offsets(%dma_start3A_122 : memref<128xi32, #tpu.memory_space<vmem>>) semaphore(%arg11 : memref<!tpu.dma_semaphore, #tpu.memory_space<semaphore_mem>>)
      } else {
      }
    }
    %scan3A_30 = arith.constant 20 : i32
    %barrier3A_31 = arith.constant 0 : index
    tpu.barrier barrier_id(%barrier3A_31)
    %mul3A_32 = arith.constant 640 : i32
    %mul3A_33 = arith.muli %arg1, %mul3A_32 : i32
    %mul3A_34 = arith.constant 640 : i32
    %mul3A_35 = arith.muli %arg1, %mul3A_34 : i32
    "tpu.region"() ({
      %run_scoped3A = tpu.sem_alloc : memref<!tpu.dma_semaphore, #tpu.memory_space<semaphore_mem>>
      %dma_start3A_79 = arith.constant 0 : i32
      %dma_start3A_80 = tpu.memref_slice %arg5[%add3A_1, %mul3A_35, %dma_start3A_79] : memref<4x10240x128xf32, #tpu.memory_space<hbm>> -> memref<1x640x128xf32, #tpu.memory_space<hbm>>
      %dma_start3A_81 = tpu.memref_squeeze %dma_start3A_80 : memref<1x640x128xf32, #tpu.memory_space<hbm>> -> memref<640x128xf32, #tpu.memory_space<hbm>>
      %dma_start3A_82 = arith.constant 0 : i32
      %dma_start3A_83 = tpu.memref_slice %arg12[%mul3A_33, %dma_start3A_82] : memref<10240x128xf32, #tpu.memory_space<vmem_shared>> -> memref<640x128xf32, #tpu.memory_space<vmem_shared>>
      tpu.enqueue_dma source(%dma_start3A_83 : memref<640x128xf32, #tpu.memory_space<vmem_shared>>) target(%dma_start3A_81 : memref<640x128xf32, #tpu.memory_space<hbm>>) target_semaphore(%run_scoped3A : memref<!tpu.dma_semaphore, #tpu.memory_space<semaphore_mem>>)
      %dma_wait3A = arith.constant 0 : i32
      %dma_wait3A_84 = tpu.memref_slice %arg5[%add3A_1, %mul3A_35, %dma_wait3A] : memref<4x10240x128xf32, #tpu.memory_space<hbm>> -> memref<1x640x128xf32, #tpu.memory_space<hbm>>
      %dma_wait3A_85 = tpu.memref_squeeze %dma_wait3A_84 : memref<1x640x128xf32, #tpu.memory_space<hbm>> -> memref<640x128xf32, #tpu.memory_space<hbm>>
      %dma_wait3A_86 = arith.constant 0 : i32
      %dma_wait3A_87 = tpu.memref_slice %arg12[%mul3A_33, %dma_wait3A_86] : memref<10240x128xf32, #tpu.memory_space<vmem_shared>> -> memref<640x128xf32, #tpu.memory_space<vmem_shared>>
      tpu.wait_dma2 semaphore(%run_scoped3A : memref<!tpu.dma_semaphore, #tpu.memory_space<semaphore_mem>>) src(%dma_wait3A_87 : memref<640x128xf32, #tpu.memory_space<vmem_shared>>) dst(%dma_wait3A_85 : memref<640x128xf32, #tpu.memory_space<hbm>>)
      tpu.yield
    }) : () -> ()
    %barrier3A_36 = arith.constant 0 : index
    tpu.barrier barrier_id(%barrier3A_36)
    %mul3A_37 = arith.constant 2 : i32
    %mul3A_38 = arith.muli %arg0, %mul3A_37 : i32
    %add3A_39 = arith.constant 1 : i32
    %add3A_40 = arith.addi %mul3A_38, %add3A_39 : i32
    "tpu.region"() ({
      %run_scoped3A = tpu.sem_alloc : memref<!tpu.dma_semaphore, #tpu.memory_space<semaphore_mem>>
      %dma_start3A_79 = arith.constant 0 : i32
      %dma_start3A_80 = arith.constant 0 : i32
      %dma_start3A_81 = tpu.memref_slice %arg3[%add3A_40, %arg1, %dma_start3A_79, %dma_start3A_80] : memref<4x16x80x128xi32, #tpu.memory_space<hbm>> -> memref<1x1x80x128xi32, #tpu.memory_space<hbm>>
      %dma_start3A_82 = tpu.memref_squeeze %dma_start3A_81 : memref<1x1x80x128xi32, #tpu.memory_space<hbm>> -> memref<80x128xi32, #tpu.memory_space<hbm>>
      %dma_start3A_83 = arith.constant 0 : i32
      %dma_start3A_84 = arith.constant 0 : i32
      %dma_start3A_85 = tpu.memref_slice %arg3[%add3A_40, %arg1, %dma_start3A_83, %dma_start3A_84] : memref<4x16x80x128xi32, #tpu.memory_space<hbm>> -> memref<1x1x80x128xi32, #tpu.memory_space<hbm>>
      %dma_start3A_86 = tpu.memref_squeeze %dma_start3A_85 : memref<1x1x80x128xi32, #tpu.memory_space<hbm>> -> memref<80x128xi32, #tpu.memory_space<hbm>>
      tpu.enqueue_dma source(%dma_start3A_86 : memref<80x128xi32, #tpu.memory_space<hbm>>) target(%arg6 : memref<80x128xi32, #tpu.memory_space<vmem>>) target_semaphore(%run_scoped3A : memref<!tpu.dma_semaphore, #tpu.memory_space<semaphore_mem>>)
      %dma_wait3A = arith.constant 0 : i32
      %dma_wait3A_87 = arith.constant 0 : i32
      %dma_wait3A_88 = tpu.memref_slice %arg3[%add3A_40, %arg1, %dma_wait3A, %dma_wait3A_87] : memref<4x16x80x128xi32, #tpu.memory_space<hbm>> -> memref<1x1x80x128xi32, #tpu.memory_space<hbm>>
      %dma_wait3A_89 = tpu.memref_squeeze %dma_wait3A_88 : memref<1x1x80x128xi32, #tpu.memory_space<hbm>> -> memref<80x128xi32, #tpu.memory_space<hbm>>
      %dma_wait3A_90 = arith.constant 0 : i32
      %dma_wait3A_91 = arith.constant 0 : i32
      %dma_wait3A_92 = tpu.memref_slice %arg3[%add3A_40, %arg1, %dma_wait3A_90, %dma_wait3A_91] : memref<4x16x80x128xi32, #tpu.memory_space<hbm>> -> memref<1x1x80x128xi32, #tpu.memory_space<hbm>>
      %dma_wait3A_93 = tpu.memref_squeeze %dma_wait3A_92 : memref<1x1x80x128xi32, #tpu.memory_space<hbm>> -> memref<80x128xi32, #tpu.memory_space<hbm>>
      tpu.wait_dma2 semaphore(%run_scoped3A : memref<!tpu.dma_semaphore, #tpu.memory_space<semaphore_mem>>) src(%dma_wait3A_93 : memref<80x128xi32, #tpu.memory_space<hbm>>) dst(%arg6 : memref<80x128xi32, #tpu.memory_space<vmem>>)
      tpu.yield
    }) : () -> ()
    %mul3A_41 = arith.constant 10240 : i32
    %mul3A_42 = arith.muli %add3A_40, %mul3A_41 : i32
    %mul3A_43 = arith.constant 640 : i32
    %mul3A_44 = arith.muli %arg1, %mul3A_43 : i32
    %add3A_45 = arith.addi %mul3A_42, %mul3A_44 : i32
    %mul3A_46 = arith.constant 640 : i32
    %mul3A_47 = arith.muli %arg1, %mul3A_46 : i32
    "tpu.region"() ({
      %run_scoped3A = tpu.sem_alloc : memref<!tpu.dma_semaphore, #tpu.memory_space<semaphore_mem>>
      %dma_start3A_79 = arith.constant 0 : i32
      %dma_start3A_80 = tpu.memref_slice %arg12[%mul3A_47, %dma_start3A_79] : memref<10240x128xf32, #tpu.memory_space<vmem_shared>> -> memref<640x128xf32, #tpu.memory_space<vmem_shared>>
      %dma_start3A_81 = arith.constant 0 : i32
      %dma_start3A_82 = tpu.memref_slice %arg2[%add3A_45, %dma_start3A_81] : memref<40960x128xf32, #tpu.memory_space<hbm>> -> memref<640x128xf32, #tpu.memory_space<hbm>>
      tpu.enqueue_dma source(%dma_start3A_82 : memref<640x128xf32, #tpu.memory_space<hbm>>) target(%dma_start3A_80 : memref<640x128xf32, #tpu.memory_space<vmem_shared>>) target_semaphore(%run_scoped3A : memref<!tpu.dma_semaphore, #tpu.memory_space<semaphore_mem>>)
      %dma_wait3A = arith.constant 0 : i32
      %dma_wait3A_83 = tpu.memref_slice %arg12[%mul3A_47, %dma_wait3A] : memref<10240x128xf32, #tpu.memory_space<vmem_shared>> -> memref<640x128xf32, #tpu.memory_space<vmem_shared>>
      %dma_wait3A_84 = arith.constant 0 : i32
      %dma_wait3A_85 = tpu.memref_slice %arg2[%add3A_45, %dma_wait3A_84] : memref<40960x128xf32, #tpu.memory_space<hbm>> -> memref<640x128xf32, #tpu.memory_space<hbm>>
      tpu.wait_dma2 semaphore(%run_scoped3A : memref<!tpu.dma_semaphore, #tpu.memory_space<semaphore_mem>>) src(%dma_wait3A_85 : memref<640x128xf32, #tpu.memory_space<hbm>>) dst(%dma_wait3A_83 : memref<640x128xf32, #tpu.memory_space<vmem_shared>>)
      tpu.yield
    }) : () -> ()
    %barrier3A_48 = arith.constant 0 : index
    tpu.barrier barrier_id(%barrier3A_48)
    %dma_start3A_49 = arith.constant 0 : i32
    %dma_start3A_50 = arith.constant 0 : i32
    %dma_start3A_51 = tpu.memref_slice %arg6[%dma_start3A_49, %dma_start3A_50] : memref<80x128xi32, #tpu.memory_space<vmem>> -> memref<1x128xi32, #tpu.memory_space<vmem>>
    %dma_start3A_52 = tpu.memref_squeeze %dma_start3A_51 : memref<1x128xi32, #tpu.memory_space<vmem>> -> memref<128xi32, #tpu.memory_space<vmem>>
    %dma_start3A_53 = arith.constant 0 : i32
    %dma_start3A_54 = arith.constant 0 : i32
    %dma_start3A_55 = tpu.memref_slice %arg2[%dma_start3A_53, %dma_start3A_54] : memref<40960x128xf32, #tpu.memory_space<hbm>> -> memref<40960x128xf32, #tpu.memory_space<hbm>>
    tpu.enqueue_indirect_dma source(%dma_start3A_55 : memref<40960x128xf32, #tpu.memory_space<hbm>>) target(%arg8 : memref<128x128xf32, #tpu.memory_space<vmem>>) offsets(%dma_start3A_52 : memref<128xi32, #tpu.memory_space<vmem>>) semaphore(%arg10 : memref<!tpu.dma_semaphore, #tpu.memory_space<semaphore_mem>>)
    %dma_start3A_56 = arith.constant 1 : i32
    %dma_start3A_57 = arith.constant 0 : i32
    %dma_start3A_58 = tpu.memref_slice %arg6[%dma_start3A_56, %dma_start3A_57] : memref<80x128xi32, #tpu.memory_space<vmem>> -> memref<1x128xi32, #tpu.memory_space<vmem>>
    %dma_start3A_59 = tpu.memref_squeeze %dma_start3A_58 : memref<1x128xi32, #tpu.memory_space<vmem>> -> memref<128xi32, #tpu.memory_space<vmem>>
    %dma_start3A_60 = arith.constant 0 : i32
    %dma_start3A_61 = arith.constant 0 : i32
    %dma_start3A_62 = tpu.memref_slice %arg2[%dma_start3A_60, %dma_start3A_61] : memref<40960x128xf32, #tpu.memory_space<hbm>> -> memref<40960x128xf32, #tpu.memory_space<hbm>>
    tpu.enqueue_indirect_dma source(%dma_start3A_62 : memref<40960x128xf32, #tpu.memory_space<hbm>>) target(%arg9 : memref<128x128xf32, #tpu.memory_space<vmem>>) offsets(%dma_start3A_59 : memref<128xi32, #tpu.memory_space<vmem>>) semaphore(%arg11 : memref<!tpu.dma_semaphore, #tpu.memory_space<semaphore_mem>>)
    "tpu.region"() ({
      %run_scoped3A = tpu.sem_alloc : memref<!tpu.dma_semaphore, #tpu.memory_space<semaphore_mem>>
      %dma_start3A_79 = arith.constant 0 : i32
      %dma_start3A_80 = arith.constant 0 : i32
      %dma_start3A_81 = tpu.memref_slice %arg4[%arg1, %dma_start3A_79, %dma_start3A_80] : memref<16x80x128xi32, #tpu.memory_space<hbm>> -> memref<1x40x128xi32, #tpu.memory_space<hbm>>
      %dma_start3A_82 = tpu.memref_squeeze %dma_start3A_81 : memref<1x40x128xi32, #tpu.memory_space<hbm>> -> memref<40x128xi32, #tpu.memory_space<hbm>>
      %dma_start3A_83 = arith.constant 0 : i32
      %dma_start3A_84 = arith.constant 0 : i32
      %dma_start3A_85 = tpu.memref_slice %arg4[%arg1, %dma_start3A_83, %dma_start3A_84] : memref<16x80x128xi32, #tpu.memory_space<hbm>> -> memref<1x40x128xi32, #tpu.memory_space<hbm>>
      %dma_start3A_86 = tpu.memref_squeeze %dma_start3A_85 : memref<1x40x128xi32, #tpu.memory_space<hbm>> -> memref<40x128xi32, #tpu.memory_space<hbm>>
      tpu.enqueue_dma source(%dma_start3A_86 : memref<40x128xi32, #tpu.memory_space<hbm>>) target(%arg7 : memref<40x128xi32, #tpu.memory_space<vmem>>) target_semaphore(%run_scoped3A : memref<!tpu.dma_semaphore, #tpu.memory_space<semaphore_mem>>)
      %dma_wait3A = arith.constant 0 : i32
      %dma_wait3A_87 = arith.constant 0 : i32
      %dma_wait3A_88 = tpu.memref_slice %arg4[%arg1, %dma_wait3A, %dma_wait3A_87] : memref<16x80x128xi32, #tpu.memory_space<hbm>> -> memref<1x40x128xi32, #tpu.memory_space<hbm>>
      %dma_wait3A_89 = tpu.memref_squeeze %dma_wait3A_88 : memref<1x40x128xi32, #tpu.memory_space<hbm>> -> memref<40x128xi32, #tpu.memory_space<hbm>>
      %dma_wait3A_90 = arith.constant 0 : i32
      %dma_wait3A_91 = arith.constant 0 : i32
      %dma_wait3A_92 = tpu.memref_slice %arg4[%arg1, %dma_wait3A_90, %dma_wait3A_91] : memref<16x80x128xi32, #tpu.memory_space<hbm>> -> memref<1x40x128xi32, #tpu.memory_space<hbm>>
      %dma_wait3A_93 = tpu.memref_squeeze %dma_wait3A_92 : memref<1x40x128xi32, #tpu.memory_space<hbm>> -> memref<40x128xi32, #tpu.memory_space<hbm>>
      tpu.wait_dma2 semaphore(%run_scoped3A : memref<!tpu.dma_semaphore, #tpu.memory_space<semaphore_mem>>) src(%dma_wait3A_93 : memref<40x128xi32, #tpu.memory_space<hbm>>) dst(%arg7 : memref<40x128xi32, #tpu.memory_space<vmem>>)
      tpu.yield
    }) : () -> ()
    %scan3A_63 = arith.constant 0 : i32
    %scan3A_64 = arith.constant 20 : i32
    %scan3A_65 = arith.addi %scan3A_63, %scan3A_64 : i32
    %scan3A_66 = arith.constant 1 : i32
    scf.for %scan3A_79 = %scan3A_63 to %scan3A_65 step %scan3A_66  : i32 {
      %mul3A_80 = arith.constant 1 : i32
      %mul3A_81 = arith.muli %scan3A_79, %mul3A_80 : i32
      %add3A_82 = arith.constant 0 : i32
      %add3A_83 = arith.addi %add3A_82, %mul3A_81 : i32
      %mul3A_84 = arith.constant 2 : i32
      %mul3A_85 = arith.muli %add3A_83, %mul3A_84 : i32
      %add3A_86 = arith.constant 0 : i32
      %add3A_87 = arith.addi %mul3A_85, %add3A_86 : i32
      %add3A_88 = arith.constant 0 : i32
      %add3A_89 = arith.addi %add3A_88, %add3A_87 : i32
      %dma_wait3A = arith.constant 0 : i32
      %dma_wait3A_90 = tpu.memref_slice %arg6[%add3A_89, %dma_wait3A] : memref<80x128xi32, #tpu.memory_space<vmem>> -> memref<1x128xi32, #tpu.memory_space<vmem>>
      %dma_wait3A_91 = tpu.memref_squeeze %dma_wait3A_90 : memref<1x128xi32, #tpu.memory_space<vmem>> -> memref<128xi32, #tpu.memory_space<vmem>>
      %dma_wait3A_92 = arith.constant 0 : i32
      %dma_wait3A_93 = arith.constant 0 : i32
      %dma_wait3A_94 = tpu.memref_slice %arg2[%dma_wait3A_92, %dma_wait3A_93] : memref<40960x128xf32, #tpu.memory_space<hbm>> -> memref<40960x128xf32, #tpu.memory_space<hbm>>
      tpu.wait_indirect_dma semaphore(%arg10 : memref<!tpu.dma_semaphore, #tpu.memory_space<semaphore_mem>>) src(%dma_wait3A_94 : memref<40960x128xf32, #tpu.memory_space<hbm>>) dst(%arg8 : memref<128x128xf32, #tpu.memory_space<vmem>>)
      "tpu.region"() ({
        %run_scoped3A = tpu.sem_alloc : memref<!tpu.dma_semaphore, #tpu.memory_space<semaphore_mem>>
        %dma_start3A_118 = arith.constant 0 : i32
        %dma_start3A_119 = tpu.memref_slice %arg7[%add3A_87, %dma_start3A_118] : memref<40x128xi32, #tpu.memory_space<vmem>> -> memref<1x128xi32, #tpu.memory_space<vmem>>
        %dma_start3A_120 = tpu.memref_squeeze %dma_start3A_119 : memref<1x128xi32, #tpu.memory_space<vmem>> -> memref<128xi32, #tpu.memory_space<vmem>>
        %dma_start3A_121 = arith.constant 0 : i32
        %dma_start3A_122 = arith.constant 0 : i32
        %dma_start3A_123 = tpu.memref_slice %arg12[%dma_start3A_121, %dma_start3A_122] : memref<10240x128xf32, #tpu.memory_space<vmem_shared>> -> memref<10240x128xf32, #tpu.memory_space<vmem_shared>>
        tpu.enqueue_indirect_dma source(%arg8 : memref<128x128xf32, #tpu.memory_space<vmem>>) target(%dma_start3A_123 : memref<10240x128xf32, #tpu.memory_space<vmem_shared>>) offsets(%dma_start3A_120 : memref<128xi32, #tpu.memory_space<vmem>>) semaphore(%run_scoped3A : memref<!tpu.dma_semaphore, #tpu.memory_space<semaphore_mem>>) {add = true}
        %dma_wait3A_124 = arith.constant 0 : i32
        %dma_wait3A_125 = tpu.memref_slice %arg7[%add3A_87, %dma_wait3A_124] : memref<40x128xi32, #tpu.memory_space<vmem>> -> memref<1x128xi32, #tpu.memory_space<vmem>>
        %dma_wait3A_126 = tpu.memref_squeeze %dma_wait3A_125 : memref<1x128xi32, #tpu.memory_space<vmem>> -> memref<128xi32, #tpu.memory_space<vmem>>
        %dma_wait3A_127 = arith.constant 0 : i32
        %dma_wait3A_128 = arith.constant 0 : i32
        %dma_wait3A_129 = tpu.memref_slice %arg12[%dma_wait3A_127, %dma_wait3A_128] : memref<10240x128xf32, #tpu.memory_space<vmem_shared>> -> memref<10240x128xf32, #tpu.memory_space<vmem_shared>>
        tpu.wait_indirect_dma semaphore(%run_scoped3A : memref<!tpu.dma_semaphore, #tpu.memory_space<semaphore_mem>>) src(%arg8 : memref<128x128xf32, #tpu.memory_space<vmem>>) dst(%dma_wait3A_129 : memref<10240x128xf32, #tpu.memory_space<vmem_shared>>)
        tpu.yield
      }) : () -> ()
      %add3A_95 = arith.constant 2 : i32
      %add3A_96 = arith.addi %add3A_89, %add3A_95 : i32
      %lt3A = arith.constant 80 : i32
      %lt3A_97 = arith.cmpi slt, %add3A_96, %lt3A : i32
      %convert_element_type3A = arith.extui %lt3A_97 : i1 to i32
      %cond3A = arith.constant 0 : i32
      %cond3A_98 = arith.cmpi ne, %convert_element_type3A, %cond3A : i32
      scf.if %cond3A_98 {
        %add3A_118 = arith.constant 2 : i32
        %add3A_119 = arith.addi %add3A_89, %add3A_118 : i32
        %dma_start3A_120 = arith.constant 0 : i32
        %dma_start3A_121 = tpu.memref_slice %arg6[%add3A_119, %dma_start3A_120] : memref<80x128xi32, #tpu.memory_space<vmem>> -> memref<1x128xi32, #tpu.memory_space<vmem>>
        %dma_start3A_122 = tpu.memref_squeeze %dma_start3A_121 : memref<1x128xi32, #tpu.memory_space<vmem>> -> memref<128xi32, #tpu.memory_space<vmem>>
        %dma_start3A_123 = arith.constant 0 : i32
        %dma_start3A_124 = arith.constant 0 : i32
        %dma_start3A_125 = tpu.memref_slice %arg2[%dma_start3A_123, %dma_start3A_124] : memref<40960x128xf32, #tpu.memory_space<hbm>> -> memref<40960x128xf32, #tpu.memory_space<hbm>>
        tpu.enqueue_indirect_dma source(%dma_start3A_125 : memref<40960x128xf32, #tpu.memory_space<hbm>>) target(%arg8 : memref<128x128xf32, #tpu.memory_space<vmem>>) offsets(%dma_start3A_122 : memref<128xi32, #tpu.memory_space<vmem>>) semaphore(%arg10 : memref<!tpu.dma_semaphore, #tpu.memory_space<semaphore_mem>>)
      } else {
      }
      %mul3A_99 = arith.constant 2 : i32
      %mul3A_100 = arith.muli %add3A_83, %mul3A_99 : i32
      %add3A_101 = arith.constant 1 : i32
      %add3A_102 = arith.addi %mul3A_100, %add3A_101 : i32
      %add3A_103 = arith.constant 0 : i32
      %add3A_104 = arith.addi %add3A_103, %add3A_102 : i32
      %dma_wait3A_105 = arith.constant 0 : i32
      %dma_wait3A_106 = tpu.memref_slice %arg6[%add3A_104, %dma_wait3A_105] : memref<80x128xi32, #tpu.memory_space<vmem>> -> memref<1x128xi32, #tpu.memory_space<vmem>>
      %dma_wait3A_107 = tpu.memref_squeeze %dma_wait3A_106 : memref<1x128xi32, #tpu.memory_space<vmem>> -> memref<128xi32, #tpu.memory_space<vmem>>
      %dma_wait3A_108 = arith.constant 0 : i32
      %dma_wait3A_109 = arith.constant 0 : i32
      %dma_wait3A_110 = tpu.memref_slice %arg2[%dma_wait3A_108, %dma_wait3A_109] : memref<40960x128xf32, #tpu.memory_space<hbm>> -> memref<40960x128xf32, #tpu.memory_space<hbm>>
      tpu.wait_indirect_dma semaphore(%arg11 : memref<!tpu.dma_semaphore, #tpu.memory_space<semaphore_mem>>) src(%dma_wait3A_110 : memref<40960x128xf32, #tpu.memory_space<hbm>>) dst(%arg9 : memref<128x128xf32, #tpu.memory_space<vmem>>)
      "tpu.region"() ({
        %run_scoped3A = tpu.sem_alloc : memref<!tpu.dma_semaphore, #tpu.memory_space<semaphore_mem>>
        %dma_start3A_118 = arith.constant 0 : i32
        %dma_start3A_119 = tpu.memref_slice %arg7[%add3A_102, %dma_start3A_118] : memref<40x128xi32, #tpu.memory_space<vmem>> -> memref<1x128xi32, #tpu.memory_space<vmem>>
        %dma_start3A_120 = tpu.memref_squeeze %dma_start3A_119 : memref<1x128xi32, #tpu.memory_space<vmem>> -> memref<128xi32, #tpu.memory_space<vmem>>
        %dma_start3A_121 = arith.constant 0 : i32
        %dma_start3A_122 = arith.constant 0 : i32
        %dma_start3A_123 = tpu.memref_slice %arg12[%dma_start3A_121, %dma_start3A_122] : memref<10240x128xf32, #tpu.memory_space<vmem_shared>> -> memref<10240x128xf32, #tpu.memory_space<vmem_shared>>
        tpu.enqueue_indirect_dma source(%arg9 : memref<128x128xf32, #tpu.memory_space<vmem>>) target(%dma_start3A_123 : memref<10240x128xf32, #tpu.memory_space<vmem_shared>>) offsets(%dma_start3A_120 : memref<128xi32, #tpu.memory_space<vmem>>) semaphore(%run_scoped3A : memref<!tpu.dma_semaphore, #tpu.memory_space<semaphore_mem>>) {add = true}
        %dma_wait3A_124 = arith.constant 0 : i32
        %dma_wait3A_125 = tpu.memref_slice %arg7[%add3A_102, %dma_wait3A_124] : memref<40x128xi32, #tpu.memory_space<vmem>> -> memref<1x128xi32, #tpu.memory_space<vmem>>
        %dma_wait3A_126 = tpu.memref_squeeze %dma_wait3A_125 : memref<1x128xi32, #tpu.memory_space<vmem>> -> memref<128xi32, #tpu.memory_space<vmem>>
        %dma_wait3A_127 = arith.constant 0 : i32
        %dma_wait3A_128 = arith.constant 0 : i32
        %dma_wait3A_129 = tpu.memref_slice %arg12[%dma_wait3A_127, %dma_wait3A_128] : memref<10240x128xf32, #tpu.memory_space<vmem_shared>> -> memref<10240x128xf32, #tpu.memory_space<vmem_shared>>
        tpu.wait_indirect_dma semaphore(%run_scoped3A : memref<!tpu.dma_semaphore, #tpu.memory_space<semaphore_mem>>) src(%arg9 : memref<128x128xf32, #tpu.memory_space<vmem>>) dst(%dma_wait3A_129 : memref<10240x128xf32, #tpu.memory_space<vmem_shared>>)
        tpu.yield
      }) : () -> ()
      %add3A_111 = arith.constant 2 : i32
      %add3A_112 = arith.addi %add3A_104, %add3A_111 : i32
      %lt3A_113 = arith.constant 80 : i32
      %lt3A_114 = arith.cmpi slt, %add3A_112, %lt3A_113 : i32
      %convert_element_type3A_115 = arith.extui %lt3A_114 : i1 to i32
      %cond3A_116 = arith.constant 0 : i32
      %cond3A_117 = arith.cmpi ne, %convert_element_type3A_115, %cond3A_116 : i32
      scf.if %cond3A_117 {
        %add3A_118 = arith.constant 2 : i32
        %add3A_119 = arith.addi %add3A_104, %add3A_118 : i32
        %dma_start3A_120 = arith.constant 0 : i32
        %dma_start3A_121 = tpu.memref_slice %arg6[%add3A_119, %dma_start3A_120] : memref<80x128xi32, #tpu.memory_space<vmem>> -> memref<1x128xi32, #tpu.memory_space<vmem>>
        %dma_start3A_122 = tpu.memref_squeeze %dma_start3A_121 : memref<1x128xi32, #tpu.memory_space<vmem>> -> memref<128xi32, #tpu.memory_space<vmem>>
        %dma_start3A_123 = arith.constant 0 : i32
        %dma_start3A_124 = arith.constant 0 : i32
        %dma_start3A_125 = tpu.memref_slice %arg2[%dma_start3A_123, %dma_start3A_124] : memref<40960x128xf32, #tpu.memory_space<hbm>> -> memref<40960x128xf32, #tpu.memory_space<hbm>>
        tpu.enqueue_indirect_dma source(%dma_start3A_125 : memref<40960x128xf32, #tpu.memory_space<hbm>>) target(%arg9 : memref<128x128xf32, #tpu.memory_space<vmem>>) offsets(%dma_start3A_122 : memref<128xi32, #tpu.memory_space<vmem>>) semaphore(%arg11 : memref<!tpu.dma_semaphore, #tpu.memory_space<semaphore_mem>>)
      } else {
      }
    }
    %scan3A_67 = arith.constant 20 : i32
    "tpu.region"() ({
      %run_scoped3A = tpu.sem_alloc : memref<!tpu.dma_semaphore, #tpu.memory_space<semaphore_mem>>
      %dma_start3A_79 = arith.constant 40 : i32
      %dma_start3A_80 = arith.constant 0 : i32
      %dma_start3A_81 = tpu.memref_slice %arg4[%arg1, %dma_start3A_79, %dma_start3A_80] : memref<16x80x128xi32, #tpu.memory_space<hbm>> -> memref<1x40x128xi32, #tpu.memory_space<hbm>>
      %dma_start3A_82 = tpu.memref_squeeze %dma_start3A_81 : memref<1x40x128xi32, #tpu.memory_space<hbm>> -> memref<40x128xi32, #tpu.memory_space<hbm>>
      %dma_start3A_83 = arith.constant 40 : i32
      %dma_start3A_84 = arith.constant 0 : i32
      %dma_start3A_85 = tpu.memref_slice %arg4[%arg1, %dma_start3A_83, %dma_start3A_84] : memref<16x80x128xi32, #tpu.memory_space<hbm>> -> memref<1x40x128xi32, #tpu.memory_space<hbm>>
      %dma_start3A_86 = tpu.memref_squeeze %dma_start3A_85 : memref<1x40x128xi32, #tpu.memory_space<hbm>> -> memref<40x128xi32, #tpu.memory_space<hbm>>
      tpu.enqueue_dma source(%dma_start3A_86 : memref<40x128xi32, #tpu.memory_space<hbm>>) target(%arg7 : memref<40x128xi32, #tpu.memory_space<vmem>>) target_semaphore(%run_scoped3A : memref<!tpu.dma_semaphore, #tpu.memory_space<semaphore_mem>>)
      %dma_wait3A = arith.constant 40 : i32
      %dma_wait3A_87 = arith.constant 0 : i32
      %dma_wait3A_88 = tpu.memref_slice %arg4[%arg1, %dma_wait3A, %dma_wait3A_87] : memref<16x80x128xi32, #tpu.memory_space<hbm>> -> memref<1x40x128xi32, #tpu.memory_space<hbm>>
      %dma_wait3A_89 = tpu.memref_squeeze %dma_wait3A_88 : memref<1x40x128xi32, #tpu.memory_space<hbm>> -> memref<40x128xi32, #tpu.memory_space<hbm>>
      %dma_wait3A_90 = arith.constant 40 : i32
      %dma_wait3A_91 = arith.constant 0 : i32
      %dma_wait3A_92 = tpu.memref_slice %arg4[%arg1, %dma_wait3A_90, %dma_wait3A_91] : memref<16x80x128xi32, #tpu.memory_space<hbm>> -> memref<1x40x128xi32, #tpu.memory_space<hbm>>
      %dma_wait3A_93 = tpu.memref_squeeze %dma_wait3A_92 : memref<1x40x128xi32, #tpu.memory_space<hbm>> -> memref<40x128xi32, #tpu.memory_space<hbm>>
      tpu.wait_dma2 semaphore(%run_scoped3A : memref<!tpu.dma_semaphore, #tpu.memory_space<semaphore_mem>>) src(%dma_wait3A_93 : memref<40x128xi32, #tpu.memory_space<hbm>>) dst(%arg7 : memref<40x128xi32, #tpu.memory_space<vmem>>)
      tpu.yield
    }) : () -> ()
    %scan3A_68 = arith.constant 0 : i32
    %scan3A_69 = arith.constant 20 : i32
    %scan3A_70 = arith.addi %scan3A_68, %scan3A_69 : i32
    %scan3A_71 = arith.constant 1 : i32
    scf.for %scan3A_79 = %scan3A_68 to %scan3A_70 step %scan3A_71  : i32 {
      %mul3A_80 = arith.constant 1 : i32
      %mul3A_81 = arith.muli %scan3A_79, %mul3A_80 : i32
      %add3A_82 = arith.constant 0 : i32
      %add3A_83 = arith.addi %add3A_82, %mul3A_81 : i32
      %mul3A_84 = arith.constant 2 : i32
      %mul3A_85 = arith.muli %add3A_83, %mul3A_84 : i32
      %add3A_86 = arith.constant 0 : i32
      %add3A_87 = arith.addi %mul3A_85, %add3A_86 : i32
      %add3A_88 = arith.constant 40 : i32
      %add3A_89 = arith.addi %add3A_88, %add3A_87 : i32
      %dma_wait3A = arith.constant 0 : i32
      %dma_wait3A_90 = tpu.memref_slice %arg6[%add3A_89, %dma_wait3A] : memref<80x128xi32, #tpu.memory_space<vmem>> -> memref<1x128xi32, #tpu.memory_space<vmem>>
      %dma_wait3A_91 = tpu.memref_squeeze %dma_wait3A_90 : memref<1x128xi32, #tpu.memory_space<vmem>> -> memref<128xi32, #tpu.memory_space<vmem>>
      %dma_wait3A_92 = arith.constant 0 : i32
      %dma_wait3A_93 = arith.constant 0 : i32
      %dma_wait3A_94 = tpu.memref_slice %arg2[%dma_wait3A_92, %dma_wait3A_93] : memref<40960x128xf32, #tpu.memory_space<hbm>> -> memref<40960x128xf32, #tpu.memory_space<hbm>>
      tpu.wait_indirect_dma semaphore(%arg10 : memref<!tpu.dma_semaphore, #tpu.memory_space<semaphore_mem>>) src(%dma_wait3A_94 : memref<40960x128xf32, #tpu.memory_space<hbm>>) dst(%arg8 : memref<128x128xf32, #tpu.memory_space<vmem>>)
      "tpu.region"() ({
        %run_scoped3A = tpu.sem_alloc : memref<!tpu.dma_semaphore, #tpu.memory_space<semaphore_mem>>
        %dma_start3A_118 = arith.constant 0 : i32
        %dma_start3A_119 = tpu.memref_slice %arg7[%add3A_87, %dma_start3A_118] : memref<40x128xi32, #tpu.memory_space<vmem>> -> memref<1x128xi32, #tpu.memory_space<vmem>>
        %dma_start3A_120 = tpu.memref_squeeze %dma_start3A_119 : memref<1x128xi32, #tpu.memory_space<vmem>> -> memref<128xi32, #tpu.memory_space<vmem>>
        %dma_start3A_121 = arith.constant 0 : i32
        %dma_start3A_122 = arith.constant 0 : i32
        %dma_start3A_123 = tpu.memref_slice %arg12[%dma_start3A_121, %dma_start3A_122] : memref<10240x128xf32, #tpu.memory_space<vmem_shared>> -> memref<10240x128xf32, #tpu.memory_space<vmem_shared>>
        tpu.enqueue_indirect_dma source(%arg8 : memref<128x128xf32, #tpu.memory_space<vmem>>) target(%dma_start3A_123 : memref<10240x128xf32, #tpu.memory_space<vmem_shared>>) offsets(%dma_start3A_120 : memref<128xi32, #tpu.memory_space<vmem>>) semaphore(%run_scoped3A : memref<!tpu.dma_semaphore, #tpu.memory_space<semaphore_mem>>) {add = true}
        %dma_wait3A_124 = arith.constant 0 : i32
        %dma_wait3A_125 = tpu.memref_slice %arg7[%add3A_87, %dma_wait3A_124] : memref<40x128xi32, #tpu.memory_space<vmem>> -> memref<1x128xi32, #tpu.memory_space<vmem>>
        %dma_wait3A_126 = tpu.memref_squeeze %dma_wait3A_125 : memref<1x128xi32, #tpu.memory_space<vmem>> -> memref<128xi32, #tpu.memory_space<vmem>>
        %dma_wait3A_127 = arith.constant 0 : i32
        %dma_wait3A_128 = arith.constant 0 : i32
        %dma_wait3A_129 = tpu.memref_slice %arg12[%dma_wait3A_127, %dma_wait3A_128] : memref<10240x128xf32, #tpu.memory_space<vmem_shared>> -> memref<10240x128xf32, #tpu.memory_space<vmem_shared>>
        tpu.wait_indirect_dma semaphore(%run_scoped3A : memref<!tpu.dma_semaphore, #tpu.memory_space<semaphore_mem>>) src(%arg8 : memref<128x128xf32, #tpu.memory_space<vmem>>) dst(%dma_wait3A_129 : memref<10240x128xf32, #tpu.memory_space<vmem_shared>>)
        tpu.yield
      }) : () -> ()
      %add3A_95 = arith.constant 2 : i32
      %add3A_96 = arith.addi %add3A_89, %add3A_95 : i32
      %lt3A = arith.constant 80 : i32
      %lt3A_97 = arith.cmpi slt, %add3A_96, %lt3A : i32
      %convert_element_type3A = arith.extui %lt3A_97 : i1 to i32
      %cond3A = arith.constant 0 : i32
      %cond3A_98 = arith.cmpi ne, %convert_element_type3A, %cond3A : i32
      scf.if %cond3A_98 {
        %add3A_118 = arith.constant 2 : i32
        %add3A_119 = arith.addi %add3A_89, %add3A_118 : i32
        %dma_start3A_120 = arith.constant 0 : i32
        %dma_start3A_121 = tpu.memref_slice %arg6[%add3A_119, %dma_start3A_120] : memref<80x128xi32, #tpu.memory_space<vmem>> -> memref<1x128xi32, #tpu.memory_space<vmem>>
        %dma_start3A_122 = tpu.memref_squeeze %dma_start3A_121 : memref<1x128xi32, #tpu.memory_space<vmem>> -> memref<128xi32, #tpu.memory_space<vmem>>
        %dma_start3A_123 = arith.constant 0 : i32
        %dma_start3A_124 = arith.constant 0 : i32
        %dma_start3A_125 = tpu.memref_slice %arg2[%dma_start3A_123, %dma_start3A_124] : memref<40960x128xf32, #tpu.memory_space<hbm>> -> memref<40960x128xf32, #tpu.memory_space<hbm>>
        tpu.enqueue_indirect_dma source(%dma_start3A_125 : memref<40960x128xf32, #tpu.memory_space<hbm>>) target(%arg8 : memref<128x128xf32, #tpu.memory_space<vmem>>) offsets(%dma_start3A_122 : memref<128xi32, #tpu.memory_space<vmem>>) semaphore(%arg10 : memref<!tpu.dma_semaphore, #tpu.memory_space<semaphore_mem>>)
      } else {
      }
      %mul3A_99 = arith.constant 2 : i32
      %mul3A_100 = arith.muli %add3A_83, %mul3A_99 : i32
      %add3A_101 = arith.constant 1 : i32
      %add3A_102 = arith.addi %mul3A_100, %add3A_101 : i32
      %add3A_103 = arith.constant 40 : i32
      %add3A_104 = arith.addi %add3A_103, %add3A_102 : i32
      %dma_wait3A_105 = arith.constant 0 : i32
      %dma_wait3A_106 = tpu.memref_slice %arg6[%add3A_104, %dma_wait3A_105] : memref<80x128xi32, #tpu.memory_space<vmem>> -> memref<1x128xi32, #tpu.memory_space<vmem>>
      %dma_wait3A_107 = tpu.memref_squeeze %dma_wait3A_106 : memref<1x128xi32, #tpu.memory_space<vmem>> -> memref<128xi32, #tpu.memory_space<vmem>>
      %dma_wait3A_108 = arith.constant 0 : i32
      %dma_wait3A_109 = arith.constant 0 : i32
      %dma_wait3A_110 = tpu.memref_slice %arg2[%dma_wait3A_108, %dma_wait3A_109] : memref<40960x128xf32, #tpu.memory_space<hbm>> -> memref<40960x128xf32, #tpu.memory_space<hbm>>
      tpu.wait_indirect_dma semaphore(%arg11 : memref<!tpu.dma_semaphore, #tpu.memory_space<semaphore_mem>>) src(%dma_wait3A_110 : memref<40960x128xf32, #tpu.memory_space<hbm>>) dst(%arg9 : memref<128x128xf32, #tpu.memory_space<vmem>>)
      "tpu.region"() ({
        %run_scoped3A = tpu.sem_alloc : memref<!tpu.dma_semaphore, #tpu.memory_space<semaphore_mem>>
        %dma_start3A_118 = arith.constant 0 : i32
        %dma_start3A_119 = tpu.memref_slice %arg7[%add3A_102, %dma_start3A_118] : memref<40x128xi32, #tpu.memory_space<vmem>> -> memref<1x128xi32, #tpu.memory_space<vmem>>
        %dma_start3A_120 = tpu.memref_squeeze %dma_start3A_119 : memref<1x128xi32, #tpu.memory_space<vmem>> -> memref<128xi32, #tpu.memory_space<vmem>>
        %dma_start3A_121 = arith.constant 0 : i32
        %dma_start3A_122 = arith.constant 0 : i32
        %dma_start3A_123 = tpu.memref_slice %arg12[%dma_start3A_121, %dma_start3A_122] : memref<10240x128xf32, #tpu.memory_space<vmem_shared>> -> memref<10240x128xf32, #tpu.memory_space<vmem_shared>>
        tpu.enqueue_indirect_dma source(%arg9 : memref<128x128xf32, #tpu.memory_space<vmem>>) target(%dma_start3A_123 : memref<10240x128xf32, #tpu.memory_space<vmem_shared>>) offsets(%dma_start3A_120 : memref<128xi32, #tpu.memory_space<vmem>>) semaphore(%run_scoped3A : memref<!tpu.dma_semaphore, #tpu.memory_space<semaphore_mem>>) {add = true}
        %dma_wait3A_124 = arith.constant 0 : i32
        %dma_wait3A_125 = tpu.memref_slice %arg7[%add3A_102, %dma_wait3A_124] : memref<40x128xi32, #tpu.memory_space<vmem>> -> memref<1x128xi32, #tpu.memory_space<vmem>>
        %dma_wait3A_126 = tpu.memref_squeeze %dma_wait3A_125 : memref<1x128xi32, #tpu.memory_space<vmem>> -> memref<128xi32, #tpu.memory_space<vmem>>
        %dma_wait3A_127 = arith.constant 0 : i32
        %dma_wait3A_128 = arith.constant 0 : i32
        %dma_wait3A_129 = tpu.memref_slice %arg12[%dma_wait3A_127, %dma_wait3A_128] : memref<10240x128xf32, #tpu.memory_space<vmem_shared>> -> memref<10240x128xf32, #tpu.memory_space<vmem_shared>>
        tpu.wait_indirect_dma semaphore(%run_scoped3A : memref<!tpu.dma_semaphore, #tpu.memory_space<semaphore_mem>>) src(%arg9 : memref<128x128xf32, #tpu.memory_space<vmem>>) dst(%dma_wait3A_129 : memref<10240x128xf32, #tpu.memory_space<vmem_shared>>)
        tpu.yield
      }) : () -> ()
      %add3A_111 = arith.constant 2 : i32
      %add3A_112 = arith.addi %add3A_104, %add3A_111 : i32
      %lt3A_113 = arith.constant 80 : i32
      %lt3A_114 = arith.cmpi slt, %add3A_112, %lt3A_113 : i32
      %convert_element_type3A_115 = arith.extui %lt3A_114 : i1 to i32
      %cond3A_116 = arith.constant 0 : i32
      %cond3A_117 = arith.cmpi ne, %convert_element_type3A_115, %cond3A_116 : i32
      scf.if %cond3A_117 {
        %add3A_118 = arith.constant 2 : i32
        %add3A_119 = arith.addi %add3A_104, %add3A_118 : i32
        %dma_start3A_120 = arith.constant 0 : i32
        %dma_start3A_121 = tpu.memref_slice %arg6[%add3A_119, %dma_start3A_120] : memref<80x128xi32, #tpu.memory_space<vmem>> -> memref<1x128xi32, #tpu.memory_space<vmem>>
        %dma_start3A_122 = tpu.memref_squeeze %dma_start3A_121 : memref<1x128xi32, #tpu.memory_space<vmem>> -> memref<128xi32, #tpu.memory_space<vmem>>
        %dma_start3A_123 = arith.constant 0 : i32
        %dma_start3A_124 = arith.constant 0 : i32
        %dma_start3A_125 = tpu.memref_slice %arg2[%dma_start3A_123, %dma_start3A_124] : memref<40960x128xf32, #tpu.memory_space<hbm>> -> memref<40960x128xf32, #tpu.memory_space<hbm>>
        tpu.enqueue_indirect_dma source(%dma_start3A_125 : memref<40960x128xf32, #tpu.memory_space<hbm>>) target(%arg9 : memref<128x128xf32, #tpu.memory_space<vmem>>) offsets(%dma_start3A_122 : memref<128xi32, #tpu.memory_space<vmem>>) semaphore(%arg11 : memref<!tpu.dma_semaphore, #tpu.memory_space<semaphore_mem>>)
      } else {
      }
    }
    %scan3A_72 = arith.constant 20 : i32
    %barrier3A_73 = arith.constant 0 : index
    tpu.barrier barrier_id(%barrier3A_73)
    %mul3A_74 = arith.constant 640 : i32
    %mul3A_75 = arith.muli %arg1, %mul3A_74 : i32
    %mul3A_76 = arith.constant 640 : i32
    %mul3A_77 = arith.muli %arg1, %mul3A_76 : i32
    "tpu.region"() ({
      %run_scoped3A = tpu.sem_alloc : memref<!tpu.dma_semaphore, #tpu.memory_space<semaphore_mem>>
      %dma_start3A_79 = arith.constant 0 : i32
      %dma_start3A_80 = tpu.memref_slice %arg5[%add3A_40, %mul3A_77, %dma_start3A_79] : memref<4x10240x128xf32, #tpu.memory_space<hbm>> -> memref<1x640x128xf32, #tpu.memory_space<hbm>>
      %dma_start3A_81 = tpu.memref_squeeze %dma_start3A_80 : memref<1x640x128xf32, #tpu.memory_space<hbm>> -> memref<640x128xf32, #tpu.memory_space<hbm>>
      %dma_start3A_82 = arith.constant 0 : i32
      %dma_start3A_83 = tpu.memref_slice %arg12[%mul3A_75, %dma_start3A_82] : memref<10240x128xf32, #tpu.memory_space<vmem_shared>> -> memref<640x128xf32, #tpu.memory_space<vmem_shared>>
      tpu.enqueue_dma source(%dma_start3A_83 : memref<640x128xf32, #tpu.memory_space<vmem_shared>>) target(%dma_start3A_81 : memref<640x128xf32, #tpu.memory_space<hbm>>) target_semaphore(%run_scoped3A : memref<!tpu.dma_semaphore, #tpu.memory_space<semaphore_mem>>)
      %dma_wait3A = arith.constant 0 : i32
      %dma_wait3A_84 = tpu.memref_slice %arg5[%add3A_40, %mul3A_77, %dma_wait3A] : memref<4x10240x128xf32, #tpu.memory_space<hbm>> -> memref<1x640x128xf32, #tpu.memory_space<hbm>>
      %dma_wait3A_85 = tpu.memref_squeeze %dma_wait3A_84 : memref<1x640x128xf32, #tpu.memory_space<hbm>> -> memref<640x128xf32, #tpu.memory_space<hbm>>
      %dma_wait3A_86 = arith.constant 0 : i32
      %dma_wait3A_87 = tpu.memref_slice %arg12[%mul3A_75, %dma_wait3A_86] : memref<10240x128xf32, #tpu.memory_space<vmem_shared>> -> memref<640x128xf32, #tpu.memory_space<vmem_shared>>
      tpu.wait_dma2 semaphore(%run_scoped3A : memref<!tpu.dma_semaphore, #tpu.memory_space<semaphore_mem>>) src(%dma_wait3A_87 : memref<640x128xf32, #tpu.memory_space<vmem_shared>>) dst(%dma_wait3A_85 : memref<640x128xf32, #tpu.memory_space<hbm>>)
      tpu.yield
    }) : () -> ()
    %barrier3A_78 = arith.constant 0 : index
    tpu.barrier barrier_id(%barrier3A_78)
    return
  }
}

#map = affine_map<(d0, d1) -> (0, 0, 0)>
#map1 = affine_map<(d0, d1) -> (0, 0)>
module attributes {stable_mosaic.version = 14 : i64} {
  func.func @deg_kernel(%arg0: i32, %arg1: i32, %arg2: memref<16x80x128xi32, #tpu.memory_space<hbm>>, %arg3: memref<128x128xf32, #tpu.memory_space<hbm>>, %arg4: memref<10240x128xf32, #tpu.memory_space<hbm>>, %arg5: memref<2x10240x128xf32, #tpu.memory_space<hbm>>, %arg6: memref<80x128xi32, #tpu.memory_space<vmem>>, %arg7: memref<128x128xf32, #tpu.memory_space<vmem>>, %arg8: memref<10240x128xf32, #tpu.memory_space<vmem_shared>>) attributes {dimension_semantics = [#tpu.dimension_semantics<core_parallel>, #tpu.dimension_semantics<subcore_parallel>], iteration_bounds = array<i64: 2, 16>, scalar_prefetch = 0 : i64, scratch_operands = 3 : i64, tpu.core_type = #tpu.core_type<sc_vector_subcore>, window_params = [{transform_indices = #map}, {transform_indices = #map1}, {transform_indices = #map1}, {transform_indices = #map}]} {
    "tpu.region"() ({
      %run_scoped3A = tpu.sem_alloc : memref<!tpu.dma_semaphore, #tpu.memory_space<semaphore_mem>>
      %dma_start3A = arith.constant 0 : i32
      %dma_start3A_12 = arith.constant 0 : i32
      %dma_start3A_13 = tpu.memref_slice %arg2[%arg1, %dma_start3A, %dma_start3A_12] : memref<16x80x128xi32, #tpu.memory_space<hbm>> -> memref<1x80x128xi32, #tpu.memory_space<hbm>>
      %dma_start3A_14 = tpu.memref_squeeze %dma_start3A_13 : memref<1x80x128xi32, #tpu.memory_space<hbm>> -> memref<80x128xi32, #tpu.memory_space<hbm>>
      %dma_start3A_15 = arith.constant 0 : i32
      %dma_start3A_16 = arith.constant 0 : i32
      %dma_start3A_17 = tpu.memref_slice %arg2[%arg1, %dma_start3A_15, %dma_start3A_16] : memref<16x80x128xi32, #tpu.memory_space<hbm>> -> memref<1x80x128xi32, #tpu.memory_space<hbm>>
      %dma_start3A_18 = tpu.memref_squeeze %dma_start3A_17 : memref<1x80x128xi32, #tpu.memory_space<hbm>> -> memref<80x128xi32, #tpu.memory_space<hbm>>
      tpu.enqueue_dma source(%dma_start3A_18 : memref<80x128xi32, #tpu.memory_space<hbm>>) target(%arg6 : memref<80x128xi32, #tpu.memory_space<vmem>>) target_semaphore(%run_scoped3A : memref<!tpu.dma_semaphore, #tpu.memory_space<semaphore_mem>>)
      %dma_wait3A = arith.constant 0 : i32
      %dma_wait3A_19 = arith.constant 0 : i32
      %dma_wait3A_20 = tpu.memref_slice %arg2[%arg1, %dma_wait3A, %dma_wait3A_19] : memref<16x80x128xi32, #tpu.memory_space<hbm>> -> memref<1x80x128xi32, #tpu.memory_space<hbm>>
      %dma_wait3A_21 = tpu.memref_squeeze %dma_wait3A_20 : memref<1x80x128xi32, #tpu.memory_space<hbm>> -> memref<80x128xi32, #tpu.memory_space<hbm>>
      %dma_wait3A_22 = arith.constant 0 : i32
      %dma_wait3A_23 = arith.constant 0 : i32
      %dma_wait3A_24 = tpu.memref_slice %arg2[%arg1, %dma_wait3A_22, %dma_wait3A_23] : memref<16x80x128xi32, #tpu.memory_space<hbm>> -> memref<1x80x128xi32, #tpu.memory_space<hbm>>
      %dma_wait3A_25 = tpu.memref_squeeze %dma_wait3A_24 : memref<1x80x128xi32, #tpu.memory_space<hbm>> -> memref<80x128xi32, #tpu.memory_space<hbm>>
      tpu.wait_dma2 semaphore(%run_scoped3A : memref<!tpu.dma_semaphore, #tpu.memory_space<semaphore_mem>>) src(%dma_wait3A_25 : memref<80x128xi32, #tpu.memory_space<hbm>>) dst(%arg6 : memref<80x128xi32, #tpu.memory_space<vmem>>)
      tpu.yield
    }) : () -> ()
    "tpu.region"() ({
      %run_scoped3A = tpu.sem_alloc : memref<!tpu.dma_semaphore, #tpu.memory_space<semaphore_mem>>
      tpu.enqueue_dma source(%arg3 : memref<128x128xf32, #tpu.memory_space<hbm>>) target(%arg7 : memref<128x128xf32, #tpu.memory_space<vmem>>) target_semaphore(%run_scoped3A : memref<!tpu.dma_semaphore, #tpu.memory_space<semaphore_mem>>)
      tpu.wait_dma2 semaphore(%run_scoped3A : memref<!tpu.dma_semaphore, #tpu.memory_space<semaphore_mem>>) src(%arg3 : memref<128x128xf32, #tpu.memory_space<hbm>>) dst(%arg7 : memref<128x128xf32, #tpu.memory_space<vmem>>)
      tpu.yield
    }) : () -> ()
    %mul3A = arith.constant 640 : i32
    %mul3A_0 = arith.muli %arg1, %mul3A : i32
    %mul3A_1 = arith.constant 640 : i32
    %mul3A_2 = arith.muli %arg1, %mul3A_1 : i32
    "tpu.region"() ({
      %run_scoped3A = tpu.sem_alloc : memref<!tpu.dma_semaphore, #tpu.memory_space<semaphore_mem>>
      %dma_start3A = arith.constant 0 : i32
      %dma_start3A_12 = tpu.memref_slice %arg8[%mul3A_2, %dma_start3A] : memref<10240x128xf32, #tpu.memory_space<vmem_shared>> -> memref<640x128xf32, #tpu.memory_space<vmem_shared>>
      %dma_start3A_13 = arith.constant 0 : i32
      %dma_start3A_14 = tpu.memref_slice %arg4[%mul3A_0, %dma_start3A_13] : memref<10240x128xf32, #tpu.memory_space<hbm>> -> memref<640x128xf32, #tpu.memory_space<hbm>>
      tpu.enqueue_dma source(%dma_start3A_14 : memref<640x128xf32, #tpu.memory_space<hbm>>) target(%dma_start3A_12 : memref<640x128xf32, #tpu.memory_space<vmem_shared>>) target_semaphore(%run_scoped3A : memref<!tpu.dma_semaphore, #tpu.memory_space<semaphore_mem>>)
      %dma_wait3A = arith.constant 0 : i32
      %dma_wait3A_15 = tpu.memref_slice %arg8[%mul3A_2, %dma_wait3A] : memref<10240x128xf32, #tpu.memory_space<vmem_shared>> -> memref<640x128xf32, #tpu.memory_space<vmem_shared>>
      %dma_wait3A_16 = arith.constant 0 : i32
      %dma_wait3A_17 = tpu.memref_slice %arg4[%mul3A_0, %dma_wait3A_16] : memref<10240x128xf32, #tpu.memory_space<hbm>> -> memref<640x128xf32, #tpu.memory_space<hbm>>
      tpu.wait_dma2 semaphore(%run_scoped3A : memref<!tpu.dma_semaphore, #tpu.memory_space<semaphore_mem>>) src(%dma_wait3A_17 : memref<640x128xf32, #tpu.memory_space<hbm>>) dst(%dma_wait3A_15 : memref<640x128xf32, #tpu.memory_space<vmem_shared>>)
      tpu.yield
    }) : () -> ()
    %barrier3A = arith.constant 0 : index
    tpu.barrier barrier_id(%barrier3A)
    %scan3A = arith.constant 0 : i32
    %scan3A_3 = arith.constant 40 : i32
    %scan3A_4 = arith.addi %scan3A, %scan3A_3 : i32
    %scan3A_5 = arith.constant 1 : i32
    scf.for %scan3A_12 = %scan3A to %scan3A_4 step %scan3A_5  : i32 {
      %mul3A_13 = arith.constant 1 : i32
      %mul3A_14 = arith.muli %scan3A_12, %mul3A_13 : i32
      %add3A = arith.constant 0 : i32
      %add3A_15 = arith.addi %add3A, %mul3A_14 : i32
      %mul3A_16 = arith.constant 40 : i32
      %mul3A_17 = arith.muli %arg0, %mul3A_16 : i32
      %add3A_18 = arith.addi %mul3A_17, %add3A_15 : i32
      "tpu.region"() ({
        %run_scoped3A = tpu.sem_alloc : memref<!tpu.dma_semaphore, #tpu.memory_space<semaphore_mem>>
        %dma_start3A = arith.constant 0 : i32
        %dma_start3A_19 = tpu.memref_slice %arg6[%add3A_18, %dma_start3A] : memref<80x128xi32, #tpu.memory_space<vmem>> -> memref<1x128xi32, #tpu.memory_space<vmem>>
        %dma_start3A_20 = tpu.memref_squeeze %dma_start3A_19 : memref<1x128xi32, #tpu.memory_space<vmem>> -> memref<128xi32, #tpu.memory_space<vmem>>
        %dma_start3A_21 = arith.constant 0 : i32
        %dma_start3A_22 = arith.constant 0 : i32
        %dma_start3A_23 = tpu.memref_slice %arg8[%dma_start3A_21, %dma_start3A_22] : memref<10240x128xf32, #tpu.memory_space<vmem_shared>> -> memref<10240x128xf32, #tpu.memory_space<vmem_shared>>
        tpu.enqueue_indirect_dma source(%arg7 : memref<128x128xf32, #tpu.memory_space<vmem>>) target(%dma_start3A_23 : memref<10240x128xf32, #tpu.memory_space<vmem_shared>>) offsets(%dma_start3A_20 : memref<128xi32, #tpu.memory_space<vmem>>) semaphore(%run_scoped3A : memref<!tpu.dma_semaphore, #tpu.memory_space<semaphore_mem>>) {add = true}
        %dma_wait3A = arith.constant 0 : i32
        %dma_wait3A_24 = tpu.memref_slice %arg6[%add3A_18, %dma_wait3A] : memref<80x128xi32, #tpu.memory_space<vmem>> -> memref<1x128xi32, #tpu.memory_space<vmem>>
        %dma_wait3A_25 = tpu.memref_squeeze %dma_wait3A_24 : memref<1x128xi32, #tpu.memory_space<vmem>> -> memref<128xi32, #tpu.memory_space<vmem>>
        %dma_wait3A_26 = arith.constant 0 : i32
        %dma_wait3A_27 = arith.constant 0 : i32
        %dma_wait3A_28 = tpu.memref_slice %arg8[%dma_wait3A_26, %dma_wait3A_27] : memref<10240x128xf32, #tpu.memory_space<vmem_shared>> -> memref<10240x128xf32, #tpu.memory_space<vmem_shared>>
        tpu.wait_indirect_dma semaphore(%run_scoped3A : memref<!tpu.dma_semaphore, #tpu.memory_space<semaphore_mem>>) src(%arg7 : memref<128x128xf32, #tpu.memory_space<vmem>>) dst(%dma_wait3A_28 : memref<10240x128xf32, #tpu.memory_space<vmem_shared>>)
        tpu.yield
      }) : () -> ()
    }
    %scan3A_6 = arith.constant 40 : i32
    %barrier3A_7 = arith.constant 0 : index
    tpu.barrier barrier_id(%barrier3A_7)
    %mul3A_8 = arith.constant 640 : i32
    %mul3A_9 = arith.muli %arg1, %mul3A_8 : i32
    %mul3A_10 = arith.constant 640 : i32
    %mul3A_11 = arith.muli %arg1, %mul3A_10 : i32
    "tpu.region"() ({
      %run_scoped3A = tpu.sem_alloc : memref<!tpu.dma_semaphore, #tpu.memory_space<semaphore_mem>>
      %dma_start3A = arith.constant 0 : i32
      %dma_start3A_12 = tpu.memref_slice %arg5[%arg0, %mul3A_11, %dma_start3A] : memref<2x10240x128xf32, #tpu.memory_space<hbm>> -> memref<1x640x128xf32, #tpu.memory_space<hbm>>
      %dma_start3A_13 = tpu.memref_squeeze %dma_start3A_12 : memref<1x640x128xf32, #tpu.memory_space<hbm>> -> memref<640x128xf32, #tpu.memory_space<hbm>>
      %dma_start3A_14 = arith.constant 0 : i32
      %dma_start3A_15 = tpu.memref_slice %arg8[%mul3A_9, %dma_start3A_14] : memref<10240x128xf32, #tpu.memory_space<vmem_shared>> -> memref<640x128xf32, #tpu.memory_space<vmem_shared>>
      tpu.enqueue_dma source(%dma_start3A_15 : memref<640x128xf32, #tpu.memory_space<vmem_shared>>) target(%dma_start3A_13 : memref<640x128xf32, #tpu.memory_space<hbm>>) target_semaphore(%run_scoped3A : memref<!tpu.dma_semaphore, #tpu.memory_space<semaphore_mem>>)
      %dma_wait3A = arith.constant 0 : i32
      %dma_wait3A_16 = tpu.memref_slice %arg5[%arg0, %mul3A_11, %dma_wait3A] : memref<2x10240x128xf32, #tpu.memory_space<hbm>> -> memref<1x640x128xf32, #tpu.memory_space<hbm>>
      %dma_wait3A_17 = tpu.memref_squeeze %dma_wait3A_16 : memref<1x640x128xf32, #tpu.memory_space<hbm>> -> memref<640x128xf32, #tpu.memory_space<hbm>>
      %dma_wait3A_18 = arith.constant 0 : i32
      %dma_wait3A_19 = tpu.memref_slice %arg8[%mul3A_9, %dma_wait3A_18] : memref<10240x128xf32, #tpu.memory_space<vmem_shared>> -> memref<640x128xf32, #tpu.memory_space<vmem_shared>>
      tpu.wait_dma2 semaphore(%run_scoped3A : memref<!tpu.dma_semaphore, #tpu.memory_space<semaphore_mem>>) src(%dma_wait3A_19 : memref<640x128xf32, #tpu.memory_space<vmem_shared>>) dst(%dma_wait3A_17 : memref<640x128xf32, #tpu.memory_space<hbm>>)
      tpu.yield
    }) : () -> ()
    return
  }
}

#map = affine_map<(d0, d1) -> (0, 0)>
#map1 = affine_map<(d0, d1) -> (0, 0, 0, 0)>
#map2 = affine_map<(d0, d1) -> (0, 0, 0)>
module attributes {stable_mosaic.version = 14 : i64} {
  func.func @sc_kernel(%arg0: i32, %arg1: i32, %arg2: memref<40960x128xf32, #tpu.memory_space<hbm>>, %arg3: memref<4x16x80x128xi32, #tpu.memory_space<hbm>>, %arg4: memref<16x80x128xi32, #tpu.memory_space<hbm>>, %arg5: memref<4x10240x128xf32, #tpu.memory_space<hbm>>, %arg6: memref<80x128xi32, #tpu.memory_space<vmem>>, %arg7: memref<40x128xi32, #tpu.memory_space<vmem>>, %arg8: memref<128x128xf32, #tpu.memory_space<vmem>>, %arg9: memref<128x128xf32, #tpu.memory_space<vmem>>, %arg10: memref<!tpu.dma_semaphore, #tpu.memory_space<semaphore_mem>>, %arg11: memref<!tpu.dma_semaphore, #tpu.memory_space<semaphore_mem>>, %arg12: memref<10240x128xf32, #tpu.memory_space<vmem_shared>>) attributes {dimension_semantics = [#tpu.dimension_semantics<core_parallel>, #tpu.dimension_semantics<subcore_parallel>], iteration_bounds = array<i64: 2, 16>, scalar_prefetch = 0 : i64, scratch_operands = 7 : i64, tpu.core_type = #tpu.core_type<sc_vector_subcore>, window_params = [{transform_indices = #map}, {transform_indices = #map1}, {transform_indices = #map2}, {transform_indices = #map2}]} {
    %mul3A = arith.constant 2 : i32
    %mul3A_0 = arith.muli %arg0, %mul3A : i32
    %add3A = arith.constant 0 : i32
    %add3A_1 = arith.addi %mul3A_0, %add3A : i32
    "tpu.region"() ({
      %run_scoped3A = tpu.sem_alloc : memref<!tpu.dma_semaphore, #tpu.memory_space<semaphore_mem>>
      %dma_start3A_79 = arith.constant 0 : i32
      %dma_start3A_80 = arith.constant 0 : i32
      %dma_start3A_81 = tpu.memref_slice %arg3[%add3A_1, %arg1, %dma_start3A_79, %dma_start3A_80] : memref<4x16x80x128xi32, #tpu.memory_space<hbm>> -> memref<1x1x80x128xi32, #tpu.memory_space<hbm>>
      %dma_start3A_82 = tpu.memref_squeeze %dma_start3A_81 : memref<1x1x80x128xi32, #tpu.memory_space<hbm>> -> memref<80x128xi32, #tpu.memory_space<hbm>>
      %dma_start3A_83 = arith.constant 0 : i32
      %dma_start3A_84 = arith.constant 0 : i32
      %dma_start3A_85 = tpu.memref_slice %arg3[%add3A_1, %arg1, %dma_start3A_83, %dma_start3A_84] : memref<4x16x80x128xi32, #tpu.memory_space<hbm>> -> memref<1x1x80x128xi32, #tpu.memory_space<hbm>>
      %dma_start3A_86 = tpu.memref_squeeze %dma_start3A_85 : memref<1x1x80x128xi32, #tpu.memory_space<hbm>> -> memref<80x128xi32, #tpu.memory_space<hbm>>
      tpu.enqueue_dma source(%dma_start3A_86 : memref<80x128xi32, #tpu.memory_space<hbm>>) target(%arg6 : memref<80x128xi32, #tpu.memory_space<vmem>>) target_semaphore(%run_scoped3A : memref<!tpu.dma_semaphore, #tpu.memory_space<semaphore_mem>>)
      %dma_wait3A = arith.constant 0 : i32
      %dma_wait3A_87 = arith.constant 0 : i32
      %dma_wait3A_88 = tpu.memref_slice %arg3[%add3A_1, %arg1, %dma_wait3A, %dma_wait3A_87] : memref<4x16x80x128xi32, #tpu.memory_space<hbm>> -> memref<1x1x80x128xi32, #tpu.memory_space<hbm>>
      %dma_wait3A_89 = tpu.memref_squeeze %dma_wait3A_88 : memref<1x1x80x128xi32, #tpu.memory_space<hbm>> -> memref<80x128xi32, #tpu.memory_space<hbm>>
      %dma_wait3A_90 = arith.constant 0 : i32
      %dma_wait3A_91 = arith.constant 0 : i32
      %dma_wait3A_92 = tpu.memref_slice %arg3[%add3A_1, %arg1, %dma_wait3A_90, %dma_wait3A_91] : memref<4x16x80x128xi32, #tpu.memory_space<hbm>> -> memref<1x1x80x128xi32, #tpu.memory_space<hbm>>
      %dma_wait3A_93 = tpu.memref_squeeze %dma_wait3A_92 : memref<1x1x80x128xi32, #tpu.memory_space<hbm>> -> memref<80x128xi32, #tpu.memory_space<hbm>>
      tpu.wait_dma2 semaphore(%run_scoped3A : memref<!tpu.dma_semaphore, #tpu.memory_space<semaphore_mem>>) src(%dma_wait3A_93 : memref<80x128xi32, #tpu.memory_space<hbm>>) dst(%arg6 : memref<80x128xi32, #tpu.memory_space<vmem>>)
      tpu.yield
    }) : () -> ()
    %mul3A_2 = arith.constant 10240 : i32
    %mul3A_3 = arith.muli %add3A_1, %mul3A_2 : i32
    %mul3A_4 = arith.constant 640 : i32
    %mul3A_5 = arith.muli %arg1, %mul3A_4 : i32
    %add3A_6 = arith.addi %mul3A_3, %mul3A_5 : i32
    %mul3A_7 = arith.constant 640 : i32
    %mul3A_8 = arith.muli %arg1, %mul3A_7 : i32
    "tpu.region"() ({
      %run_scoped3A = tpu.sem_alloc : memref<!tpu.dma_semaphore, #tpu.memory_space<semaphore_mem>>
      %dma_start3A_79 = arith.constant 0 : i32
      %dma_start3A_80 = tpu.memref_slice %arg12[%mul3A_8, %dma_start3A_79] : memref<10240x128xf32, #tpu.memory_space<vmem_shared>> -> memref<640x128xf32, #tpu.memory_space<vmem_shared>>
      %dma_start3A_81 = arith.constant 0 : i32
      %dma_start3A_82 = tpu.memref_slice %arg2[%add3A_6, %dma_start3A_81] : memref<40960x128xf32, #tpu.memory_space<hbm>> -> memref<640x128xf32, #tpu.memory_space<hbm>>
      tpu.enqueue_dma source(%dma_start3A_82 : memref<640x128xf32, #tpu.memory_space<hbm>>) target(%dma_start3A_80 : memref<640x128xf32, #tpu.memory_space<vmem_shared>>) target_semaphore(%run_scoped3A : memref<!tpu.dma_semaphore, #tpu.memory_space<semaphore_mem>>)
      %dma_wait3A = arith.constant 0 : i32
      %dma_wait3A_83 = tpu.memref_slice %arg12[%mul3A_8, %dma_wait3A] : memref<10240x128xf32, #tpu.memory_space<vmem_shared>> -> memref<640x128xf32, #tpu.memory_space<vmem_shared>>
      %dma_wait3A_84 = arith.constant 0 : i32
      %dma_wait3A_85 = tpu.memref_slice %arg2[%add3A_6, %dma_wait3A_84] : memref<40960x128xf32, #tpu.memory_space<hbm>> -> memref<640x128xf32, #tpu.memory_space<hbm>>
      tpu.wait_dma2 semaphore(%run_scoped3A : memref<!tpu.dma_semaphore, #tpu.memory_space<semaphore_mem>>) src(%dma_wait3A_85 : memref<640x128xf32, #tpu.memory_space<hbm>>) dst(%dma_wait3A_83 : memref<640x128xf32, #tpu.memory_space<vmem_shared>>)
      tpu.yield
    }) : () -> ()
    %barrier3A = arith.constant 0 : index
    tpu.barrier barrier_id(%barrier3A)
    %dma_start3A = arith.constant 0 : i32
    %dma_start3A_9 = arith.constant 0 : i32
    %dma_start3A_10 = tpu.memref_slice %arg6[%dma_start3A, %dma_start3A_9] : memref<80x128xi32, #tpu.memory_space<vmem>> -> memref<1x128xi32, #tpu.memory_space<vmem>>
    %dma_start3A_11 = tpu.memref_squeeze %dma_start3A_10 : memref<1x128xi32, #tpu.memory_space<vmem>> -> memref<128xi32, #tpu.memory_space<vmem>>
    %dma_start3A_12 = arith.constant 0 : i32
    %dma_start3A_13 = arith.constant 0 : i32
    %dma_start3A_14 = tpu.memref_slice %arg2[%dma_start3A_12, %dma_start3A_13] : memref<40960x128xf32, #tpu.memory_space<hbm>> -> memref<40960x128xf32, #tpu.memory_space<hbm>>
    tpu.enqueue_indirect_dma source(%dma_start3A_14 : memref<40960x128xf32, #tpu.memory_space<hbm>>) target(%arg8 : memref<128x128xf32, #tpu.memory_space<vmem>>) offsets(%dma_start3A_11 : memref<128xi32, #tpu.memory_space<vmem>>) semaphore(%arg10 : memref<!tpu.dma_semaphore, #tpu.memory_space<semaphore_mem>>)
    %dma_start3A_15 = arith.constant 1 : i32
    %dma_start3A_16 = arith.constant 0 : i32
    %dma_start3A_17 = tpu.memref_slice %arg6[%dma_start3A_15, %dma_start3A_16] : memref<80x128xi32, #tpu.memory_space<vmem>> -> memref<1x128xi32, #tpu.memory_space<vmem>>
    %dma_start3A_18 = tpu.memref_squeeze %dma_start3A_17 : memref<1x128xi32, #tpu.memory_space<vmem>> -> memref<128xi32, #tpu.memory_space<vmem>>
    %dma_start3A_19 = arith.constant 0 : i32
    %dma_start3A_20 = arith.constant 0 : i32
    %dma_start3A_21 = tpu.memref_slice %arg2[%dma_start3A_19, %dma_start3A_20] : memref<40960x128xf32, #tpu.memory_space<hbm>> -> memref<40960x128xf32, #tpu.memory_space<hbm>>
    tpu.enqueue_indirect_dma source(%dma_start3A_21 : memref<40960x128xf32, #tpu.memory_space<hbm>>) target(%arg9 : memref<128x128xf32, #tpu.memory_space<vmem>>) offsets(%dma_start3A_18 : memref<128xi32, #tpu.memory_space<vmem>>) semaphore(%arg11 : memref<!tpu.dma_semaphore, #tpu.memory_space<semaphore_mem>>)
    "tpu.region"() ({
      %run_scoped3A = tpu.sem_alloc : memref<!tpu.dma_semaphore, #tpu.memory_space<semaphore_mem>>
      %dma_start3A_79 = arith.constant 0 : i32
      %dma_start3A_80 = arith.constant 0 : i32
      %dma_start3A_81 = tpu.memref_slice %arg4[%arg1, %dma_start3A_79, %dma_start3A_80] : memref<16x80x128xi32, #tpu.memory_space<hbm>> -> memref<1x40x128xi32, #tpu.memory_space<hbm>>
      %dma_start3A_82 = tpu.memref_squeeze %dma_start3A_81 : memref<1x40x128xi32, #tpu.memory_space<hbm>> -> memref<40x128xi32, #tpu.memory_space<hbm>>
      %dma_start3A_83 = arith.constant 0 : i32
      %dma_start3A_84 = arith.constant 0 : i32
      %dma_start3A_85 = tpu.memref_slice %arg4[%arg1, %dma_start3A_83, %dma_start3A_84] : memref<16x80x128xi32, #tpu.memory_space<hbm>> -> memref<1x40x128xi32, #tpu.memory_space<hbm>>
      %dma_start3A_86 = tpu.memref_squeeze %dma_start3A_85 : memref<1x40x128xi32, #tpu.memory_space<hbm>> -> memref<40x128xi32, #tpu.memory_space<hbm>>
      tpu.enqueue_dma source(%dma_start3A_86 : memref<40x128xi32, #tpu.memory_space<hbm>>) target(%arg7 : memref<40x128xi32, #tpu.memory_space<vmem>>) target_semaphore(%run_scoped3A : memref<!tpu.dma_semaphore, #tpu.memory_space<semaphore_mem>>)
      %dma_wait3A = arith.constant 0 : i32
      %dma_wait3A_87 = arith.constant 0 : i32
      %dma_wait3A_88 = tpu.memref_slice %arg4[%arg1, %dma_wait3A, %dma_wait3A_87] : memref<16x80x128xi32, #tpu.memory_space<hbm>> -> memref<1x40x128xi32, #tpu.memory_space<hbm>>
      %dma_wait3A_89 = tpu.memref_squeeze %dma_wait3A_88 : memref<1x40x128xi32, #tpu.memory_space<hbm>> -> memref<40x128xi32, #tpu.memory_space<hbm>>
      %dma_wait3A_90 = arith.constant 0 : i32
      %dma_wait3A_91 = arith.constant 0 : i32
      %dma_wait3A_92 = tpu.memref_slice %arg4[%arg1, %dma_wait3A_90, %dma_wait3A_91] : memref<16x80x128xi32, #tpu.memory_space<hbm>> -> memref<1x40x128xi32, #tpu.memory_space<hbm>>
      %dma_wait3A_93 = tpu.memref_squeeze %dma_wait3A_92 : memref<1x40x128xi32, #tpu.memory_space<hbm>> -> memref<40x128xi32, #tpu.memory_space<hbm>>
      tpu.wait_dma2 semaphore(%run_scoped3A : memref<!tpu.dma_semaphore, #tpu.memory_space<semaphore_mem>>) src(%dma_wait3A_93 : memref<40x128xi32, #tpu.memory_space<hbm>>) dst(%arg7 : memref<40x128xi32, #tpu.memory_space<vmem>>)
      tpu.yield
    }) : () -> ()
    %scan3A = arith.constant 0 : i32
    %scan3A_22 = arith.constant 20 : i32
    %scan3A_23 = arith.addi %scan3A, %scan3A_22 : i32
    %scan3A_24 = arith.constant 1 : i32
    scf.for %scan3A_79 = %scan3A to %scan3A_23 step %scan3A_24  : i32 {
      %mul3A_80 = arith.constant 1 : i32
      %mul3A_81 = arith.muli %scan3A_79, %mul3A_80 : i32
      %add3A_82 = arith.constant 0 : i32
      %add3A_83 = arith.addi %add3A_82, %mul3A_81 : i32
      %mul3A_84 = arith.constant 2 : i32
      %mul3A_85 = arith.muli %add3A_83, %mul3A_84 : i32
      %add3A_86 = arith.constant 0 : i32
      %add3A_87 = arith.addi %mul3A_85, %add3A_86 : i32
      %add3A_88 = arith.constant 0 : i32
      %add3A_89 = arith.addi %add3A_88, %add3A_87 : i32
      %dma_wait3A = arith.constant 0 : i32
      %dma_wait3A_90 = tpu.memref_slice %arg6[%add3A_89, %dma_wait3A] : memref<80x128xi32, #tpu.memory_space<vmem>> -> memref<1x128xi32, #tpu.memory_space<vmem>>
      %dma_wait3A_91 = tpu.memref_squeeze %dma_wait3A_90 : memref<1x128xi32, #tpu.memory_space<vmem>> -> memref<128xi32, #tpu.memory_space<vmem>>
      %dma_wait3A_92 = arith.constant 0 : i32
      %dma_wait3A_93 = arith.constant 0 : i32
      %dma_wait3A_94 = tpu.memref_slice %arg2[%dma_wait3A_92, %dma_wait3A_93] : memref<40960x128xf32, #tpu.memory_space<hbm>> -> memref<40960x128xf32, #tpu.memory_space<hbm>>
      tpu.wait_indirect_dma semaphore(%arg10 : memref<!tpu.dma_semaphore, #tpu.memory_space<semaphore_mem>>) src(%dma_wait3A_94 : memref<40960x128xf32, #tpu.memory_space<hbm>>) dst(%arg8 : memref<128x128xf32, #tpu.memory_space<vmem>>)
      "tpu.region"() ({
        %run_scoped3A = tpu.sem_alloc : memref<!tpu.dma_semaphore, #tpu.memory_space<semaphore_mem>>
        %dma_start3A_118 = arith.constant 0 : i32
        %dma_start3A_119 = tpu.memref_slice %arg7[%add3A_87, %dma_start3A_118] : memref<40x128xi32, #tpu.memory_space<vmem>> -> memref<1x128xi32, #tpu.memory_space<vmem>>
        %dma_start3A_120 = tpu.memref_squeeze %dma_start3A_119 : memref<1x128xi32, #tpu.memory_space<vmem>> -> memref<128xi32, #tpu.memory_space<vmem>>
        %dma_start3A_121 = arith.constant 0 : i32
        %dma_start3A_122 = arith.constant 0 : i32
        %dma_start3A_123 = tpu.memref_slice %arg12[%dma_start3A_121, %dma_start3A_122] : memref<10240x128xf32, #tpu.memory_space<vmem_shared>> -> memref<10240x128xf32, #tpu.memory_space<vmem_shared>>
        tpu.enqueue_indirect_dma source(%arg8 : memref<128x128xf32, #tpu.memory_space<vmem>>) target(%dma_start3A_123 : memref<10240x128xf32, #tpu.memory_space<vmem_shared>>) offsets(%dma_start3A_120 : memref<128xi32, #tpu.memory_space<vmem>>) semaphore(%run_scoped3A : memref<!tpu.dma_semaphore, #tpu.memory_space<semaphore_mem>>) {add = true}
        %dma_wait3A_124 = arith.constant 0 : i32
        %dma_wait3A_125 = tpu.memref_slice %arg7[%add3A_87, %dma_wait3A_124] : memref<40x128xi32, #tpu.memory_space<vmem>> -> memref<1x128xi32, #tpu.memory_space<vmem>>
        %dma_wait3A_126 = tpu.memref_squeeze %dma_wait3A_125 : memref<1x128xi32, #tpu.memory_space<vmem>> -> memref<128xi32, #tpu.memory_space<vmem>>
        %dma_wait3A_127 = arith.constant 0 : i32
        %dma_wait3A_128 = arith.constant 0 : i32
        %dma_wait3A_129 = tpu.memref_slice %arg12[%dma_wait3A_127, %dma_wait3A_128] : memref<10240x128xf32, #tpu.memory_space<vmem_shared>> -> memref<10240x128xf32, #tpu.memory_space<vmem_shared>>
        tpu.wait_indirect_dma semaphore(%run_scoped3A : memref<!tpu.dma_semaphore, #tpu.memory_space<semaphore_mem>>) src(%arg8 : memref<128x128xf32, #tpu.memory_space<vmem>>) dst(%dma_wait3A_129 : memref<10240x128xf32, #tpu.memory_space<vmem_shared>>)
        tpu.yield
      }) : () -> ()
      %add3A_95 = arith.constant 2 : i32
      %add3A_96 = arith.addi %add3A_89, %add3A_95 : i32
      %lt3A = arith.constant 80 : i32
      %lt3A_97 = arith.cmpi slt, %add3A_96, %lt3A : i32
      %convert_element_type3A = arith.extui %lt3A_97 : i1 to i32
      %cond3A = arith.constant 0 : i32
      %cond3A_98 = arith.cmpi ne, %convert_element_type3A, %cond3A : i32
      scf.if %cond3A_98 {
        %add3A_118 = arith.constant 2 : i32
        %add3A_119 = arith.addi %add3A_89, %add3A_118 : i32
        %dma_start3A_120 = arith.constant 0 : i32
        %dma_start3A_121 = tpu.memref_slice %arg6[%add3A_119, %dma_start3A_120] : memref<80x128xi32, #tpu.memory_space<vmem>> -> memref<1x128xi32, #tpu.memory_space<vmem>>
        %dma_start3A_122 = tpu.memref_squeeze %dma_start3A_121 : memref<1x128xi32, #tpu.memory_space<vmem>> -> memref<128xi32, #tpu.memory_space<vmem>>
        %dma_start3A_123 = arith.constant 0 : i32
        %dma_start3A_124 = arith.constant 0 : i32
        %dma_start3A_125 = tpu.memref_slice %arg2[%dma_start3A_123, %dma_start3A_124] : memref<40960x128xf32, #tpu.memory_space<hbm>> -> memref<40960x128xf32, #tpu.memory_space<hbm>>
        tpu.enqueue_indirect_dma source(%dma_start3A_125 : memref<40960x128xf32, #tpu.memory_space<hbm>>) target(%arg8 : memref<128x128xf32, #tpu.memory_space<vmem>>) offsets(%dma_start3A_122 : memref<128xi32, #tpu.memory_space<vmem>>) semaphore(%arg10 : memref<!tpu.dma_semaphore, #tpu.memory_space<semaphore_mem>>)
      } else {
      }
      %mul3A_99 = arith.constant 2 : i32
      %mul3A_100 = arith.muli %add3A_83, %mul3A_99 : i32
      %add3A_101 = arith.constant 1 : i32
      %add3A_102 = arith.addi %mul3A_100, %add3A_101 : i32
      %add3A_103 = arith.constant 0 : i32
      %add3A_104 = arith.addi %add3A_103, %add3A_102 : i32
      %dma_wait3A_105 = arith.constant 0 : i32
      %dma_wait3A_106 = tpu.memref_slice %arg6[%add3A_104, %dma_wait3A_105] : memref<80x128xi32, #tpu.memory_space<vmem>> -> memref<1x128xi32, #tpu.memory_space<vmem>>
      %dma_wait3A_107 = tpu.memref_squeeze %dma_wait3A_106 : memref<1x128xi32, #tpu.memory_space<vmem>> -> memref<128xi32, #tpu.memory_space<vmem>>
      %dma_wait3A_108 = arith.constant 0 : i32
      %dma_wait3A_109 = arith.constant 0 : i32
      %dma_wait3A_110 = tpu.memref_slice %arg2[%dma_wait3A_108, %dma_wait3A_109] : memref<40960x128xf32, #tpu.memory_space<hbm>> -> memref<40960x128xf32, #tpu.memory_space<hbm>>
      tpu.wait_indirect_dma semaphore(%arg11 : memref<!tpu.dma_semaphore, #tpu.memory_space<semaphore_mem>>) src(%dma_wait3A_110 : memref<40960x128xf32, #tpu.memory_space<hbm>>) dst(%arg9 : memref<128x128xf32, #tpu.memory_space<vmem>>)
      "tpu.region"() ({
        %run_scoped3A = tpu.sem_alloc : memref<!tpu.dma_semaphore, #tpu.memory_space<semaphore_mem>>
        %dma_start3A_118 = arith.constant 0 : i32
        %dma_start3A_119 = tpu.memref_slice %arg7[%add3A_102, %dma_start3A_118] : memref<40x128xi32, #tpu.memory_space<vmem>> -> memref<1x128xi32, #tpu.memory_space<vmem>>
        %dma_start3A_120 = tpu.memref_squeeze %dma_start3A_119 : memref<1x128xi32, #tpu.memory_space<vmem>> -> memref<128xi32, #tpu.memory_space<vmem>>
        %dma_start3A_121 = arith.constant 0 : i32
        %dma_start3A_122 = arith.constant 0 : i32
        %dma_start3A_123 = tpu.memref_slice %arg12[%dma_start3A_121, %dma_start3A_122] : memref<10240x128xf32, #tpu.memory_space<vmem_shared>> -> memref<10240x128xf32, #tpu.memory_space<vmem_shared>>
        tpu.enqueue_indirect_dma source(%arg9 : memref<128x128xf32, #tpu.memory_space<vmem>>) target(%dma_start3A_123 : memref<10240x128xf32, #tpu.memory_space<vmem_shared>>) offsets(%dma_start3A_120 : memref<128xi32, #tpu.memory_space<vmem>>) semaphore(%run_scoped3A : memref<!tpu.dma_semaphore, #tpu.memory_space<semaphore_mem>>) {add = true}
        %dma_wait3A_124 = arith.constant 0 : i32
        %dma_wait3A_125 = tpu.memref_slice %arg7[%add3A_102, %dma_wait3A_124] : memref<40x128xi32, #tpu.memory_space<vmem>> -> memref<1x128xi32, #tpu.memory_space<vmem>>
        %dma_wait3A_126 = tpu.memref_squeeze %dma_wait3A_125 : memref<1x128xi32, #tpu.memory_space<vmem>> -> memref<128xi32, #tpu.memory_space<vmem>>
        %dma_wait3A_127 = arith.constant 0 : i32
        %dma_wait3A_128 = arith.constant 0 : i32
        %dma_wait3A_129 = tpu.memref_slice %arg12[%dma_wait3A_127, %dma_wait3A_128] : memref<10240x128xf32, #tpu.memory_space<vmem_shared>> -> memref<10240x128xf32, #tpu.memory_space<vmem_shared>>
        tpu.wait_indirect_dma semaphore(%run_scoped3A : memref<!tpu.dma_semaphore, #tpu.memory_space<semaphore_mem>>) src(%arg9 : memref<128x128xf32, #tpu.memory_space<vmem>>) dst(%dma_wait3A_129 : memref<10240x128xf32, #tpu.memory_space<vmem_shared>>)
        tpu.yield
      }) : () -> ()
      %add3A_111 = arith.constant 2 : i32
      %add3A_112 = arith.addi %add3A_104, %add3A_111 : i32
      %lt3A_113 = arith.constant 80 : i32
      %lt3A_114 = arith.cmpi slt, %add3A_112, %lt3A_113 : i32
      %convert_element_type3A_115 = arith.extui %lt3A_114 : i1 to i32
      %cond3A_116 = arith.constant 0 : i32
      %cond3A_117 = arith.cmpi ne, %convert_element_type3A_115, %cond3A_116 : i32
      scf.if %cond3A_117 {
        %add3A_118 = arith.constant 2 : i32
        %add3A_119 = arith.addi %add3A_104, %add3A_118 : i32
        %dma_start3A_120 = arith.constant 0 : i32
        %dma_start3A_121 = tpu.memref_slice %arg6[%add3A_119, %dma_start3A_120] : memref<80x128xi32, #tpu.memory_space<vmem>> -> memref<1x128xi32, #tpu.memory_space<vmem>>
        %dma_start3A_122 = tpu.memref_squeeze %dma_start3A_121 : memref<1x128xi32, #tpu.memory_space<vmem>> -> memref<128xi32, #tpu.memory_space<vmem>>
        %dma_start3A_123 = arith.constant 0 : i32
        %dma_start3A_124 = arith.constant 0 : i32
        %dma_start3A_125 = tpu.memref_slice %arg2[%dma_start3A_123, %dma_start3A_124] : memref<40960x128xf32, #tpu.memory_space<hbm>> -> memref<40960x128xf32, #tpu.memory_space<hbm>>
        tpu.enqueue_indirect_dma source(%dma_start3A_125 : memref<40960x128xf32, #tpu.memory_space<hbm>>) target(%arg9 : memref<128x128xf32, #tpu.memory_space<vmem>>) offsets(%dma_start3A_122 : memref<128xi32, #tpu.memory_space<vmem>>) semaphore(%arg11 : memref<!tpu.dma_semaphore, #tpu.memory_space<semaphore_mem>>)
      } else {
      }
    }
    %scan3A_25 = arith.constant 20 : i32
    "tpu.region"() ({
      %run_scoped3A = tpu.sem_alloc : memref<!tpu.dma_semaphore, #tpu.memory_space<semaphore_mem>>
      %dma_start3A_79 = arith.constant 40 : i32
      %dma_start3A_80 = arith.constant 0 : i32
      %dma_start3A_81 = tpu.memref_slice %arg4[%arg1, %dma_start3A_79, %dma_start3A_80] : memref<16x80x128xi32, #tpu.memory_space<hbm>> -> memref<1x40x128xi32, #tpu.memory_space<hbm>>
      %dma_start3A_82 = tpu.memref_squeeze %dma_start3A_81 : memref<1x40x128xi32, #tpu.memory_space<hbm>> -> memref<40x128xi32, #tpu.memory_space<hbm>>
      %dma_start3A_83 = arith.constant 40 : i32
      %dma_start3A_84 = arith.constant 0 : i32
      %dma_start3A_85 = tpu.memref_slice %arg4[%arg1, %dma_start3A_83, %dma_start3A_84] : memref<16x80x128xi32, #tpu.memory_space<hbm>> -> memref<1x40x128xi32, #tpu.memory_space<hbm>>
      %dma_start3A_86 = tpu.memref_squeeze %dma_start3A_85 : memref<1x40x128xi32, #tpu.memory_space<hbm>> -> memref<40x128xi32, #tpu.memory_space<hbm>>
      tpu.enqueue_dma source(%dma_start3A_86 : memref<40x128xi32, #tpu.memory_space<hbm>>) target(%arg7 : memref<40x128xi32, #tpu.memory_space<vmem>>) target_semaphore(%run_scoped3A : memref<!tpu.dma_semaphore, #tpu.memory_space<semaphore_mem>>)
      %dma_wait3A = arith.constant 40 : i32
      %dma_wait3A_87 = arith.constant 0 : i32
      %dma_wait3A_88 = tpu.memref_slice %arg4[%arg1, %dma_wait3A, %dma_wait3A_87] : memref<16x80x128xi32, #tpu.memory_space<hbm>> -> memref<1x40x128xi32, #tpu.memory_space<hbm>>
      %dma_wait3A_89 = tpu.memref_squeeze %dma_wait3A_88 : memref<1x40x128xi32, #tpu.memory_space<hbm>> -> memref<40x128xi32, #tpu.memory_space<hbm>>
      %dma_wait3A_90 = arith.constant 40 : i32
      %dma_wait3A_91 = arith.constant 0 : i32
      %dma_wait3A_92 = tpu.memref_slice %arg4[%arg1, %dma_wait3A_90, %dma_wait3A_91] : memref<16x80x128xi32, #tpu.memory_space<hbm>> -> memref<1x40x128xi32, #tpu.memory_space<hbm>>
      %dma_wait3A_93 = tpu.memref_squeeze %dma_wait3A_92 : memref<1x40x128xi32, #tpu.memory_space<hbm>> -> memref<40x128xi32, #tpu.memory_space<hbm>>
      tpu.wait_dma2 semaphore(%run_scoped3A : memref<!tpu.dma_semaphore, #tpu.memory_space<semaphore_mem>>) src(%dma_wait3A_93 : memref<40x128xi32, #tpu.memory_space<hbm>>) dst(%arg7 : memref<40x128xi32, #tpu.memory_space<vmem>>)
      tpu.yield
    }) : () -> ()
    %scan3A_26 = arith.constant 0 : i32
    %scan3A_27 = arith.constant 20 : i32
    %scan3A_28 = arith.addi %scan3A_26, %scan3A_27 : i32
    %scan3A_29 = arith.constant 1 : i32
    scf.for %scan3A_79 = %scan3A_26 to %scan3A_28 step %scan3A_29  : i32 {
      %mul3A_80 = arith.constant 1 : i32
      %mul3A_81 = arith.muli %scan3A_79, %mul3A_80 : i32
      %add3A_82 = arith.constant 0 : i32
      %add3A_83 = arith.addi %add3A_82, %mul3A_81 : i32
      %mul3A_84 = arith.constant 2 : i32
      %mul3A_85 = arith.muli %add3A_83, %mul3A_84 : i32
      %add3A_86 = arith.constant 0 : i32
      %add3A_87 = arith.addi %mul3A_85, %add3A_86 : i32
      %add3A_88 = arith.constant 40 : i32
      %add3A_89 = arith.addi %add3A_88, %add3A_87 : i32
      %dma_wait3A = arith.constant 0 : i32
      %dma_wait3A_90 = tpu.memref_slice %arg6[%add3A_89, %dma_wait3A] : memref<80x128xi32, #tpu.memory_space<vmem>> -> memref<1x128xi32, #tpu.memory_space<vmem>>
      %dma_wait3A_91 = tpu.memref_squeeze %dma_wait3A_90 : memref<1x128xi32, #tpu.memory_space<vmem>> -> memref<128xi32, #tpu.memory_space<vmem>>
      %dma_wait3A_92 = arith.constant 0 : i32
      %dma_wait3A_93 = arith.constant 0 : i32
      %dma_wait3A_94 = tpu.memref_slice %arg2[%dma_wait3A_92, %dma_wait3A_93] : memref<40960x128xf32, #tpu.memory_space<hbm>> -> memref<40960x128xf32, #tpu.memory_space<hbm>>
      tpu.wait_indirect_dma semaphore(%arg10 : memref<!tpu.dma_semaphore, #tpu.memory_space<semaphore_mem>>) src(%dma_wait3A_94 : memref<40960x128xf32, #tpu.memory_space<hbm>>) dst(%arg8 : memref<128x128xf32, #tpu.memory_space<vmem>>)
      "tpu.region"() ({
        %run_scoped3A = tpu.sem_alloc : memref<!tpu.dma_semaphore, #tpu.memory_space<semaphore_mem>>
        %dma_start3A_118 = arith.constant 0 : i32
        %dma_start3A_119 = tpu.memref_slice %arg7[%add3A_87, %dma_start3A_118] : memref<40x128xi32, #tpu.memory_space<vmem>> -> memref<1x128xi32, #tpu.memory_space<vmem>>
        %dma_start3A_120 = tpu.memref_squeeze %dma_start3A_119 : memref<1x128xi32, #tpu.memory_space<vmem>> -> memref<128xi32, #tpu.memory_space<vmem>>
        %dma_start3A_121 = arith.constant 0 : i32
        %dma_start3A_122 = arith.constant 0 : i32
        %dma_start3A_123 = tpu.memref_slice %arg12[%dma_start3A_121, %dma_start3A_122] : memref<10240x128xf32, #tpu.memory_space<vmem_shared>> -> memref<10240x128xf32, #tpu.memory_space<vmem_shared>>
        tpu.enqueue_indirect_dma source(%arg8 : memref<128x128xf32, #tpu.memory_space<vmem>>) target(%dma_start3A_123 : memref<10240x128xf32, #tpu.memory_space<vmem_shared>>) offsets(%dma_start3A_120 : memref<128xi32, #tpu.memory_space<vmem>>) semaphore(%run_scoped3A : memref<!tpu.dma_semaphore, #tpu.memory_space<semaphore_mem>>) {add = true}
        %dma_wait3A_124 = arith.constant 0 : i32
        %dma_wait3A_125 = tpu.memref_slice %arg7[%add3A_87, %dma_wait3A_124] : memref<40x128xi32, #tpu.memory_space<vmem>> -> memref<1x128xi32, #tpu.memory_space<vmem>>
        %dma_wait3A_126 = tpu.memref_squeeze %dma_wait3A_125 : memref<1x128xi32, #tpu.memory_space<vmem>> -> memref<128xi32, #tpu.memory_space<vmem>>
        %dma_wait3A_127 = arith.constant 0 : i32
        %dma_wait3A_128 = arith.constant 0 : i32
        %dma_wait3A_129 = tpu.memref_slice %arg12[%dma_wait3A_127, %dma_wait3A_128] : memref<10240x128xf32, #tpu.memory_space<vmem_shared>> -> memref<10240x128xf32, #tpu.memory_space<vmem_shared>>
        tpu.wait_indirect_dma semaphore(%run_scoped3A : memref<!tpu.dma_semaphore, #tpu.memory_space<semaphore_mem>>) src(%arg8 : memref<128x128xf32, #tpu.memory_space<vmem>>) dst(%dma_wait3A_129 : memref<10240x128xf32, #tpu.memory_space<vmem_shared>>)
        tpu.yield
      }) : () -> ()
      %add3A_95 = arith.constant 2 : i32
      %add3A_96 = arith.addi %add3A_89, %add3A_95 : i32
      %lt3A = arith.constant 80 : i32
      %lt3A_97 = arith.cmpi slt, %add3A_96, %lt3A : i32
      %convert_element_type3A = arith.extui %lt3A_97 : i1 to i32
      %cond3A = arith.constant 0 : i32
      %cond3A_98 = arith.cmpi ne, %convert_element_type3A, %cond3A : i32
      scf.if %cond3A_98 {
        %add3A_118 = arith.constant 2 : i32
        %add3A_119 = arith.addi %add3A_89, %add3A_118 : i32
        %dma_start3A_120 = arith.constant 0 : i32
        %dma_start3A_121 = tpu.memref_slice %arg6[%add3A_119, %dma_start3A_120] : memref<80x128xi32, #tpu.memory_space<vmem>> -> memref<1x128xi32, #tpu.memory_space<vmem>>
        %dma_start3A_122 = tpu.memref_squeeze %dma_start3A_121 : memref<1x128xi32, #tpu.memory_space<vmem>> -> memref<128xi32, #tpu.memory_space<vmem>>
        %dma_start3A_123 = arith.constant 0 : i32
        %dma_start3A_124 = arith.constant 0 : i32
        %dma_start3A_125 = tpu.memref_slice %arg2[%dma_start3A_123, %dma_start3A_124] : memref<40960x128xf32, #tpu.memory_space<hbm>> -> memref<40960x128xf32, #tpu.memory_space<hbm>>
        tpu.enqueue_indirect_dma source(%dma_start3A_125 : memref<40960x128xf32, #tpu.memory_space<hbm>>) target(%arg8 : memref<128x128xf32, #tpu.memory_space<vmem>>) offsets(%dma_start3A_122 : memref<128xi32, #tpu.memory_space<vmem>>) semaphore(%arg10 : memref<!tpu.dma_semaphore, #tpu.memory_space<semaphore_mem>>)
      } else {
      }
      %mul3A_99 = arith.constant 2 : i32
      %mul3A_100 = arith.muli %add3A_83, %mul3A_99 : i32
      %add3A_101 = arith.constant 1 : i32
      %add3A_102 = arith.addi %mul3A_100, %add3A_101 : i32
      %add3A_103 = arith.constant 40 : i32
      %add3A_104 = arith.addi %add3A_103, %add3A_102 : i32
      %dma_wait3A_105 = arith.constant 0 : i32
      %dma_wait3A_106 = tpu.memref_slice %arg6[%add3A_104, %dma_wait3A_105] : memref<80x128xi32, #tpu.memory_space<vmem>> -> memref<1x128xi32, #tpu.memory_space<vmem>>
      %dma_wait3A_107 = tpu.memref_squeeze %dma_wait3A_106 : memref<1x128xi32, #tpu.memory_space<vmem>> -> memref<128xi32, #tpu.memory_space<vmem>>
      %dma_wait3A_108 = arith.constant 0 : i32
      %dma_wait3A_109 = arith.constant 0 : i32
      %dma_wait3A_110 = tpu.memref_slice %arg2[%dma_wait3A_108, %dma_wait3A_109] : memref<40960x128xf32, #tpu.memory_space<hbm>> -> memref<40960x128xf32, #tpu.memory_space<hbm>>
      tpu.wait_indirect_dma semaphore(%arg11 : memref<!tpu.dma_semaphore, #tpu.memory_space<semaphore_mem>>) src(%dma_wait3A_110 : memref<40960x128xf32, #tpu.memory_space<hbm>>) dst(%arg9 : memref<128x128xf32, #tpu.memory_space<vmem>>)
      "tpu.region"() ({
        %run_scoped3A = tpu.sem_alloc : memref<!tpu.dma_semaphore, #tpu.memory_space<semaphore_mem>>
        %dma_start3A_118 = arith.constant 0 : i32
        %dma_start3A_119 = tpu.memref_slice %arg7[%add3A_102, %dma_start3A_118] : memref<40x128xi32, #tpu.memory_space<vmem>> -> memref<1x128xi32, #tpu.memory_space<vmem>>
        %dma_start3A_120 = tpu.memref_squeeze %dma_start3A_119 : memref<1x128xi32, #tpu.memory_space<vmem>> -> memref<128xi32, #tpu.memory_space<vmem>>
        %dma_start3A_121 = arith.constant 0 : i32
        %dma_start3A_122 = arith.constant 0 : i32
        %dma_start3A_123 = tpu.memref_slice %arg12[%dma_start3A_121, %dma_start3A_122] : memref<10240x128xf32, #tpu.memory_space<vmem_shared>> -> memref<10240x128xf32, #tpu.memory_space<vmem_shared>>
        tpu.enqueue_indirect_dma source(%arg9 : memref<128x128xf32, #tpu.memory_space<vmem>>) target(%dma_start3A_123 : memref<10240x128xf32, #tpu.memory_space<vmem_shared>>) offsets(%dma_start3A_120 : memref<128xi32, #tpu.memory_space<vmem>>) semaphore(%run_scoped3A : memref<!tpu.dma_semaphore, #tpu.memory_space<semaphore_mem>>) {add = true}
        %dma_wait3A_124 = arith.constant 0 : i32
        %dma_wait3A_125 = tpu.memref_slice %arg7[%add3A_102, %dma_wait3A_124] : memref<40x128xi32, #tpu.memory_space<vmem>> -> memref<1x128xi32, #tpu.memory_space<vmem>>
        %dma_wait3A_126 = tpu.memref_squeeze %dma_wait3A_125 : memref<1x128xi32, #tpu.memory_space<vmem>> -> memref<128xi32, #tpu.memory_space<vmem>>
        %dma_wait3A_127 = arith.constant 0 : i32
        %dma_wait3A_128 = arith.constant 0 : i32
        %dma_wait3A_129 = tpu.memref_slice %arg12[%dma_wait3A_127, %dma_wait3A_128] : memref<10240x128xf32, #tpu.memory_space<vmem_shared>> -> memref<10240x128xf32, #tpu.memory_space<vmem_shared>>
        tpu.wait_indirect_dma semaphore(%run_scoped3A : memref<!tpu.dma_semaphore, #tpu.memory_space<semaphore_mem>>) src(%arg9 : memref<128x128xf32, #tpu.memory_space<vmem>>) dst(%dma_wait3A_129 : memref<10240x128xf32, #tpu.memory_space<vmem_shared>>)
        tpu.yield
      }) : () -> ()
      %add3A_111 = arith.constant 2 : i32
      %add3A_112 = arith.addi %add3A_104, %add3A_111 : i32
      %lt3A_113 = arith.constant 80 : i32
      %lt3A_114 = arith.cmpi slt, %add3A_112, %lt3A_113 : i32
      %convert_element_type3A_115 = arith.extui %lt3A_114 : i1 to i32
      %cond3A_116 = arith.constant 0 : i32
      %cond3A_117 = arith.cmpi ne, %convert_element_type3A_115, %cond3A_116 : i32
      scf.if %cond3A_117 {
        %add3A_118 = arith.constant 2 : i32
        %add3A_119 = arith.addi %add3A_104, %add3A_118 : i32
        %dma_start3A_120 = arith.constant 0 : i32
        %dma_start3A_121 = tpu.memref_slice %arg6[%add3A_119, %dma_start3A_120] : memref<80x128xi32, #tpu.memory_space<vmem>> -> memref<1x128xi32, #tpu.memory_space<vmem>>
        %dma_start3A_122 = tpu.memref_squeeze %dma_start3A_121 : memref<1x128xi32, #tpu.memory_space<vmem>> -> memref<128xi32, #tpu.memory_space<vmem>>
        %dma_start3A_123 = arith.constant 0 : i32
        %dma_start3A_124 = arith.constant 0 : i32
        %dma_start3A_125 = tpu.memref_slice %arg2[%dma_start3A_123, %dma_start3A_124] : memref<40960x128xf32, #tpu.memory_space<hbm>> -> memref<40960x128xf32, #tpu.memory_space<hbm>>
        tpu.enqueue_indirect_dma source(%dma_start3A_125 : memref<40960x128xf32, #tpu.memory_space<hbm>>) target(%arg9 : memref<128x128xf32, #tpu.memory_space<vmem>>) offsets(%dma_start3A_122 : memref<128xi32, #tpu.memory_space<vmem>>) semaphore(%arg11 : memref<!tpu.dma_semaphore, #tpu.memory_space<semaphore_mem>>)
      } else {
      }
    }
    %scan3A_30 = arith.constant 20 : i32
    %barrier3A_31 = arith.constant 0 : index
    tpu.barrier barrier_id(%barrier3A_31)
    %mul3A_32 = arith.constant 640 : i32
    %mul3A_33 = arith.muli %arg1, %mul3A_32 : i32
    %mul3A_34 = arith.constant 640 : i32
    %mul3A_35 = arith.muli %arg1, %mul3A_34 : i32
    "tpu.region"() ({
      %run_scoped3A = tpu.sem_alloc : memref<!tpu.dma_semaphore, #tpu.memory_space<semaphore_mem>>
      %dma_start3A_79 = arith.constant 0 : i32
      %dma_start3A_80 = tpu.memref_slice %arg5[%add3A_1, %mul3A_35, %dma_start3A_79] : memref<4x10240x128xf32, #tpu.memory_space<hbm>> -> memref<1x640x128xf32, #tpu.memory_space<hbm>>
      %dma_start3A_81 = tpu.memref_squeeze %dma_start3A_80 : memref<1x640x128xf32, #tpu.memory_space<hbm>> -> memref<640x128xf32, #tpu.memory_space<hbm>>
      %dma_start3A_82 = arith.constant 0 : i32
      %dma_start3A_83 = tpu.memref_slice %arg12[%mul3A_33, %dma_start3A_82] : memref<10240x128xf32, #tpu.memory_space<vmem_shared>> -> memref<640x128xf32, #tpu.memory_space<vmem_shared>>
      tpu.enqueue_dma source(%dma_start3A_83 : memref<640x128xf32, #tpu.memory_space<vmem_shared>>) target(%dma_start3A_81 : memref<640x128xf32, #tpu.memory_space<hbm>>) target_semaphore(%run_scoped3A : memref<!tpu.dma_semaphore, #tpu.memory_space<semaphore_mem>>)
      %dma_wait3A = arith.constant 0 : i32
      %dma_wait3A_84 = tpu.memref_slice %arg5[%add3A_1, %mul3A_35, %dma_wait3A] : memref<4x10240x128xf32, #tpu.memory_space<hbm>> -> memref<1x640x128xf32, #tpu.memory_space<hbm>>
      %dma_wait3A_85 = tpu.memref_squeeze %dma_wait3A_84 : memref<1x640x128xf32, #tpu.memory_space<hbm>> -> memref<640x128xf32, #tpu.memory_space<hbm>>
      %dma_wait3A_86 = arith.constant 0 : i32
      %dma_wait3A_87 = tpu.memref_slice %arg12[%mul3A_33, %dma_wait3A_86] : memref<10240x128xf32, #tpu.memory_space<vmem_shared>> -> memref<640x128xf32, #tpu.memory_space<vmem_shared>>
      tpu.wait_dma2 semaphore(%run_scoped3A : memref<!tpu.dma_semaphore, #tpu.memory_space<semaphore_mem>>) src(%dma_wait3A_87 : memref<640x128xf32, #tpu.memory_space<vmem_shared>>) dst(%dma_wait3A_85 : memref<640x128xf32, #tpu.memory_space<hbm>>)
      tpu.yield
    }) : () -> ()
    %barrier3A_36 = arith.constant 0 : index
    tpu.barrier barrier_id(%barrier3A_36)
    %mul3A_37 = arith.constant 2 : i32
    %mul3A_38 = arith.muli %arg0, %mul3A_37 : i32
    %add3A_39 = arith.constant 1 : i32
    %add3A_40 = arith.addi %mul3A_38, %add3A_39 : i32
    "tpu.region"() ({
      %run_scoped3A = tpu.sem_alloc : memref<!tpu.dma_semaphore, #tpu.memory_space<semaphore_mem>>
      %dma_start3A_79 = arith.constant 0 : i32
      %dma_start3A_80 = arith.constant 0 : i32
      %dma_start3A_81 = tpu.memref_slice %arg3[%add3A_40, %arg1, %dma_start3A_79, %dma_start3A_80] : memref<4x16x80x128xi32, #tpu.memory_space<hbm>> -> memref<1x1x80x128xi32, #tpu.memory_space<hbm>>
      %dma_start3A_82 = tpu.memref_squeeze %dma_start3A_81 : memref<1x1x80x128xi32, #tpu.memory_space<hbm>> -> memref<80x128xi32, #tpu.memory_space<hbm>>
      %dma_start3A_83 = arith.constant 0 : i32
      %dma_start3A_84 = arith.constant 0 : i32
      %dma_start3A_85 = tpu.memref_slice %arg3[%add3A_40, %arg1, %dma_start3A_83, %dma_start3A_84] : memref<4x16x80x128xi32, #tpu.memory_space<hbm>> -> memref<1x1x80x128xi32, #tpu.memory_space<hbm>>
      %dma_start3A_86 = tpu.memref_squeeze %dma_start3A_85 : memref<1x1x80x128xi32, #tpu.memory_space<hbm>> -> memref<80x128xi32, #tpu.memory_space<hbm>>
      tpu.enqueue_dma source(%dma_start3A_86 : memref<80x128xi32, #tpu.memory_space<hbm>>) target(%arg6 : memref<80x128xi32, #tpu.memory_space<vmem>>) target_semaphore(%run_scoped3A : memref<!tpu.dma_semaphore, #tpu.memory_space<semaphore_mem>>)
      %dma_wait3A = arith.constant 0 : i32
      %dma_wait3A_87 = arith.constant 0 : i32
      %dma_wait3A_88 = tpu.memref_slice %arg3[%add3A_40, %arg1, %dma_wait3A, %dma_wait3A_87] : memref<4x16x80x128xi32, #tpu.memory_space<hbm>> -> memref<1x1x80x128xi32, #tpu.memory_space<hbm>>
      %dma_wait3A_89 = tpu.memref_squeeze %dma_wait3A_88 : memref<1x1x80x128xi32, #tpu.memory_space<hbm>> -> memref<80x128xi32, #tpu.memory_space<hbm>>
      %dma_wait3A_90 = arith.constant 0 : i32
      %dma_wait3A_91 = arith.constant 0 : i32
      %dma_wait3A_92 = tpu.memref_slice %arg3[%add3A_40, %arg1, %dma_wait3A_90, %dma_wait3A_91] : memref<4x16x80x128xi32, #tpu.memory_space<hbm>> -> memref<1x1x80x128xi32, #tpu.memory_space<hbm>>
      %dma_wait3A_93 = tpu.memref_squeeze %dma_wait3A_92 : memref<1x1x80x128xi32, #tpu.memory_space<hbm>> -> memref<80x128xi32, #tpu.memory_space<hbm>>
      tpu.wait_dma2 semaphore(%run_scoped3A : memref<!tpu.dma_semaphore, #tpu.memory_space<semaphore_mem>>) src(%dma_wait3A_93 : memref<80x128xi32, #tpu.memory_space<hbm>>) dst(%arg6 : memref<80x128xi32, #tpu.memory_space<vmem>>)
      tpu.yield
    }) : () -> ()
    %mul3A_41 = arith.constant 10240 : i32
    %mul3A_42 = arith.muli %add3A_40, %mul3A_41 : i32
    %mul3A_43 = arith.constant 640 : i32
    %mul3A_44 = arith.muli %arg1, %mul3A_43 : i32
    %add3A_45 = arith.addi %mul3A_42, %mul3A_44 : i32
    %mul3A_46 = arith.constant 640 : i32
    %mul3A_47 = arith.muli %arg1, %mul3A_46 : i32
    "tpu.region"() ({
      %run_scoped3A = tpu.sem_alloc : memref<!tpu.dma_semaphore, #tpu.memory_space<semaphore_mem>>
      %dma_start3A_79 = arith.constant 0 : i32
      %dma_start3A_80 = tpu.memref_slice %arg12[%mul3A_47, %dma_start3A_79] : memref<10240x128xf32, #tpu.memory_space<vmem_shared>> -> memref<640x128xf32, #tpu.memory_space<vmem_shared>>
      %dma_start3A_81 = arith.constant 0 : i32
      %dma_start3A_82 = tpu.memref_slice %arg2[%add3A_45, %dma_start3A_81] : memref<40960x128xf32, #tpu.memory_space<hbm>> -> memref<640x128xf32, #tpu.memory_space<hbm>>
      tpu.enqueue_dma source(%dma_start3A_82 : memref<640x128xf32, #tpu.memory_space<hbm>>) target(%dma_start3A_80 : memref<640x128xf32, #tpu.memory_space<vmem_shared>>) target_semaphore(%run_scoped3A : memref<!tpu.dma_semaphore, #tpu.memory_space<semaphore_mem>>)
      %dma_wait3A = arith.constant 0 : i32
      %dma_wait3A_83 = tpu.memref_slice %arg12[%mul3A_47, %dma_wait3A] : memref<10240x128xf32, #tpu.memory_space<vmem_shared>> -> memref<640x128xf32, #tpu.memory_space<vmem_shared>>
      %dma_wait3A_84 = arith.constant 0 : i32
      %dma_wait3A_85 = tpu.memref_slice %arg2[%add3A_45, %dma_wait3A_84] : memref<40960x128xf32, #tpu.memory_space<hbm>> -> memref<640x128xf32, #tpu.memory_space<hbm>>
      tpu.wait_dma2 semaphore(%run_scoped3A : memref<!tpu.dma_semaphore, #tpu.memory_space<semaphore_mem>>) src(%dma_wait3A_85 : memref<640x128xf32, #tpu.memory_space<hbm>>) dst(%dma_wait3A_83 : memref<640x128xf32, #tpu.memory_space<vmem_shared>>)
      tpu.yield
    }) : () -> ()
    %barrier3A_48 = arith.constant 0 : index
    tpu.barrier barrier_id(%barrier3A_48)
    %dma_start3A_49 = arith.constant 0 : i32
    %dma_start3A_50 = arith.constant 0 : i32
    %dma_start3A_51 = tpu.memref_slice %arg6[%dma_start3A_49, %dma_start3A_50] : memref<80x128xi32, #tpu.memory_space<vmem>> -> memref<1x128xi32, #tpu.memory_space<vmem>>
    %dma_start3A_52 = tpu.memref_squeeze %dma_start3A_51 : memref<1x128xi32, #tpu.memory_space<vmem>> -> memref<128xi32, #tpu.memory_space<vmem>>
    %dma_start3A_53 = arith.constant 0 : i32
    %dma_start3A_54 = arith.constant 0 : i32
    %dma_start3A_55 = tpu.memref_slice %arg2[%dma_start3A_53, %dma_start3A_54] : memref<40960x128xf32, #tpu.memory_space<hbm>> -> memref<40960x128xf32, #tpu.memory_space<hbm>>
    tpu.enqueue_indirect_dma source(%dma_start3A_55 : memref<40960x128xf32, #tpu.memory_space<hbm>>) target(%arg8 : memref<128x128xf32, #tpu.memory_space<vmem>>) offsets(%dma_start3A_52 : memref<128xi32, #tpu.memory_space<vmem>>) semaphore(%arg10 : memref<!tpu.dma_semaphore, #tpu.memory_space<semaphore_mem>>)
    %dma_start3A_56 = arith.constant 1 : i32
    %dma_start3A_57 = arith.constant 0 : i32
    %dma_start3A_58 = tpu.memref_slice %arg6[%dma_start3A_56, %dma_start3A_57] : memref<80x128xi32, #tpu.memory_space<vmem>> -> memref<1x128xi32, #tpu.memory_space<vmem>>
    %dma_start3A_59 = tpu.memref_squeeze %dma_start3A_58 : memref<1x128xi32, #tpu.memory_space<vmem>> -> memref<128xi32, #tpu.memory_space<vmem>>
    %dma_start3A_60 = arith.constant 0 : i32
    %dma_start3A_61 = arith.constant 0 : i32
    %dma_start3A_62 = tpu.memref_slice %arg2[%dma_start3A_60, %dma_start3A_61] : memref<40960x128xf32, #tpu.memory_space<hbm>> -> memref<40960x128xf32, #tpu.memory_space<hbm>>
    tpu.enqueue_indirect_dma source(%dma_start3A_62 : memref<40960x128xf32, #tpu.memory_space<hbm>>) target(%arg9 : memref<128x128xf32, #tpu.memory_space<vmem>>) offsets(%dma_start3A_59 : memref<128xi32, #tpu.memory_space<vmem>>) semaphore(%arg11 : memref<!tpu.dma_semaphore, #tpu.memory_space<semaphore_mem>>)
    "tpu.region"() ({
      %run_scoped3A = tpu.sem_alloc : memref<!tpu.dma_semaphore, #tpu.memory_space<semaphore_mem>>
      %dma_start3A_79 = arith.constant 0 : i32
      %dma_start3A_80 = arith.constant 0 : i32
      %dma_start3A_81 = tpu.memref_slice %arg4[%arg1, %dma_start3A_79, %dma_start3A_80] : memref<16x80x128xi32, #tpu.memory_space<hbm>> -> memref<1x40x128xi32, #tpu.memory_space<hbm>>
      %dma_start3A_82 = tpu.memref_squeeze %dma_start3A_81 : memref<1x40x128xi32, #tpu.memory_space<hbm>> -> memref<40x128xi32, #tpu.memory_space<hbm>>
      %dma_start3A_83 = arith.constant 0 : i32
      %dma_start3A_84 = arith.constant 0 : i32
      %dma_start3A_85 = tpu.memref_slice %arg4[%arg1, %dma_start3A_83, %dma_start3A_84] : memref<16x80x128xi32, #tpu.memory_space<hbm>> -> memref<1x40x128xi32, #tpu.memory_space<hbm>>
      %dma_start3A_86 = tpu.memref_squeeze %dma_start3A_85 : memref<1x40x128xi32, #tpu.memory_space<hbm>> -> memref<40x128xi32, #tpu.memory_space<hbm>>
      tpu.enqueue_dma source(%dma_start3A_86 : memref<40x128xi32, #tpu.memory_space<hbm>>) target(%arg7 : memref<40x128xi32, #tpu.memory_space<vmem>>) target_semaphore(%run_scoped3A : memref<!tpu.dma_semaphore, #tpu.memory_space<semaphore_mem>>)
      %dma_wait3A = arith.constant 0 : i32
      %dma_wait3A_87 = arith.constant 0 : i32
      %dma_wait3A_88 = tpu.memref_slice %arg4[%arg1, %dma_wait3A, %dma_wait3A_87] : memref<16x80x128xi32, #tpu.memory_space<hbm>> -> memref<1x40x128xi32, #tpu.memory_space<hbm>>
      %dma_wait3A_89 = tpu.memref_squeeze %dma_wait3A_88 : memref<1x40x128xi32, #tpu.memory_space<hbm>> -> memref<40x128xi32, #tpu.memory_space<hbm>>
      %dma_wait3A_90 = arith.constant 0 : i32
      %dma_wait3A_91 = arith.constant 0 : i32
      %dma_wait3A_92 = tpu.memref_slice %arg4[%arg1, %dma_wait3A_90, %dma_wait3A_91] : memref<16x80x128xi32, #tpu.memory_space<hbm>> -> memref<1x40x128xi32, #tpu.memory_space<hbm>>
      %dma_wait3A_93 = tpu.memref_squeeze %dma_wait3A_92 : memref<1x40x128xi32, #tpu.memory_space<hbm>> -> memref<40x128xi32, #tpu.memory_space<hbm>>
      tpu.wait_dma2 semaphore(%run_scoped3A : memref<!tpu.dma_semaphore, #tpu.memory_space<semaphore_mem>>) src(%dma_wait3A_93 : memref<40x128xi32, #tpu.memory_space<hbm>>) dst(%arg7 : memref<40x128xi32, #tpu.memory_space<vmem>>)
      tpu.yield
    }) : () -> ()
    %scan3A_63 = arith.constant 0 : i32
    %scan3A_64 = arith.constant 20 : i32
    %scan3A_65 = arith.addi %scan3A_63, %scan3A_64 : i32
    %scan3A_66 = arith.constant 1 : i32
    scf.for %scan3A_79 = %scan3A_63 to %scan3A_65 step %scan3A_66  : i32 {
      %mul3A_80 = arith.constant 1 : i32
      %mul3A_81 = arith.muli %scan3A_79, %mul3A_80 : i32
      %add3A_82 = arith.constant 0 : i32
      %add3A_83 = arith.addi %add3A_82, %mul3A_81 : i32
      %mul3A_84 = arith.constant 2 : i32
      %mul3A_85 = arith.muli %add3A_83, %mul3A_84 : i32
      %add3A_86 = arith.constant 0 : i32
      %add3A_87 = arith.addi %mul3A_85, %add3A_86 : i32
      %add3A_88 = arith.constant 0 : i32
      %add3A_89 = arith.addi %add3A_88, %add3A_87 : i32
      %dma_wait3A = arith.constant 0 : i32
      %dma_wait3A_90 = tpu.memref_slice %arg6[%add3A_89, %dma_wait3A] : memref<80x128xi32, #tpu.memory_space<vmem>> -> memref<1x128xi32, #tpu.memory_space<vmem>>
      %dma_wait3A_91 = tpu.memref_squeeze %dma_wait3A_90 : memref<1x128xi32, #tpu.memory_space<vmem>> -> memref<128xi32, #tpu.memory_space<vmem>>
      %dma_wait3A_92 = arith.constant 0 : i32
      %dma_wait3A_93 = arith.constant 0 : i32
      %dma_wait3A_94 = tpu.memref_slice %arg2[%dma_wait3A_92, %dma_wait3A_93] : memref<40960x128xf32, #tpu.memory_space<hbm>> -> memref<40960x128xf32, #tpu.memory_space<hbm>>
      tpu.wait_indirect_dma semaphore(%arg10 : memref<!tpu.dma_semaphore, #tpu.memory_space<semaphore_mem>>) src(%dma_wait3A_94 : memref<40960x128xf32, #tpu.memory_space<hbm>>) dst(%arg8 : memref<128x128xf32, #tpu.memory_space<vmem>>)
      "tpu.region"() ({
        %run_scoped3A = tpu.sem_alloc : memref<!tpu.dma_semaphore, #tpu.memory_space<semaphore_mem>>
        %dma_start3A_118 = arith.constant 0 : i32
        %dma_start3A_119 = tpu.memref_slice %arg7[%add3A_87, %dma_start3A_118] : memref<40x128xi32, #tpu.memory_space<vmem>> -> memref<1x128xi32, #tpu.memory_space<vmem>>
        %dma_start3A_120 = tpu.memref_squeeze %dma_start3A_119 : memref<1x128xi32, #tpu.memory_space<vmem>> -> memref<128xi32, #tpu.memory_space<vmem>>
        %dma_start3A_121 = arith.constant 0 : i32
        %dma_start3A_122 = arith.constant 0 : i32
        %dma_start3A_123 = tpu.memref_slice %arg12[%dma_start3A_121, %dma_start3A_122] : memref<10240x128xf32, #tpu.memory_space<vmem_shared>> -> memref<10240x128xf32, #tpu.memory_space<vmem_shared>>
        tpu.enqueue_indirect_dma source(%arg8 : memref<128x128xf32, #tpu.memory_space<vmem>>) target(%dma_start3A_123 : memref<10240x128xf32, #tpu.memory_space<vmem_shared>>) offsets(%dma_start3A_120 : memref<128xi32, #tpu.memory_space<vmem>>) semaphore(%run_scoped3A : memref<!tpu.dma_semaphore, #tpu.memory_space<semaphore_mem>>) {add = true}
        %dma_wait3A_124 = arith.constant 0 : i32
        %dma_wait3A_125 = tpu.memref_slice %arg7[%add3A_87, %dma_wait3A_124] : memref<40x128xi32, #tpu.memory_space<vmem>> -> memref<1x128xi32, #tpu.memory_space<vmem>>
        %dma_wait3A_126 = tpu.memref_squeeze %dma_wait3A_125 : memref<1x128xi32, #tpu.memory_space<vmem>> -> memref<128xi32, #tpu.memory_space<vmem>>
        %dma_wait3A_127 = arith.constant 0 : i32
        %dma_wait3A_128 = arith.constant 0 : i32
        %dma_wait3A_129 = tpu.memref_slice %arg12[%dma_wait3A_127, %dma_wait3A_128] : memref<10240x128xf32, #tpu.memory_space<vmem_shared>> -> memref<10240x128xf32, #tpu.memory_space<vmem_shared>>
        tpu.wait_indirect_dma semaphore(%run_scoped3A : memref<!tpu.dma_semaphore, #tpu.memory_space<semaphore_mem>>) src(%arg8 : memref<128x128xf32, #tpu.memory_space<vmem>>) dst(%dma_wait3A_129 : memref<10240x128xf32, #tpu.memory_space<vmem_shared>>)
        tpu.yield
      }) : () -> ()
      %add3A_95 = arith.constant 2 : i32
      %add3A_96 = arith.addi %add3A_89, %add3A_95 : i32
      %lt3A = arith.constant 80 : i32
      %lt3A_97 = arith.cmpi slt, %add3A_96, %lt3A : i32
      %convert_element_type3A = arith.extui %lt3A_97 : i1 to i32
      %cond3A = arith.constant 0 : i32
      %cond3A_98 = arith.cmpi ne, %convert_element_type3A, %cond3A : i32
      scf.if %cond3A_98 {
        %add3A_118 = arith.constant 2 : i32
        %add3A_119 = arith.addi %add3A_89, %add3A_118 : i32
        %dma_start3A_120 = arith.constant 0 : i32
        %dma_start3A_121 = tpu.memref_slice %arg6[%add3A_119, %dma_start3A_120] : memref<80x128xi32, #tpu.memory_space<vmem>> -> memref<1x128xi32, #tpu.memory_space<vmem>>
        %dma_start3A_122 = tpu.memref_squeeze %dma_start3A_121 : memref<1x128xi32, #tpu.memory_space<vmem>> -> memref<128xi32, #tpu.memory_space<vmem>>
        %dma_start3A_123 = arith.constant 0 : i32
        %dma_start3A_124 = arith.constant 0 : i32
        %dma_start3A_125 = tpu.memref_slice %arg2[%dma_start3A_123, %dma_start3A_124] : memref<40960x128xf32, #tpu.memory_space<hbm>> -> memref<40960x128xf32, #tpu.memory_space<hbm>>
        tpu.enqueue_indirect_dma source(%dma_start3A_125 : memref<40960x128xf32, #tpu.memory_space<hbm>>) target(%arg8 : memref<128x128xf32, #tpu.memory_space<vmem>>) offsets(%dma_start3A_122 : memref<128xi32, #tpu.memory_space<vmem>>) semaphore(%arg10 : memref<!tpu.dma_semaphore, #tpu.memory_space<semaphore_mem>>)
      } else {
      }
      %mul3A_99 = arith.constant 2 : i32
      %mul3A_100 = arith.muli %add3A_83, %mul3A_99 : i32
      %add3A_101 = arith.constant 1 : i32
      %add3A_102 = arith.addi %mul3A_100, %add3A_101 : i32
      %add3A_103 = arith.constant 0 : i32
      %add3A_104 = arith.addi %add3A_103, %add3A_102 : i32
      %dma_wait3A_105 = arith.constant 0 : i32
      %dma_wait3A_106 = tpu.memref_slice %arg6[%add3A_104, %dma_wait3A_105] : memref<80x128xi32, #tpu.memory_space<vmem>> -> memref<1x128xi32, #tpu.memory_space<vmem>>
      %dma_wait3A_107 = tpu.memref_squeeze %dma_wait3A_106 : memref<1x128xi32, #tpu.memory_space<vmem>> -> memref<128xi32, #tpu.memory_space<vmem>>
      %dma_wait3A_108 = arith.constant 0 : i32
      %dma_wait3A_109 = arith.constant 0 : i32
      %dma_wait3A_110 = tpu.memref_slice %arg2[%dma_wait3A_108, %dma_wait3A_109] : memref<40960x128xf32, #tpu.memory_space<hbm>> -> memref<40960x128xf32, #tpu.memory_space<hbm>>
      tpu.wait_indirect_dma semaphore(%arg11 : memref<!tpu.dma_semaphore, #tpu.memory_space<semaphore_mem>>) src(%dma_wait3A_110 : memref<40960x128xf32, #tpu.memory_space<hbm>>) dst(%arg9 : memref<128x128xf32, #tpu.memory_space<vmem>>)
      "tpu.region"() ({
        %run_scoped3A = tpu.sem_alloc : memref<!tpu.dma_semaphore, #tpu.memory_space<semaphore_mem>>
        %dma_start3A_118 = arith.constant 0 : i32
        %dma_start3A_119 = tpu.memref_slice %arg7[%add3A_102, %dma_start3A_118] : memref<40x128xi32, #tpu.memory_space<vmem>> -> memref<1x128xi32, #tpu.memory_space<vmem>>
        %dma_start3A_120 = tpu.memref_squeeze %dma_start3A_119 : memref<1x128xi32, #tpu.memory_space<vmem>> -> memref<128xi32, #tpu.memory_space<vmem>>
        %dma_start3A_121 = arith.constant 0 : i32
        %dma_start3A_122 = arith.constant 0 : i32
        %dma_start3A_123 = tpu.memref_slice %arg12[%dma_start3A_121, %dma_start3A_122] : memref<10240x128xf32, #tpu.memory_space<vmem_shared>> -> memref<10240x128xf32, #tpu.memory_space<vmem_shared>>
        tpu.enqueue_indirect_dma source(%arg9 : memref<128x128xf32, #tpu.memory_space<vmem>>) target(%dma_start3A_123 : memref<10240x128xf32, #tpu.memory_space<vmem_shared>>) offsets(%dma_start3A_120 : memref<128xi32, #tpu.memory_space<vmem>>) semaphore(%run_scoped3A : memref<!tpu.dma_semaphore, #tpu.memory_space<semaphore_mem>>) {add = true}
        %dma_wait3A_124 = arith.constant 0 : i32
        %dma_wait3A_125 = tpu.memref_slice %arg7[%add3A_102, %dma_wait3A_124] : memref<40x128xi32, #tpu.memory_space<vmem>> -> memref<1x128xi32, #tpu.memory_space<vmem>>
        %dma_wait3A_126 = tpu.memref_squeeze %dma_wait3A_125 : memref<1x128xi32, #tpu.memory_space<vmem>> -> memref<128xi32, #tpu.memory_space<vmem>>
        %dma_wait3A_127 = arith.constant 0 : i32
        %dma_wait3A_128 = arith.constant 0 : i32
        %dma_wait3A_129 = tpu.memref_slice %arg12[%dma_wait3A_127, %dma_wait3A_128] : memref<10240x128xf32, #tpu.memory_space<vmem_shared>> -> memref<10240x128xf32, #tpu.memory_space<vmem_shared>>
        tpu.wait_indirect_dma semaphore(%run_scoped3A : memref<!tpu.dma_semaphore, #tpu.memory_space<semaphore_mem>>) src(%arg9 : memref<128x128xf32, #tpu.memory_space<vmem>>) dst(%dma_wait3A_129 : memref<10240x128xf32, #tpu.memory_space<vmem_shared>>)
        tpu.yield
      }) : () -> ()
      %add3A_111 = arith.constant 2 : i32
      %add3A_112 = arith.addi %add3A_104, %add3A_111 : i32
      %lt3A_113 = arith.constant 80 : i32
      %lt3A_114 = arith.cmpi slt, %add3A_112, %lt3A_113 : i32
      %convert_element_type3A_115 = arith.extui %lt3A_114 : i1 to i32
      %cond3A_116 = arith.constant 0 : i32
      %cond3A_117 = arith.cmpi ne, %convert_element_type3A_115, %cond3A_116 : i32
      scf.if %cond3A_117 {
        %add3A_118 = arith.constant 2 : i32
        %add3A_119 = arith.addi %add3A_104, %add3A_118 : i32
        %dma_start3A_120 = arith.constant 0 : i32
        %dma_start3A_121 = tpu.memref_slice %arg6[%add3A_119, %dma_start3A_120] : memref<80x128xi32, #tpu.memory_space<vmem>> -> memref<1x128xi32, #tpu.memory_space<vmem>>
        %dma_start3A_122 = tpu.memref_squeeze %dma_start3A_121 : memref<1x128xi32, #tpu.memory_space<vmem>> -> memref<128xi32, #tpu.memory_space<vmem>>
        %dma_start3A_123 = arith.constant 0 : i32
        %dma_start3A_124 = arith.constant 0 : i32
        %dma_start3A_125 = tpu.memref_slice %arg2[%dma_start3A_123, %dma_start3A_124] : memref<40960x128xf32, #tpu.memory_space<hbm>> -> memref<40960x128xf32, #tpu.memory_space<hbm>>
        tpu.enqueue_indirect_dma source(%dma_start3A_125 : memref<40960x128xf32, #tpu.memory_space<hbm>>) target(%arg9 : memref<128x128xf32, #tpu.memory_space<vmem>>) offsets(%dma_start3A_122 : memref<128xi32, #tpu.memory_space<vmem>>) semaphore(%arg11 : memref<!tpu.dma_semaphore, #tpu.memory_space<semaphore_mem>>)
      } else {
      }
    }
    %scan3A_67 = arith.constant 20 : i32
    "tpu.region"() ({
      %run_scoped3A = tpu.sem_alloc : memref<!tpu.dma_semaphore, #tpu.memory_space<semaphore_mem>>
      %dma_start3A_79 = arith.constant 40 : i32
      %dma_start3A_80 = arith.constant 0 : i32
      %dma_start3A_81 = tpu.memref_slice %arg4[%arg1, %dma_start3A_79, %dma_start3A_80] : memref<16x80x128xi32, #tpu.memory_space<hbm>> -> memref<1x40x128xi32, #tpu.memory_space<hbm>>
      %dma_start3A_82 = tpu.memref_squeeze %dma_start3A_81 : memref<1x40x128xi32, #tpu.memory_space<hbm>> -> memref<40x128xi32, #tpu.memory_space<hbm>>
      %dma_start3A_83 = arith.constant 40 : i32
      %dma_start3A_84 = arith.constant 0 : i32
      %dma_start3A_85 = tpu.memref_slice %arg4[%arg1, %dma_start3A_83, %dma_start3A_84] : memref<16x80x128xi32, #tpu.memory_space<hbm>> -> memref<1x40x128xi32, #tpu.memory_space<hbm>>
      %dma_start3A_86 = tpu.memref_squeeze %dma_start3A_85 : memref<1x40x128xi32, #tpu.memory_space<hbm>> -> memref<40x128xi32, #tpu.memory_space<hbm>>
      tpu.enqueue_dma source(%dma_start3A_86 : memref<40x128xi32, #tpu.memory_space<hbm>>) target(%arg7 : memref<40x128xi32, #tpu.memory_space<vmem>>) target_semaphore(%run_scoped3A : memref<!tpu.dma_semaphore, #tpu.memory_space<semaphore_mem>>)
      %dma_wait3A = arith.constant 40 : i32
      %dma_wait3A_87 = arith.constant 0 : i32
      %dma_wait3A_88 = tpu.memref_slice %arg4[%arg1, %dma_wait3A, %dma_wait3A_87] : memref<16x80x128xi32, #tpu.memory_space<hbm>> -> memref<1x40x128xi32, #tpu.memory_space<hbm>>
      %dma_wait3A_89 = tpu.memref_squeeze %dma_wait3A_88 : memref<1x40x128xi32, #tpu.memory_space<hbm>> -> memref<40x128xi32, #tpu.memory_space<hbm>>
      %dma_wait3A_90 = arith.constant 40 : i32
      %dma_wait3A_91 = arith.constant 0 : i32
      %dma_wait3A_92 = tpu.memref_slice %arg4[%arg1, %dma_wait3A_90, %dma_wait3A_91] : memref<16x80x128xi32, #tpu.memory_space<hbm>> -> memref<1x40x128xi32, #tpu.memory_space<hbm>>
      %dma_wait3A_93 = tpu.memref_squeeze %dma_wait3A_92 : memref<1x40x128xi32, #tpu.memory_space<hbm>> -> memref<40x128xi32, #tpu.memory_space<hbm>>
      tpu.wait_dma2 semaphore(%run_scoped3A : memref<!tpu.dma_semaphore, #tpu.memory_space<semaphore_mem>>) src(%dma_wait3A_93 : memref<40x128xi32, #tpu.memory_space<hbm>>) dst(%arg7 : memref<40x128xi32, #tpu.memory_space<vmem>>)
      tpu.yield
    }) : () -> ()
    %scan3A_68 = arith.constant 0 : i32
    %scan3A_69 = arith.constant 20 : i32
    %scan3A_70 = arith.addi %scan3A_68, %scan3A_69 : i32
    %scan3A_71 = arith.constant 1 : i32
    scf.for %scan3A_79 = %scan3A_68 to %scan3A_70 step %scan3A_71  : i32 {
      %mul3A_80 = arith.constant 1 : i32
      %mul3A_81 = arith.muli %scan3A_79, %mul3A_80 : i32
      %add3A_82 = arith.constant 0 : i32
      %add3A_83 = arith.addi %add3A_82, %mul3A_81 : i32
      %mul3A_84 = arith.constant 2 : i32
      %mul3A_85 = arith.muli %add3A_83, %mul3A_84 : i32
      %add3A_86 = arith.constant 0 : i32
      %add3A_87 = arith.addi %mul3A_85, %add3A_86 : i32
      %add3A_88 = arith.constant 40 : i32
      %add3A_89 = arith.addi %add3A_88, %add3A_87 : i32
      %dma_wait3A = arith.constant 0 : i32
      %dma_wait3A_90 = tpu.memref_slice %arg6[%add3A_89, %dma_wait3A] : memref<80x128xi32, #tpu.memory_space<vmem>> -> memref<1x128xi32, #tpu.memory_space<vmem>>
      %dma_wait3A_91 = tpu.memref_squeeze %dma_wait3A_90 : memref<1x128xi32, #tpu.memory_space<vmem>> -> memref<128xi32, #tpu.memory_space<vmem>>
      %dma_wait3A_92 = arith.constant 0 : i32
      %dma_wait3A_93 = arith.constant 0 : i32
      %dma_wait3A_94 = tpu.memref_slice %arg2[%dma_wait3A_92, %dma_wait3A_93] : memref<40960x128xf32, #tpu.memory_space<hbm>> -> memref<40960x128xf32, #tpu.memory_space<hbm>>
      tpu.wait_indirect_dma semaphore(%arg10 : memref<!tpu.dma_semaphore, #tpu.memory_space<semaphore_mem>>) src(%dma_wait3A_94 : memref<40960x128xf32, #tpu.memory_space<hbm>>) dst(%arg8 : memref<128x128xf32, #tpu.memory_space<vmem>>)
      "tpu.region"() ({
        %run_scoped3A = tpu.sem_alloc : memref<!tpu.dma_semaphore, #tpu.memory_space<semaphore_mem>>
        %dma_start3A_118 = arith.constant 0 : i32
        %dma_start3A_119 = tpu.memref_slice %arg7[%add3A_87, %dma_start3A_118] : memref<40x128xi32, #tpu.memory_space<vmem>> -> memref<1x128xi32, #tpu.memory_space<vmem>>
        %dma_start3A_120 = tpu.memref_squeeze %dma_start3A_119 : memref<1x128xi32, #tpu.memory_space<vmem>> -> memref<128xi32, #tpu.memory_space<vmem>>
        %dma_start3A_121 = arith.constant 0 : i32
        %dma_start3A_122 = arith.constant 0 : i32
        %dma_start3A_123 = tpu.memref_slice %arg12[%dma_start3A_121, %dma_start3A_122] : memref<10240x128xf32, #tpu.memory_space<vmem_shared>> -> memref<10240x128xf32, #tpu.memory_space<vmem_shared>>
        tpu.enqueue_indirect_dma source(%arg8 : memref<128x128xf32, #tpu.memory_space<vmem>>) target(%dma_start3A_123 : memref<10240x128xf32, #tpu.memory_space<vmem_shared>>) offsets(%dma_start3A_120 : memref<128xi32, #tpu.memory_space<vmem>>) semaphore(%run_scoped3A : memref<!tpu.dma_semaphore, #tpu.memory_space<semaphore_mem>>) {add = true}
        %dma_wait3A_124 = arith.constant 0 : i32
        %dma_wait3A_125 = tpu.memref_slice %arg7[%add3A_87, %dma_wait3A_124] : memref<40x128xi32, #tpu.memory_space<vmem>> -> memref<1x128xi32, #tpu.memory_space<vmem>>
        %dma_wait3A_126 = tpu.memref_squeeze %dma_wait3A_125 : memref<1x128xi32, #tpu.memory_space<vmem>> -> memref<128xi32, #tpu.memory_space<vmem>>
        %dma_wait3A_127 = arith.constant 0 : i32
        %dma_wait3A_128 = arith.constant 0 : i32
        %dma_wait3A_129 = tpu.memref_slice %arg12[%dma_wait3A_127, %dma_wait3A_128] : memref<10240x128xf32, #tpu.memory_space<vmem_shared>> -> memref<10240x128xf32, #tpu.memory_space<vmem_shared>>
        tpu.wait_indirect_dma semaphore(%run_scoped3A : memref<!tpu.dma_semaphore, #tpu.memory_space<semaphore_mem>>) src(%arg8 : memref<128x128xf32, #tpu.memory_space<vmem>>) dst(%dma_wait3A_129 : memref<10240x128xf32, #tpu.memory_space<vmem_shared>>)
        tpu.yield
      }) : () -> ()
      %add3A_95 = arith.constant 2 : i32
      %add3A_96 = arith.addi %add3A_89, %add3A_95 : i32
      %lt3A = arith.constant 80 : i32
      %lt3A_97 = arith.cmpi slt, %add3A_96, %lt3A : i32
      %convert_element_type3A = arith.extui %lt3A_97 : i1 to i32
      %cond3A = arith.constant 0 : i32
      %cond3A_98 = arith.cmpi ne, %convert_element_type3A, %cond3A : i32
      scf.if %cond3A_98 {
        %add3A_118 = arith.constant 2 : i32
        %add3A_119 = arith.addi %add3A_89, %add3A_118 : i32
        %dma_start3A_120 = arith.constant 0 : i32
        %dma_start3A_121 = tpu.memref_slice %arg6[%add3A_119, %dma_start3A_120] : memref<80x128xi32, #tpu.memory_space<vmem>> -> memref<1x128xi32, #tpu.memory_space<vmem>>
        %dma_start3A_122 = tpu.memref_squeeze %dma_start3A_121 : memref<1x128xi32, #tpu.memory_space<vmem>> -> memref<128xi32, #tpu.memory_space<vmem>>
        %dma_start3A_123 = arith.constant 0 : i32
        %dma_start3A_124 = arith.constant 0 : i32
        %dma_start3A_125 = tpu.memref_slice %arg2[%dma_start3A_123, %dma_start3A_124] : memref<40960x128xf32, #tpu.memory_space<hbm>> -> memref<40960x128xf32, #tpu.memory_space<hbm>>
        tpu.enqueue_indirect_dma source(%dma_start3A_125 : memref<40960x128xf32, #tpu.memory_space<hbm>>) target(%arg8 : memref<128x128xf32, #tpu.memory_space<vmem>>) offsets(%dma_start3A_122 : memref<128xi32, #tpu.memory_space<vmem>>) semaphore(%arg10 : memref<!tpu.dma_semaphore, #tpu.memory_space<semaphore_mem>>)
      } else {
      }
      %mul3A_99 = arith.constant 2 : i32
      %mul3A_100 = arith.muli %add3A_83, %mul3A_99 : i32
      %add3A_101 = arith.constant 1 : i32
      %add3A_102 = arith.addi %mul3A_100, %add3A_101 : i32
      %add3A_103 = arith.constant 40 : i32
      %add3A_104 = arith.addi %add3A_103, %add3A_102 : i32
      %dma_wait3A_105 = arith.constant 0 : i32
      %dma_wait3A_106 = tpu.memref_slice %arg6[%add3A_104, %dma_wait3A_105] : memref<80x128xi32, #tpu.memory_space<vmem>> -> memref<1x128xi32, #tpu.memory_space<vmem>>
      %dma_wait3A_107 = tpu.memref_squeeze %dma_wait3A_106 : memref<1x128xi32, #tpu.memory_space<vmem>> -> memref<128xi32, #tpu.memory_space<vmem>>
      %dma_wait3A_108 = arith.constant 0 : i32
      %dma_wait3A_109 = arith.constant 0 : i32
      %dma_wait3A_110 = tpu.memref_slice %arg2[%dma_wait3A_108, %dma_wait3A_109] : memref<40960x128xf32, #tpu.memory_space<hbm>> -> memref<40960x128xf32, #tpu.memory_space<hbm>>
      tpu.wait_indirect_dma semaphore(%arg11 : memref<!tpu.dma_semaphore, #tpu.memory_space<semaphore_mem>>) src(%dma_wait3A_110 : memref<40960x128xf32, #tpu.memory_space<hbm>>) dst(%arg9 : memref<128x128xf32, #tpu.memory_space<vmem>>)
      "tpu.region"() ({
        %run_scoped3A = tpu.sem_alloc : memref<!tpu.dma_semaphore, #tpu.memory_space<semaphore_mem>>
        %dma_start3A_118 = arith.constant 0 : i32
        %dma_start3A_119 = tpu.memref_slice %arg7[%add3A_102, %dma_start3A_118] : memref<40x128xi32, #tpu.memory_space<vmem>> -> memref<1x128xi32, #tpu.memory_space<vmem>>
        %dma_start3A_120 = tpu.memref_squeeze %dma_start3A_119 : memref<1x128xi32, #tpu.memory_space<vmem>> -> memref<128xi32, #tpu.memory_space<vmem>>
        %dma_start3A_121 = arith.constant 0 : i32
        %dma_start3A_122 = arith.constant 0 : i32
        %dma_start3A_123 = tpu.memref_slice %arg12[%dma_start3A_121, %dma_start3A_122] : memref<10240x128xf32, #tpu.memory_space<vmem_shared>> -> memref<10240x128xf32, #tpu.memory_space<vmem_shared>>
        tpu.enqueue_indirect_dma source(%arg9 : memref<128x128xf32, #tpu.memory_space<vmem>>) target(%dma_start3A_123 : memref<10240x128xf32, #tpu.memory_space<vmem_shared>>) offsets(%dma_start3A_120 : memref<128xi32, #tpu.memory_space<vmem>>) semaphore(%run_scoped3A : memref<!tpu.dma_semaphore, #tpu.memory_space<semaphore_mem>>) {add = true}
        %dma_wait3A_124 = arith.constant 0 : i32
        %dma_wait3A_125 = tpu.memref_slice %arg7[%add3A_102, %dma_wait3A_124] : memref<40x128xi32, #tpu.memory_space<vmem>> -> memref<1x128xi32, #tpu.memory_space<vmem>>
        %dma_wait3A_126 = tpu.memref_squeeze %dma_wait3A_125 : memref<1x128xi32, #tpu.memory_space<vmem>> -> memref<128xi32, #tpu.memory_space<vmem>>
        %dma_wait3A_127 = arith.constant 0 : i32
        %dma_wait3A_128 = arith.constant 0 : i32
        %dma_wait3A_129 = tpu.memref_slice %arg12[%dma_wait3A_127, %dma_wait3A_128] : memref<10240x128xf32, #tpu.memory_space<vmem_shared>> -> memref<10240x128xf32, #tpu.memory_space<vmem_shared>>
        tpu.wait_indirect_dma semaphore(%run_scoped3A : memref<!tpu.dma_semaphore, #tpu.memory_space<semaphore_mem>>) src(%arg9 : memref<128x128xf32, #tpu.memory_space<vmem>>) dst(%dma_wait3A_129 : memref<10240x128xf32, #tpu.memory_space<vmem_shared>>)
        tpu.yield
      }) : () -> ()
      %add3A_111 = arith.constant 2 : i32
      %add3A_112 = arith.addi %add3A_104, %add3A_111 : i32
      %lt3A_113 = arith.constant 80 : i32
      %lt3A_114 = arith.cmpi slt, %add3A_112, %lt3A_113 : i32
      %convert_element_type3A_115 = arith.extui %lt3A_114 : i1 to i32
      %cond3A_116 = arith.constant 0 : i32
      %cond3A_117 = arith.cmpi ne, %convert_element_type3A_115, %cond3A_116 : i32
      scf.if %cond3A_117 {
        %add3A_118 = arith.constant 2 : i32
        %add3A_119 = arith.addi %add3A_104, %add3A_118 : i32
        %dma_start3A_120 = arith.constant 0 : i32
        %dma_start3A_121 = tpu.memref_slice %arg6[%add3A_119, %dma_start3A_120] : memref<80x128xi32, #tpu.memory_space<vmem>> -> memref<1x128xi32, #tpu.memory_space<vmem>>
        %dma_start3A_122 = tpu.memref_squeeze %dma_start3A_121 : memref<1x128xi32, #tpu.memory_space<vmem>> -> memref<128xi32, #tpu.memory_space<vmem>>
        %dma_start3A_123 = arith.constant 0 : i32
        %dma_start3A_124 = arith.constant 0 : i32
        %dma_start3A_125 = tpu.memref_slice %arg2[%dma_start3A_123, %dma_start3A_124] : memref<40960x128xf32, #tpu.memory_space<hbm>> -> memref<40960x128xf32, #tpu.memory_space<hbm>>
        tpu.enqueue_indirect_dma source(%dma_start3A_125 : memref<40960x128xf32, #tpu.memory_space<hbm>>) target(%arg9 : memref<128x128xf32, #tpu.memory_space<vmem>>) offsets(%dma_start3A_122 : memref<128xi32, #tpu.memory_space<vmem>>) semaphore(%arg11 : memref<!tpu.dma_semaphore, #tpu.memory_space<semaphore_mem>>)
      } else {
      }
    }
    %scan3A_72 = arith.constant 20 : i32
    %barrier3A_73 = arith.constant 0 : index
    tpu.barrier barrier_id(%barrier3A_73)
    %mul3A_74 = arith.constant 640 : i32
    %mul3A_75 = arith.muli %arg1, %mul3A_74 : i32
    %mul3A_76 = arith.constant 640 : i32
    %mul3A_77 = arith.muli %arg1, %mul3A_76 : i32
    "tpu.region"() ({
      %run_scoped3A = tpu.sem_alloc : memref<!tpu.dma_semaphore, #tpu.memory_space<semaphore_mem>>
      %dma_start3A_79 = arith.constant 0 : i32
      %dma_start3A_80 = tpu.memref_slice %arg5[%add3A_40, %mul3A_77, %dma_start3A_79] : memref<4x10240x128xf32, #tpu.memory_space<hbm>> -> memref<1x640x128xf32, #tpu.memory_space<hbm>>
      %dma_start3A_81 = tpu.memref_squeeze %dma_start3A_80 : memref<1x640x128xf32, #tpu.memory_space<hbm>> -> memref<640x128xf32, #tpu.memory_space<hbm>>
      %dma_start3A_82 = arith.constant 0 : i32
      %dma_start3A_83 = tpu.memref_slice %arg12[%mul3A_75, %dma_start3A_82] : memref<10240x128xf32, #tpu.memory_space<vmem_shared>> -> memref<640x128xf32, #tpu.memory_space<vmem_shared>>
      tpu.enqueue_dma source(%dma_start3A_83 : memref<640x128xf32, #tpu.memory_space<vmem_shared>>) target(%dma_start3A_81 : memref<640x128xf32, #tpu.memory_space<hbm>>) target_semaphore(%run_scoped3A : memref<!tpu.dma_semaphore, #tpu.memory_space<semaphore_mem>>)
      %dma_wait3A = arith.constant 0 : i32
      %dma_wait3A_84 = tpu.memref_slice %arg5[%add3A_40, %mul3A_77, %dma_wait3A] : memref<4x10240x128xf32, #tpu.memory_space<hbm>> -> memref<1x640x128xf32, #tpu.memory_space<hbm>>
      %dma_wait3A_85 = tpu.memref_squeeze %dma_wait3A_84 : memref<1x640x128xf32, #tpu.memory_space<hbm>> -> memref<640x128xf32, #tpu.memory_space<hbm>>
      %dma_wait3A_86 = arith.constant 0 : i32
      %dma_wait3A_87 = tpu.memref_slice %arg12[%mul3A_75, %dma_wait3A_86] : memref<10240x128xf32, #tpu.memory_space<vmem_shared>> -> memref<640x128xf32, #tpu.memory_space<vmem_shared>>
      tpu.wait_dma2 semaphore(%run_scoped3A : memref<!tpu.dma_semaphore, #tpu.memory_space<semaphore_mem>>) src(%dma_wait3A_87 : memref<640x128xf32, #tpu.memory_space<vmem_shared>>) dst(%dma_wait3A_85 : memref<640x128xf32, #tpu.memory_space<hbm>>)
      tpu.yield
    }) : () -> ()
    %barrier3A_78 = arith.constant 0 : index
    tpu.barrier barrier_id(%barrier3A_78)
    return
  }
}

#map = affine_map<(d0, d1) -> (0, 0)>
#map1 = affine_map<(d0, d1) -> (0, 0, 0, 0)>
#map2 = affine_map<(d0, d1) -> (0, 0, 0)>
module attributes {stable_mosaic.version = 14 : i64} {
  func.func @sc_kernel(%arg0: i32, %arg1: i32, %arg2: memref<20480x128xf32, #tpu.memory_space<hbm>>, %arg3: memref<2x16x80x128xi32, #tpu.memory_space<hbm>>, %arg4: memref<16x80x128xi32, #tpu.memory_space<hbm>>, %arg5: memref<2x10240x128xf32, #tpu.memory_space<hbm>>, %arg6: memref<80x128xi32, #tpu.memory_space<vmem>>, %arg7: memref<40x128xi32, #tpu.memory_space<vmem>>, %arg8: memref<128x128xf32, #tpu.memory_space<vmem>>, %arg9: memref<128x128xf32, #tpu.memory_space<vmem>>, %arg10: memref<!tpu.dma_semaphore, #tpu.memory_space<semaphore_mem>>, %arg11: memref<!tpu.dma_semaphore, #tpu.memory_space<semaphore_mem>>, %arg12: memref<10240x128xf32, #tpu.memory_space<vmem_shared>>) attributes {dimension_semantics = [#tpu.dimension_semantics<core_parallel>, #tpu.dimension_semantics<subcore_parallel>], iteration_bounds = array<i64: 2, 16>, scalar_prefetch = 0 : i64, scratch_operands = 7 : i64, tpu.core_type = #tpu.core_type<sc_vector_subcore>, window_params = [{transform_indices = #map}, {transform_indices = #map1}, {transform_indices = #map2}, {transform_indices = #map2}]} {
    %mul3A = arith.constant 1 : i32
    %mul3A_0 = arith.muli %arg0, %mul3A : i32
    %add3A = arith.constant 0 : i32
    %add3A_1 = arith.addi %mul3A_0, %add3A : i32
    "tpu.region"() ({
      %run_scoped3A = tpu.sem_alloc : memref<!tpu.dma_semaphore, #tpu.memory_space<semaphore_mem>>
      %dma_start3A_37 = arith.constant 0 : i32
      %dma_start3A_38 = arith.constant 0 : i32
      %dma_start3A_39 = tpu.memref_slice %arg3[%add3A_1, %arg1, %dma_start3A_37, %dma_start3A_38] : memref<2x16x80x128xi32, #tpu.memory_space<hbm>> -> memref<1x1x80x128xi32, #tpu.memory_space<hbm>>
      %dma_start3A_40 = tpu.memref_squeeze %dma_start3A_39 : memref<1x1x80x128xi32, #tpu.memory_space<hbm>> -> memref<80x128xi32, #tpu.memory_space<hbm>>
      %dma_start3A_41 = arith.constant 0 : i32
      %dma_start3A_42 = arith.constant 0 : i32
      %dma_start3A_43 = tpu.memref_slice %arg3[%add3A_1, %arg1, %dma_start3A_41, %dma_start3A_42] : memref<2x16x80x128xi32, #tpu.memory_space<hbm>> -> memref<1x1x80x128xi32, #tpu.memory_space<hbm>>
      %dma_start3A_44 = tpu.memref_squeeze %dma_start3A_43 : memref<1x1x80x128xi32, #tpu.memory_space<hbm>> -> memref<80x128xi32, #tpu.memory_space<hbm>>
      tpu.enqueue_dma source(%dma_start3A_44 : memref<80x128xi32, #tpu.memory_space<hbm>>) target(%arg6 : memref<80x128xi32, #tpu.memory_space<vmem>>) target_semaphore(%run_scoped3A : memref<!tpu.dma_semaphore, #tpu.memory_space<semaphore_mem>>)
      %dma_wait3A = arith.constant 0 : i32
      %dma_wait3A_45 = arith.constant 0 : i32
      %dma_wait3A_46 = tpu.memref_slice %arg3[%add3A_1, %arg1, %dma_wait3A, %dma_wait3A_45] : memref<2x16x80x128xi32, #tpu.memory_space<hbm>> -> memref<1x1x80x128xi32, #tpu.memory_space<hbm>>
      %dma_wait3A_47 = tpu.memref_squeeze %dma_wait3A_46 : memref<1x1x80x128xi32, #tpu.memory_space<hbm>> -> memref<80x128xi32, #tpu.memory_space<hbm>>
      %dma_wait3A_48 = arith.constant 0 : i32
      %dma_wait3A_49 = arith.constant 0 : i32
      %dma_wait3A_50 = tpu.memref_slice %arg3[%add3A_1, %arg1, %dma_wait3A_48, %dma_wait3A_49] : memref<2x16x80x128xi32, #tpu.memory_space<hbm>> -> memref<1x1x80x128xi32, #tpu.memory_space<hbm>>
      %dma_wait3A_51 = tpu.memref_squeeze %dma_wait3A_50 : memref<1x1x80x128xi32, #tpu.memory_space<hbm>> -> memref<80x128xi32, #tpu.memory_space<hbm>>
      tpu.wait_dma2 semaphore(%run_scoped3A : memref<!tpu.dma_semaphore, #tpu.memory_space<semaphore_mem>>) src(%dma_wait3A_51 : memref<80x128xi32, #tpu.memory_space<hbm>>) dst(%arg6 : memref<80x128xi32, #tpu.memory_space<vmem>>)
      tpu.yield
    }) : () -> ()
    %mul3A_2 = arith.constant 10240 : i32
    %mul3A_3 = arith.muli %add3A_1, %mul3A_2 : i32
    %mul3A_4 = arith.constant 640 : i32
    %mul3A_5 = arith.muli %arg1, %mul3A_4 : i32
    %add3A_6 = arith.addi %mul3A_3, %mul3A_5 : i32
    %mul3A_7 = arith.constant 640 : i32
    %mul3A_8 = arith.muli %arg1, %mul3A_7 : i32
    "tpu.region"() ({
      %run_scoped3A = tpu.sem_alloc : memref<!tpu.dma_semaphore, #tpu.memory_space<semaphore_mem>>
      %dma_start3A_37 = arith.constant 0 : i32
      %dma_start3A_38 = tpu.memref_slice %arg12[%mul3A_8, %dma_start3A_37] : memref<10240x128xf32, #tpu.memory_space<vmem_shared>> -> memref<640x128xf32, #tpu.memory_space<vmem_shared>>
      %dma_start3A_39 = arith.constant 0 : i32
      %dma_start3A_40 = tpu.memref_slice %arg2[%add3A_6, %dma_start3A_39] : memref<20480x128xf32, #tpu.memory_space<hbm>> -> memref<640x128xf32, #tpu.memory_space<hbm>>
      tpu.enqueue_dma source(%dma_start3A_40 : memref<640x128xf32, #tpu.memory_space<hbm>>) target(%dma_start3A_38 : memref<640x128xf32, #tpu.memory_space<vmem_shared>>) target_semaphore(%run_scoped3A : memref<!tpu.dma_semaphore, #tpu.memory_space<semaphore_mem>>)
      %dma_wait3A = arith.constant 0 : i32
      %dma_wait3A_41 = tpu.memref_slice %arg12[%mul3A_8, %dma_wait3A] : memref<10240x128xf32, #tpu.memory_space<vmem_shared>> -> memref<640x128xf32, #tpu.memory_space<vmem_shared>>
      %dma_wait3A_42 = arith.constant 0 : i32
      %dma_wait3A_43 = tpu.memref_slice %arg2[%add3A_6, %dma_wait3A_42] : memref<20480x128xf32, #tpu.memory_space<hbm>> -> memref<640x128xf32, #tpu.memory_space<hbm>>
      tpu.wait_dma2 semaphore(%run_scoped3A : memref<!tpu.dma_semaphore, #tpu.memory_space<semaphore_mem>>) src(%dma_wait3A_43 : memref<640x128xf32, #tpu.memory_space<hbm>>) dst(%dma_wait3A_41 : memref<640x128xf32, #tpu.memory_space<vmem_shared>>)
      tpu.yield
    }) : () -> ()
    %barrier3A = arith.constant 0 : index
    tpu.barrier barrier_id(%barrier3A)
    %dma_start3A = arith.constant 0 : i32
    %dma_start3A_9 = arith.constant 0 : i32
    %dma_start3A_10 = tpu.memref_slice %arg6[%dma_start3A, %dma_start3A_9] : memref<80x128xi32, #tpu.memory_space<vmem>> -> memref<1x128xi32, #tpu.memory_space<vmem>>
    %dma_start3A_11 = tpu.memref_squeeze %dma_start3A_10 : memref<1x128xi32, #tpu.memory_space<vmem>> -> memref<128xi32, #tpu.memory_space<vmem>>
    %dma_start3A_12 = arith.constant 0 : i32
    %dma_start3A_13 = arith.constant 0 : i32
    %dma_start3A_14 = tpu.memref_slice %arg2[%dma_start3A_12, %dma_start3A_13] : memref<20480x128xf32, #tpu.memory_space<hbm>> -> memref<20480x128xf32, #tpu.memory_space<hbm>>
    tpu.enqueue_indirect_dma source(%dma_start3A_14 : memref<20480x128xf32, #tpu.memory_space<hbm>>) target(%arg8 : memref<128x128xf32, #tpu.memory_space<vmem>>) offsets(%dma_start3A_11 : memref<128xi32, #tpu.memory_space<vmem>>) semaphore(%arg10 : memref<!tpu.dma_semaphore, #tpu.memory_space<semaphore_mem>>)
    %dma_start3A_15 = arith.constant 1 : i32
    %dma_start3A_16 = arith.constant 0 : i32
    %dma_start3A_17 = tpu.memref_slice %arg6[%dma_start3A_15, %dma_start3A_16] : memref<80x128xi32, #tpu.memory_space<vmem>> -> memref<1x128xi32, #tpu.memory_space<vmem>>
    %dma_start3A_18 = tpu.memref_squeeze %dma_start3A_17 : memref<1x128xi32, #tpu.memory_space<vmem>> -> memref<128xi32, #tpu.memory_space<vmem>>
    %dma_start3A_19 = arith.constant 0 : i32
    %dma_start3A_20 = arith.constant 0 : i32
    %dma_start3A_21 = tpu.memref_slice %arg2[%dma_start3A_19, %dma_start3A_20] : memref<20480x128xf32, #tpu.memory_space<hbm>> -> memref<20480x128xf32, #tpu.memory_space<hbm>>
    tpu.enqueue_indirect_dma source(%dma_start3A_21 : memref<20480x128xf32, #tpu.memory_space<hbm>>) target(%arg9 : memref<128x128xf32, #tpu.memory_space<vmem>>) offsets(%dma_start3A_18 : memref<128xi32, #tpu.memory_space<vmem>>) semaphore(%arg11 : memref<!tpu.dma_semaphore, #tpu.memory_space<semaphore_mem>>)
    "tpu.region"() ({
      %run_scoped3A = tpu.sem_alloc : memref<!tpu.dma_semaphore, #tpu.memory_space<semaphore_mem>>
      %dma_start3A_37 = arith.constant 0 : i32
      %dma_start3A_38 = arith.constant 0 : i32
      %dma_start3A_39 = tpu.memref_slice %arg4[%arg1, %dma_start3A_37, %dma_start3A_38] : memref<16x80x128xi32, #tpu.memory_space<hbm>> -> memref<1x40x128xi32, #tpu.memory_space<hbm>>
      %dma_start3A_40 = tpu.memref_squeeze %dma_start3A_39 : memref<1x40x128xi32, #tpu.memory_space<hbm>> -> memref<40x128xi32, #tpu.memory_space<hbm>>
      %dma_start3A_41 = arith.constant 0 : i32
      %dma_start3A_42 = arith.constant 0 : i32
      %dma_start3A_43 = tpu.memref_slice %arg4[%arg1, %dma_start3A_41, %dma_start3A_42] : memref<16x80x128xi32, #tpu.memory_space<hbm>> -> memref<1x40x128xi32, #tpu.memory_space<hbm>>
      %dma_start3A_44 = tpu.memref_squeeze %dma_start3A_43 : memref<1x40x128xi32, #tpu.memory_space<hbm>> -> memref<40x128xi32, #tpu.memory_space<hbm>>
      tpu.enqueue_dma source(%dma_start3A_44 : memref<40x128xi32, #tpu.memory_space<hbm>>) target(%arg7 : memref<40x128xi32, #tpu.memory_space<vmem>>) target_semaphore(%run_scoped3A : memref<!tpu.dma_semaphore, #tpu.memory_space<semaphore_mem>>)
      %dma_wait3A = arith.constant 0 : i32
      %dma_wait3A_45 = arith.constant 0 : i32
      %dma_wait3A_46 = tpu.memref_slice %arg4[%arg1, %dma_wait3A, %dma_wait3A_45] : memref<16x80x128xi32, #tpu.memory_space<hbm>> -> memref<1x40x128xi32, #tpu.memory_space<hbm>>
      %dma_wait3A_47 = tpu.memref_squeeze %dma_wait3A_46 : memref<1x40x128xi32, #tpu.memory_space<hbm>> -> memref<40x128xi32, #tpu.memory_space<hbm>>
      %dma_wait3A_48 = arith.constant 0 : i32
      %dma_wait3A_49 = arith.constant 0 : i32
      %dma_wait3A_50 = tpu.memref_slice %arg4[%arg1, %dma_wait3A_48, %dma_wait3A_49] : memref<16x80x128xi32, #tpu.memory_space<hbm>> -> memref<1x40x128xi32, #tpu.memory_space<hbm>>
      %dma_wait3A_51 = tpu.memref_squeeze %dma_wait3A_50 : memref<1x40x128xi32, #tpu.memory_space<hbm>> -> memref<40x128xi32, #tpu.memory_space<hbm>>
      tpu.wait_dma2 semaphore(%run_scoped3A : memref<!tpu.dma_semaphore, #tpu.memory_space<semaphore_mem>>) src(%dma_wait3A_51 : memref<40x128xi32, #tpu.memory_space<hbm>>) dst(%arg7 : memref<40x128xi32, #tpu.memory_space<vmem>>)
      tpu.yield
    }) : () -> ()
    %scan3A = arith.constant 0 : i32
    %scan3A_22 = arith.constant 20 : i32
    %scan3A_23 = arith.addi %scan3A, %scan3A_22 : i32
    %scan3A_24 = arith.constant 1 : i32
    scf.for %scan3A_37 = %scan3A to %scan3A_23 step %scan3A_24  : i32 {
      %mul3A_38 = arith.constant 1 : i32
      %mul3A_39 = arith.muli %scan3A_37, %mul3A_38 : i32
      %add3A_40 = arith.constant 0 : i32
      %add3A_41 = arith.addi %add3A_40, %mul3A_39 : i32
      %mul3A_42 = arith.constant 2 : i32
      %mul3A_43 = arith.muli %add3A_41, %mul3A_42 : i32
      %add3A_44 = arith.constant 0 : i32
      %add3A_45 = arith.addi %mul3A_43, %add3A_44 : i32
      %add3A_46 = arith.constant 0 : i32
      %add3A_47 = arith.addi %add3A_46, %add3A_45 : i32
      %dma_wait3A = arith.constant 0 : i32
      %dma_wait3A_48 = tpu.memref_slice %arg6[%add3A_47, %dma_wait3A] : memref<80x128xi32, #tpu.memory_space<vmem>> -> memref<1x128xi32, #tpu.memory_space<vmem>>
      %dma_wait3A_49 = tpu.memref_squeeze %dma_wait3A_48 : memref<1x128xi32, #tpu.memory_space<vmem>> -> memref<128xi32, #tpu.memory_space<vmem>>
      %dma_wait3A_50 = arith.constant 0 : i32
      %dma_wait3A_51 = arith.constant 0 : i32
      %dma_wait3A_52 = tpu.memref_slice %arg2[%dma_wait3A_50, %dma_wait3A_51] : memref<20480x128xf32, #tpu.memory_space<hbm>> -> memref<20480x128xf32, #tpu.memory_space<hbm>>
      tpu.wait_indirect_dma semaphore(%arg10 : memref<!tpu.dma_semaphore, #tpu.memory_space<semaphore_mem>>) src(%dma_wait3A_52 : memref<20480x128xf32, #tpu.memory_space<hbm>>) dst(%arg8 : memref<128x128xf32, #tpu.memory_space<vmem>>)
      "tpu.region"() ({
        %run_scoped3A = tpu.sem_alloc : memref<!tpu.dma_semaphore, #tpu.memory_space<semaphore_mem>>
        %dma_start3A_76 = arith.constant 0 : i32
        %dma_start3A_77 = tpu.memref_slice %arg7[%add3A_45, %dma_start3A_76] : memref<40x128xi32, #tpu.memory_space<vmem>> -> memref<1x128xi32, #tpu.memory_space<vmem>>
        %dma_start3A_78 = tpu.memref_squeeze %dma_start3A_77 : memref<1x128xi32, #tpu.memory_space<vmem>> -> memref<128xi32, #tpu.memory_space<vmem>>
        %dma_start3A_79 = arith.constant 0 : i32
        %dma_start3A_80 = arith.constant 0 : i32
        %dma_start3A_81 = tpu.memref_slice %arg12[%dma_start3A_79, %dma_start3A_80] : memref<10240x128xf32, #tpu.memory_space<vmem_shared>> -> memref<10240x128xf32, #tpu.memory_space<vmem_shared>>
        tpu.enqueue_indirect_dma source(%arg8 : memref<128x128xf32, #tpu.memory_space<vmem>>) target(%dma_start3A_81 : memref<10240x128xf32, #tpu.memory_space<vmem_shared>>) offsets(%dma_start3A_78 : memref<128xi32, #tpu.memory_space<vmem>>) semaphore(%run_scoped3A : memref<!tpu.dma_semaphore, #tpu.memory_space<semaphore_mem>>) {add = true}
        %dma_wait3A_82 = arith.constant 0 : i32
        %dma_wait3A_83 = tpu.memref_slice %arg7[%add3A_45, %dma_wait3A_82] : memref<40x128xi32, #tpu.memory_space<vmem>> -> memref<1x128xi32, #tpu.memory_space<vmem>>
        %dma_wait3A_84 = tpu.memref_squeeze %dma_wait3A_83 : memref<1x128xi32, #tpu.memory_space<vmem>> -> memref<128xi32, #tpu.memory_space<vmem>>
        %dma_wait3A_85 = arith.constant 0 : i32
        %dma_wait3A_86 = arith.constant 0 : i32
        %dma_wait3A_87 = tpu.memref_slice %arg12[%dma_wait3A_85, %dma_wait3A_86] : memref<10240x128xf32, #tpu.memory_space<vmem_shared>> -> memref<10240x128xf32, #tpu.memory_space<vmem_shared>>
        tpu.wait_indirect_dma semaphore(%run_scoped3A : memref<!tpu.dma_semaphore, #tpu.memory_space<semaphore_mem>>) src(%arg8 : memref<128x128xf32, #tpu.memory_space<vmem>>) dst(%dma_wait3A_87 : memref<10240x128xf32, #tpu.memory_space<vmem_shared>>)
        tpu.yield
      }) : () -> ()
      %add3A_53 = arith.constant 2 : i32
      %add3A_54 = arith.addi %add3A_47, %add3A_53 : i32
      %lt3A = arith.constant 80 : i32
      %lt3A_55 = arith.cmpi slt, %add3A_54, %lt3A : i32
      %convert_element_type3A = arith.extui %lt3A_55 : i1 to i32
      %cond3A = arith.constant 0 : i32
      %cond3A_56 = arith.cmpi ne, %convert_element_type3A, %cond3A : i32
      scf.if %cond3A_56 {
        %add3A_76 = arith.constant 2 : i32
        %add3A_77 = arith.addi %add3A_47, %add3A_76 : i32
        %dma_start3A_78 = arith.constant 0 : i32
        %dma_start3A_79 = tpu.memref_slice %arg6[%add3A_77, %dma_start3A_78] : memref<80x128xi32, #tpu.memory_space<vmem>> -> memref<1x128xi32, #tpu.memory_space<vmem>>
        %dma_start3A_80 = tpu.memref_squeeze %dma_start3A_79 : memref<1x128xi32, #tpu.memory_space<vmem>> -> memref<128xi32, #tpu.memory_space<vmem>>
        %dma_start3A_81 = arith.constant 0 : i32
        %dma_start3A_82 = arith.constant 0 : i32
        %dma_start3A_83 = tpu.memref_slice %arg2[%dma_start3A_81, %dma_start3A_82] : memref<20480x128xf32, #tpu.memory_space<hbm>> -> memref<20480x128xf32, #tpu.memory_space<hbm>>
        tpu.enqueue_indirect_dma source(%dma_start3A_83 : memref<20480x128xf32, #tpu.memory_space<hbm>>) target(%arg8 : memref<128x128xf32, #tpu.memory_space<vmem>>) offsets(%dma_start3A_80 : memref<128xi32, #tpu.memory_space<vmem>>) semaphore(%arg10 : memref<!tpu.dma_semaphore, #tpu.memory_space<semaphore_mem>>)
      } else {
      }
      %mul3A_57 = arith.constant 2 : i32
      %mul3A_58 = arith.muli %add3A_41, %mul3A_57 : i32
      %add3A_59 = arith.constant 1 : i32
      %add3A_60 = arith.addi %mul3A_58, %add3A_59 : i32
      %add3A_61 = arith.constant 0 : i32
      %add3A_62 = arith.addi %add3A_61, %add3A_60 : i32
      %dma_wait3A_63 = arith.constant 0 : i32
      %dma_wait3A_64 = tpu.memref_slice %arg6[%add3A_62, %dma_wait3A_63] : memref<80x128xi32, #tpu.memory_space<vmem>> -> memref<1x128xi32, #tpu.memory_space<vmem>>
      %dma_wait3A_65 = tpu.memref_squeeze %dma_wait3A_64 : memref<1x128xi32, #tpu.memory_space<vmem>> -> memref<128xi32, #tpu.memory_space<vmem>>
      %dma_wait3A_66 = arith.constant 0 : i32
      %dma_wait3A_67 = arith.constant 0 : i32
      %dma_wait3A_68 = tpu.memref_slice %arg2[%dma_wait3A_66, %dma_wait3A_67] : memref<20480x128xf32, #tpu.memory_space<hbm>> -> memref<20480x128xf32, #tpu.memory_space<hbm>>
      tpu.wait_indirect_dma semaphore(%arg11 : memref<!tpu.dma_semaphore, #tpu.memory_space<semaphore_mem>>) src(%dma_wait3A_68 : memref<20480x128xf32, #tpu.memory_space<hbm>>) dst(%arg9 : memref<128x128xf32, #tpu.memory_space<vmem>>)
      "tpu.region"() ({
        %run_scoped3A = tpu.sem_alloc : memref<!tpu.dma_semaphore, #tpu.memory_space<semaphore_mem>>
        %dma_start3A_76 = arith.constant 0 : i32
        %dma_start3A_77 = tpu.memref_slice %arg7[%add3A_60, %dma_start3A_76] : memref<40x128xi32, #tpu.memory_space<vmem>> -> memref<1x128xi32, #tpu.memory_space<vmem>>
        %dma_start3A_78 = tpu.memref_squeeze %dma_start3A_77 : memref<1x128xi32, #tpu.memory_space<vmem>> -> memref<128xi32, #tpu.memory_space<vmem>>
        %dma_start3A_79 = arith.constant 0 : i32
        %dma_start3A_80 = arith.constant 0 : i32
        %dma_start3A_81 = tpu.memref_slice %arg12[%dma_start3A_79, %dma_start3A_80] : memref<10240x128xf32, #tpu.memory_space<vmem_shared>> -> memref<10240x128xf32, #tpu.memory_space<vmem_shared>>
        tpu.enqueue_indirect_dma source(%arg9 : memref<128x128xf32, #tpu.memory_space<vmem>>) target(%dma_start3A_81 : memref<10240x128xf32, #tpu.memory_space<vmem_shared>>) offsets(%dma_start3A_78 : memref<128xi32, #tpu.memory_space<vmem>>) semaphore(%run_scoped3A : memref<!tpu.dma_semaphore, #tpu.memory_space<semaphore_mem>>) {add = true}
        %dma_wait3A_82 = arith.constant 0 : i32
        %dma_wait3A_83 = tpu.memref_slice %arg7[%add3A_60, %dma_wait3A_82] : memref<40x128xi32, #tpu.memory_space<vmem>> -> memref<1x128xi32, #tpu.memory_space<vmem>>
        %dma_wait3A_84 = tpu.memref_squeeze %dma_wait3A_83 : memref<1x128xi32, #tpu.memory_space<vmem>> -> memref<128xi32, #tpu.memory_space<vmem>>
        %dma_wait3A_85 = arith.constant 0 : i32
        %dma_wait3A_86 = arith.constant 0 : i32
        %dma_wait3A_87 = tpu.memref_slice %arg12[%dma_wait3A_85, %dma_wait3A_86] : memref<10240x128xf32, #tpu.memory_space<vmem_shared>> -> memref<10240x128xf32, #tpu.memory_space<vmem_shared>>
        tpu.wait_indirect_dma semaphore(%run_scoped3A : memref<!tpu.dma_semaphore, #tpu.memory_space<semaphore_mem>>) src(%arg9 : memref<128x128xf32, #tpu.memory_space<vmem>>) dst(%dma_wait3A_87 : memref<10240x128xf32, #tpu.memory_space<vmem_shared>>)
        tpu.yield
      }) : () -> ()
      %add3A_69 = arith.constant 2 : i32
      %add3A_70 = arith.addi %add3A_62, %add3A_69 : i32
      %lt3A_71 = arith.constant 80 : i32
      %lt3A_72 = arith.cmpi slt, %add3A_70, %lt3A_71 : i32
      %convert_element_type3A_73 = arith.extui %lt3A_72 : i1 to i32
      %cond3A_74 = arith.constant 0 : i32
      %cond3A_75 = arith.cmpi ne, %convert_element_type3A_73, %cond3A_74 : i32
      scf.if %cond3A_75 {
        %add3A_76 = arith.constant 2 : i32
        %add3A_77 = arith.addi %add3A_62, %add3A_76 : i32
        %dma_start3A_78 = arith.constant 0 : i32
        %dma_start3A_79 = tpu.memref_slice %arg6[%add3A_77, %dma_start3A_78] : memref<80x128xi32, #tpu.memory_space<vmem>> -> memref<1x128xi32, #tpu.memory_space<vmem>>
        %dma_start3A_80 = tpu.memref_squeeze %dma_start3A_79 : memref<1x128xi32, #tpu.memory_space<vmem>> -> memref<128xi32, #tpu.memory_space<vmem>>
        %dma_start3A_81 = arith.constant 0 : i32
        %dma_start3A_82 = arith.constant 0 : i32
        %dma_start3A_83 = tpu.memref_slice %arg2[%dma_start3A_81, %dma_start3A_82] : memref<20480x128xf32, #tpu.memory_space<hbm>> -> memref<20480x128xf32, #tpu.memory_space<hbm>>
        tpu.enqueue_indirect_dma source(%dma_start3A_83 : memref<20480x128xf32, #tpu.memory_space<hbm>>) target(%arg9 : memref<128x128xf32, #tpu.memory_space<vmem>>) offsets(%dma_start3A_80 : memref<128xi32, #tpu.memory_space<vmem>>) semaphore(%arg11 : memref<!tpu.dma_semaphore, #tpu.memory_space<semaphore_mem>>)
      } else {
      }
    }
    %scan3A_25 = arith.constant 20 : i32
    "tpu.region"() ({
      %run_scoped3A = tpu.sem_alloc : memref<!tpu.dma_semaphore, #tpu.memory_space<semaphore_mem>>
      %dma_start3A_37 = arith.constant 40 : i32
      %dma_start3A_38 = arith.constant 0 : i32
      %dma_start3A_39 = tpu.memref_slice %arg4[%arg1, %dma_start3A_37, %dma_start3A_38] : memref<16x80x128xi32, #tpu.memory_space<hbm>> -> memref<1x40x128xi32, #tpu.memory_space<hbm>>
      %dma_start3A_40 = tpu.memref_squeeze %dma_start3A_39 : memref<1x40x128xi32, #tpu.memory_space<hbm>> -> memref<40x128xi32, #tpu.memory_space<hbm>>
      %dma_start3A_41 = arith.constant 40 : i32
      %dma_start3A_42 = arith.constant 0 : i32
      %dma_start3A_43 = tpu.memref_slice %arg4[%arg1, %dma_start3A_41, %dma_start3A_42] : memref<16x80x128xi32, #tpu.memory_space<hbm>> -> memref<1x40x128xi32, #tpu.memory_space<hbm>>
      %dma_start3A_44 = tpu.memref_squeeze %dma_start3A_43 : memref<1x40x128xi32, #tpu.memory_space<hbm>> -> memref<40x128xi32, #tpu.memory_space<hbm>>
      tpu.enqueue_dma source(%dma_start3A_44 : memref<40x128xi32, #tpu.memory_space<hbm>>) target(%arg7 : memref<40x128xi32, #tpu.memory_space<vmem>>) target_semaphore(%run_scoped3A : memref<!tpu.dma_semaphore, #tpu.memory_space<semaphore_mem>>)
      %dma_wait3A = arith.constant 40 : i32
      %dma_wait3A_45 = arith.constant 0 : i32
      %dma_wait3A_46 = tpu.memref_slice %arg4[%arg1, %dma_wait3A, %dma_wait3A_45] : memref<16x80x128xi32, #tpu.memory_space<hbm>> -> memref<1x40x128xi32, #tpu.memory_space<hbm>>
      %dma_wait3A_47 = tpu.memref_squeeze %dma_wait3A_46 : memref<1x40x128xi32, #tpu.memory_space<hbm>> -> memref<40x128xi32, #tpu.memory_space<hbm>>
      %dma_wait3A_48 = arith.constant 40 : i32
      %dma_wait3A_49 = arith.constant 0 : i32
      %dma_wait3A_50 = tpu.memref_slice %arg4[%arg1, %dma_wait3A_48, %dma_wait3A_49] : memref<16x80x128xi32, #tpu.memory_space<hbm>> -> memref<1x40x128xi32, #tpu.memory_space<hbm>>
      %dma_wait3A_51 = tpu.memref_squeeze %dma_wait3A_50 : memref<1x40x128xi32, #tpu.memory_space<hbm>> -> memref<40x128xi32, #tpu.memory_space<hbm>>
      tpu.wait_dma2 semaphore(%run_scoped3A : memref<!tpu.dma_semaphore, #tpu.memory_space<semaphore_mem>>) src(%dma_wait3A_51 : memref<40x128xi32, #tpu.memory_space<hbm>>) dst(%arg7 : memref<40x128xi32, #tpu.memory_space<vmem>>)
      tpu.yield
    }) : () -> ()
    %scan3A_26 = arith.constant 0 : i32
    %scan3A_27 = arith.constant 20 : i32
    %scan3A_28 = arith.addi %scan3A_26, %scan3A_27 : i32
    %scan3A_29 = arith.constant 1 : i32
    scf.for %scan3A_37 = %scan3A_26 to %scan3A_28 step %scan3A_29  : i32 {
      %mul3A_38 = arith.constant 1 : i32
      %mul3A_39 = arith.muli %scan3A_37, %mul3A_38 : i32
      %add3A_40 = arith.constant 0 : i32
      %add3A_41 = arith.addi %add3A_40, %mul3A_39 : i32
      %mul3A_42 = arith.constant 2 : i32
      %mul3A_43 = arith.muli %add3A_41, %mul3A_42 : i32
      %add3A_44 = arith.constant 0 : i32
      %add3A_45 = arith.addi %mul3A_43, %add3A_44 : i32
      %add3A_46 = arith.constant 40 : i32
      %add3A_47 = arith.addi %add3A_46, %add3A_45 : i32
      %dma_wait3A = arith.constant 0 : i32
      %dma_wait3A_48 = tpu.memref_slice %arg6[%add3A_47, %dma_wait3A] : memref<80x128xi32, #tpu.memory_space<vmem>> -> memref<1x128xi32, #tpu.memory_space<vmem>>
      %dma_wait3A_49 = tpu.memref_squeeze %dma_wait3A_48 : memref<1x128xi32, #tpu.memory_space<vmem>> -> memref<128xi32, #tpu.memory_space<vmem>>
      %dma_wait3A_50 = arith.constant 0 : i32
      %dma_wait3A_51 = arith.constant 0 : i32
      %dma_wait3A_52 = tpu.memref_slice %arg2[%dma_wait3A_50, %dma_wait3A_51] : memref<20480x128xf32, #tpu.memory_space<hbm>> -> memref<20480x128xf32, #tpu.memory_space<hbm>>
      tpu.wait_indirect_dma semaphore(%arg10 : memref<!tpu.dma_semaphore, #tpu.memory_space<semaphore_mem>>) src(%dma_wait3A_52 : memref<20480x128xf32, #tpu.memory_space<hbm>>) dst(%arg8 : memref<128x128xf32, #tpu.memory_space<vmem>>)
      "tpu.region"() ({
        %run_scoped3A = tpu.sem_alloc : memref<!tpu.dma_semaphore, #tpu.memory_space<semaphore_mem>>
        %dma_start3A_76 = arith.constant 0 : i32
        %dma_start3A_77 = tpu.memref_slice %arg7[%add3A_45, %dma_start3A_76] : memref<40x128xi32, #tpu.memory_space<vmem>> -> memref<1x128xi32, #tpu.memory_space<vmem>>
        %dma_start3A_78 = tpu.memref_squeeze %dma_start3A_77 : memref<1x128xi32, #tpu.memory_space<vmem>> -> memref<128xi32, #tpu.memory_space<vmem>>
        %dma_start3A_79 = arith.constant 0 : i32
        %dma_start3A_80 = arith.constant 0 : i32
        %dma_start3A_81 = tpu.memref_slice %arg12[%dma_start3A_79, %dma_start3A_80] : memref<10240x128xf32, #tpu.memory_space<vmem_shared>> -> memref<10240x128xf32, #tpu.memory_space<vmem_shared>>
        tpu.enqueue_indirect_dma source(%arg8 : memref<128x128xf32, #tpu.memory_space<vmem>>) target(%dma_start3A_81 : memref<10240x128xf32, #tpu.memory_space<vmem_shared>>) offsets(%dma_start3A_78 : memref<128xi32, #tpu.memory_space<vmem>>) semaphore(%run_scoped3A : memref<!tpu.dma_semaphore, #tpu.memory_space<semaphore_mem>>) {add = true}
        %dma_wait3A_82 = arith.constant 0 : i32
        %dma_wait3A_83 = tpu.memref_slice %arg7[%add3A_45, %dma_wait3A_82] : memref<40x128xi32, #tpu.memory_space<vmem>> -> memref<1x128xi32, #tpu.memory_space<vmem>>
        %dma_wait3A_84 = tpu.memref_squeeze %dma_wait3A_83 : memref<1x128xi32, #tpu.memory_space<vmem>> -> memref<128xi32, #tpu.memory_space<vmem>>
        %dma_wait3A_85 = arith.constant 0 : i32
        %dma_wait3A_86 = arith.constant 0 : i32
        %dma_wait3A_87 = tpu.memref_slice %arg12[%dma_wait3A_85, %dma_wait3A_86] : memref<10240x128xf32, #tpu.memory_space<vmem_shared>> -> memref<10240x128xf32, #tpu.memory_space<vmem_shared>>
        tpu.wait_indirect_dma semaphore(%run_scoped3A : memref<!tpu.dma_semaphore, #tpu.memory_space<semaphore_mem>>) src(%arg8 : memref<128x128xf32, #tpu.memory_space<vmem>>) dst(%dma_wait3A_87 : memref<10240x128xf32, #tpu.memory_space<vmem_shared>>)
        tpu.yield
      }) : () -> ()
      %add3A_53 = arith.constant 2 : i32
      %add3A_54 = arith.addi %add3A_47, %add3A_53 : i32
      %lt3A = arith.constant 80 : i32
      %lt3A_55 = arith.cmpi slt, %add3A_54, %lt3A : i32
      %convert_element_type3A = arith.extui %lt3A_55 : i1 to i32
      %cond3A = arith.constant 0 : i32
      %cond3A_56 = arith.cmpi ne, %convert_element_type3A, %cond3A : i32
      scf.if %cond3A_56 {
        %add3A_76 = arith.constant 2 : i32
        %add3A_77 = arith.addi %add3A_47, %add3A_76 : i32
        %dma_start3A_78 = arith.constant 0 : i32
        %dma_start3A_79 = tpu.memref_slice %arg6[%add3A_77, %dma_start3A_78] : memref<80x128xi32, #tpu.memory_space<vmem>> -> memref<1x128xi32, #tpu.memory_space<vmem>>
        %dma_start3A_80 = tpu.memref_squeeze %dma_start3A_79 : memref<1x128xi32, #tpu.memory_space<vmem>> -> memref<128xi32, #tpu.memory_space<vmem>>
        %dma_start3A_81 = arith.constant 0 : i32
        %dma_start3A_82 = arith.constant 0 : i32
        %dma_start3A_83 = tpu.memref_slice %arg2[%dma_start3A_81, %dma_start3A_82] : memref<20480x128xf32, #tpu.memory_space<hbm>> -> memref<20480x128xf32, #tpu.memory_space<hbm>>
        tpu.enqueue_indirect_dma source(%dma_start3A_83 : memref<20480x128xf32, #tpu.memory_space<hbm>>) target(%arg8 : memref<128x128xf32, #tpu.memory_space<vmem>>) offsets(%dma_start3A_80 : memref<128xi32, #tpu.memory_space<vmem>>) semaphore(%arg10 : memref<!tpu.dma_semaphore, #tpu.memory_space<semaphore_mem>>)
      } else {
      }
      %mul3A_57 = arith.constant 2 : i32
      %mul3A_58 = arith.muli %add3A_41, %mul3A_57 : i32
      %add3A_59 = arith.constant 1 : i32
      %add3A_60 = arith.addi %mul3A_58, %add3A_59 : i32
      %add3A_61 = arith.constant 40 : i32
      %add3A_62 = arith.addi %add3A_61, %add3A_60 : i32
      %dma_wait3A_63 = arith.constant 0 : i32
      %dma_wait3A_64 = tpu.memref_slice %arg6[%add3A_62, %dma_wait3A_63] : memref<80x128xi32, #tpu.memory_space<vmem>> -> memref<1x128xi32, #tpu.memory_space<vmem>>
      %dma_wait3A_65 = tpu.memref_squeeze %dma_wait3A_64 : memref<1x128xi32, #tpu.memory_space<vmem>> -> memref<128xi32, #tpu.memory_space<vmem>>
      %dma_wait3A_66 = arith.constant 0 : i32
      %dma_wait3A_67 = arith.constant 0 : i32
      %dma_wait3A_68 = tpu.memref_slice %arg2[%dma_wait3A_66, %dma_wait3A_67] : memref<20480x128xf32, #tpu.memory_space<hbm>> -> memref<20480x128xf32, #tpu.memory_space<hbm>>
      tpu.wait_indirect_dma semaphore(%arg11 : memref<!tpu.dma_semaphore, #tpu.memory_space<semaphore_mem>>) src(%dma_wait3A_68 : memref<20480x128xf32, #tpu.memory_space<hbm>>) dst(%arg9 : memref<128x128xf32, #tpu.memory_space<vmem>>)
      "tpu.region"() ({
        %run_scoped3A = tpu.sem_alloc : memref<!tpu.dma_semaphore, #tpu.memory_space<semaphore_mem>>
        %dma_start3A_76 = arith.constant 0 : i32
        %dma_start3A_77 = tpu.memref_slice %arg7[%add3A_60, %dma_start3A_76] : memref<40x128xi32, #tpu.memory_space<vmem>> -> memref<1x128xi32, #tpu.memory_space<vmem>>
        %dma_start3A_78 = tpu.memref_squeeze %dma_start3A_77 : memref<1x128xi32, #tpu.memory_space<vmem>> -> memref<128xi32, #tpu.memory_space<vmem>>
        %dma_start3A_79 = arith.constant 0 : i32
        %dma_start3A_80 = arith.constant 0 : i32
        %dma_start3A_81 = tpu.memref_slice %arg12[%dma_start3A_79, %dma_start3A_80] : memref<10240x128xf32, #tpu.memory_space<vmem_shared>> -> memref<10240x128xf32, #tpu.memory_space<vmem_shared>>
        tpu.enqueue_indirect_dma source(%arg9 : memref<128x128xf32, #tpu.memory_space<vmem>>) target(%dma_start3A_81 : memref<10240x128xf32, #tpu.memory_space<vmem_shared>>) offsets(%dma_start3A_78 : memref<128xi32, #tpu.memory_space<vmem>>) semaphore(%run_scoped3A : memref<!tpu.dma_semaphore, #tpu.memory_space<semaphore_mem>>) {add = true}
        %dma_wait3A_82 = arith.constant 0 : i32
        %dma_wait3A_83 = tpu.memref_slice %arg7[%add3A_60, %dma_wait3A_82] : memref<40x128xi32, #tpu.memory_space<vmem>> -> memref<1x128xi32, #tpu.memory_space<vmem>>
        %dma_wait3A_84 = tpu.memref_squeeze %dma_wait3A_83 : memref<1x128xi32, #tpu.memory_space<vmem>> -> memref<128xi32, #tpu.memory_space<vmem>>
        %dma_wait3A_85 = arith.constant 0 : i32
        %dma_wait3A_86 = arith.constant 0 : i32
        %dma_wait3A_87 = tpu.memref_slice %arg12[%dma_wait3A_85, %dma_wait3A_86] : memref<10240x128xf32, #tpu.memory_space<vmem_shared>> -> memref<10240x128xf32, #tpu.memory_space<vmem_shared>>
        tpu.wait_indirect_dma semaphore(%run_scoped3A : memref<!tpu.dma_semaphore, #tpu.memory_space<semaphore_mem>>) src(%arg9 : memref<128x128xf32, #tpu.memory_space<vmem>>) dst(%dma_wait3A_87 : memref<10240x128xf32, #tpu.memory_space<vmem_shared>>)
        tpu.yield
      }) : () -> ()
      %add3A_69 = arith.constant 2 : i32
      %add3A_70 = arith.addi %add3A_62, %add3A_69 : i32
      %lt3A_71 = arith.constant 80 : i32
      %lt3A_72 = arith.cmpi slt, %add3A_70, %lt3A_71 : i32
      %convert_element_type3A_73 = arith.extui %lt3A_72 : i1 to i32
      %cond3A_74 = arith.constant 0 : i32
      %cond3A_75 = arith.cmpi ne, %convert_element_type3A_73, %cond3A_74 : i32
      scf.if %cond3A_75 {
        %add3A_76 = arith.constant 2 : i32
        %add3A_77 = arith.addi %add3A_62, %add3A_76 : i32
        %dma_start3A_78 = arith.constant 0 : i32
        %dma_start3A_79 = tpu.memref_slice %arg6[%add3A_77, %dma_start3A_78] : memref<80x128xi32, #tpu.memory_space<vmem>> -> memref<1x128xi32, #tpu.memory_space<vmem>>
        %dma_start3A_80 = tpu.memref_squeeze %dma_start3A_79 : memref<1x128xi32, #tpu.memory_space<vmem>> -> memref<128xi32, #tpu.memory_space<vmem>>
        %dma_start3A_81 = arith.constant 0 : i32
        %dma_start3A_82 = arith.constant 0 : i32
        %dma_start3A_83 = tpu.memref_slice %arg2[%dma_start3A_81, %dma_start3A_82] : memref<20480x128xf32, #tpu.memory_space<hbm>> -> memref<20480x128xf32, #tpu.memory_space<hbm>>
        tpu.enqueue_indirect_dma source(%dma_start3A_83 : memref<20480x128xf32, #tpu.memory_space<hbm>>) target(%arg9 : memref<128x128xf32, #tpu.memory_space<vmem>>) offsets(%dma_start3A_80 : memref<128xi32, #tpu.memory_space<vmem>>) semaphore(%arg11 : memref<!tpu.dma_semaphore, #tpu.memory_space<semaphore_mem>>)
      } else {
      }
    }
    %scan3A_30 = arith.constant 20 : i32
    %barrier3A_31 = arith.constant 0 : index
    tpu.barrier barrier_id(%barrier3A_31)
    %mul3A_32 = arith.constant 640 : i32
    %mul3A_33 = arith.muli %arg1, %mul3A_32 : i32
    %mul3A_34 = arith.constant 640 : i32
    %mul3A_35 = arith.muli %arg1, %mul3A_34 : i32
    "tpu.region"() ({
      %run_scoped3A = tpu.sem_alloc : memref<!tpu.dma_semaphore, #tpu.memory_space<semaphore_mem>>
      %dma_start3A_37 = arith.constant 0 : i32
      %dma_start3A_38 = tpu.memref_slice %arg5[%add3A_1, %mul3A_35, %dma_start3A_37] : memref<2x10240x128xf32, #tpu.memory_space<hbm>> -> memref<1x640x128xf32, #tpu.memory_space<hbm>>
      %dma_start3A_39 = tpu.memref_squeeze %dma_start3A_38 : memref<1x640x128xf32, #tpu.memory_space<hbm>> -> memref<640x128xf32, #tpu.memory_space<hbm>>
      %dma_start3A_40 = arith.constant 0 : i32
      %dma_start3A_41 = tpu.memref_slice %arg12[%mul3A_33, %dma_start3A_40] : memref<10240x128xf32, #tpu.memory_space<vmem_shared>> -> memref<640x128xf32, #tpu.memory_space<vmem_shared>>
      tpu.enqueue_dma source(%dma_start3A_41 : memref<640x128xf32, #tpu.memory_space<vmem_shared>>) target(%dma_start3A_39 : memref<640x128xf32, #tpu.memory_space<hbm>>) target_semaphore(%run_scoped3A : memref<!tpu.dma_semaphore, #tpu.memory_space<semaphore_mem>>)
      %dma_wait3A = arith.constant 0 : i32
      %dma_wait3A_42 = tpu.memref_slice %arg5[%add3A_1, %mul3A_35, %dma_wait3A] : memref<2x10240x128xf32, #tpu.memory_space<hbm>> -> memref<1x640x128xf32, #tpu.memory_space<hbm>>
      %dma_wait3A_43 = tpu.memref_squeeze %dma_wait3A_42 : memref<1x640x128xf32, #tpu.memory_space<hbm>> -> memref<640x128xf32, #tpu.memory_space<hbm>>
      %dma_wait3A_44 = arith.constant 0 : i32
      %dma_wait3A_45 = tpu.memref_slice %arg12[%mul3A_33, %dma_wait3A_44] : memref<10240x128xf32, #tpu.memory_space<vmem_shared>> -> memref<640x128xf32, #tpu.memory_space<vmem_shared>>
      tpu.wait_dma2 semaphore(%run_scoped3A : memref<!tpu.dma_semaphore, #tpu.memory_space<semaphore_mem>>) src(%dma_wait3A_45 : memref<640x128xf32, #tpu.memory_space<vmem_shared>>) dst(%dma_wait3A_43 : memref<640x128xf32, #tpu.memory_space<hbm>>)
      tpu.yield
    }) : () -> ()
    %barrier3A_36 = arith.constant 0 : index
    tpu.barrier barrier_id(%barrier3A_36)
    return
  }
}

module attributes {stable_mosaic.version = 14 : i64} {
  func.func @body(%arg0: i32, %arg1: memref<2x1024x128xf32, #tpu.memory_space<vmem>>, %arg2: memref<1024x256xf32, #tpu.memory_space<vmem>>, %arg3: memref<256x512xf32, #tpu.memory_space<vmem>>, %arg4: memref<1024x1xf32, #tpu.memory_space<vmem>>, %arg5: memref<4x1024x128xf32, #tpu.memory_space<vmem>>) attributes {dimension_semantics = [#tpu.dimension_semantics<arbitrary>], iteration_bounds = array<i64: 10>, scalar_prefetch = 0 : i64, scratch_operands = 0 : i64, tpu.core_type = #tpu.core_type<tc>, window_params = [{transform_indices = @transform_0, window_bounds = array<i64: 2, 1024, 128>}, {transform_indices = @transform_1, window_bounds = array<i64: 1024, 256>}, {pipeline_mode = #tpu.pipeline_mode<synchronous>, transform_indices = @transform_2, window_bounds = array<i64: 256, 512>}, {transform_indices = @transform_3, window_bounds = array<i64: 1024, 1>}, {transform_indices = @transform_4, window_bounds = array<i64: 4, 1024, 128>}]} {
    %get3A = arith.constant 0 : index
    %get3A_0 = arith.constant 0 : index
    %get3A_1 = arith.constant 0 : index
    %get3A_2 = vector.load %arg1[%get3A, %get3A_0, %get3A_1] : memref<2x1024x128xf32, #tpu.memory_space<vmem>>, vector<2x1024x1xf32>
    %slice3A = vector.extract_strided_slice %get3A_2 {offsets = [0, 0, 0], sizes = [1, 1024, 1], strides = [1, 1, 1]} : vector<2x1024x1xf32> to vector<1x1024x1xf32>
    %squeeze3A = vector.shape_cast %slice3A : vector<1x1024x1xf32> to vector<1024x1xf32>
    %slice3A_3 = vector.extract_strided_slice %get3A_2 {offsets = [1, 0, 0], sizes = [1, 1024, 1], strides = [1, 1, 1]} : vector<2x1024x1xf32> to vector<1x1024x1xf32>
    %squeeze3A_4 = vector.shape_cast %slice3A_3 : vector<1x1024x1xf32> to vector<1024x1xf32>
    %add3A = arith.addf %squeeze3A, %squeeze3A_4 : vector<1024x1xf32>
    %add3A_5 = arith.constant 1.000000e+00 : f32
    %add3A_6 = vector.broadcast %add3A_5 : f32 to vector<1024x1xf32>
    %add3A_7 = arith.addf %add3A, %add3A_6 : vector<1024x1xf32>
    %rsqrt3A = math.rsqrt %add3A_7 : vector<1024x1xf32>
    %swap3A = arith.constant 0 : index
    %swap3A_8 = arith.constant 0 : index
    %swap3A_9 = vector.load %arg4[%swap3A, %swap3A_8] : memref<1024x1xf32, #tpu.memory_space<vmem>>, vector<1024x1xf32>
    tpu.vector_store %arg4[%swap3A, %swap3A_8], %rsqrt3A {strides = array<i32>} : memref<1024x1xf32, #tpu.memory_space<vmem>>, vector<1024x1xf32>,
    %get3A_10 = arith.constant 0 : index
    %get3A_11 = arith.constant 0 : index
    %get3A_12 = vector.load %arg2[%get3A_10, %get3A_11] : memref<1024x256xf32, #tpu.memory_space<vmem>>, vector<1024x256xf32>
    %get3A_13 = arith.constant 0 : index
    %get3A_14 = arith.constant 0 : index
    %get3A_15 = vector.load %arg3[%get3A_13, %get3A_14] : memref<256x512xf32, #tpu.memory_space<vmem>>, vector<256x512xf32>
    %dot_general3A = arith.constant dense<0.000000e+00> : vector<1024x512xf32>
    %dot_general3A_16 = tpu.matmul %get3A_12, %get3A_15, %dot_general3A {dimension_numbers = #tpu.dot_dimension_numbers<[1], [0], [0], [1], [0, 0, 1, 1], [], []>, precision = #tpu.contract_precision<fp32>, transpose_lhs_hint = false} : vector<1024x256xf32>, vector<256x512xf32>, vector<1024x512xf32> -> vector<1024x512xf32>
    %mul3A = vector.broadcast %rsqrt3A : vector<1024x1xf32> to vector<1024x512xf32>
    %mul3A_17 = arith.mulf %dot_general3A_16, %mul3A : vector<1024x512xf32>
    %slice3A_18 = vector.extract_strided_slice %mul3A_17 {offsets = [0, 0], sizes = [1024, 128], strides = [1, 1]} : vector<1024x512xf32> to vector<1024x128xf32>
    %swap3A_19 = arith.constant 0 : index
    %swap3A_20 = arith.constant 0 : index
    %swap3A_21 = arith.constant 0 : index
    %swap3A_22 = vector.load %arg5[%swap3A_19, %swap3A_20, %swap3A_21] : memref<4x1024x128xf32, #tpu.memory_space<vmem>>, vector<1x1024x128xf32>
    %swap3A_23 = vector.shape_cast %swap3A_22 : vector<1x1024x128xf32> to vector<1024x128xf32>
    %swap3A_24 = vector.shape_cast %slice3A_18 : vector<1024x128xf32> to vector<1x1024x128xf32>
    tpu.vector_store %arg5[%swap3A_19, %swap3A_20, %swap3A_21], %swap3A_24 {strides = array<i32>} : memref<4x1024x128xf32, #tpu.memory_space<vmem>>, vector<1x1024x128xf32>,
    %slice3A_25 = vector.extract_strided_slice %mul3A_17 {offsets = [0, 128], sizes = [1024, 128], strides = [1, 1]} : vector<1024x512xf32> to vector<1024x128xf32>
    %swap3A_26 = arith.constant 1 : index
    %swap3A_27 = arith.constant 0 : index
    %swap3A_28 = arith.constant 0 : index
    %swap3A_29 = vector.load %arg5[%swap3A_26, %swap3A_27, %swap3A_28] : memref<4x1024x128xf32, #tpu.memory_space<vmem>>, vector<1x1024x128xf32>
    %swap3A_30 = vector.shape_cast %swap3A_29 : vector<1x1024x128xf32> to vector<1024x128xf32>
    %swap3A_31 = vector.shape_cast %slice3A_25 : vector<1024x128xf32> to vector<1x1024x128xf32>
    tpu.vector_store %arg5[%swap3A_26, %swap3A_27, %swap3A_28], %swap3A_31 {strides = array<i32>} : memref<4x1024x128xf32, #tpu.memory_space<vmem>>, vector<1x1024x128xf32>,
    %slice3A_32 = vector.extract_strided_slice %mul3A_17 {offsets = [0, 256], sizes = [1024, 128], strides = [1, 1]} : vector<1024x512xf32> to vector<1024x128xf32>
    %swap3A_33 = arith.constant 2 : index
    %swap3A_34 = arith.constant 0 : index
    %swap3A_35 = arith.constant 0 : index
    %swap3A_36 = vector.load %arg5[%swap3A_33, %swap3A_34, %swap3A_35] : memref<4x1024x128xf32, #tpu.memory_space<vmem>>, vector<1x1024x128xf32>
    %swap3A_37 = vector.shape_cast %swap3A_36 : vector<1x1024x128xf32> to vector<1024x128xf32>
    %swap3A_38 = vector.shape_cast %slice3A_32 : vector<1024x128xf32> to vector<1x1024x128xf32>
    tpu.vector_store %arg5[%swap3A_33, %swap3A_34, %swap3A_35], %swap3A_38 {strides = array<i32>} : memref<4x1024x128xf32, #tpu.memory_space<vmem>>, vector<1x1024x128xf32>,
    %slice3A_39 = vector.extract_strided_slice %mul3A_17 {offsets = [0, 384], sizes = [1024, 128], strides = [1, 1]} : vector<1024x512xf32> to vector<1024x128xf32>
    %swap3A_40 = arith.constant 3 : index
    %swap3A_41 = arith.constant 0 : index
    %swap3A_42 = arith.constant 0 : index
    %swap3A_43 = vector.load %arg5[%swap3A_40, %swap3A_41, %swap3A_42] : memref<4x1024x128xf32, #tpu.memory_space<vmem>>, vector<1x1024x128xf32>
    %swap3A_44 = vector.shape_cast %swap3A_43 : vector<1x1024x128xf32> to vector<1024x128xf32>
    %swap3A_45 = vector.shape_cast %slice3A_39 : vector<1024x128xf32> to vector<1x1024x128xf32>
    tpu.vector_store %arg5[%swap3A_40, %swap3A_41, %swap3A_42], %swap3A_45 {strides = array<i32>} : memref<4x1024x128xf32, #tpu.memory_space<vmem>>, vector<1x1024x128xf32>,
    return
  }
  func.func @transform_0(%arg0: i32) -> (i32, i32, i32) {
    %c0_i32 = arith.constant 0 : i32
    %c0_i32_0 = arith.constant 0 : i32
    %c0_i32_1 = arith.constant 0 : i32
    return %c0_i32, %arg0, %c0_i32_0 : i32, i32, i32
  }
  func.func @transform_1(%arg0: i32) -> (i32, i32) {
    %c0_i32 = arith.constant 0 : i32
    %c0_i32_0 = arith.constant 0 : i32
    return %arg0, %c0_i32 : i32, i32
  }
  func.func @transform_2(%arg0: i32) -> (i32, i32) {
    %c0_i32 = arith.constant 0 : i32
    %c0_i32_0 = arith.constant 0 : i32
    %c0_i32_1 = arith.constant 0 : i32
    return %c0_i32, %c0_i32_0 : i32, i32
  }
  func.func @transform_3(%arg0: i32) -> (i32, i32) {
    %c0_i32 = arith.constant 0 : i32
    %c0_i32_0 = arith.constant 0 : i32
    return %arg0, %c0_i32 : i32, i32
  }
  func.func @transform_4(%arg0: i32) -> (i32, i32, i32) {
    %c0_i32 = arith.constant 0 : i32
    %c0_i32_0 = arith.constant 0 : i32
    %c0_i32_1 = arith.constant 0 : i32
    return %c0_i32, %arg0, %c0_i32_0 : i32, i32, i32
  }
}

module attributes {stable_mosaic.version = 14 : i64} {
  func.func @body(%arg0: i32, %arg1: memref<4x1024x128xf32, #tpu.memory_space<vmem>>, %arg2: memref<1024x1xf32, #tpu.memory_space<vmem>>, %arg3: memref<1x512xf32, #tpu.memory_space<vmem>>, %arg4: memref<512x512xf32, #tpu.memory_space<vmem>>, %arg5: memref<4x1024x128xf32, #tpu.memory_space<vmem>>) attributes {dimension_semantics = [#tpu.dimension_semantics<arbitrary>], iteration_bounds = array<i64: 10>, scalar_prefetch = 0 : i64, scratch_operands = 0 : i64, tpu.core_type = #tpu.core_type<tc>, window_params = [{transform_indices = @transform_0, window_bounds = array<i64: 4, 1024, 128>}, {transform_indices = @transform_1, window_bounds = array<i64: 1024, 1>}, {pipeline_mode = #tpu.pipeline_mode<synchronous>, transform_indices = @transform_2, window_bounds = array<i64: 1, 512>}, {pipeline_mode = #tpu.pipeline_mode<synchronous>, transform_indices = @transform_3, window_bounds = array<i64: 512, 512>}, {transform_indices = @transform_4, window_bounds = array<i64: 4, 1024, 128>}]} {
    %get3A = arith.constant 0 : index
    %get3A_0 = arith.constant 0 : index
    %get3A_1 = vector.load %arg2[%get3A, %get3A_0] : memref<1024x1xf32, #tpu.memory_space<vmem>>, vector<1024x1xf32>
    %get3A_2 = arith.constant 0 : index
    %get3A_3 = arith.constant 0 : index
    %get3A_4 = arith.constant 0 : index
    %get3A_5 = vector.load %arg1[%get3A_2, %get3A_3, %get3A_4] : memref<4x1024x128xf32, #tpu.memory_space<vmem>>, vector<1x1024x128xf32>
    %get3A_6 = vector.shape_cast %get3A_5 : vector<1x1024x128xf32> to vector<1024x128xf32>
    %mul3A = vector.broadcast %get3A_1 : vector<1024x1xf32> to vector<1024x128xf32>
    %mul3A_7 = arith.mulf %get3A_6, %mul3A : vector<1024x128xf32>
    %get3A_8 = arith.constant 0 : index
    %get3A_9 = arith.constant 0 : index
    %get3A_10 = vector.load %arg3[%get3A_8, %get3A_9] : memref<1x512xf32, #tpu.memory_space<vmem>>, vector<1x128xf32>
    %add3A = vector.broadcast %get3A_10 : vector<1x128xf32> to vector<1024x128xf32>
    %add3A_11 = arith.addf %mul3A_7, %add3A : vector<1024x128xf32>
    %max3A = arith.constant 0.000000e+00 : f32
    %max3A_12 = vector.broadcast %max3A : f32 to vector<1024x128xf32>
    %max3A_13 = arith.maximumf %add3A_11, %max3A_12 : vector<1024x128xf32>
    %get3A_14 = arith.constant 1 : index
    %get3A_15 = arith.constant 0 : index
    %get3A_16 = arith.constant 0 : index
    %get3A_17 = vector.load %arg1[%get3A_14, %get3A_15, %get3A_16] : memref<4x1024x128xf32, #tpu.memory_space<vmem>>, vector<1x1024x128xf32>
    %get3A_18 = vector.shape_cast %get3A_17 : vector<1x1024x128xf32> to vector<1024x128xf32>
    %mul3A_19 = vector.broadcast %get3A_1 : vector<1024x1xf32> to vector<1024x128xf32>
    %mul3A_20 = arith.mulf %get3A_18, %mul3A_19 : vector<1024x128xf32>
    %get3A_21 = arith.constant 0 : index
    %get3A_22 = arith.constant 128 : index
    %get3A_23 = vector.load %arg3[%get3A_21, %get3A_22] : memref<1x512xf32, #tpu.memory_space<vmem>>, vector<1x128xf32>
    %add3A_24 = vector.broadcast %get3A_23 : vector<1x128xf32> to vector<1024x128xf32>
    %add3A_25 = arith.addf %mul3A_20, %add3A_24 : vector<1024x128xf32>
    %max3A_26 = arith.constant 0.000000e+00 : f32
    %max3A_27 = vector.broadcast %max3A_26 : f32 to vector<1024x128xf32>
    %max3A_28 = arith.maximumf %add3A_25, %max3A_27 : vector<1024x128xf32>
    %get3A_29 = arith.constant 2 : index
    %get3A_30 = arith.constant 0 : index
    %get3A_31 = arith.constant 0 : index
    %get3A_32 = vector.load %arg1[%get3A_29, %get3A_30, %get3A_31] : memref<4x1024x128xf32, #tpu.memory_space<vmem>>, vector<1x1024x128xf32>
    %get3A_33 = vector.shape_cast %get3A_32 : vector<1x1024x128xf32> to vector<1024x128xf32>
    %mul3A_34 = vector.broadcast %get3A_1 : vector<1024x1xf32> to vector<1024x128xf32>
    %mul3A_35 = arith.mulf %get3A_33, %mul3A_34 : vector<1024x128xf32>
    %get3A_36 = arith.constant 0 : index
    %get3A_37 = arith.constant 256 : index
    %get3A_38 = vector.load %arg3[%get3A_36, %get3A_37] : memref<1x512xf32, #tpu.memory_space<vmem>>, vector<1x128xf32>
    %add3A_39 = vector.broadcast %get3A_38 : vector<1x128xf32> to vector<1024x128xf32>
    %add3A_40 = arith.addf %mul3A_35, %add3A_39 : vector<1024x128xf32>
    %max3A_41 = arith.constant 0.000000e+00 : f32
    %max3A_42 = vector.broadcast %max3A_41 : f32 to vector<1024x128xf32>
    %max3A_43 = arith.maximumf %add3A_40, %max3A_42 : vector<1024x128xf32>
    %get3A_44 = arith.constant 3 : index
    %get3A_45 = arith.constant 0 : index
    %get3A_46 = arith.constant 0 : index
    %get3A_47 = vector.load %arg1[%get3A_44, %get3A_45, %get3A_46] : memref<4x1024x128xf32, #tpu.memory_space<vmem>>, vector<1x1024x128xf32>
    %get3A_48 = vector.shape_cast %get3A_47 : vector<1x1024x128xf32> to vector<1024x128xf32>
    %mul3A_49 = vector.broadcast %get3A_1 : vector<1024x1xf32> to vector<1024x128xf32>
    %mul3A_50 = arith.mulf %get3A_48, %mul3A_49 : vector<1024x128xf32>
    %get3A_51 = arith.constant 0 : index
    %get3A_52 = arith.constant 384 : index
    %get3A_53 = vector.load %arg3[%get3A_51, %get3A_52] : memref<1x512xf32, #tpu.memory_space<vmem>>, vector<1x128xf32>
    %add3A_54 = vector.broadcast %get3A_53 : vector<1x128xf32> to vector<1024x128xf32>
    %add3A_55 = arith.addf %mul3A_50, %add3A_54 : vector<1024x128xf32>
    %max3A_56 = arith.constant 0.000000e+00 : f32
    %max3A_57 = vector.broadcast %max3A_56 : f32 to vector<1024x128xf32>
    %max3A_58 = arith.maximumf %add3A_55, %max3A_57 : vector<1024x128xf32>
    %concatenate3A = tpu.concatenate %max3A_13, %max3A_28, %max3A_43, %max3A_58 in 1 : vector<1024x128xf32>, vector<1024x128xf32>, vector<1024x128xf32>, vector<1024x128xf32> -> vector<1024x512xf32>
    %get3A_59 = arith.constant 0 : index
    %get3A_60 = arith.constant 0 : index
    %get3A_61 = vector.load %arg4[%get3A_59, %get3A_60] : memref<512x512xf32, #tpu.memory_space<vmem>>, vector<512x512xf32>
    %dot_general3A = arith.constant dense<0.000000e+00> : vector<1024x512xf32>
    %dot_general3A_62 = tpu.matmul %concatenate3A, %get3A_61, %dot_general3A {dimension_numbers = #tpu.dot_dimension_numbers<[1], [0], [0], [1], [0, 0, 1, 1], [], []>, precision = #tpu.contract_precision<fp32>, transpose_lhs_hint = false} : vector<1024x512xf32>, vector<512x512xf32>, vector<1024x512xf32> -> vector<1024x512xf32>
    %mul3A_63 = vector.broadcast %get3A_1 : vector<1024x1xf32> to vector<1024x512xf32>
    %mul3A_64 = arith.mulf %dot_general3A_62, %mul3A_63 : vector<1024x512xf32>
    %slice3A = vector.extract_strided_slice %mul3A_64 {offsets = [0, 0], sizes = [1024, 128], strides = [1, 1]} : vector<1024x512xf32> to vector<1024x128xf32>
    %swap3A = arith.constant 0 : index
    %swap3A_65 = arith.constant 0 : index
    %swap3A_66 = arith.constant 0 : index
    %swap3A_67 = vector.load %arg5[%swap3A, %swap3A_65, %swap3A_66] : memref<4x1024x128xf32, #tpu.memory_space<vmem>>, vector<1x1024x128xf32>
    %swap3A_68 = vector.shape_cast %swap3A_67 : vector<1x1024x128xf32> to vector<1024x128xf32>
    %swap3A_69 = vector.shape_cast %slice3A : vector<1024x128xf32> to vector<1x1024x128xf32>
    tpu.vector_store %arg5[%swap3A, %swap3A_65, %swap3A_66], %swap3A_69 {strides = array<i32>} : memref<4x1024x128xf32, #tpu.memory_space<vmem>>, vector<1x1024x128xf32>,
    %slice3A_70 = vector.extract_strided_slice %mul3A_64 {offsets = [0, 128], sizes = [1024, 128], strides = [1, 1]} : vector<1024x512xf32> to vector<1024x128xf32>
    %swap3A_71 = arith.constant 1 : index
    %swap3A_72 = arith.constant 0 : index
    %swap3A_73 = arith.constant 0 : index
    %swap3A_74 = vector.load %arg5[%swap3A_71, %swap3A_72, %swap3A_73] : memref<4x1024x128xf32, #tpu.memory_space<vmem>>, vector<1x1024x128xf32>
    %swap3A_75 = vector.shape_cast %swap3A_74 : vector<1x1024x128xf32> to vector<1024x128xf32>
    %swap3A_76 = vector.shape_cast %slice3A_70 : vector<1024x128xf32> to vector<1x1024x128xf32>
    tpu.vector_store %arg5[%swap3A_71, %swap3A_72, %swap3A_73], %swap3A_76 {strides = array<i32>} : memref<4x1024x128xf32, #tpu.memory_space<vmem>>, vector<1x1024x128xf32>,
    %slice3A_77 = vector.extract_strided_slice %mul3A_64 {offsets = [0, 256], sizes = [1024, 128], strides = [1, 1]} : vector<1024x512xf32> to vector<1024x128xf32>
    %swap3A_78 = arith.constant 2 : index
    %swap3A_79 = arith.constant 0 : index
    %swap3A_80 = arith.constant 0 : index
    %swap3A_81 = vector.load %arg5[%swap3A_78, %swap3A_79, %swap3A_80] : memref<4x1024x128xf32, #tpu.memory_space<vmem>>, vector<1x1024x128xf32>
    %swap3A_82 = vector.shape_cast %swap3A_81 : vector<1x1024x128xf32> to vector<1024x128xf32>
    %swap3A_83 = vector.shape_cast %slice3A_77 : vector<1024x128xf32> to vector<1x1024x128xf32>
    tpu.vector_store %arg5[%swap3A_78, %swap3A_79, %swap3A_80], %swap3A_83 {strides = array<i32>} : memref<4x1024x128xf32, #tpu.memory_space<vmem>>, vector<1x1024x128xf32>,
    %slice3A_84 = vector.extract_strided_slice %mul3A_64 {offsets = [0, 384], sizes = [1024, 128], strides = [1, 1]} : vector<1024x512xf32> to vector<1024x128xf32>
    %swap3A_85 = arith.constant 3 : index
    %swap3A_86 = arith.constant 0 : index
    %swap3A_87 = arith.constant 0 : index
    %swap3A_88 = vector.load %arg5[%swap3A_85, %swap3A_86, %swap3A_87] : memref<4x1024x128xf32, #tpu.memory_space<vmem>>, vector<1x1024x128xf32>
    %swap3A_89 = vector.shape_cast %swap3A_88 : vector<1x1024x128xf32> to vector<1024x128xf32>
    %swap3A_90 = vector.shape_cast %slice3A_84 : vector<1024x128xf32> to vector<1x1024x128xf32>
    tpu.vector_store %arg5[%swap3A_85, %swap3A_86, %swap3A_87], %swap3A_90 {strides = array<i32>} : memref<4x1024x128xf32, #tpu.memory_space<vmem>>, vector<1x1024x128xf32>,
    return
  }
  func.func @transform_0(%arg0: i32) -> (i32, i32, i32) {
    %c0_i32 = arith.constant 0 : i32
    %c0_i32_0 = arith.constant 0 : i32
    %c0_i32_1 = arith.constant 0 : i32
    return %c0_i32, %arg0, %c0_i32_0 : i32, i32, i32
  }
  func.func @transform_1(%arg0: i32) -> (i32, i32) {
    %c0_i32 = arith.constant 0 : i32
    %c0_i32_0 = arith.constant 0 : i32
    return %arg0, %c0_i32 : i32, i32
  }
  func.func @transform_2(%arg0: i32) -> (i32, i32) {
    %c0_i32 = arith.constant 0 : i32
    %c0_i32_0 = arith.constant 0 : i32
    %c0_i32_1 = arith.constant 0 : i32
    return %c0_i32, %c0_i32_0 : i32, i32
  }
  func.func @transform_3(%arg0: i32) -> (i32, i32) {
    %c0_i32 = arith.constant 0 : i32
    %c0_i32_0 = arith.constant 0 : i32
    %c0_i32_1 = arith.constant 0 : i32
    return %c0_i32, %c0_i32_0 : i32, i32
  }
  func.func @transform_4(%arg0: i32) -> (i32, i32, i32) {
    %c0_i32 = arith.constant 0 : i32
    %c0_i32_0 = arith.constant 0 : i32
    %c0_i32_1 = arith.constant 0 : i32
    return %c0_i32, %arg0, %c0_i32_0 : i32, i32, i32
  }
}

module attributes {stable_mosaic.version = 14 : i64} {
  func.func @body(%arg0: i32, %arg1: memref<4x1024x128xf32, #tpu.memory_space<vmem>>, %arg2: memref<1024x1xf32, #tpu.memory_space<vmem>>, %arg3: memref<1x512xf32, #tpu.memory_space<vmem>>, %arg4: memref<512x256xf32, #tpu.memory_space<vmem>>, %arg5: memref<2x1024x128xf32, #tpu.memory_space<vmem>>) attributes {dimension_semantics = [#tpu.dimension_semantics<arbitrary>], iteration_bounds = array<i64: 10>, scalar_prefetch = 0 : i64, scratch_operands = 0 : i64, tpu.core_type = #tpu.core_type<tc>, window_params = [{transform_indices = @transform_0, window_bounds = array<i64: 4, 1024, 128>}, {transform_indices = @transform_1, window_bounds = array<i64: 1024, 1>}, {pipeline_mode = #tpu.pipeline_mode<synchronous>, transform_indices = @transform_2, window_bounds = array<i64: 1, 512>}, {pipeline_mode = #tpu.pipeline_mode<synchronous>, transform_indices = @transform_3, window_bounds = array<i64: 512, 256>}, {transform_indices = @transform_4, window_bounds = array<i64: 2, 1024, 128>}]} {
    %get3A = arith.constant 0 : index
    %get3A_0 = arith.constant 0 : index
    %get3A_1 = vector.load %arg2[%get3A, %get3A_0] : memref<1024x1xf32, #tpu.memory_space<vmem>>, vector<1024x1xf32>
    %get3A_2 = arith.constant 0 : index
    %get3A_3 = arith.constant 0 : index
    %get3A_4 = arith.constant 0 : index
    %get3A_5 = vector.load %arg1[%get3A_2, %get3A_3, %get3A_4] : memref<4x1024x128xf32, #tpu.memory_space<vmem>>, vector<1x1024x128xf32>
    %get3A_6 = vector.shape_cast %get3A_5 : vector<1x1024x128xf32> to vector<1024x128xf32>
    %mul3A = vector.broadcast %get3A_1 : vector<1024x1xf32> to vector<1024x128xf32>
    %mul3A_7 = arith.mulf %get3A_6, %mul3A : vector<1024x128xf32>
    %get3A_8 = arith.constant 0 : index
    %get3A_9 = arith.constant 0 : index
    %get3A_10 = vector.load %arg3[%get3A_8, %get3A_9] : memref<1x512xf32, #tpu.memory_space<vmem>>, vector<1x128xf32>
    %add3A = vector.broadcast %get3A_10 : vector<1x128xf32> to vector<1024x128xf32>
    %add3A_11 = arith.addf %mul3A_7, %add3A : vector<1024x128xf32>
    %max3A = arith.constant 0.000000e+00 : f32
    %max3A_12 = vector.broadcast %max3A : f32 to vector<1024x128xf32>
    %max3A_13 = arith.maximumf %add3A_11, %max3A_12 : vector<1024x128xf32>
    %get3A_14 = arith.constant 1 : index
    %get3A_15 = arith.constant 0 : index
    %get3A_16 = arith.constant 0 : index
    %get3A_17 = vector.load %arg1[%get3A_14, %get3A_15, %get3A_16] : memref<4x1024x128xf32, #tpu.memory_space<vmem>>, vector<1x1024x128xf32>
    %get3A_18 = vector.shape_cast %get3A_17 : vector<1x1024x128xf32> to vector<1024x128xf32>
    %mul3A_19 = vector.broadcast %get3A_1 : vector<1024x1xf32> to vector<1024x128xf32>
    %mul3A_20 = arith.mulf %get3A_18, %mul3A_19 : vector<1024x128xf32>
    %get3A_21 = arith.constant 0 : index
    %get3A_22 = arith.constant 128 : index
    %get3A_23 = vector.load %arg3[%get3A_21, %get3A_22] : memref<1x512xf32, #tpu.memory_space<vmem>>, vector<1x128xf32>
    %add3A_24 = vector.broadcast %get3A_23 : vector<1x128xf32> to vector<1024x128xf32>
    %add3A_25 = arith.addf %mul3A_20, %add3A_24 : vector<1024x128xf32>
    %max3A_26 = arith.constant 0.000000e+00 : f32
    %max3A_27 = vector.broadcast %max3A_26 : f32 to vector<1024x128xf32>
    %max3A_28 = arith.maximumf %add3A_25, %max3A_27 : vector<1024x128xf32>
    %get3A_29 = arith.constant 2 : index
    %get3A_30 = arith.constant 0 : index
    %get3A_31 = arith.constant 0 : index
    %get3A_32 = vector.load %arg1[%get3A_29, %get3A_30, %get3A_31] : memref<4x1024x128xf32, #tpu.memory_space<vmem>>, vector<1x1024x128xf32>
    %get3A_33 = vector.shape_cast %get3A_32 : vector<1x1024x128xf32> to vector<1024x128xf32>
    %mul3A_34 = vector.broadcast %get3A_1 : vector<1024x1xf32> to vector<1024x128xf32>
    %mul3A_35 = arith.mulf %get3A_33, %mul3A_34 : vector<1024x128xf32>
    %get3A_36 = arith.constant 0 : index
    %get3A_37 = arith.constant 256 : index
    %get3A_38 = vector.load %arg3[%get3A_36, %get3A_37] : memref<1x512xf32, #tpu.memory_space<vmem>>, vector<1x128xf32>
    %add3A_39 = vector.broadcast %get3A_38 : vector<1x128xf32> to vector<1024x128xf32>
    %add3A_40 = arith.addf %mul3A_35, %add3A_39 : vector<1024x128xf32>
    %max3A_41 = arith.constant 0.000000e+00 : f32
    %max3A_42 = vector.broadcast %max3A_41 : f32 to vector<1024x128xf32>
    %max3A_43 = arith.maximumf %add3A_40, %max3A_42 : vector<1024x128xf32>
    %get3A_44 = arith.constant 3 : index
    %get3A_45 = arith.constant 0 : index
    %get3A_46 = arith.constant 0 : index
    %get3A_47 = vector.load %arg1[%get3A_44, %get3A_45, %get3A_46] : memref<4x1024x128xf32, #tpu.memory_space<vmem>>, vector<1x1024x128xf32>
    %get3A_48 = vector.shape_cast %get3A_47 : vector<1x1024x128xf32> to vector<1024x128xf32>
    %mul3A_49 = vector.broadcast %get3A_1 : vector<1024x1xf32> to vector<1024x128xf32>
    %mul3A_50 = arith.mulf %get3A_48, %mul3A_49 : vector<1024x128xf32>
    %get3A_51 = arith.constant 0 : index
    %get3A_52 = arith.constant 384 : index
    %get3A_53 = vector.load %arg3[%get3A_51, %get3A_52] : memref<1x512xf32, #tpu.memory_space<vmem>>, vector<1x128xf32>
    %add3A_54 = vector.broadcast %get3A_53 : vector<1x128xf32> to vector<1024x128xf32>
    %add3A_55 = arith.addf %mul3A_50, %add3A_54 : vector<1024x128xf32>
    %max3A_56 = arith.constant 0.000000e+00 : f32
    %max3A_57 = vector.broadcast %max3A_56 : f32 to vector<1024x128xf32>
    %max3A_58 = arith.maximumf %add3A_55, %max3A_57 : vector<1024x128xf32>
    %concatenate3A = tpu.concatenate %max3A_13, %max3A_28, %max3A_43, %max3A_58 in 1 : vector<1024x128xf32>, vector<1024x128xf32>, vector<1024x128xf32>, vector<1024x128xf32> -> vector<1024x512xf32>
    %get3A_59 = arith.constant 0 : index
    %get3A_60 = arith.constant 0 : index
    %get3A_61 = vector.load %arg4[%get3A_59, %get3A_60] : memref<512x256xf32, #tpu.memory_space<vmem>>, vector<512x256xf32>
    %dot_general3A = arith.constant dense<0.000000e+00> : vector<1024x256xf32>
    %dot_general3A_62 = tpu.matmul %concatenate3A, %get3A_61, %dot_general3A {dimension_numbers = #tpu.dot_dimension_numbers<[1], [0], [0], [1], [0, 0, 1, 1], [], []>, precision = #tpu.contract_precision<fp32>, transpose_lhs_hint = false} : vector<1024x512xf32>, vector<512x256xf32>, vector<1024x256xf32> -> vector<1024x256xf32>
    %mul3A_63 = vector.broadcast %get3A_1 : vector<1024x1xf32> to vector<1024x256xf32>
    %mul3A_64 = arith.mulf %dot_general3A_62, %mul3A_63 : vector<1024x256xf32>
    %slice3A = vector.extract_strided_slice %mul3A_64 {offsets = [0, 0], sizes = [1024, 128], strides = [1, 1]} : vector<1024x256xf32> to vector<1024x128xf32>
    %swap3A = arith.constant 0 : index
    %swap3A_65 = arith.constant 0 : index
    %swap3A_66 = arith.constant 0 : index
    %swap3A_67 = vector.load %arg5[%swap3A, %swap3A_65, %swap3A_66] : memref<2x1024x128xf32, #tpu.memory_space<vmem>>, vector<1x1024x128xf32>
    %swap3A_68 = vector.shape_cast %swap3A_67 : vector<1x1024x128xf32> to vector<1024x128xf32>
    %swap3A_69 = vector.shape_cast %slice3A : vector<1024x128xf32> to vector<1x1024x128xf32>
    tpu.vector_store %arg5[%swap3A, %swap3A_65, %swap3A_66], %swap3A_69 {strides = array<i32>} : memref<2x1024x128xf32, #tpu.memory_space<vmem>>, vector<1x1024x128xf32>,
    %slice3A_70 = vector.extract_strided_slice %mul3A_64 {offsets = [0, 128], sizes = [1024, 128], strides = [1, 1]} : vector<1024x256xf32> to vector<1024x128xf32>
    %swap3A_71 = arith.constant 1 : index
    %swap3A_72 = arith.constant 0 : index
    %swap3A_73 = arith.constant 0 : index
    %swap3A_74 = vector.load %arg5[%swap3A_71, %swap3A_72, %swap3A_73] : memref<2x1024x128xf32, #tpu.memory_space<vmem>>, vector<1x1024x128xf32>
    %swap3A_75 = vector.shape_cast %swap3A_74 : vector<1x1024x128xf32> to vector<1024x128xf32>
    %swap3A_76 = vector.shape_cast %slice3A_70 : vector<1024x128xf32> to vector<1x1024x128xf32>
    tpu.vector_store %arg5[%swap3A_71, %swap3A_72, %swap3A_73], %swap3A_76 {strides = array<i32>} : memref<2x1024x128xf32, #tpu.memory_space<vmem>>, vector<1x1024x128xf32>,
    return
  }
  func.func @transform_0(%arg0: i32) -> (i32, i32, i32) {
    %c0_i32 = arith.constant 0 : i32
    %c0_i32_0 = arith.constant 0 : i32
    %c0_i32_1 = arith.constant 0 : i32
    return %c0_i32, %arg0, %c0_i32_0 : i32, i32, i32
  }
  func.func @transform_1(%arg0: i32) -> (i32, i32) {
    %c0_i32 = arith.constant 0 : i32
    %c0_i32_0 = arith.constant 0 : i32
    return %arg0, %c0_i32 : i32, i32
  }
  func.func @transform_2(%arg0: i32) -> (i32, i32) {
    %c0_i32 = arith.constant 0 : i32
    %c0_i32_0 = arith.constant 0 : i32
    %c0_i32_1 = arith.constant 0 : i32
    return %c0_i32, %c0_i32_0 : i32, i32
  }
  func.func @transform_3(%arg0: i32) -> (i32, i32) {
    %c0_i32 = arith.constant 0 : i32
    %c0_i32_0 = arith.constant 0 : i32
    %c0_i32_1 = arith.constant 0 : i32
    return %c0_i32, %c0_i32_0 : i32, i32
  }
  func.func @transform_4(%arg0: i32) -> (i32, i32, i32) {
    %c0_i32 = arith.constant 0 : i32
    %c0_i32_0 = arith.constant 0 : i32
    %c0_i32_1 = arith.constant 0 : i32
    return %c0_i32, %arg0, %c0_i32_0 : i32, i32, i32
  }
}

module attributes {stable_mosaic.version = 14 : i64} {
  func.func @body(%arg0: i32, %arg1: memref<2x1000x128xf32, #tpu.memory_space<vmem>>, %arg2: memref<1000x1xf32, #tpu.memory_space<vmem>>, %arg3: memref<1x256xf32, #tpu.memory_space<vmem>>, %arg4: memref<1000x256xf32, #tpu.memory_space<vmem>>) attributes {dimension_semantics = [#tpu.dimension_semantics<arbitrary>], iteration_bounds = array<i64: 10>, scalar_prefetch = 0 : i64, scratch_operands = 0 : i64, tpu.core_type = #tpu.core_type<tc>, window_params = [{transform_indices = @transform_0, window_bounds = array<i64: 2, 1000, 128>}, {transform_indices = @transform_1, window_bounds = array<i64: 1000, 1>}, {pipeline_mode = #tpu.pipeline_mode<synchronous>, transform_indices = @transform_2, window_bounds = array<i64: 1, 256>}, {transform_indices = @transform_3, window_bounds = array<i64: 1000, 256>}]} {
    %get3A = arith.constant 0 : index
    %get3A_0 = arith.constant 0 : index
    %get3A_1 = vector.load %arg2[%get3A, %get3A_0] : memref<1000x1xf32, #tpu.memory_space<vmem>>, vector<1000x1xf32>
    %get3A_2 = arith.constant 0 : index
    %get3A_3 = arith.constant 0 : index
    %get3A_4 = arith.constant 0 : index
    %get3A_5 = vector.load %arg1[%get3A_2, %get3A_3, %get3A_4] : memref<2x1000x128xf32, #tpu.memory_space<vmem>>, vector<1x1000x128xf32>
    %get3A_6 = vector.shape_cast %get3A_5 : vector<1x1000x128xf32> to vector<1000x128xf32>
    %mul3A = vector.broadcast %get3A_1 : vector<1000x1xf32> to vector<1000x128xf32>
    %mul3A_7 = arith.mulf %get3A_6, %mul3A : vector<1000x128xf32>
    %get3A_8 = arith.constant 0 : index
    %get3A_9 = arith.constant 0 : index
    %get3A_10 = vector.load %arg3[%get3A_8, %get3A_9] : memref<1x256xf32, #tpu.memory_space<vmem>>, vector<1x128xf32>
    %add3A = vector.broadcast %get3A_10 : vector<1x128xf32> to vector<1000x128xf32>
    %add3A_11 = arith.addf %mul3A_7, %add3A : vector<1000x128xf32>
    %swap3A = arith.constant 0 : index
    %swap3A_12 = arith.constant 0 : index
    %swap3A_13 = vector.load %arg4[%swap3A, %swap3A_12] : memref<1000x256xf32, #tpu.memory_space<vmem>>, vector<1000x128xf32>
    tpu.vector_store %arg4[%swap3A, %swap3A_12], %add3A_11 {strides = array<i32>} : memref<1000x256xf32, #tpu.memory_space<vmem>>, vector<1000x128xf32>,
    %get3A_14 = arith.constant 1 : index
    %get3A_15 = arith.constant 0 : index
    %get3A_16 = arith.constant 0 : index
    %get3A_17 = vector.load %arg1[%get3A_14, %get3A_15, %get3A_16] : memref<2x1000x128xf32, #tpu.memory_space<vmem>>, vector<1x1000x128xf32>
    %get3A_18 = vector.shape_cast %get3A_17 : vector<1x1000x128xf32> to vector<1000x128xf32>
    %mul3A_19 = vector.broadcast %get3A_1 : vector<1000x1xf32> to vector<1000x128xf32>
    %mul3A_20 = arith.mulf %get3A_18, %mul3A_19 : vector<1000x128xf32>
    %get3A_21 = arith.constant 0 : index
    %get3A_22 = arith.constant 128 : index
    %get3A_23 = vector.load %arg3[%get3A_21, %get3A_22] : memref<1x256xf32, #tpu.memory_space<vmem>>, vector<1x128xf32>
    %add3A_24 = vector.broadcast %get3A_23 : vector<1x128xf32> to vector<1000x128xf32>
    %add3A_25 = arith.addf %mul3A_20, %add3A_24 : vector<1000x128xf32>
    %swap3A_26 = arith.constant 0 : index
    %swap3A_27 = arith.constant 128 : index
    %swap3A_28 = vector.load %arg4[%swap3A_26, %swap3A_27] : memref<1000x256xf32, #tpu.memory_space<vmem>>, vector<1000x128xf32>
    tpu.vector_store %arg4[%swap3A_26, %swap3A_27], %add3A_25 {strides = array<i32>} : memref<1000x256xf32, #tpu.memory_space<vmem>>, vector<1000x128xf32>,
    return
  }
  func.func @transform_0(%arg0: i32) -> (i32, i32, i32) {
    %c0_i32 = arith.constant 0 : i32
    %c0_i32_0 = arith.constant 0 : i32
    %c0_i32_1 = arith.constant 0 : i32
    return %c0_i32, %arg0, %c0_i32_0 : i32, i32, i32
  }
  func.func @transform_1(%arg0: i32) -> (i32, i32) {
    %c0_i32 = arith.constant 0 : i32
    %c0_i32_0 = arith.constant 0 : i32
    return %arg0, %c0_i32 : i32, i32
  }
  func.func @transform_2(%arg0: i32) -> (i32, i32) {
    %c0_i32 = arith.constant 0 : i32
    %c0_i32_0 = arith.constant 0 : i32
    %c0_i32_1 = arith.constant 0 : i32
    return %c0_i32, %c0_i32_0 : i32, i32
  }
  func.func @transform_3(%arg0: i32) -> (i32, i32) {
    %c0_i32 = arith.constant 0 : i32
    %c0_i32_0 = arith.constant 0 : i32
    return %arg0, %c0_i32 : i32, i32
  }
}

</mosaic_0001>

<sc_bundles>
// kernel: kernel.10.cloned.1.call-start
scs
__scs_entry_jumppad:
0x0: {  	(pc) =	sbr.rel $0x88, $3  }
0x1: {  	(tag) =	ssettag $0x0;
	lr =	simm.s32 $0x1  }
0x2: {  	[smem:$0x3F99] =	sst lr;
	_ =	strace $0xD0000000  }
0x3: {  	_ = 	snop  }
0x4: {  	_ = 	snop  }
0x5: {  	_ = 	snop  }
0x6: {  	_ = 	snop  }
0x7: {  	_ = 	snop  }
__scs_overlays_trampoline_lowered:
0x8: {  	[smem:$0x3FA8] =	sst s0  }
0x9: {  	[smem:$0x3FA9] =	sst s1  }
0xa: {  	[smem:$0x3FAA] =	sst s2  }
0xb: {  	[smem:$0x3FAB] =	sst s3  }
0xc: {  	[smem:$0x3FAC] =	sst s4  }
0xd: {  	[smem:$0x3FAD] =	sst s5  }
0xe: {  	[smem:$0x3FAE] =	sst s6  }
0xf: {  	[smem:$0x3FAF] =	sst s7  }
0x10: {  	[smem:$0x3FB0] =	sst s8  }
0x11: {  	[smem:$0x3FB1] =	sst s9;
	s0 =	simm.s32 @!p0 $0x0  }
0x12: {  	s1 =	sld [smem:$0x3F97];
	s0 =	simm.s32 @p0 $0x1  }
0x13: {  	[smem:$0x3FB2] =	sst s0;
	s0 =	simm.s32 @!p1 $0x0  }
0x14: {  	s2 =	sld [smem:$0x3F96];
	s0 =	simm.s32 @p1 $0x1  }
0x15: {  	[smem:$0x3FB3] =	sst s0;
	s0 =	simm.s32 @!p2 $0x0  }
0x16: {  	s3 =	sld [smem:$0x3FDB];
	s0 =	simm.s32 @p2 $0x1  }
0x17: {  	s4 =	simm.s32 $0x1BF5;
	[smem:$0x3FB5] =	sst s0  }
0x18: {  	s0 =	sld [smem:$0x3F98];
	_ =	swait.ge [sflag:s4], $0x0  }
0x19: {  	s7 =	sld [smem:$0x3F99]  }
0x1a: {  	s8 =	sadd.s32 $0xFFFFE003, lr  }
0x1b: {  	s9 =	sadd.s32 $0xFFFFFEF7, lr;
	s5 =	simm.s32 $0xFFFFFFFF;
	p2 =	slt.u32 s8, $0xFFFFF086  }
0x1c: {  	p1 =	slt.u32 s9, $0xF7A;
	s5 =	simm.s32 @!p2 $0x0  }
0x1d: {  	s5 =	simm.s32 @p1 $0x1;
	p0 =	seq.s32 s7, s2  }
0x1e: {  	s7 =	smul.u32 @!p0 $0xF7A, s2;
	p2 =	seq.s32 @!p0 s5, $0x0  }
0x1f: {  	s9 =	smul.u32 $0xF7A, s1;
	s8 =	simm.s32 @!p0 $0x1BF5;
	p2 =	por !p2, p0  }
0x20: {  	[sflag:s8] =	ssyncset.s32 @!p0 $0xFFFFF086;
	s6 =	sadd.s32 @!p0 s3, s7;
	s7 =	simm.s32 @!p0 $0x108  }
0x21: {  	s3 =	sadd.s32 s3, s9;
	s6 =	sadd.s32 @!p0 $0x88, s6;
	s7 =	simm.s32 @p2 $0x1082  }
0x22: {  	[simem:s7], [sflag:s8] =	dma.local @!p0 [hbm:s6], $0xF7A  }
0x23: {  	s9 =	sor.u32 $0xD0000000, s2;
	s6 =	simm.s32 $0x108;
	_ =	swait.ge @!p0 [sflag:s8], $0x0  }
0x24: {  	s3 =	sadd.s32 $0x88, s3;
	s6 =	simm.s32 @!p1 $0x1082;
	[sflag:s4] =	ssyncset.s32 $0xFFFFF086  }
0x25: {  	[simem:s6], [sflag:s4] =	dma.local [hbm:s3], $0xF7A  }
0x26: {  	[smem:$0x3F99] =	sst s1;
	(tag) =	ssettag s2;
	_ =	strace s9  }
0x27: {  	s1 =	sld [smem:$0x3FA9]  }
0x28: {  	s2 =	sld [smem:$0x3FAA]  }
0x29: {  	s4 =	sld [smem:$0x3FAC]  }
0x2a: {  	p0 =	seq.s32 s5, $0x0;
	s5 =	sld [smem:$0x3FAD]  }
0x2b: {  	s6 =	sld [smem:$0x3FAE]  }
0x2c: {  	s7 =	sld [smem:$0x3FAF]  }
0x2d: {  	s3 =	simm.s32 $0x108;
	s8 =	sld [smem:$0x3FB0]  }
0x2e: {  	s3 =	simm.s32 @!p0 $0x1082;
	s9 =	sld [smem:$0x3FB1]  }
0x2f: {  	lr =	sadd.s32 s0, s3;
	s0 =	sld [smem:$0x3FA8]  }
0x30: {  	s3 =	sld [smem:$0x3FAB]  }
0x31: {  	[smem:$0x3FB4] =	sst s10  }
0x32: {  	s10 =	sld [smem:$0x3FB2];
	_ =	sdelay $0x3  }
0x33: {  	p0 =	seq.s32 s10, $0x1;
	s10 =	sld [smem:$0x3FB4];
	_ =	sdelay $0x3  }
0x34: {  	[smem:$0x3FB4] =	sst s10  }
0x35: {  	s10 =	sld [smem:$0x3FB3];
	_ =	sdelay $0x3  }
0x36: {  	p1 =	seq.s32 s10, $0x1;
	s10 =	sld [smem:$0x3FB4];
	_ =	sdelay $0x3  }
0x37: {  	[smem:$0x3FB4] =	sst s10  }
0x38: {  	s10 =	sld [smem:$0x3FB5]  }
0x39: {  	_ = 	snop;
	(pc) =	sbr.ind lr, $3  }
0x3a: {  	_ = 	snop  }
0x3b: {  	_ = 	snop  }
0x3c: {  	p2 =	seq.s32 s10, $0x1;
	s10 =	sld [smem:$0x3FB4]  }
0x3d: {  	_ =	shalt  }
0x3e: {  	_ =	shalt  }
0x3f: {  	_ =	shalt  }
0x40: {  	_ =	shalt  }
0x41: {  	_ =	shalt  }
0x42: {  	_ =	shalt  }
0x43: {  	_ =	shalt  }
0x44: {  	_ =	shalt  }
0x45: {  	_ =	shalt  }
0x46: {  	_ =	shalt  }
0x47: {  	_ =	shalt  }
0x48: {  	_ =	shalt  }
0x49: {  	_ =	shalt  }
0x4a: {  	_ =	shalt  }
0x4b: {  	_ =	shalt  }
0x4c: {  	_ =	shalt  }
0x4d: {  	_ =	shalt  }
0x4e: {  	_ =	shalt  }
0x4f: {  	_ =	shalt  }
0x50: {  	_ =	shalt  }
0x51: {  	_ =	shalt  }
0x52: {  	_ =	shalt  }
0x53: {  	_ =	shalt  }
0x54: {  	_ =	shalt  }
0x55: {  	_ =	shalt  }
0x56: {  	_ =	shalt  }
0x57: {  	_ =	shalt  }
0x58: {  	_ =	shalt  }
0x59: {  	_ =	shalt  }
0x5a: {  	_ =	shalt  }
0x5b: {  	_ =	shalt  }
0x5c: {  	_ =	shalt  }
0x5d: {  	_ =	shalt  }
0x5e: {  	_ =	shalt  }
0x5f: {  	_ =	shalt  }
0x60: {  	_ =	shalt  }
0x61: {  	_ =	shalt  }
0x62: {  	_ =	shalt  }
0x63: {  	_ =	shalt  }
0x64: {  	_ =	shalt  }
0x65: {  	_ =	shalt  }
0x66: {  	_ =	shalt  }
0x67: {  	_ =	shalt  }
0x68: {  	_ =	shalt  }
0x69: {  	_ =	shalt  }
0x6a: {  	_ =	shalt  }
0x6b: {  	_ =	shalt  }
0x6c: {  	_ =	shalt  }
0x6d: {  	_ =	shalt  }
0x6e: {  	_ =	shalt  }
0x6f: {  	_ =	shalt  }
0x70: {  	_ =	shalt  }
0x71: {  	_ =	shalt  }
0x72: {  	_ =	shalt  }
0x73: {  	_ =	shalt  }
0x74: {  	_ =	shalt  }
0x75: {  	_ =	shalt  }
0x76: {  	_ =	shalt  }
0x77: {  	_ =	shalt  }
0x78: {  	_ =	shalt  }
0x79: {  	_ =	shalt  }
0x7a: {  	_ =	shalt  }
0x7b: {  	_ =	shalt  }
0x7c: {  	_ =	shalt  }
0x7d: {  	_ =	shalt  }
0x7e: {  	_ =	shalt  }
0x7f: {  	_ =	shalt  }
0x80: {  	_ =	shalt  }
0x81: {  	_ =	shalt  }
0x82: {  	_ =	shalt  }
0x83: {  	_ =	shalt  }
0x84: {  	_ =	shalt  }
0x85: {  	_ =	shalt  }
0x86: {  	_ =	shalt  }
0x87: {  	_ =	shalt  }
.Lfunc_end0:
.L_simem_size_0:
called_computation_lowered:
.L_overlay_start_0:
0x88: {  	s2 =	sld [smem:$0x3FD9]  }
0x89: {  	s3 =	sld [smem:$0x3FFE];
	_ =	sdelay $0x1  }
0x8a: {  	s1 =	srdreg.scid  }
0x8b: {  	s0 =	sand.u32 $0x1, s1  }
0x8c: {  	s17 =	sshll.u32 s0, $0xA;
	s2 =	sadd.s32 s3, s2  }
0x8d: {  	s2 =	sadd.s32 s2, s17  }
0x8e: {  	[smem:$0x3FC0] =	sst s2  }
0x8f: {  	_ = 	snop  }
0x90: {  	s2 =	sld [smem:$0x3FD0];
	(tm) =	ssettm $0x1  }
0x91: {  	s18 =	sld [smem:$0x3FFB];
	_ =	sdelay $0x3  }
0x92: {  	_ =	strace s18  }
0x93: {  	s3 =	sld [smem:$0x3FFC];
	_ =	sdelay $0x3  }
0x94: {  	_ =	strace s3  }
0x95: {  	s3 =	sld [smem:$0x3FFD];
	_ =	sdelay $0x3  }
0x96: {  	_ =	strace s3  }
0x97: {  	_ =	strace $0x8FFFFFFF  }
0x98: {  	s19 =	sld [smem:$0x3FDB];
	_ =	sdelay $0x1  }
0x99: {  	s4 =	simm.s32 $_scs_section_size  }
0x9a: {  	s5 =	simm.s32 $_size__tile_overlayer_lowered;
	s6 =	simm.s32 $_tile_overlayer_lowered  }
0x9b: {  	s22 =	simm.s32 $0x1BFF;
	s21 =	sshll.u32 s6, $0x1;
	s3 =	sadd.s32 s4, s19  }
0x9c: {  	s7 =	simm.s32 $0x0;
	s20 =	sshll.u32 s5, $0x1;
	s5 =	sadd.s32 s21, s3  }
0x9d: {  	[timem:s7], [sflag:s22] =	dma.local [hbm:s5], s20  }
0x9e: {  	_ =	swait.ge [sflag:s22], s20  }
0x9f: {  	s4 =	ssub.s32 $0x0, s20;
	[sflag:s22] =	ssyncset.done $0x0  }
0xa0: {  	[sflag:s22] =	ssyncadd.s32 s4;
	_ =	sdelay $0x1  }
0xa1: {  	s23 =	simm.s32 $0x1B8B  }
0xa2: {  	_ =	swait.ge [sflag:s23], $0x1  }
0xa3: {  	[sflag:s23] =	ssyncset.done $0x0  }
0xa4: {  	s25 =	simm.s32 $0x1B8E;
	s24 =	sld [smem:$0x3FFE];
	[sflag:s23] =	ssyncadd.s32 $0xFFFFFFFF  }
0xa5: {  	s26 =	simm.s32 $execute0_lowered;
	[smem:$0x3FD2] =	sst s25  }
0xa6: {  	s5 =	sshll.u32 s26, $0x1;
	_ =	strace $0x80000046;
	[dreg:$0x1] =	wrdreg $0xFFFFFFFF  }
0xa7: {  	s28 =	simm.s32 $_size_execute0_lowered;
	s3 =	sadd.s32 s3, s5;
	[dreg:$0x0] =	wrdreg $0x0  }
0xa8: {  	s5 =	sshll.u32 s28, $0x1;
	[dreg:$0x2] =	wrdreg s3  }
0xa9: {  	[dreg:$0x3] =	wrdreg s5  }
0xaa: {  	[dreg:$0x4] =	wrdreg $0xC0  }
0xab: {  	_ =	task [dreg:s7], $0x5FFFF  }
0xac: {  	[dreg:$0x1] =	wrdreg $0xFFFFFFFF  }
0xad: {  	[dreg:$0x0] =	wrdreg $0x60  }
0xae: {  	[dreg:$0x2] =	wrdreg s24  }
0xaf: {  	[dreg:$0x3] =	wrdreg s2  }
0xb0: {  	[dreg:$0x4] =	wrdreg $0x68000  }
0xb1: {  	[dreg:$0x5] =	wrdreg $0x9  }
0xb2: {  	_ =	task.clear_ibuf [dreg:s7], $0x6FFFF;
	_ =	strace $0x90000046  }
0xb3: {  	s29 =	simm.s32 $0x9;
	_ =	strace $0x80000048  }
0xb4: {  	_ =	swait.ge [sflag:s29], $0x1  }
0xb5: {  	[sflag:s29] =	ssyncadd.s32 $0xFFFFFFFF  }
0xb6: {  	_ =	strace $0x90000048  }
0xb7: {  	_ =	sfence  }
0xb8: {  	s30 =	sld [smem:$0x0];
	_ =	sdelay $0x2  }
0xb9: {  	s31 =	sshll.u32 s1, $0xD;
	s1 =	sshrl.u32 s1, $0x2  }
0xba: {  	s3 =	sand.u32 $0x4000, s31;
	s1 =	sadd.s32 s1, s30  }
0xbb: {  	s0 =	sor.u32 s3, s0;
	s1 =	sshll.u32 s1, $0x11  }
0xbc: {  	s0 =	sor.u32 s1, s0  }
0xbd: {  	s0 =	sadd.s32 $0x8F2B, s0  }
0xbe: {  	[sflag:s0] =	ssyncadd.remote.s32 $0x1  }
0xbf: {  	_ =	sfence.sel $0xFFFF  }
0xc0: {  	[dreg:$0x0] =	wrdreg $0xFFFFFFFF;
	(pc) =	sbr.abs _section_cstart, $3  }
0xc1: {  	[dreg:$0x1] =	wrdreg $0xFFFFFFFF  }
0xc2: {  	_ =	task.clear_ibuf [dreg:s7], $0x2FFFF;
	_ =	strace $0x9FFFFFFF  }
0xc3: {  	(tm) =	ssettm $0x7FFFFFFF  }
tec
execute0_lowered:
.L_overlay_start_1:
0x0: {  	(tag) =	ssettag $0x1  }
0x1: {  	s5 =	rddreg [dreg:$0x0]  }
0x2: {  	s6 =	rddreg [dreg:$0x1]  }
0x3: {  	s2 =	rddreg [dreg:$0x2]  }
0x4: {  	s0 =	rddreg [dreg:$0x3];
	s1 =	stileid.u32  }
0x5: {  	s7 =	srdreg.scid;
	s3 =	simm.s32 $0x0;
	s4 =	smul.u32 $0x500, s1  }
0x6: {  	s14 =	simm.s32 $0x80;
	s15 =	simm.s32 $0x0;
	s8 =	smul.u32 $0x14000, s1  }
0x7: {  	s7 =	sand.u32 $0x1, s7;
	[smem:$0x7FF] =	sst s3;
	s13 =	smul.u32 $0x50000, s1  }
0x8: {  	s31 =	sshll.u32 s1, $0x6;
	s9 =	smul.u32 $0x140000, s7;
	_ =	strace $0x80000047  }
0x9: {  	s11 =	ssub.s32 $0x2, s7;
	s30 =	smul.u32 $0x5000, s7;
	s10 =	sadd.s32 s4, s5  }
0xa: {  	s4 =	sadd.s32 $0x7A00, s5;
	s12 =	sshrl.u32 s11, $0x1;
	s29 =	sshrl.u32 s13, $0x2  }
0xb: {  	s9 =	sadd.s32 s8, s9;
	s11 =	ssub.s32 s11, s12;
	s8 =	sshrl.u32 s8, $0x3  }
0xc: {  	s13 =	sadd.s32 s29, s2;
	s12 =	sor.u32 $0x1C01, s31;
	s9 =	sshrl.u32 s9, $0x3  }
0xd: {  	s6 =	sadd.s32 s6, s8;
	s8 =	smax.u32 s11, $0x1;
	s11 =	simm.s32 $0x2800  }
0xe: {  	s13 =	sshrl.u32 s13, $0x3;
	s9 =	sadd.s32 s9, s5;
	s5 =	sadd.s32 $0x2A00, s10  }
0xf: {  	s10 =	simm.s32 $0x1;
	s7 =	sadd.s32 $0x8200, s9;
	s9 =	sshrl.u32 s30, $0x2  }
.LBB2_1:
0x10: {  	[tilespmem:s3], [sflag:$0x1] =	stream.linear.gather [hbm4b:s5+s3], $0x2800, $0x38;
	[tilespmem:$0x1A800] =	vst v63  }
0x11: {  	_ =	swait.ge [sflag:s10], $0x2800  }
0x12: {  	[sflag:s10] =	ssyncset.done $0x0  }
0x13: {  	[sflag:s10] =	ssyncadd.s32 $0xFFFFD800  }
0x14: {  	[tilespmem:s11], [sflag:$0x1] =	stream.linear.gather [hbm4b:s4+s3], $0x4000, $0x38;
	[tilespmem:$0x1A800] =	vst v63  }
0x15: {  	_ =	swait.ge [sflag:s10], $0x4000  }
0x16: {  	[sflag:s10] =	ssyncset.done $0x0  }
0x17: {  	[sflag:s10] =	ssyncadd.s32 $0xFFFFC000  }
0x18: {  	[spmem:s13], [sflag:s12] =	dma.local [hbm:s6], $0x2800  }
0x19: {  	_ =	swait.ge [sflag:s10], $0x2800  }
0x1a: {  	[sflag:s10] =	ssyncset.done $0x0  }
0x1b: {  	[sflag:s10] =	ssyncadd.s32 $0xFFFFD800  }
0x1c: {  	s16 =	sadd.s32 $0x0, s9;
	[bflag:$0x0] =	sbarrier.arrive $0xFFFF  }
0x1d: {  	[spmem:s2] =	stream.indirect.scatter.add.f32 [tilespmem:s11], [sflag:$0x1], $0x80, s16, s14, $0xb8;
	[tilespmem:$0x1A800] =	vst v63  }
0x1e: {  	s16 =	simm.s32 $0x200;
	_ =	swait.ge [sflag:s10], $0x4000  }
.LBB2_2:
0x1f: {  	s17 =	sshra.s32 s16, $0x2;
	[sflag:s10] =	ssyncset.done $0x0;
	p0 =	sne.s32 s16, $0x4E00  }
.Ltmp0:
0x20: {  	s17 =	sadd.s32 s17, s9;
	[sflag:s10] =	ssyncadd.s32 $0xFFFFC000;
	(pc) =	sbr.rel @p0 .LBB2_2-.Ltmp0, $3  }
0x21: {  	[spmem:s2] =	stream.indirect.scatter.add.f32 [tilespmem:s11], [sflag:$0x1], $0x80, s17, s14, $0xb8;
	[tilespmem:$0x1A800] =	vst v63  }
0x22: {  	s16 =	sadd.s32 $0x200, s16;
	_ =	sdelay $0x1  }
0x23: {  	_ =	swait.ge [sflag:s10], $0x4000  }
0x24: {  	[sflag:s10] =	ssyncset.done $0x0;
	s15 =	sadd.s32 $0x1, s15  }
0x25: {  	[sflag:s10] =	ssyncadd.s32 $0xFFFFC000;
	p0 =	sne.s32 s15, s8  }
.Ltmp1:
0x26: {  	[bflag:$0x0] =	sbarrier.arrive $0xFFFF;
	(pc) =	sbr.rel @p0 .LBB2_1-.Ltmp1, $4  }
0x27: {  	[hbm:s7], [sflag:s12] =	dma.local [spmem:s13], $0x2800  }
0x28: {  	_ =	swait.ge [sflag:s10], $0x2800  }
0x29: {  	[sflag:s10] =	ssyncset.done $0x0  }
0x2a: {  	[sflag:s10] =	ssyncadd.s32 $0xFFFFD800  }
0x2b: {  	_ =	sfence.sel $0x180000  }
0x2c: {  	[bflag:$0x0] =	sbarrier.arrive $0xFFFF  }
0x2d: {  	p0 =	sne.s32 s1, $0x0;
	_ =	strace $0x90000047  }
0x2e: {  	s0 =	sadd.s32 @!p0 $0x100000, s0;
	[bflag:$0x2] =	sbarrier.arrive $0xFFFF  }
0x2f: {  	[sflag:s0] =	ssyncadd.tile.s32 @!p0 $0x1;
	_ =	shalt  }
.Lfunc_end2:
_tile_overlayer_lowered:
.L_overlay_start_2:
0x30: {  	(tag) =	ssettag $0x2  }
0x31: {  	s0 =	rddreg [dreg:$0x0];
	s2 =	stileid.u32  }
0x32: {  	s1 =	rddreg [dreg:$0x1];
	p0 =	sne.s32 s2, $0x0  }
0x33: {  	s3 =	rddreg [dreg:$0x2];
	[bflag:$0x3] =	sbarrier.arrive $0xFFFF;
	s2 =	simm.s32 @!p0 $0x1C01  }
0x34: {  	[timem:s3], [sflag:s2] =	dma.local @!p0 [hbm:s0], s1  }
0x35: {  	s0 =	simm.s32 @!p0 $0x1  }
0x36: {  	_ =	swait.ge @!p0 [sflag:s0], s1  }
0x37: {  	s1 =	ssub.s32 @!p0 $0x0, s1;
	[sflag:s0] =	ssyncset.done @!p0 $0x0  }
0x38: {  	[sflag:s0] =	ssyncadd.s32 @!p0 s1  }
0x39: {  	[bflag:$0x3] =	sbarrier.arrive $0xFFFF  }
0x3a: {  	_ =	shalt  }

// kernel: kernel.13.cloned.1.call-start
scs
__scs_entry_jumppad:
0x0: {  	(pc) =	sbr.rel $0x88, $3  }
0x1: {  	(tag) =	ssettag $0x0;
	lr =	simm.s32 $0x1  }
0x2: {  	[smem:$0x3F99] =	sst lr;
	_ =	strace $0xD0000000  }
0x3: {  	_ = 	snop  }
0x4: {  	_ = 	snop  }
0x5: {  	_ = 	snop  }
0x6: {  	_ = 	snop  }
0x7: {  	_ = 	snop  }
__scs_overlays_trampoline_lowered:
0x8: {  	[smem:$0x3FA8] =	sst s0  }
0x9: {  	[smem:$0x3FA9] =	sst s1  }
0xa: {  	[smem:$0x3FAA] =	sst s2  }
0xb: {  	[smem:$0x3FAB] =	sst s3  }
0xc: {  	[smem:$0x3FAC] =	sst s4  }
0xd: {  	[smem:$0x3FAD] =	sst s5  }
0xe: {  	[smem:$0x3FAE] =	sst s6  }
0xf: {  	[smem:$0x3FAF] =	sst s7  }
0x10: {  	[smem:$0x3FB0] =	sst s8  }
0x11: {  	[smem:$0x3FB1] =	sst s9;
	s0 =	simm.s32 @!p0 $0x0  }
0x12: {  	s1 =	sld [smem:$0x3F97];
	s0 =	simm.s32 @p0 $0x1  }
0x13: {  	[smem:$0x3FB2] =	sst s0;
	s0 =	simm.s32 @!p1 $0x0  }
0x14: {  	s2 =	sld [smem:$0x3F96];
	s0 =	simm.s32 @p1 $0x1  }
0x15: {  	[smem:$0x3FB3] =	sst s0;
	s0 =	simm.s32 @!p2 $0x0  }
0x16: {  	s3 =	sld [smem:$0x3FDB];
	s0 =	simm.s32 @p2 $0x1  }
0x17: {  	s4 =	simm.s32 $0x1BF5;
	[smem:$0x3FB5] =	sst s0  }
0x18: {  	s0 =	sld [smem:$0x3F98];
	_ =	swait.ge [sflag:s4], $0x0  }
0x19: {  	s7 =	sld [smem:$0x3F99]  }
0x1a: {  	s8 =	sadd.s32 $0xFFFFE003, lr  }
0x1b: {  	s9 =	sadd.s32 $0xFFFFFEF7, lr;
	s5 =	simm.s32 $0xFFFFFFFF;
	p2 =	slt.u32 s8, $0xFFFFF086  }
0x1c: {  	p1 =	slt.u32 s9, $0xF7A;
	s5 =	simm.s32 @!p2 $0x0  }
0x1d: {  	s5 =	simm.s32 @p1 $0x1;
	p0 =	seq.s32 s7, s2  }
0x1e: {  	s7 =	smul.u32 @!p0 $0xF7A, s2;
	p2 =	seq.s32 @!p0 s5, $0x0  }
0x1f: {  	s9 =	smul.u32 $0xF7A, s1;
	s8 =	simm.s32 @!p0 $0x1BF5;
	p2 =	por !p2, p0  }
0x20: {  	[sflag:s8] =	ssyncset.s32 @!p0 $0xFFFFF086;
	s6 =	sadd.s32 @!p0 s3, s7;
	s7 =	simm.s32 @!p0 $0x108  }
0x21: {  	s3 =	sadd.s32 s3, s9;
	s6 =	sadd.s32 @!p0 $0x88, s6;
	s7 =	simm.s32 @p2 $0x1082  }
0x22: {  	[simem:s7], [sflag:s8] =	dma.local @!p0 [hbm:s6], $0xF7A  }
0x23: {  	s9 =	sor.u32 $0xD0000000, s2;
	s6 =	simm.s32 $0x108;
	_ =	swait.ge @!p0 [sflag:s8], $0x0  }
0x24: {  	s3 =	sadd.s32 $0x88, s3;
	s6 =	simm.s32 @!p1 $0x1082;
	[sflag:s4] =	ssyncset.s32 $0xFFFFF086  }
0x25: {  	[simem:s6], [sflag:s4] =	dma.local [hbm:s3], $0xF7A  }
0x26: {  	[smem:$0x3F99] =	sst s1;
	(tag) =	ssettag s2;
	_ =	strace s9  }
0x27: {  	s1 =	sld [smem:$0x3FA9]  }
0x28: {  	s2 =	sld [smem:$0x3FAA]  }
0x29: {  	s4 =	sld [smem:$0x3FAC]  }
0x2a: {  	p0 =	seq.s32 s5, $0x0;
	s5 =	sld [smem:$0x3FAD]  }
0x2b: {  	s6 =	sld [smem:$0x3FAE]  }
0x2c: {  	s7 =	sld [smem:$0x3FAF]  }
0x2d: {  	s3 =	simm.s32 $0x108;
	s8 =	sld [smem:$0x3FB0]  }
0x2e: {  	s3 =	simm.s32 @!p0 $0x1082;
	s9 =	sld [smem:$0x3FB1]  }
0x2f: {  	lr =	sadd.s32 s0, s3;
	s0 =	sld [smem:$0x3FA8]  }
0x30: {  	s3 =	sld [smem:$0x3FAB]  }
0x31: {  	[smem:$0x3FB4] =	sst s10  }
0x32: {  	s10 =	sld [smem:$0x3FB2];
	_ =	sdelay $0x3  }
0x33: {  	p0 =	seq.s32 s10, $0x1;
	s10 =	sld [smem:$0x3FB4];
	_ =	sdelay $0x3  }
0x34: {  	[smem:$0x3FB4] =	sst s10  }
0x35: {  	s10 =	sld [smem:$0x3FB3];
	_ =	sdelay $0x3  }
0x36: {  	p1 =	seq.s32 s10, $0x1;
	s10 =	sld [smem:$0x3FB4];
	_ =	sdelay $0x3  }
0x37: {  	[smem:$0x3FB4] =	sst s10  }
0x38: {  	s10 =	sld [smem:$0x3FB5]  }
0x39: {  	_ = 	snop;
	(pc) =	sbr.ind lr, $3  }
0x3a: {  	_ = 	snop  }
0x3b: {  	_ = 	snop  }
0x3c: {  	p2 =	seq.s32 s10, $0x1;
	s10 =	sld [smem:$0x3FB4]  }
0x3d: {  	_ =	shalt  }
0x3e: {  	_ =	shalt  }
0x3f: {  	_ =	shalt  }
0x40: {  	_ =	shalt  }
0x41: {  	_ =	shalt  }
0x42: {  	_ =	shalt  }
0x43: {  	_ =	shalt  }
0x44: {  	_ =	shalt  }
0x45: {  	_ =	shalt  }
0x46: {  	_ =	shalt  }
0x47: {  	_ =	shalt  }
0x48: {  	_ =	shalt  }
0x49: {  	_ =	shalt  }
0x4a: {  	_ =	shalt  }
0x4b: {  	_ =	shalt  }
0x4c: {  	_ =	shalt  }
0x4d: {  	_ =	shalt  }
0x4e: {  	_ =	shalt  }
0x4f: {  	_ =	shalt  }
0x50: {  	_ =	shalt  }
0x51: {  	_ =	shalt  }
0x52: {  	_ =	shalt  }
0x53: {  	_ =	shalt  }
0x54: {  	_ =	shalt  }
0x55: {  	_ =	shalt  }
0x56: {  	_ =	shalt  }
0x57: {  	_ =	shalt  }
0x58: {  	_ =	shalt  }
0x59: {  	_ =	shalt  }
0x5a: {  	_ =	shalt  }
0x5b: {  	_ =	shalt  }
0x5c: {  	_ =	shalt  }
0x5d: {  	_ =	shalt  }
0x5e: {  	_ =	shalt  }
0x5f: {  	_ =	shalt  }
0x60: {  	_ =	shalt  }
0x61: {  	_ =	shalt  }
0x62: {  	_ =	shalt  }
0x63: {  	_ =	shalt  }
0x64: {  	_ =	shalt  }
0x65: {  	_ =	shalt  }
0x66: {  	_ =	shalt  }
0x67: {  	_ =	shalt  }
0x68: {  	_ =	shalt  }
0x69: {  	_ =	shalt  }
0x6a: {  	_ =	shalt  }
0x6b: {  	_ =	shalt  }
0x6c: {  	_ =	shalt  }
0x6d: {  	_ =	shalt  }
0x6e: {  	_ =	shalt  }
0x6f: {  	_ =	shalt  }
0x70: {  	_ =	shalt  }
0x71: {  	_ =	shalt  }
0x72: {  	_ =	shalt  }
0x73: {  	_ =	shalt  }
0x74: {  	_ =	shalt  }
0x75: {  	_ =	shalt  }
0x76: {  	_ =	shalt  }
0x77: {  	_ =	shalt  }
0x78: {  	_ =	shalt  }
0x79: {  	_ =	shalt  }
0x7a: {  	_ =	shalt  }
0x7b: {  	_ =	shalt  }
0x7c: {  	_ =	shalt  }
0x7d: {  	_ =	shalt  }
0x7e: {  	_ =	shalt  }
0x7f: {  	_ =	shalt  }
0x80: {  	_ =	shalt  }
0x81: {  	_ =	shalt  }
0x82: {  	_ =	shalt  }
0x83: {  	_ =	shalt  }
0x84: {  	_ =	shalt  }
0x85: {  	_ =	shalt  }
0x86: {  	_ =	shalt  }
0x87: {  	_ =	shalt  }
.Lfunc_end0:
.L_simem_size_0:
called_computation.1_lowered:
.L_overlay_start_0:
0x88: {  	s2 =	sld [smem:$0x3FD9]  }
0x89: {  	s3 =	sld [smem:$0x3FFE];
	_ =	sdelay $0x1  }
0x8a: {  	s1 =	srdreg.scid  }
0x8b: {  	s0 =	sand.u32 $0x1, s1  }
0x8c: {  	s16 =	sshll.u32 s0, $0xA;
	s2 =	sadd.s32 s3, s2  }
0x8d: {  	s2 =	sadd.s32 s2, s16  }
0x8e: {  	[smem:$0x3FC0] =	sst s2  }
0x8f: {  	_ = 	snop  }
0x90: {  	(tm) =	ssettm $0x1  }
0x91: {  	s17 =	sld [smem:$0x3FFB];
	_ =	sdelay $0x3  }
0x92: {  	_ =	strace s17  }
0x93: {  	s2 =	sld [smem:$0x3FFC];
	_ =	sdelay $0x3  }
0x94: {  	_ =	strace s2  }
0x95: {  	s2 =	sld [smem:$0x3FFD];
	_ =	sdelay $0x3  }
0x96: {  	_ =	strace s2  }
0x97: {  	_ =	strace $0x8FFFFFFF  }
0x98: {  	s18 =	sld [smem:$0x3FDB];
	_ =	sdelay $0x1  }
0x99: {  	s19 =	simm.s32 $_scs_section_size  }
0x9a: {  	s4 =	simm.s32 $_size__tile_overlayer_lowered;
	s5 =	simm.s32 $_tile_overlayer_lowered  }
0x9b: {  	s22 =	simm.s32 $0x1BFF;
	s21 =	sshll.u32 s5, $0x1;
	s2 =	sadd.s32 s19, s18  }
0x9c: {  	s6 =	simm.s32 $0x0;
	s20 =	sshll.u32 s4, $0x1;
	s4 =	sadd.s32 s21, s2  }
0x9d: {  	[timem:s6], [sflag:s22] =	dma.local [hbm:s4], s20  }
0x9e: {  	_ =	swait.ge [sflag:s22], s20  }
0x9f: {  	s3 =	ssub.s32 $0x0, s20;
	[sflag:s22] =	ssyncset.done $0x0  }
0xa0: {  	[sflag:s22] =	ssyncadd.s32 s3;
	_ =	sdelay $0x1  }
0xa1: {  	s23 =	simm.s32 $0x1B8B  }
0xa2: {  	_ =	swait.ge [sflag:s23], $0x1  }
0xa3: {  	[sflag:s23] =	ssyncset.done $0x0  }
0xa4: {  	s25 =	simm.s32 $0x1B8E;
	s24 =	sld [smem:$0x3FFE];
	[sflag:s23] =	ssyncadd.s32 $0xFFFFFFFF  }
0xa5: {  	s26 =	simm.s32 $execute0_lowered;
	[smem:$0x3FD2] =	sst s25  }
0xa6: {  	s4 =	sshll.u32 s26, $0x1;
	_ =	strace $0x80000049;
	[dreg:$0x1] =	wrdreg $0xFFFFFFFF  }
0xa7: {  	s28 =	simm.s32 $_size_execute0_lowered;
	s2 =	sadd.s32 s2, s4;
	[dreg:$0x0] =	wrdreg $0x0  }
0xa8: {  	s4 =	sshll.u32 s28, $0x1;
	[dreg:$0x2] =	wrdreg s2  }
0xa9: {  	[dreg:$0x3] =	wrdreg s4  }
0xaa: {  	[dreg:$0x4] =	wrdreg $0xC0  }
0xab: {  	_ =	task [dreg:s6], $0x5FFFF  }
0xac: {  	[dreg:$0x1] =	wrdreg $0xFFFFFFFF  }
0xad: {  	[dreg:$0x0] =	wrdreg $0x60  }
0xae: {  	[dreg:$0x2] =	wrdreg s24  }
0xaf: {  	[dreg:$0x3] =	wrdreg $0xBC000  }
0xb0: {  	[dreg:$0x4] =	wrdreg $0x9  }
0xb1: {  	_ =	task.clear_ibuf [dreg:s6], $0x5FFFF;
	_ =	strace $0x90000049  }
0xb2: {  	s29 =	simm.s32 $0x9;
	_ =	strace $0x8000004B  }
0xb3: {  	_ =	swait.ge [sflag:s29], $0x1  }
0xb4: {  	[sflag:s29] =	ssyncadd.s32 $0xFFFFFFFF  }
0xb5: {  	_ =	strace $0x9000004B  }
0xb6: {  	_ =	sfence  }
0xb7: {  	s30 =	sld [smem:$0x0];
	_ =	sdelay $0x2  }
0xb8: {  	s31 =	sshll.u32 s1, $0xD;
	s1 =	sshrl.u32 s1, $0x2  }
0xb9: {  	s3 =	sand.u32 $0x4000, s31;
	s1 =	sadd.s32 s1, s30  }
0xba: {  	s0 =	sor.u32 s3, s0;
	s1 =	sshll.u32 s1, $0x11  }
0xbb: {  	s0 =	sor.u32 s1, s0  }
0xbc: {  	s0 =	sadd.s32 $0x8F2B, s0  }
0xbd: {  	[sflag:s0] =	ssyncadd.remote.s32 $0x1  }
0xbe: {  	_ =	sfence.sel $0xFFFF  }
0xbf: {  	[dreg:$0x0] =	wrdreg $0xFFFFFFFF;
	(pc) =	sbr.abs _section_cstart, $3  }
0xc0: {  	[dreg:$0x1] =	wrdreg $0xFFFFFFFF  }
0xc1: {  	_ =	task.clear_ibuf [dreg:s6], $0x2FFFF;
	_ =	strace $0x9FFFFFFF  }
0xc2: {  	(tm) =	ssettm $0x7FFFFFFF  }
0xc3: {  	_ =	shalt  }
tec
execute0_lowered:
.L_overlay_start_1:
0x0: {  	(tag) =	ssettag $0x1  }
0x1: {  	s5 =	rddreg [dreg:$0x0];
	s1 =	stileid.u32  }
0x2: {  	s2 =	rddreg [dreg:$0x1];
	s10 =	smul.u32 $0x2800, s1  }
0x3: {  	s0 =	rddreg [dreg:$0x2];
	s3 =	simm.s32 $0x0;
	s12 =	smul.u32 $0x280, s1  }
0x4: {  	s4 =	srdreg.scid;
	s21 =	simm.s32 $0x1;
	s13 =	smul.u32 $0x50000, s1  }
0x5: {  	[smem:$0x7FF] =	sst s3;
	s6 =	sand.u32 $0x1, s4;
	s25 =	smul.u32 $0x14000, s1  }
0x6: {  	s4 =	sadd.s32 $0xBC200, s5;
	s11 =	sadd.s32 $0xA8200, s5;
	s8 =	smul.u32 $0x50000, s6  }
0x7: {  	s16 =	sadd.s32 $0x7A00, s5;
	s31 =	sshll.u32 s1, $0x6;
	s15 =	smul.u32 $0x5000, s6  }
0x8: {  	_ =	strace $0x8000004A;
	s26 =	smul.u32 $0x280000, s6;
	s17 =	sshllo.u32 s6, $0x1  }
0x9: {  	s22 =	ssub.s32 $0x2, s6;
	s7 =	sshrl.u32 s10, $0x3;
	s19 =	smul.u32 $0x28000, s17  }
0xa: {  	s14 =	sshrl.u32 s22, $0x1;
	s23 =	sshrl.u32 s13, $0x2;
	s20 =	smul.u32 $0x2800, s17  }
0xb: {  	s29 =	smul.u32 $0x140000, s17;
	s17 =	simm.s32 $0x80;
	s9 =	sadd.s32 s7, s5  }
0xc: {  	s8 =	sadd.s32 s10, s8;
	s14 =	ssub.s32 s22, s14;
	s24 =	sadd.s32 s12, s15  }
0xd: {  	s18 =	sadd.s32 s23, s2;
	s15 =	sadd.s32 s25, s26;
	s22 =	simm.s32 $0x2  }
0xe: {  	s23 =	simm.s32 $0x3B00;
	s8 =	sshrl.u32 s8, $0x3;
	s7 =	sadd.s32 $0x2A00, s9  }
0xf: {  	s28 =	sshrl.u32 s15, $0x3;
	s10 =	sadd.s32 s10, s19;
	s12 =	sadd.s32 s12, s20  }
0x10: {  	s13 =	sadd.s32 s25, s29;
	s15 =	sor.u32 $0x1C03, s31;
	s19 =	simm.s32 $0x7C00  }
0x11: {  	s20 =	simm.s32 $0x2800;
	s25 =	simm.s32 $0x0;
	s5 =	sadd.s32 s11, s8  }
0x12: {  	s8 =	sshll.u32 s24, $0x4;
	s10 =	sshrl.u32 s10, $0x3;
	s12 =	sshll.u32 s12, $0x4  }
0x13: {  	s30 =	sshrl.u32 s13, $0x3;
	s13 =	smax.u32 s14, $0x1;
	s14 =	simm.s32 $0x3  }
0x14: {  	s24 =	simm.s32 $0x3B80;
	s6 =	sadd.s32 s4, s8;
	s8 =	sadd.s32 $0x2C80, s9  }
0x15: {  	s9 =	sadd.s32 s16, s28;
	s10 =	sadd.s32 s11, s10;
	s11 =	sadd.s32 s4, s12  }
0x16: {  	s12 =	sadd.s32 s16, s30;
	s16 =	sshrl.u32 s18, $0x3;
	s18 =	simm.s32 $0x3C00  }
.LBB2_1:
0x17: {  	[tilespmem:s3], [sflag:$0x3] =	stream.linear.gather [hbm4b:s5+s3], $0x2800, $0x38;
	[tilespmem:$0x1FC00] =	vst v63  }
0x18: {  	_ =	swait.ge [sflag:s14], $0x2800  }
0x19: {  	[sflag:s14] =	ssyncset.done $0x0  }
0x1a: {  	[sflag:s14] =	ssyncadd.s32 $0xFFFFD800  }
0x1b: {  	[spmem:s16], [sflag:s15] =	dma.local [hbm:s6], $0x2800  }
0x1c: {  	_ =	swait.ge [sflag:s14], $0x2800  }
0x1d: {  	[sflag:s14] =	ssyncset.done $0x0  }
0x1e: {  	[sflag:s14] =	ssyncadd.s32 $0xFFFFD800  }
0x1f: {  	[bflag:$0x0] =	sbarrier.arrive $0xFFFF  }
0x20: {  	[tilespmem:s18], [sflag:$0x1] =	stream.indirect.gather [hbm4b:s4+s17], $0x80, s3, s17, $0xb8;
	[tilespmem:$0x1FC00] =	vst v63  }
0x21: {  	_ = 	snop  }
0x22: {  	[tilespmem:s19], [sflag:$0x2] =	stream.indirect.gather [hbm4b:s4+s17], $0x80, s17, s17, $0xb8;
	[tilespmem:$0x1FC00] =	vst v63  }
0x23: {  	_ = 	snop  }
0x24: {  	[tilespmem:s20], [sflag:$0x3] =	stream.linear.gather [hbm4b:s7+s3], $0x1400, $0x38;
	[tilespmem:$0x1FC00] =	vst v63  }
0x25: {  	_ =	swait.ge [sflag:s14], $0x1400  }
0x26: {  	[sflag:s14] =	ssyncset.done $0x0  }
0x27: {  	[sflag:s14] =	ssyncadd.s32 $0xFFFFEC00  }
0x28: {  	_ =	swait.ge [sflag:s21], $0x4000  }
0x29: {  	[sflag:s21] =	ssyncset.done $0x0  }
0x2a: {  	s26 =	simm.s32 $0x2800;
	[sflag:s21] =	ssyncadd.s32 $0xFFFFC000  }
0x2b: {  	[spmem:s2] =	stream.indirect.scatter.add.f32 [tilespmem:s18], [sflag:$0x3], $0x80, s26, s17, $0xb8;
	[tilespmem:$0x1FC00] =	vst v63  }
0x2c: {  	_ =	swait.ge [sflag:s14], $0x4000  }
0x2d: {  	[sflag:s14] =	ssyncset.done $0x0  }
0x2e: {  	s30 =	simm.s32 $0x100;
	[sflag:s14] =	ssyncadd.s32 $0xFFFFC000  }
0x2f: {  	[tilespmem:s18], [sflag:$0x1] =	stream.indirect.gather [hbm4b:s4+s17], $0x80, s30, s17, $0xb8;
	[tilespmem:$0x1FC00] =	vst v63  }
0x30: {  	_ =	swait.ge [sflag:s22], $0x4000  }
0x31: {  	[sflag:s22] =	ssyncset.done $0x0  }
0x32: {  	s31 =	simm.s32 $0x2880;
	[sflag:s22] =	ssyncadd.s32 $0xFFFFC000  }
0x33: {  	[spmem:s2] =	stream.indirect.scatter.add.f32 [tilespmem:s19], [sflag:$0x3], $0x80, s31, s17, $0xb8;
	[tilespmem:$0x1FC00] =	vst v63  }
0x34: {  	_ =	swait.ge [sflag:s14], $0x4000  }
0x35: {  	[sflag:s14] =	ssyncset.done $0x0  }
0x36: {  	s28 =	simm.s32 $0x180;
	s26 =	simm.s32 $0x400;
	[sflag:s14] =	ssyncadd.s32 $0xFFFFC000  }
.LBB2_2:
0x37: {  	[tilespmem:s19], [sflag:$0x2] =	stream.indirect.gather [hbm4b:s4+s17], $0x80, s28, s17, $0xb8;
	[tilespmem:$0x1FC00] =	vst v63  }
0x38: {  	s28 =	smov.u32 s26  }
0x39: {  	p0 =	sne.s32 s26, $0x4C00;
	s26 =	sadd.s32 $0x400, s26;
	_ =	swait.ge [sflag:s21], $0x4000  }
0x3a: {  	s28 =	sshra.s32 s28, $0x2;
	[sflag:s21] =	ssyncset.done $0x0  }
0x3b: {  	s29 =	sadd.s32 $0x2800, s28;
	[sflag:s21] =	ssyncadd.s32 $0xFFFFC000  }
0x3c: {  	[spmem:s2] =	stream.indirect.scatter.add.f32 [tilespmem:s18], [sflag:$0x3], $0x80, s29, s17, $0xb8;
	[tilespmem:$0x1FC00] =	vst v63  }
0x3d: {  	_ =	swait.ge [sflag:s14], $0x4000  }
0x3e: {  	[sflag:s14] =	ssyncset.done $0x0  }
0x3f: {  	s29 =	sadd.s32 $0x100, s28;
	[sflag:s14] =	ssyncadd.s32 $0xFFFFC000  }
0x40: {  	[tilespmem:s18], [sflag:$0x1] =	stream.indirect.gather [hbm4b:s4+s17], $0x80, s29, s17, $0xb8;
	[tilespmem:$0x1FC00] =	vst v63  }
0x41: {  	_ =	swait.ge [sflag:s22], $0x4000  }
0x42: {  	[sflag:s22] =	ssyncset.done $0x0  }
.Ltmp0:
0x43: {  	s29 =	sadd.s32 $0x2880, s28;
	[sflag:s22] =	ssyncadd.s32 $0xFFFFC000;
	(pc) =	sbr.rel @p0 .LBB2_2-.Ltmp0, $4  }
0x44: {  	[spmem:s2] =	stream.indirect.scatter.add.f32 [tilespmem:s19], [sflag:$0x3], $0x80, s29, s17, $0xb8;
	[tilespmem:$0x1FC00] =	vst v63  }
0x45: {  	_ =	swait.ge [sflag:s14], $0x4000  }
0x46: {  	[sflag:s14] =	ssyncset.done $0x0  }
0x47: {  	s28 =	sadd.s32 $0x180, s28;
	[sflag:s14] =	ssyncadd.s32 $0xFFFFC000  }
0x48: {  	[tilespmem:s19], [sflag:$0x2] =	stream.indirect.gather [hbm4b:s4+s17], $0x80, s28, s17, $0xb8;
	[tilespmem:$0x1FC00] =	vst v63  }
0x49: {  	s26 =	simm.s32 $0x0  }
0x4a: {  	[tilespmem:s20], [sflag:$0x3] =	stream.linear.gather [hbm4b:s8+s26], $0x1400, $0x38;
	[tilespmem:$0x1FC00] =	vst v63  }
0x4b: {  	_ =	swait.ge [sflag:s14], $0x1400  }
0x4c: {  	[sflag:s14] =	ssyncset.done $0x0  }
0x4d: {  	[sflag:s14] =	ssyncadd.s32 $0xFFFFEC00  }
0x4e: {  	_ =	swait.ge [sflag:s21], $0x4000  }
0x4f: {  	[sflag:s21] =	ssyncset.done $0x0  }
0x50: {  	s29 =	simm.s32 $0x2800;
	[sflag:s21] =	ssyncadd.s32 $0xFFFFC000  }
0x51: {  	[spmem:s2] =	stream.indirect.scatter.add.f32 [tilespmem:s18], [sflag:$0x3], $0x80, s29, s17, $0xb8;
	[tilespmem:$0x1FC00] =	vst v63  }
0x52: {  	_ =	swait.ge [sflag:s14], $0x4000  }
0x53: {  	[sflag:s14] =	ssyncset.done $0x0  }
0x54: {  	s30 =	simm.s32 $0x1500;
	[sflag:s14] =	ssyncadd.s32 $0xFFFFC000  }
0x55: {  	[tilespmem:s18], [sflag:$0x1] =	stream.indirect.gather [hbm4b:s4+s17], $0x80, s30, s17, $0xb8;
	[tilespmem:$0x1FC00] =	vst v63  }
0x56: {  	_ =	swait.ge [sflag:s22], $0x4000  }
0x57: {  	[sflag:s22] =	ssyncset.done $0x0  }
0x58: {  	s31 =	simm.s32 $0x2880;
	[sflag:s22] =	ssyncadd.s32 $0xFFFFC000  }
0x59: {  	[spmem:s2] =	stream.indirect.scatter.add.f32 [tilespmem:s19], [sflag:$0x3], $0x80, s31, s17, $0xb8;
	[tilespmem:$0x1FC00] =	vst v63  }
0x5a: {  	_ =	swait.ge [sflag:s14], $0x4000  }
0x5b: {  	[sflag:s14] =	ssyncset.done $0x0  }
0x5c: {  	s28 =	simm.s32 $0x1580;
	s26 =	simm.s32 $0x400;
	[sflag:s14] =	ssyncadd.s32 $0xFFFFC000  }
.LBB2_4:
0x5d: {  	[tilespmem:s19], [sflag:$0x2] =	stream.indirect.gather [hbm4b:s4+s17], $0x80, s28, s17, $0xb8;
	[tilespmem:$0x1FC00] =	vst v63  }
0x5e: {  	s28 =	smov.u32 s26  }
0x5f: {  	p0 =	sne.s32 s26, $0x4800;
	s26 =	sadd.s32 $0x400, s26;
	_ =	swait.ge [sflag:s21], $0x4000  }
0x60: {  	s28 =	sshra.s32 s28, $0x2;
	[sflag:s21] =	ssyncset.done $0x0  }
0x61: {  	s29 =	sadd.s32 $0x2800, s28;
	[sflag:s21] =	ssyncadd.s32 $0xFFFFC000  }
0x62: {  	[spmem:s2] =	stream.indirect.scatter.add.f32 [tilespmem:s18], [sflag:$0x3], $0x80, s29, s17, $0xb8;
	[tilespmem:$0x1FC00] =	vst v63  }
0x63: {  	_ =	swait.ge [sflag:s14], $0x4000  }
0x64: {  	[sflag:s14] =	ssyncset.done $0x0  }
0x65: {  	s29 =	sadd.s32 $0x1500, s28;
	[sflag:s14] =	ssyncadd.s32 $0xFFFFC000  }
0x66: {  	[tilespmem:s18], [sflag:$0x1] =	stream.indirect.gather [hbm4b:s4+s17], $0x80, s29, s17, $0xb8;
	[tilespmem:$0x1FC00] =	vst v63  }
0x67: {  	_ =	swait.ge [sflag:s22], $0x4000  }
0x68: {  	[sflag:s22] =	ssyncset.done $0x0  }
.Ltmp1:
0x69: {  	s29 =	sadd.s32 $0x2880, s28;
	[sflag:s22] =	ssyncadd.s32 $0xFFFFC000;
	(pc) =	sbr.rel @p0 .LBB2_4-.Ltmp1, $4  }
0x6a: {  	[spmem:s2] =	stream.indirect.scatter.add.f32 [tilespmem:s19], [sflag:$0x3], $0x80, s29, s17, $0xb8;
	[tilespmem:$0x1FC00] =	vst v63  }
0x6b: {  	_ =	swait.ge [sflag:s14], $0x4000  }
0x6c: {  	[sflag:s14] =	ssyncset.done $0x0  }
0x6d: {  	s28 =	sadd.s32 $0x1580, s28;
	[sflag:s14] =	ssyncadd.s32 $0xFFFFC000  }
0x6e: {  	[tilespmem:s19], [sflag:$0x2] =	stream.indirect.gather [hbm4b:s4+s17], $0x80, s28, s17, $0xb8;
	[tilespmem:$0x1FC00] =	vst v63  }
0x6f: {  	_ =	swait.ge [sflag:s21], $0x4000  }
0x70: {  	[sflag:s21] =	ssyncset.done $0x0  }
0x71: {  	[sflag:s21] =	ssyncadd.s32 $0xFFFFC000  }
0x72: {  	[spmem:s2] =	stream.indirect.scatter.add.f32 [tilespmem:s18], [sflag:$0x3], $0x80, s23, s17, $0xb8;
	[tilespmem:$0x1FC00] =	vst v63  }
0x73: {  	_ =	swait.ge [sflag:s14], $0x4000  }
0x74: {  	[sflag:s14] =	ssyncset.done $0x0  }
0x75: {  	[sflag:s14] =	ssyncadd.s32 $0xFFFFC000  }
0x76: {  	_ =	swait.ge [sflag:s22], $0x4000  }
0x77: {  	[sflag:s22] =	ssyncset.done $0x0  }
0x78: {  	[sflag:s22] =	ssyncadd.s32 $0xFFFFC000  }
0x79: {  	[spmem:s2] =	stream.indirect.scatter.add.f32 [tilespmem:s19], [sflag:$0x3], $0x80, s24, s17, $0xb8;
	[tilespmem:$0x1FC00] =	vst v63  }
0x7a: {  	_ =	swait.ge [sflag:s14], $0x4000  }
0x7b: {  	[sflag:s14] =	ssyncset.done $0x0  }
0x7c: {  	[sflag:s14] =	ssyncadd.s32 $0xFFFFC000  }
0x7d: {  	[bflag:$0x0] =	sbarrier.arrive $0xFFFF  }
0x7e: {  	[hbm:s9], [sflag:s15] =	dma.local [spmem:s16], $0x2800  }
0x7f: {  	_ =	swait.ge [sflag:s14], $0x2800  }
0x80: {  	[sflag:s14] =	ssyncset.done $0x0  }
0x81: {  	[sflag:s14] =	ssyncadd.s32 $0xFFFFD800  }
0x82: {  	s26 =	simm.s32 $0x0;
	[bflag:$0x0] =	sbarrier.arrive $0xFFFF  }
0x83: {  	[tilespmem:s26], [sflag:$0x3] =	stream.linear.gather [hbm4b:s10+s26], $0x2800, $0x38;
	[tilespmem:$0x1FC00] =	vst v63  }
0x84: {  	_ =	swait.ge [sflag:s14], $0x2800  }
0x85: {  	[sflag:s14] =	ssyncset.done $0x0  }
0x86: {  	[sflag:s14] =	ssyncadd.s32 $0xFFFFD800  }
0x87: {  	[spmem:s16], [sflag:s15] =	dma.local [hbm:s11], $0x2800  }
0x88: {  	_ =	swait.ge [sflag:s14], $0x2800  }
0x89: {  	[sflag:s14] =	ssyncset.done $0x0  }
0x8a: {  	[sflag:s14] =	ssyncadd.s32 $0xFFFFD800  }
0x8b: {  	[bflag:$0x0] =	sbarrier.arrive $0xFFFF  }
0x8c: {  	[tilespmem:s18], [sflag:$0x1] =	stream.indirect.gather [hbm4b:s4+s17], $0x80, s26, s17, $0xb8;
	[tilespmem:$0x1FC00] =	vst v63  }
0x8d: {  	_ = 	snop  }
0x8e: {  	[tilespmem:s19], [sflag:$0x2] =	stream.indirect.gather [hbm4b:s4+s17], $0x80, s17, s17, $0xb8;
	[tilespmem:$0x1FC00] =	vst v63  }
0x8f: {  	_ = 	snop  }
0x90: {  	[tilespmem:s20], [sflag:$0x3] =	stream.linear.gather [hbm4b:s7+s26], $0x1400, $0x38;
	[tilespmem:$0x1FC00] =	vst v63  }
0x91: {  	_ =	swait.ge [sflag:s14], $0x1400  }
0x92: {  	[sflag:s14] =	ssyncset.done $0x0  }
0x93: {  	[sflag:s14] =	ssyncadd.s32 $0xFFFFEC00  }
0x94: {  	_ =	swait.ge [sflag:s21], $0x4000  }
0x95: {  	[sflag:s21] =	ssyncset.done $0x0  }
0x96: {  	s29 =	simm.s32 $0x2800;
	[sflag:s21] =	ssyncadd.s32 $0xFFFFC000  }
0x97: {  	[spmem:s2] =	stream.indirect.scatter.add.f32 [tilespmem:s18], [sflag:$0x3], $0x80, s29, s17, $0xb8;
	[tilespmem:$0x1FC00] =	vst v63  }
0x98: {  	_ =	swait.ge [sflag:s14], $0x4000  }
0x99: {  	[sflag:s14] =	ssyncset.done $0x0  }
0x9a: {  	s30 =	simm.s32 $0x100;
	[sflag:s14] =	ssyncadd.s32 $0xFFFFC000  }
0x9b: {  	[tilespmem:s18], [sflag:$0x1] =	stream.indirect.gather [hbm4b:s4+s17], $0x80, s30, s17, $0xb8;
	[tilespmem:$0x1FC00] =	vst v63  }
0x9c: {  	_ =	swait.ge [sflag:s22], $0x4000  }
0x9d: {  	[sflag:s22] =	ssyncset.done $0x0  }
0x9e: {  	s31 =	simm.s32 $0x2880;
	[sflag:s22] =	ssyncadd.s32 $0xFFFFC000  }
0x9f: {  	[spmem:s2] =	stream.indirect.scatter.add.f32 [tilespmem:s19], [sflag:$0x3], $0x80, s31, s17, $0xb8;
	[tilespmem:$0x1FC00] =	vst v63  }
0xa0: {  	_ =	swait.ge [sflag:s14], $0x4000  }
0xa1: {  	[sflag:s14] =	ssyncset.done $0x0  }
0xa2: {  	s28 =	simm.s32 $0x180;
	s26 =	simm.s32 $0x400;
	[sflag:s14] =	ssyncadd.s32 $0xFFFFC000  }
.LBB2_6:
0xa3: {  	[tilespmem:s19], [sflag:$0x2] =	stream.indirect.gather [hbm4b:s4+s17], $0x80, s28, s17, $0xb8;
	[tilespmem:$0x1FC00] =	vst v63  }
0xa4: {  	s28 =	smov.u32 s26  }
0xa5: {  	p0 =	sne.s32 s26, $0x4C00;
	s26 =	sadd.s32 $0x400, s26;
	_ =	swait.ge [sflag:s21], $0x4000  }
0xa6: {  	s28 =	sshra.s32 s28, $0x2;
	[sflag:s21] =	ssyncset.done $0x0  }
0xa7: {  	s29 =	sadd.s32 $0x2800, s28;
	[sflag:s21] =	ssyncadd.s32 $0xFFFFC000  }
0xa8: {  	[spmem:s2] =	stream.indirect.scatter.add.f32 [tilespmem:s18], [sflag:$0x3], $0x80, s29, s17, $0xb8;
	[tilespmem:$0x1FC00] =	vst v63  }
0xa9: {  	_ =	swait.ge [sflag:s14], $0x4000  }
0xaa: {  	[sflag:s14] =	ssyncset.done $0x0  }
0xab: {  	s29 =	sadd.s32 $0x100, s28;
	[sflag:s14] =	ssyncadd.s32 $0xFFFFC000  }
0xac: {  	[tilespmem:s18], [sflag:$0x1] =	stream.indirect.gather [hbm4b:s4+s17], $0x80, s29, s17, $0xb8;
	[tilespmem:$0x1FC00] =	vst v63  }
0xad: {  	_ =	swait.ge [sflag:s22], $0x4000  }
0xae: {  	[sflag:s22] =	ssyncset.done $0x0  }
.Ltmp2:
0xaf: {  	s29 =	sadd.s32 $0x2880, s28;
	[sflag:s22] =	ssyncadd.s32 $0xFFFFC000;
	(pc) =	sbr.rel @p0 .LBB2_6-.Ltmp2, $4  }
0xb0: {  	[spmem:s2] =	stream.indirect.scatter.add.f32 [tilespmem:s19], [sflag:$0x3], $0x80, s29, s17, $0xb8;
	[tilespmem:$0x1FC00] =	vst v63  }
0xb1: {  	_ =	swait.ge [sflag:s14], $0x4000  }
0xb2: {  	[sflag:s14] =	ssyncset.done $0x0  }
0xb3: {  	s28 =	sadd.s32 $0x180, s28;
	[sflag:s14] =	ssyncadd.s32 $0xFFFFC000  }
0xb4: {  	[tilespmem:s19], [sflag:$0x2] =	stream.indirect.gather [hbm4b:s4+s17], $0x80, s28, s17, $0xb8;
	[tilespmem:$0x1FC00] =	vst v63  }
0xb5: {  	s26 =	simm.s32 $0x0  }
0xb6: {  	[tilespmem:s20], [sflag:$0x3] =	stream.linear.gather [hbm4b:s8+s26], $0x1400, $0x38;
	[tilespmem:$0x1FC00] =	vst v63  }
0xb7: {  	_ =	swait.ge [sflag:s14], $0x1400  }
0xb8: {  	[sflag:s14] =	ssyncset.done $0x0  }
0xb9: {  	[sflag:s14] =	ssyncadd.s32 $0xFFFFEC00  }
0xba: {  	_ =	swait.ge [sflag:s21], $0x4000  }
0xbb: {  	[sflag:s21] =	ssyncset.done $0x0  }
0xbc: {  	s29 =	simm.s32 $0x2800;
	[sflag:s21] =	ssyncadd.s32 $0xFFFFC000  }
0xbd: {  	[spmem:s2] =	stream.indirect.scatter.add.f32 [tilespmem:s18], [sflag:$0x3], $0x80, s29, s17, $0xb8;
	[tilespmem:$0x1FC00] =	vst v63  }
0xbe: {  	_ =	swait.ge [sflag:s14], $0x4000  }
0xbf: {  	[sflag:s14] =	ssyncset.done $0x0  }
0xc0: {  	s30 =	simm.s32 $0x1500;
	[sflag:s14] =	ssyncadd.s32 $0xFFFFC000  }
0xc1: {  	[tilespmem:s18], [sflag:$0x1] =	stream.indirect.gather [hbm4b:s4+s17], $0x80, s30, s17, $0xb8;
	[tilespmem:$0x1FC00] =	vst v63  }
0xc2: {  	_ =	swait.ge [sflag:s22], $0x4000  }
0xc3: {  	[sflag:s22] =	ssyncset.done $0x0  }
0xc4: {  	s31 =	simm.s32 $0x2880;
	[sflag:s22] =	ssyncadd.s32 $0xFFFFC000  }
0xc5: {  	[spmem:s2] =	stream.indirect.scatter.add.f32 [tilespmem:s19], [sflag:$0x3], $0x80, s31, s17, $0xb8;
	[tilespmem:$0x1FC00] =	vst v63  }
0xc6: {  	_ =	swait.ge [sflag:s14], $0x4000  }
0xc7: {  	[sflag:s14] =	ssyncset.done $0x0  }
0xc8: {  	s28 =	simm.s32 $0x1580;
	s26 =	simm.s32 $0x400;
	[sflag:s14] =	ssyncadd.s32 $0xFFFFC000  }
.LBB2_8:
0xc9: {  	[tilespmem:s19], [sflag:$0x2] =	stream.indirect.gather [hbm4b:s4+s17], $0x80, s28, s17, $0xb8;
	[tilespmem:$0x1FC00] =	vst v63  }
0xca: {  	s28 =	smov.u32 s26  }
0xcb: {  	p0 =	sne.s32 s26, $0x4800;
	s26 =	sadd.s32 $0x400, s26;
	_ =	swait.ge [sflag:s21], $0x4000  }
0xcc: {  	s28 =	sshra.s32 s28, $0x2;
	[sflag:s21] =	ssyncset.done $0x0  }
0xcd: {  	s29 =	sadd.s32 $0x2800, s28;
	[sflag:s21] =	ssyncadd.s32 $0xFFFFC000  }
0xce: {  	[spmem:s2] =	stream.indirect.scatter.add.f32 [tilespmem:s18], [sflag:$0x3], $0x80, s29, s17, $0xb8;
	[tilespmem:$0x1FC00] =	vst v63  }
0xcf: {  	_ =	swait.ge [sflag:s14], $0x4000  }
0xd0: {  	[sflag:s14] =	ssyncset.done $0x0  }
0xd1: {  	s29 =	sadd.s32 $0x1500, s28;
	[sflag:s14] =	ssyncadd.s32 $0xFFFFC000  }
0xd2: {  	[tilespmem:s18], [sflag:$0x1] =	stream.indirect.gather [hbm4b:s4+s17], $0x80, s29, s17, $0xb8;
	[tilespmem:$0x1FC00] =	vst v63  }
0xd3: {  	_ =	swait.ge [sflag:s22], $0x4000  }
0xd4: {  	[sflag:s22] =	ssyncset.done $0x0  }
.Ltmp3:
0xd5: {  	s29 =	sadd.s32 $0x2880, s28;
	[sflag:s22] =	ssyncadd.s32 $0xFFFFC000;
	(pc) =	sbr.rel @p0 .LBB2_8-.Ltmp3, $4  }
0xd6: {  	[spmem:s2] =	stream.indirect.scatter.add.f32 [tilespmem:s19], [sflag:$0x3], $0x80, s29, s17, $0xb8;
	[tilespmem:$0x1FC00] =	vst v63  }
0xd7: {  	_ =	swait.ge [sflag:s14], $0x4000  }
0xd8: {  	[sflag:s14] =	ssyncset.done $0x0  }
0xd9: {  	s28 =	sadd.s32 $0x1580, s28;
	[sflag:s14] =	ssyncadd.s32 $0xFFFFC000  }
0xda: {  	[tilespmem:s19], [sflag:$0x2] =	stream.indirect.gather [hbm4b:s4+s17], $0x80, s28, s17, $0xb8;
	[tilespmem:$0x1FC00] =	vst v63  }
0xdb: {  	_ =	swait.ge [sflag:s21], $0x4000  }
0xdc: {  	[sflag:s21] =	ssyncset.done $0x0  }
0xdd: {  	[sflag:s21] =	ssyncadd.s32 $0xFFFFC000  }
0xde: {  	[spmem:s2] =	stream.indirect.scatter.add.f32 [tilespmem:s18], [sflag:$0x3], $0x80, s23, s17, $0xb8;
	[tilespmem:$0x1FC00] =	vst v63  }
0xdf: {  	_ =	swait.ge [sflag:s14], $0x4000  }
0xe0: {  	[sflag:s14] =	ssyncset.done $0x0  }
0xe1: {  	[sflag:s14] =	ssyncadd.s32 $0xFFFFC000  }
0xe2: {  	_ =	swait.ge [sflag:s22], $0x4000  }
0xe3: {  	[sflag:s22] =	ssyncset.done $0x0  }
0xe4: {  	[sflag:s22] =	ssyncadd.s32 $0xFFFFC000  }
0xe5: {  	[spmem:s2] =	stream.indirect.scatter.add.f32 [tilespmem:s19], [sflag:$0x3], $0x80, s24, s17, $0xb8;
	[tilespmem:$0x1FC00] =	vst v63  }
0xe6: {  	_ =	swait.ge [sflag:s14], $0x4000  }
0xe7: {  	[sflag:s14] =	ssyncset.done $0x0  }
0xe8: {  	s25 =	sadd.s32 $0x1, s25;
	[sflag:s14] =	ssyncadd.s32 $0xFFFFC000  }
0xe9: {  	p0 =	sne.s32 s25, s13;
	[bflag:$0x0] =	sbarrier.arrive $0xFFFF  }
0xea: {  	[hbm:s12], [sflag:s15] =	dma.local [spmem:s16], $0x2800  }
.Ltmp4:
0xeb: {  	_ =	swait.ge [sflag:s14], $0x2800;
	(pc) =	sbr.rel @p0 .LBB2_1-.Ltmp4, $3  }
0xec: {  	[sflag:s14] =	ssyncset.done $0x0  }
0xed: {  	[sflag:s14] =	ssyncadd.s32 $0xFFFFD800  }
0xee: {  	[bflag:$0x0] =	sbarrier.arrive $0xFFFF;
	_ =	sdelay $0x1  }
0xef: {  	_ =	sfence.sel $0x180000  }
0xf0: {  	[bflag:$0x0] =	sbarrier.arrive $0xFFFF  }
0xf1: {  	p0 =	sne.s32 s1, $0x0;
	_ =	strace $0x9000004A  }
0xf2: {  	s0 =	sadd.s32 @!p0 $0x100000, s0;
	[bflag:$0x2] =	sbarrier.arrive $0xFFFF  }
0xf3: {  	[sflag:s0] =	ssyncadd.tile.s32 @!p0 $0x1;
	_ =	shalt  }
.Lfunc_end2:
_tile_overlayer_lowered:
.L_overlay_start_2:
0xf4: {  	(tag) =	ssettag $0x2  }
0xf5: {  	s0 =	rddreg [dreg:$0x0];
	s2 =	stileid.u32  }
0xf6: {  	s1 =	rddreg [dreg:$0x1];
	p0 =	sne.s32 s2, $0x0  }
0xf7: {  	s3 =	rddreg [dreg:$0x2];
	[bflag:$0x3] =	sbarrier.arrive $0xFFFF;
	s2 =	simm.s32 @!p0 $0x1C03  }
0xf8: {  	[timem:s3], [sflag:s2] =	dma.local @!p0 [hbm:s0], s1  }
0xf9: {  	s0 =	simm.s32 @!p0 $0x3  }
0xfa: {  	_ =	swait.ge @!p0 [sflag:s0], s1  }
0xfb: {  	s1 =	ssub.s32 @!p0 $0x0, s1;
	[sflag:s0] =	ssyncset.done @!p0 $0x0  }
0xfc: {  	[sflag:s0] =	ssyncadd.s32 @!p0 s1  }
0xfd: {  	[bflag:$0x3] =	sbarrier.arrive $0xFFFF  }
0xfe: {  	_ =	shalt  }

// kernel: kernel.16.cloned.1.call-start
scs
__scs_entry_jumppad:
0x0: {  	(pc) =	sbr.rel $0x88, $3  }
0x1: {  	(tag) =	ssettag $0x0;
	lr =	simm.s32 $0x1  }
0x2: {  	[smem:$0x3F99] =	sst lr;
	_ =	strace $0xD0000000  }
0x3: {  	_ = 	snop  }
0x4: {  	_ = 	snop  }
0x5: {  	_ = 	snop  }
0x6: {  	_ = 	snop  }
0x7: {  	_ = 	snop  }
__scs_overlays_trampoline_lowered:
0x8: {  	[smem:$0x3FA8] =	sst s0  }
0x9: {  	[smem:$0x3FA9] =	sst s1  }
0xa: {  	[smem:$0x3FAA] =	sst s2  }
0xb: {  	[smem:$0x3FAB] =	sst s3  }
0xc: {  	[smem:$0x3FAC] =	sst s4  }
0xd: {  	[smem:$0x3FAD] =	sst s5  }
0xe: {  	[smem:$0x3FAE] =	sst s6  }
0xf: {  	[smem:$0x3FAF] =	sst s7  }
0x10: {  	[smem:$0x3FB0] =	sst s8  }
0x11: {  	[smem:$0x3FB1] =	sst s9;
	s0 =	simm.s32 @!p0 $0x0  }
0x12: {  	s1 =	sld [smem:$0x3F97];
	s0 =	simm.s32 @p0 $0x1  }
0x13: {  	[smem:$0x3FB2] =	sst s0;
	s0 =	simm.s32 @!p1 $0x0  }
0x14: {  	s2 =	sld [smem:$0x3F96];
	s0 =	simm.s32 @p1 $0x1  }
0x15: {  	[smem:$0x3FB3] =	sst s0;
	s0 =	simm.s32 @!p2 $0x0  }
0x16: {  	s3 =	sld [smem:$0x3FDB];
	s0 =	simm.s32 @p2 $0x1  }
0x17: {  	s4 =	simm.s32 $0x1BF5;
	[smem:$0x3FB5] =	sst s0  }
0x18: {  	s0 =	sld [smem:$0x3F98];
	_ =	swait.ge [sflag:s4], $0x0  }
0x19: {  	s7 =	sld [smem:$0x3F99]  }
0x1a: {  	s8 =	sadd.s32 $0xFFFFE003, lr  }
0x1b: {  	s9 =	sadd.s32 $0xFFFFFEF7, lr;
	s5 =	simm.s32 $0xFFFFFFFF;
	p2 =	slt.u32 s8, $0xFFFFF086  }
0x1c: {  	p1 =	slt.u32 s9, $0xF7A;
	s5 =	simm.s32 @!p2 $0x0  }
0x1d: {  	s5 =	simm.s32 @p1 $0x1;
	p0 =	seq.s32 s7, s2  }
0x1e: {  	s7 =	smul.u32 @!p0 $0xF7A, s2;
	p2 =	seq.s32 @!p0 s5, $0x0  }
0x1f: {  	s9 =	smul.u32 $0xF7A, s1;
	s8 =	simm.s32 @!p0 $0x1BF5;
	p2 =	por !p2, p0  }
0x20: {  	[sflag:s8] =	ssyncset.s32 @!p0 $0xFFFFF086;
	s6 =	sadd.s32 @!p0 s3, s7;
	s7 =	simm.s32 @!p0 $0x108  }
0x21: {  	s3 =	sadd.s32 s3, s9;
	s6 =	sadd.s32 @!p0 $0x88, s6;
	s7 =	simm.s32 @p2 $0x1082  }
0x22: {  	[simem:s7], [sflag:s8] =	dma.local @!p0 [hbm:s6], $0xF7A  }
0x23: {  	s9 =	sor.u32 $0xD0000000, s2;
	s6 =	simm.s32 $0x108;
	_ =	swait.ge @!p0 [sflag:s8], $0x0  }
0x24: {  	s3 =	sadd.s32 $0x88, s3;
	s6 =	simm.s32 @!p1 $0x1082;
	[sflag:s4] =	ssyncset.s32 $0xFFFFF086  }
0x25: {  	[simem:s6], [sflag:s4] =	dma.local [hbm:s3], $0xF7A  }
0x26: {  	[smem:$0x3F99] =	sst s1;
	(tag) =	ssettag s2;
	_ =	strace s9  }
0x27: {  	s1 =	sld [smem:$0x3FA9]  }
0x28: {  	s2 =	sld [smem:$0x3FAA]  }
0x29: {  	s4 =	sld [smem:$0x3FAC]  }
0x2a: {  	p0 =	seq.s32 s5, $0x0;
	s5 =	sld [smem:$0x3FAD]  }
0x2b: {  	s6 =	sld [smem:$0x3FAE]  }
0x2c: {  	s7 =	sld [smem:$0x3FAF]  }
0x2d: {  	s3 =	simm.s32 $0x108;
	s8 =	sld [smem:$0x3FB0]  }
0x2e: {  	s3 =	simm.s32 @!p0 $0x1082;
	s9 =	sld [smem:$0x3FB1]  }
0x2f: {  	lr =	sadd.s32 s0, s3;
	s0 =	sld [smem:$0x3FA8]  }
0x30: {  	s3 =	sld [smem:$0x3FAB]  }
0x31: {  	[smem:$0x3FB4] =	sst s10  }
0x32: {  	s10 =	sld [smem:$0x3FB2];
	_ =	sdelay $0x3  }
0x33: {  	p0 =	seq.s32 s10, $0x1;
	s10 =	sld [smem:$0x3FB4];
	_ =	sdelay $0x3  }
0x34: {  	[smem:$0x3FB4] =	sst s10  }
0x35: {  	s10 =	sld [smem:$0x3FB3];
	_ =	sdelay $0x3  }
0x36: {  	p1 =	seq.s32 s10, $0x1;
	s10 =	sld [smem:$0x3FB4];
	_ =	sdelay $0x3  }
0x37: {  	[smem:$0x3FB4] =	sst s10  }
0x38: {  	s10 =	sld [smem:$0x3FB5]  }
0x39: {  	_ = 	snop;
	(pc) =	sbr.ind lr, $3  }
0x3a: {  	_ = 	snop  }
0x3b: {  	_ = 	snop  }
0x3c: {  	p2 =	seq.s32 s10, $0x1;
	s10 =	sld [smem:$0x3FB4]  }
0x3d: {  	_ =	shalt  }
0x3e: {  	_ =	shalt  }
0x3f: {  	_ =	shalt  }
0x40: {  	_ =	shalt  }
0x41: {  	_ =	shalt  }
0x42: {  	_ =	shalt  }
0x43: {  	_ =	shalt  }
0x44: {  	_ =	shalt  }
0x45: {  	_ =	shalt  }
0x46: {  	_ =	shalt  }
0x47: {  	_ =	shalt  }
0x48: {  	_ =	shalt  }
0x49: {  	_ =	shalt  }
0x4a: {  	_ =	shalt  }
0x4b: {  	_ =	shalt  }
0x4c: {  	_ =	shalt  }
0x4d: {  	_ =	shalt  }
0x4e: {  	_ =	shalt  }
0x4f: {  	_ =	shalt  }
0x50: {  	_ =	shalt  }
0x51: {  	_ =	shalt  }
0x52: {  	_ =	shalt  }
0x53: {  	_ =	shalt  }
0x54: {  	_ =	shalt  }
0x55: {  	_ =	shalt  }
0x56: {  	_ =	shalt  }
0x57: {  	_ =	shalt  }
0x58: {  	_ =	shalt  }
0x59: {  	_ =	shalt  }
0x5a: {  	_ =	shalt  }
0x5b: {  	_ =	shalt  }
0x5c: {  	_ =	shalt  }
0x5d: {  	_ =	shalt  }
0x5e: {  	_ =	shalt  }
0x5f: {  	_ =	shalt  }
0x60: {  	_ =	shalt  }
0x61: {  	_ =	shalt  }
0x62: {  	_ =	shalt  }
0x63: {  	_ =	shalt  }
0x64: {  	_ =	shalt  }
0x65: {  	_ =	shalt  }
0x66: {  	_ =	shalt  }
0x67: {  	_ =	shalt  }
0x68: {  	_ =	shalt  }
0x69: {  	_ =	shalt  }
0x6a: {  	_ =	shalt  }
0x6b: {  	_ =	shalt  }
0x6c: {  	_ =	shalt  }
0x6d: {  	_ =	shalt  }
0x6e: {  	_ =	shalt  }
0x6f: {  	_ =	shalt  }
0x70: {  	_ =	shalt  }
0x71: {  	_ =	shalt  }
0x72: {  	_ =	shalt  }
0x73: {  	_ =	shalt  }
0x74: {  	_ =	shalt  }
0x75: {  	_ =	shalt  }
0x76: {  	_ =	shalt  }
0x77: {  	_ =	shalt  }
0x78: {  	_ =	shalt  }
0x79: {  	_ =	shalt  }
0x7a: {  	_ =	shalt  }
0x7b: {  	_ =	shalt  }
0x7c: {  	_ =	shalt  }
0x7d: {  	_ =	shalt  }
0x7e: {  	_ =	shalt  }
0x7f: {  	_ =	shalt  }
0x80: {  	_ =	shalt  }
0x81: {  	_ =	shalt  }
0x82: {  	_ =	shalt  }
0x83: {  	_ =	shalt  }
0x84: {  	_ =	shalt  }
0x85: {  	_ =	shalt  }
0x86: {  	_ =	shalt  }
0x87: {  	_ =	shalt  }
.Lfunc_end0:
.L_simem_size_0:
called_computation.2_lowered:
.L_overlay_start_0:
0x88: {  	s2 =	sld [smem:$0x3FD9]  }
0x89: {  	s3 =	sld [smem:$0x3FFE];
	_ =	sdelay $0x1  }
0x8a: {  	s1 =	srdreg.scid  }
0x8b: {  	s0 =	sand.u32 $0x1, s1  }
0x8c: {  	s16 =	sshll.u32 s0, $0xA;
	s2 =	sadd.s32 s3, s2  }
0x8d: {  	s2 =	sadd.s32 s2, s16  }
0x8e: {  	[smem:$0x3FC0] =	sst s2  }
0x8f: {  	_ = 	snop  }
0x90: {  	(tm) =	ssettm $0x1  }
0x91: {  	s17 =	sld [smem:$0x3FFB];
	_ =	sdelay $0x3  }
0x92: {  	_ =	strace s17  }
0x93: {  	s2 =	sld [smem:$0x3FFC];
	_ =	sdelay $0x3  }
0x94: {  	_ =	strace s2  }
0x95: {  	s2 =	sld [smem:$0x3FFD];
	_ =	sdelay $0x3  }
0x96: {  	_ =	strace s2  }
0x97: {  	_ =	strace $0x8FFFFFFF  }
0x98: {  	s18 =	sld [smem:$0x3FDB];
	_ =	sdelay $0x1  }
0x99: {  	s19 =	simm.s32 $_scs_section_size  }
0x9a: {  	s4 =	simm.s32 $_size__tile_overlayer_lowered;
	s5 =	simm.s32 $_tile_overlayer_lowered  }
0x9b: {  	s22 =	simm.s32 $0x1BFF;
	s21 =	sshll.u32 s5, $0x1;
	s2 =	sadd.s32 s19, s18  }
0x9c: {  	s6 =	simm.s32 $0x0;
	s20 =	sshll.u32 s4, $0x1;
	s4 =	sadd.s32 s21, s2  }
0x9d: {  	[timem:s6], [sflag:s22] =	dma.local [hbm:s4], s20  }
0x9e: {  	_ =	swait.ge [sflag:s22], s20  }
0x9f: {  	s3 =	ssub.s32 $0x0, s20;
	[sflag:s22] =	ssyncset.done $0x0  }
0xa0: {  	[sflag:s22] =	ssyncadd.s32 s3;
	_ =	sdelay $0x1  }
0xa1: {  	s23 =	simm.s32 $0x1B8B  }
0xa2: {  	_ =	swait.ge [sflag:s23], $0x1  }
0xa3: {  	[sflag:s23] =	ssyncset.done $0x0  }
0xa4: {  	s25 =	simm.s32 $0x1B8E;
	s24 =	sld [smem:$0x3FFE];
	[sflag:s23] =	ssyncadd.s32 $0xFFFFFFFF  }
0xa5: {  	s26 =	simm.s32 $execute0_lowered;
	[smem:$0x3FD2] =	sst s25  }
0xa6: {  	s4 =	sshll.u32 s26, $0x1;
	_ =	strace $0x8000004C;
	[dreg:$0x1] =	wrdreg $0xFFFFFFFF  }
0xa7: {  	s28 =	simm.s32 $_size_execute0_lowered;
	s2 =	sadd.s32 s2, s4;
	[dreg:$0x0] =	wrdreg $0x0  }
0xa8: {  	s4 =	sshll.u32 s28, $0x1;
	[dreg:$0x2] =	wrdreg s2  }
0xa9: {  	[dreg:$0x3] =	wrdreg s4  }
0xaa: {  	[dreg:$0x4] =	wrdreg $0xC0  }
0xab: {  	_ =	task [dreg:s6], $0x5FFFF  }
0xac: {  	[dreg:$0x1] =	wrdreg $0xFFFFFFFF  }
0xad: {  	[dreg:$0x0] =	wrdreg $0x60  }
0xae: {  	[dreg:$0x2] =	wrdreg s24  }
0xaf: {  	[dreg:$0x3] =	wrdreg $0xBC000  }
0xb0: {  	[dreg:$0x4] =	wrdreg $0x9  }
0xb1: {  	_ =	task.clear_ibuf [dreg:s6], $0x5FFFF;
	_ =	strace $0x9000004C  }
0xb2: {  	s29 =	simm.s32 $0x9;
	_ =	strace $0x8000004E  }
0xb3: {  	_ =	swait.ge [sflag:s29], $0x1  }
0xb4: {  	[sflag:s29] =	ssyncadd.s32 $0xFFFFFFFF  }
0xb5: {  	_ =	strace $0x9000004E  }
0xb6: {  	_ =	sfence  }
0xb7: {  	s30 =	sld [smem:$0x0];
	_ =	sdelay $0x2  }
0xb8: {  	s31 =	sshll.u32 s1, $0xD;
	s1 =	sshrl.u32 s1, $0x2  }
0xb9: {  	s3 =	sand.u32 $0x4000, s31;
	s1 =	sadd.s32 s1, s30  }
0xba: {  	s0 =	sor.u32 s3, s0;
	s1 =	sshll.u32 s1, $0x11  }
0xbb: {  	s0 =	sor.u32 s1, s0  }
0xbc: {  	s0 =	sadd.s32 $0x8F2B, s0  }
0xbd: {  	[sflag:s0] =	ssyncadd.remote.s32 $0x1  }
0xbe: {  	_ =	sfence.sel $0xFFFF  }
0xbf: {  	[dreg:$0x0] =	wrdreg $0xFFFFFFFF;
	(pc) =	sbr.abs _section_cstart, $3  }
0xc0: {  	[dreg:$0x1] =	wrdreg $0xFFFFFFFF  }
0xc1: {  	_ =	task.clear_ibuf [dreg:s6], $0x2FFFF;
	_ =	strace $0x9FFFFFFF  }
0xc2: {  	(tm) =	ssettm $0x7FFFFFFF  }
0xc3: {  	_ =	shalt  }
tec
execute0_lowered:
.L_overlay_start_1:
0x0: {  	(tag) =	ssettag $0x1  }
0x1: {  	s5 =	rddreg [dreg:$0x0];
	s1 =	stileid.u32  }
0x2: {  	s2 =	rddreg [dreg:$0x1];
	s10 =	smul.u32 $0x2800, s1  }
0x3: {  	s0 =	rddreg [dreg:$0x2];
	s3 =	simm.s32 $0x0;
	s12 =	smul.u32 $0x280, s1  }
0x4: {  	s4 =	srdreg.scid;
	s21 =	simm.s32 $0x1;
	s13 =	smul.u32 $0x50000, s1  }
0x5: {  	[smem:$0x7FF] =	sst s3;
	s6 =	sand.u32 $0x1, s4;
	s25 =	smul.u32 $0x14000, s1  }
0x6: {  	s4 =	sadd.s32 $0xBC200, s5;
	s11 =	sadd.s32 $0xA8200, s5;
	s8 =	smul.u32 $0x50000, s6  }
0x7: {  	s16 =	sadd.s32 $0x7A00, s5;
	s31 =	sshll.u32 s1, $0x6;
	s15 =	smul.u32 $0x5000, s6  }
0x8: {  	_ =	strace $0x8000004D;
	s26 =	smul.u32 $0x280000, s6;
	s17 =	sshllo.u32 s6, $0x1  }
0x9: {  	s22 =	ssub.s32 $0x2, s6;
	s7 =	sshrl.u32 s10, $0x3;
	s19 =	smul.u32 $0x28000, s17  }
0xa: {  	s14 =	sshrl.u32 s22, $0x1;
	s23 =	sshrl.u32 s13, $0x2;
	s20 =	smul.u32 $0x2800, s17  }
0xb: {  	s29 =	smul.u32 $0x140000, s17;
	s17 =	simm.s32 $0x80;
	s9 =	sadd.s32 s7, s5  }
0xc: {  	s8 =	sadd.s32 s10, s8;
	s14 =	ssub.s32 s22, s14;
	s24 =	sadd.s32 s12, s15  }
0xd: {  	s18 =	sadd.s32 s23, s2;
	s15 =	sadd.s32 s25, s26;
	s22 =	simm.s32 $0x2  }
0xe: {  	s23 =	simm.s32 $0x3B00;
	s8 =	sshrl.u32 s8, $0x3;
	s7 =	sadd.s32 $0x2A00, s9  }
0xf: {  	s28 =	sshrl.u32 s15, $0x3;
	s10 =	sadd.s32 s10, s19;
	s12 =	sadd.s32 s12, s20  }
0x10: {  	s13 =	sadd.s32 s25, s29;
	s15 =	sor.u32 $0x1C03, s31;
	s19 =	simm.s32 $0x7C00  }
0x11: {  	s20 =	simm.s32 $0x2800;
	s25 =	simm.s32 $0x0;
	s5 =	sadd.s32 s11, s8  }
0x12: {  	s8 =	sshll.u32 s24, $0x4;
	s10 =	sshrl.u32 s10, $0x3;
	s12 =	sshll.u32 s12, $0x4  }
0x13: {  	s30 =	sshrl.u32 s13, $0x3;
	s13 =	smax.u32 s14, $0x1;
	s14 =	simm.s32 $0x3  }
0x14: {  	s24 =	simm.s32 $0x3B80;
	s6 =	sadd.s32 s4, s8;
	s8 =	sadd.s32 $0x2C80, s9  }
0x15: {  	s9 =	sadd.s32 s16, s28;
	s10 =	sadd.s32 s11, s10;
	s11 =	sadd.s32 s4, s12  }
0x16: {  	s12 =	sadd.s32 s16, s30;
	s16 =	sshrl.u32 s18, $0x3;
	s18 =	simm.s32 $0x3C00  }
.LBB2_1:
0x17: {  	[tilespmem:s3], [sflag:$0x3] =	stream.linear.gather [hbm4b:s5+s3], $0x2800, $0x38;
	[tilespmem:$0x1FC00] =	vst v63  }
0x18: {  	_ =	swait.ge [sflag:s14], $0x2800  }
0x19: {  	[sflag:s14] =	ssyncset.done $0x0  }
0x1a: {  	[sflag:s14] =	ssyncadd.s32 $0xFFFFD800  }
0x1b: {  	[spmem:s16], [sflag:s15] =	dma.local [hbm:s6], $0x2800  }
0x1c: {  	_ =	swait.ge [sflag:s14], $0x2800  }
0x1d: {  	[sflag:s14] =	ssyncset.done $0x0  }
0x1e: {  	[sflag:s14] =	ssyncadd.s32 $0xFFFFD800  }
0x1f: {  	[bflag:$0x0] =	sbarrier.arrive $0xFFFF  }
0x20: {  	[tilespmem:s18], [sflag:$0x1] =	stream.indirect.gather [hbm4b:s4+s17], $0x80, s3, s17, $0xb8;
	[tilespmem:$0x1FC00] =	vst v63  }
0x21: {  	_ = 	snop  }
0x22: {  	[tilespmem:s19], [sflag:$0x2] =	stream.indirect.gather [hbm4b:s4+s17], $0x80, s17, s17, $0xb8;
	[tilespmem:$0x1FC00] =	vst v63  }
0x23: {  	_ = 	snop  }
0x24: {  	[tilespmem:s20], [sflag:$0x3] =	stream.linear.gather [hbm4b:s7+s3], $0x1400, $0x38;
	[tilespmem:$0x1FC00] =	vst v63  }
0x25: {  	_ =	swait.ge [sflag:s14], $0x1400  }
0x26: {  	[sflag:s14] =	ssyncset.done $0x0  }
0x27: {  	[sflag:s14] =	ssyncadd.s32 $0xFFFFEC00  }
0x28: {  	_ =	swait.ge [sflag:s21], $0x4000  }
0x29: {  	[sflag:s21] =	ssyncset.done $0x0  }
0x2a: {  	s26 =	simm.s32 $0x2800;
	[sflag:s21] =	ssyncadd.s32 $0xFFFFC000  }
0x2b: {  	[spmem:s2] =	stream.indirect.scatter.add.f32 [tilespmem:s18], [sflag:$0x3], $0x80, s26, s17, $0xb8;
	[tilespmem:$0x1FC00] =	vst v63  }
0x2c: {  	_ =	swait.ge [sflag:s14], $0x4000  }
0x2d: {  	[sflag:s14] =	ssyncset.done $0x0  }
0x2e: {  	s30 =	simm.s32 $0x100;
	[sflag:s14] =	ssyncadd.s32 $0xFFFFC000  }
0x2f: {  	[tilespmem:s18], [sflag:$0x1] =	stream.indirect.gather [hbm4b:s4+s17], $0x80, s30, s17, $0xb8;
	[tilespmem:$0x1FC00] =	vst v63  }
0x30: {  	_ =	swait.ge [sflag:s22], $0x4000  }
0x31: {  	[sflag:s22] =	ssyncset.done $0x0  }
0x32: {  	s31 =	simm.s32 $0x2880;
	[sflag:s22] =	ssyncadd.s32 $0xFFFFC000  }
0x33: {  	[spmem:s2] =	stream.indirect.scatter.add.f32 [tilespmem:s19], [sflag:$0x3], $0x80, s31, s17, $0xb8;
	[tilespmem:$0x1FC00] =	vst v63  }
0x34: {  	_ =	swait.ge [sflag:s14], $0x4000  }
0x35: {  	[sflag:s14] =	ssyncset.done $0x0  }
0x36: {  	s28 =	simm.s32 $0x180;
	s26 =	simm.s32 $0x400;
	[sflag:s14] =	ssyncadd.s32 $0xFFFFC000  }
.LBB2_2:
0x37: {  	[tilespmem:s19], [sflag:$0x2] =	stream.indirect.gather [hbm4b:s4+s17], $0x80, s28, s17, $0xb8;
	[tilespmem:$0x1FC00] =	vst v63  }
0x38: {  	s28 =	smov.u32 s26  }
0x39: {  	p0 =	sne.s32 s26, $0x4C00;
	s26 =	sadd.s32 $0x400, s26;
	_ =	swait.ge [sflag:s21], $0x4000  }
0x3a: {  	s28 =	sshra.s32 s28, $0x2;
	[sflag:s21] =	ssyncset.done $0x0  }
0x3b: {  	s29 =	sadd.s32 $0x2800, s28;
	[sflag:s21] =	ssyncadd.s32 $0xFFFFC000  }
0x3c: {  	[spmem:s2] =	stream.indirect.scatter.add.f32 [tilespmem:s18], [sflag:$0x3], $0x80, s29, s17, $0xb8;
	[tilespmem:$0x1FC00] =	vst v63  }
0x3d: {  	_ =	swait.ge [sflag:s14], $0x4000  }
0x3e: {  	[sflag:s14] =	ssyncset.done $0x0  }
0x3f: {  	s29 =	sadd.s32 $0x100, s28;
	[sflag:s14] =	ssyncadd.s32 $0xFFFFC000  }
0x40: {  	[tilespmem:s18], [sflag:$0x1] =	stream.indirect.gather [hbm4b:s4+s17], $0x80, s29, s17, $0xb8;
	[tilespmem:$0x1FC00] =	vst v63  }
0x41: {  	_ =	swait.ge [sflag:s22], $0x4000  }
0x42: {  	[sflag:s22] =	ssyncset.done $0x0  }
.Ltmp0:
0x43: {  	s29 =	sadd.s32 $0x2880, s28;
	[sflag:s22] =	ssyncadd.s32 $0xFFFFC000;
	(pc) =	sbr.rel @p0 .LBB2_2-.Ltmp0, $4  }
0x44: {  	[spmem:s2] =	stream.indirect.scatter.add.f32 [tilespmem:s19], [sflag:$0x3], $0x80, s29, s17, $0xb8;
	[tilespmem:$0x1FC00] =	vst v63  }
0x45: {  	_ =	swait.ge [sflag:s14], $0x4000  }
0x46: {  	[sflag:s14] =	ssyncset.done $0x0  }
0x47: {  	s28 =	sadd.s32 $0x180, s28;
	[sflag:s14] =	ssyncadd.s32 $0xFFFFC000  }
0x48: {  	[tilespmem:s19], [sflag:$0x2] =	stream.indirect.gather [hbm4b:s4+s17], $0x80, s28, s17, $0xb8;
	[tilespmem:$0x1FC00] =	vst v63  }
0x49: {  	s26 =	simm.s32 $0x0  }
0x4a: {  	[tilespmem:s20], [sflag:$0x3] =	stream.linear.gather [hbm4b:s8+s26], $0x1400, $0x38;
	[tilespmem:$0x1FC00] =	vst v63  }
0x4b: {  	_ =	swait.ge [sflag:s14], $0x1400  }
0x4c: {  	[sflag:s14] =	ssyncset.done $0x0  }
0x4d: {  	[sflag:s14] =	ssyncadd.s32 $0xFFFFEC00  }
0x4e: {  	_ =	swait.ge [sflag:s21], $0x4000  }
0x4f: {  	[sflag:s21] =	ssyncset.done $0x0  }
0x50: {  	s29 =	simm.s32 $0x2800;
	[sflag:s21] =	ssyncadd.s32 $0xFFFFC000  }
0x51: {  	[spmem:s2] =	stream.indirect.scatter.add.f32 [tilespmem:s18], [sflag:$0x3], $0x80, s29, s17, $0xb8;
	[tilespmem:$0x1FC00] =	vst v63  }
0x52: {  	_ =	swait.ge [sflag:s14], $0x4000  }
0x53: {  	[sflag:s14] =	ssyncset.done $0x0  }
0x54: {  	s30 =	simm.s32 $0x1500;
	[sflag:s14] =	ssyncadd.s32 $0xFFFFC000  }
0x55: {  	[tilespmem:s18], [sflag:$0x1] =	stream.indirect.gather [hbm4b:s4+s17], $0x80, s30, s17, $0xb8;
	[tilespmem:$0x1FC00] =	vst v63  }
0x56: {  	_ =	swait.ge [sflag:s22], $0x4000  }
0x57: {  	[sflag:s22] =	ssyncset.done $0x0  }
0x58: {  	s31 =	simm.s32 $0x2880;
	[sflag:s22] =	ssyncadd.s32 $0xFFFFC000  }
0x59: {  	[spmem:s2] =	stream.indirect.scatter.add.f32 [tilespmem:s19], [sflag:$0x3], $0x80, s31, s17, $0xb8;
	[tilespmem:$0x1FC00] =	vst v63  }
0x5a: {  	_ =	swait.ge [sflag:s14], $0x4000  }
0x5b: {  	[sflag:s14] =	ssyncset.done $0x0  }
0x5c: {  	s28 =	simm.s32 $0x1580;
	s26 =	simm.s32 $0x400;
	[sflag:s14] =	ssyncadd.s32 $0xFFFFC000  }
.LBB2_4:
0x5d: {  	[tilespmem:s19], [sflag:$0x2] =	stream.indirect.gather [hbm4b:s4+s17], $0x80, s28, s17, $0xb8;
	[tilespmem:$0x1FC00] =	vst v63  }
0x5e: {  	s28 =	smov.u32 s26  }
0x5f: {  	p0 =	sne.s32 s26, $0x4800;
	s26 =	sadd.s32 $0x400, s26;
	_ =	swait.ge [sflag:s21], $0x4000  }
0x60: {  	s28 =	sshra.s32 s28, $0x2;
	[sflag:s21] =	ssyncset.done $0x0  }
0x61: {  	s29 =	sadd.s32 $0x2800, s28;
	[sflag:s21] =	ssyncadd.s32 $0xFFFFC000  }
0x62: {  	[spmem:s2] =	stream.indirect.scatter.add.f32 [tilespmem:s18], [sflag:$0x3], $0x80, s29, s17, $0xb8;
	[tilespmem:$0x1FC00] =	vst v63  }
0x63: {  	_ =	swait.ge [sflag:s14], $0x4000  }
0x64: {  	[sflag:s14] =	ssyncset.done $0x0  }
0x65: {  	s29 =	sadd.s32 $0x1500, s28;
	[sflag:s14] =	ssyncadd.s32 $0xFFFFC000  }
0x66: {  	[tilespmem:s18], [sflag:$0x1] =	stream.indirect.gather [hbm4b:s4+s17], $0x80, s29, s17, $0xb8;
	[tilespmem:$0x1FC00] =	vst v63  }
0x67: {  	_ =	swait.ge [sflag:s22], $0x4000  }
0x68: {  	[sflag:s22] =	ssyncset.done $0x0  }
.Ltmp1:
0x69: {  	s29 =	sadd.s32 $0x2880, s28;
	[sflag:s22] =	ssyncadd.s32 $0xFFFFC000;
	(pc) =	sbr.rel @p0 .LBB2_4-.Ltmp1, $4  }
0x6a: {  	[spmem:s2] =	stream.indirect.scatter.add.f32 [tilespmem:s19], [sflag:$0x3], $0x80, s29, s17, $0xb8;
	[tilespmem:$0x1FC00] =	vst v63  }
0x6b: {  	_ =	swait.ge [sflag:s14], $0x4000  }
0x6c: {  	[sflag:s14] =	ssyncset.done $0x0  }
0x6d: {  	s28 =	sadd.s32 $0x1580, s28;
	[sflag:s14] =	ssyncadd.s32 $0xFFFFC000  }
0x6e: {  	[tilespmem:s19], [sflag:$0x2] =	stream.indirect.gather [hbm4b:s4+s17], $0x80, s28, s17, $0xb8;
	[tilespmem:$0x1FC00] =	vst v63  }
0x6f: {  	_ =	swait.ge [sflag:s21], $0x4000  }
0x70: {  	[sflag:s21] =	ssyncset.done $0x0  }
0x71: {  	[sflag:s21] =	ssyncadd.s32 $0xFFFFC000  }
0x72: {  	[spmem:s2] =	stream.indirect.scatter.add.f32 [tilespmem:s18], [sflag:$0x3], $0x80, s23, s17, $0xb8;
	[tilespmem:$0x1FC00] =	vst v63  }
0x73: {  	_ =	swait.ge [sflag:s14], $0x4000  }
0x74: {  	[sflag:s14] =	ssyncset.done $0x0  }
0x75: {  	[sflag:s14] =	ssyncadd.s32 $0xFFFFC000  }
0x76: {  	_ =	swait.ge [sflag:s22], $0x4000  }
0x77: {  	[sflag:s22] =	ssyncset.done $0x0  }
0x78: {  	[sflag:s22] =	ssyncadd.s32 $0xFFFFC000  }
0x79: {  	[spmem:s2] =	stream.indirect.scatter.add.f32 [tilespmem:s19], [sflag:$0x3], $0x80, s24, s17, $0xb8;
	[tilespmem:$0x1FC00] =	vst v63  }
0x7a: {  	_ =	swait.ge [sflag:s14], $0x4000  }
0x7b: {  	[sflag:s14] =	ssyncset.done $0x0  }
0x7c: {  	[sflag:s14] =	ssyncadd.s32 $0xFFFFC000  }
0x7d: {  	[bflag:$0x0] =	sbarrier.arrive $0xFFFF  }
0x7e: {  	[hbm:s9], [sflag:s15] =	dma.local [spmem:s16], $0x2800  }
0x7f: {  	_ =	swait.ge [sflag:s14], $0x2800  }
0x80: {  	[sflag:s14] =	ssyncset.done $0x0  }
0x81: {  	[sflag:s14] =	ssyncadd.s32 $0xFFFFD800  }
0x82: {  	s26 =	simm.s32 $0x0;
	[bflag:$0x0] =	sbarrier.arrive $0xFFFF  }
0x83: {  	[tilespmem:s26], [sflag:$0x3] =	stream.linear.gather [hbm4b:s10+s26], $0x2800, $0x38;
	[tilespmem:$0x1FC00] =	vst v63  }
0x84: {  	_ =	swait.ge [sflag:s14], $0x2800  }
0x85: {  	[sflag:s14] =	ssyncset.done $0x0  }
0x86: {  	[sflag:s14] =	ssyncadd.s32 $0xFFFFD800  }
0x87: {  	[spmem:s16], [sflag:s15] =	dma.local [hbm:s11], $0x2800  }
0x88: {  	_ =	swait.ge [sflag:s14], $0x2800  }
0x89: {  	[sflag:s14] =	ssyncset.done $0x0  }
0x8a: {  	[sflag:s14] =	ssyncadd.s32 $0xFFFFD800  }
0x8b: {  	[bflag:$0x0] =	sbarrier.arrive $0xFFFF  }
0x8c: {  	[tilespmem:s18], [sflag:$0x1] =	stream.indirect.gather [hbm4b:s4+s17], $0x80, s26, s17, $0xb8;
	[tilespmem:$0x1FC00] =	vst v63  }
0x8d: {  	_ = 	snop  }
0x8e: {  	[tilespmem:s19], [sflag:$0x2] =	stream.indirect.gather [hbm4b:s4+s17], $0x80, s17, s17, $0xb8;
	[tilespmem:$0x1FC00] =	vst v63  }
0x8f: {  	_ = 	snop  }
0x90: {  	[tilespmem:s20], [sflag:$0x3] =	stream.linear.gather [hbm4b:s7+s26], $0x1400, $0x38;
	[tilespmem:$0x1FC00] =	vst v63  }
0x91: {  	_ =	swait.ge [sflag:s14], $0x1400  }
0x92: {  	[sflag:s14] =	ssyncset.done $0x0  }
0x93: {  	[sflag:s14] =	ssyncadd.s32 $0xFFFFEC00  }
0x94: {  	_ =	swait.ge [sflag:s21], $0x4000  }
0x95: {  	[sflag:s21] =	ssyncset.done $0x0  }
0x96: {  	s29 =	simm.s32 $0x2800;
	[sflag:s21] =	ssyncadd.s32 $0xFFFFC000  }
0x97: {  	[spmem:s2] =	stream.indirect.scatter.add.f32 [tilespmem:s18], [sflag:$0x3], $0x80, s29, s17, $0xb8;
	[tilespmem:$0x1FC00] =	vst v63  }
0x98: {  	_ =	swait.ge [sflag:s14], $0x4000  }
0x99: {  	[sflag:s14] =	ssyncset.done $0x0  }
0x9a: {  	s30 =	simm.s32 $0x100;
	[sflag:s14] =	ssyncadd.s32 $0xFFFFC000  }
0x9b: {  	[tilespmem:s18], [sflag:$0x1] =	stream.indirect.gather [hbm4b:s4+s17], $0x80, s30, s17, $0xb8;
	[tilespmem:$0x1FC00] =	vst v63  }
0x9c: {  	_ =	swait.ge [sflag:s22], $0x4000  }
0x9d: {  	[sflag:s22] =	ssyncset.done $0x0  }
0x9e: {  	s31 =	simm.s32 $0x2880;
	[sflag:s22] =	ssyncadd.s32 $0xFFFFC000  }
0x9f: {  	[spmem:s2] =	stream.indirect.scatter.add.f32 [tilespmem:s19], [sflag:$0x3], $0x80, s31, s17, $0xb8;
	[tilespmem:$0x1FC00] =	vst v63  }
0xa0: {  	_ =	swait.ge [sflag:s14], $0x4000  }
0xa1: {  	[sflag:s14] =	ssyncset.done $0x0  }
0xa2: {  	s28 =	simm.s32 $0x180;
	s26 =	simm.s32 $0x400;
	[sflag:s14] =	ssyncadd.s32 $0xFFFFC000  }
.LBB2_6:
0xa3: {  	[tilespmem:s19], [sflag:$0x2] =	stream.indirect.gather [hbm4b:s4+s17], $0x80, s28, s17, $0xb8;
	[tilespmem:$0x1FC00] =	vst v63  }
0xa4: {  	s28 =	smov.u32 s26  }
0xa5: {  	p0 =	sne.s32 s26, $0x4C00;
	s26 =	sadd.s32 $0x400, s26;
	_ =	swait.ge [sflag:s21], $0x4000  }
0xa6: {  	s28 =	sshra.s32 s28, $0x2;
	[sflag:s21] =	ssyncset.done $0x0  }
0xa7: {  	s29 =	sadd.s32 $0x2800, s28;
	[sflag:s21] =	ssyncadd.s32 $0xFFFFC000  }
0xa8: {  	[spmem:s2] =	stream.indirect.scatter.add.f32 [tilespmem:s18], [sflag:$0x3], $0x80, s29, s17, $0xb8;
	[tilespmem:$0x1FC00] =	vst v63  }
0xa9: {  	_ =	swait.ge [sflag:s14], $0x4000  }
0xaa: {  	[sflag:s14] =	ssyncset.done $0x0  }
0xab: {  	s29 =	sadd.s32 $0x100, s28;
	[sflag:s14] =	ssyncadd.s32 $0xFFFFC000  }
0xac: {  	[tilespmem:s18], [sflag:$0x1] =	stream.indirect.gather [hbm4b:s4+s17], $0x80, s29, s17, $0xb8;
	[tilespmem:$0x1FC00] =	vst v63  }
0xad: {  	_ =	swait.ge [sflag:s22], $0x4000  }
0xae: {  	[sflag:s22] =	ssyncset.done $0x0  }
.Ltmp2:
0xaf: {  	s29 =	sadd.s32 $0x2880, s28;
	[sflag:s22] =	ssyncadd.s32 $0xFFFFC000;
	(pc) =	sbr.rel @p0 .LBB2_6-.Ltmp2, $4  }
0xb0: {  	[spmem:s2] =	stream.indirect.scatter.add.f32 [tilespmem:s19], [sflag:$0x3], $0x80, s29, s17, $0xb8;
	[tilespmem:$0x1FC00] =	vst v63  }
0xb1: {  	_ =	swait.ge [sflag:s14], $0x4000  }
0xb2: {  	[sflag:s14] =	ssyncset.done $0x0  }
0xb3: {  	s28 =	sadd.s32 $0x180, s28;
	[sflag:s14] =	ssyncadd.s32 $0xFFFFC000  }
0xb4: {  	[tilespmem:s19], [sflag:$0x2] =	stream.indirect.gather [hbm4b:s4+s17], $0x80, s28, s17, $0xb8;
	[tilespmem:$0x1FC00] =	vst v63  }
0xb5: {  	s26 =	simm.s32 $0x0  }
0xb6: {  	[tilespmem:s20], [sflag:$0x3] =	stream.linear.gather [hbm4b:s8+s26], $0x1400, $0x38;
	[tilespmem:$0x1FC00] =	vst v63  }
0xb7: {  	_ =	swait.ge [sflag:s14], $0x1400  }
0xb8: {  	[sflag:s14] =	ssyncset.done $0x0  }
0xb9: {  	[sflag:s14] =	ssyncadd.s32 $0xFFFFEC00  }
0xba: {  	_ =	swait.ge [sflag:s21], $0x4000  }
0xbb: {  	[sflag:s21] =	ssyncset.done $0x0  }
0xbc: {  	s29 =	simm.s32 $0x2800;
	[sflag:s21] =	ssyncadd.s32 $0xFFFFC000  }
0xbd: {  	[spmem:s2] =	stream.indirect.scatter.add.f32 [tilespmem:s18], [sflag:$0x3], $0x80, s29, s17, $0xb8;
	[tilespmem:$0x1FC00] =	vst v63  }
0xbe: {  	_ =	swait.ge [sflag:s14], $0x4000  }
0xbf: {  	[sflag:s14] =	ssyncset.done $0x0  }
0xc0: {  	s30 =	simm.s32 $0x1500;
	[sflag:s14] =	ssyncadd.s32 $0xFFFFC000  }
0xc1: {  	[tilespmem:s18], [sflag:$0x1] =	stream.indirect.gather [hbm4b:s4+s17], $0x80, s30, s17, $0xb8;
	[tilespmem:$0x1FC00] =	vst v63  }
0xc2: {  	_ =	swait.ge [sflag:s22], $0x4000  }
0xc3: {  	[sflag:s22] =	ssyncset.done $0x0  }
0xc4: {  	s31 =	simm.s32 $0x2880;
	[sflag:s22] =	ssyncadd.s32 $0xFFFFC000  }
0xc5: {  	[spmem:s2] =	stream.indirect.scatter.add.f32 [tilespmem:s19], [sflag:$0x3], $0x80, s31, s17, $0xb8;
	[tilespmem:$0x1FC00] =	vst v63  }
0xc6: {  	_ =	swait.ge [sflag:s14], $0x4000  }
0xc7: {  	[sflag:s14] =	ssyncset.done $0x0  }
0xc8: {  	s28 =	simm.s32 $0x1580;
	s26 =	simm.s32 $0x400;
	[sflag:s14] =	ssyncadd.s32 $0xFFFFC000  }
.LBB2_8:
0xc9: {  	[tilespmem:s19], [sflag:$0x2] =	stream.indirect.gather [hbm4b:s4+s17], $0x80, s28, s17, $0xb8;
	[tilespmem:$0x1FC00] =	vst v63  }
0xca: {  	s28 =	smov.u32 s26  }
0xcb: {  	p0 =	sne.s32 s26, $0x4800;
	s26 =	sadd.s32 $0x400, s26;
	_ =	swait.ge [sflag:s21], $0x4000  }
0xcc: {  	s28 =	sshra.s32 s28, $0x2;
	[sflag:s21] =	ssyncset.done $0x0  }
0xcd: {  	s29 =	sadd.s32 $0x2800, s28;
	[sflag:s21] =	ssyncadd.s32 $0xFFFFC000  }
0xce: {  	[spmem:s2] =	stream.indirect.scatter.add.f32 [tilespmem:s18], [sflag:$0x3], $0x80, s29, s17, $0xb8;
	[tilespmem:$0x1FC00] =	vst v63  }
0xcf: {  	_ =	swait.ge [sflag:s14], $0x4000  }
0xd0: {  	[sflag:s14] =	ssyncset.done $0x0  }
0xd1: {  	s29 =	sadd.s32 $0x1500, s28;
	[sflag:s14] =	ssyncadd.s32 $0xFFFFC000  }
0xd2: {  	[tilespmem:s18], [sflag:$0x1] =	stream.indirect.gather [hbm4b:s4+s17], $0x80, s29, s17, $0xb8;
	[tilespmem:$0x1FC00] =	vst v63  }
0xd3: {  	_ =	swait.ge [sflag:s22], $0x4000  }
0xd4: {  	[sflag:s22] =	ssyncset.done $0x0  }
.Ltmp3:
0xd5: {  	s29 =	sadd.s32 $0x2880, s28;
	[sflag:s22] =	ssyncadd.s32 $0xFFFFC000;
	(pc) =	sbr.rel @p0 .LBB2_8-.Ltmp3, $4  }
0xd6: {  	[spmem:s2] =	stream.indirect.scatter.add.f32 [tilespmem:s19], [sflag:$0x3], $0x80, s29, s17, $0xb8;
	[tilespmem:$0x1FC00] =	vst v63  }
0xd7: {  	_ =	swait.ge [sflag:s14], $0x4000  }
0xd8: {  	[sflag:s14] =	ssyncset.done $0x0  }
0xd9: {  	s28 =	sadd.s32 $0x1580, s28;
	[sflag:s14] =	ssyncadd.s32 $0xFFFFC000  }
0xda: {  	[tilespmem:s19], [sflag:$0x2] =	stream.indirect.gather [hbm4b:s4+s17], $0x80, s28, s17, $0xb8;
	[tilespmem:$0x1FC00] =	vst v63  }
0xdb: {  	_ =	swait.ge [sflag:s21], $0x4000  }
0xdc: {  	[sflag:s21] =	ssyncset.done $0x0  }
0xdd: {  	[sflag:s21] =	ssyncadd.s32 $0xFFFFC000  }
0xde: {  	[spmem:s2] =	stream.indirect.scatter.add.f32 [tilespmem:s18], [sflag:$0x3], $0x80, s23, s17, $0xb8;
	[tilespmem:$0x1FC00] =	vst v63  }
0xdf: {  	_ =	swait.ge [sflag:s14], $0x4000  }
0xe0: {  	[sflag:s14] =	ssyncset.done $0x0  }
0xe1: {  	[sflag:s14] =	ssyncadd.s32 $0xFFFFC000  }
0xe2: {  	_ =	swait.ge [sflag:s22], $0x4000  }
0xe3: {  	[sflag:s22] =	ssyncset.done $0x0  }
0xe4: {  	[sflag:s22] =	ssyncadd.s32 $0xFFFFC000  }
0xe5: {  	[spmem:s2] =	stream.indirect.scatter.add.f32 [tilespmem:s19], [sflag:$0x3], $0x80, s24, s17, $0xb8;
	[tilespmem:$0x1FC00] =	vst v63  }
0xe6: {  	_ =	swait.ge [sflag:s14], $0x4000  }
0xe7: {  	[sflag:s14] =	ssyncset.done $0x0  }
0xe8: {  	s25 =	sadd.s32 $0x1, s25;
	[sflag:s14] =	ssyncadd.s32 $0xFFFFC000  }
0xe9: {  	p0 =	sne.s32 s25, s13;
	[bflag:$0x0] =	sbarrier.arrive $0xFFFF  }
0xea: {  	[hbm:s12], [sflag:s15] =	dma.local [spmem:s16], $0x2800  }
.Ltmp4:
0xeb: {  	_ =	swait.ge [sflag:s14], $0x2800;
	(pc) =	sbr.rel @p0 .LBB2_1-.Ltmp4, $3  }
0xec: {  	[sflag:s14] =	ssyncset.done $0x0  }
0xed: {  	[sflag:s14] =	ssyncadd.s32 $0xFFFFD800  }
0xee: {  	[bflag:$0x0] =	sbarrier.arrive $0xFFFF;
	_ =	sdelay $0x1  }
0xef: {  	_ =	sfence.sel $0x180000  }
0xf0: {  	[bflag:$0x0] =	sbarrier.arrive $0xFFFF  }
0xf1: {  	p0 =	sne.s32 s1, $0x0;
	_ =	strace $0x9000004D  }
0xf2: {  	s0 =	sadd.s32 @!p0 $0x100000, s0;
	[bflag:$0x2] =	sbarrier.arrive $0xFFFF  }
0xf3: {  	[sflag:s0] =	ssyncadd.tile.s32 @!p0 $0x1;
	_ =	shalt  }
.Lfunc_end2:
_tile_overlayer_lowered:
.L_overlay_start_2:
0xf4: {  	(tag) =	ssettag $0x2  }
0xf5: {  	s0 =	rddreg [dreg:$0x0];
	s2 =	stileid.u32  }
0xf6: {  	s1 =	rddreg [dreg:$0x1];
	p0 =	sne.s32 s2, $0x0  }
0xf7: {  	s3 =	rddreg [dreg:$0x2];
	[bflag:$0x3] =	sbarrier.arrive $0xFFFF;
	s2 =	simm.s32 @!p0 $0x1C03  }
0xf8: {  	[timem:s3], [sflag:s2] =	dma.local @!p0 [hbm:s0], s1  }
0xf9: {  	s0 =	simm.s32 @!p0 $0x3  }
0xfa: {  	_ =	swait.ge @!p0 [sflag:s0], s1  }
0xfb: {  	s1 =	ssub.s32 @!p0 $0x0, s1;
	[sflag:s0] =	ssyncset.done @!p0 $0x0  }
0xfc: {  	[sflag:s0] =	ssyncadd.s32 @!p0 s1  }
0xfd: {  	[bflag:$0x3] =	sbarrier.arrive $0xFFFF  }
0xfe: {  	_ =	shalt  }

// kernel: kernel.19.cloned.1.call-start
scs
__scs_entry_jumppad:
0x0: {  	(pc) =	sbr.rel $0x88, $3  }
0x1: {  	(tag) =	ssettag $0x0;
	lr =	simm.s32 $0x1  }
0x2: {  	[smem:$0x3F99] =	sst lr;
	_ =	strace $0xD0000000  }
0x3: {  	_ = 	snop  }
0x4: {  	_ = 	snop  }
0x5: {  	_ = 	snop  }
0x6: {  	_ = 	snop  }
0x7: {  	_ = 	snop  }
__scs_overlays_trampoline_lowered:
0x8: {  	[smem:$0x3FA8] =	sst s0  }
0x9: {  	[smem:$0x3FA9] =	sst s1  }
0xa: {  	[smem:$0x3FAA] =	sst s2  }
0xb: {  	[smem:$0x3FAB] =	sst s3  }
0xc: {  	[smem:$0x3FAC] =	sst s4  }
0xd: {  	[smem:$0x3FAD] =	sst s5  }
0xe: {  	[smem:$0x3FAE] =	sst s6  }
0xf: {  	[smem:$0x3FAF] =	sst s7  }
0x10: {  	[smem:$0x3FB0] =	sst s8  }
0x11: {  	[smem:$0x3FB1] =	sst s9;
	s0 =	simm.s32 @!p0 $0x0  }
0x12: {  	s1 =	sld [smem:$0x3F97];
	s0 =	simm.s32 @p0 $0x1  }
0x13: {  	[smem:$0x3FB2] =	sst s0;
	s0 =	simm.s32 @!p1 $0x0  }
0x14: {  	s2 =	sld [smem:$0x3F96];
	s0 =	simm.s32 @p1 $0x1  }
0x15: {  	[smem:$0x3FB3] =	sst s0;
	s0 =	simm.s32 @!p2 $0x0  }
0x16: {  	s3 =	sld [smem:$0x3FDB];
	s0 =	simm.s32 @p2 $0x1  }
0x17: {  	s4 =	simm.s32 $0x1BF5;
	[smem:$0x3FB5] =	sst s0  }
0x18: {  	s0 =	sld [smem:$0x3F98];
	_ =	swait.ge [sflag:s4], $0x0  }
0x19: {  	s7 =	sld [smem:$0x3F99]  }
0x1a: {  	s8 =	sadd.s32 $0xFFFFE003, lr  }
0x1b: {  	s9 =	sadd.s32 $0xFFFFFEF7, lr;
	s5 =	simm.s32 $0xFFFFFFFF;
	p2 =	slt.u32 s8, $0xFFFFF086  }
0x1c: {  	p1 =	slt.u32 s9, $0xF7A;
	s5 =	simm.s32 @!p2 $0x0  }
0x1d: {  	s5 =	simm.s32 @p1 $0x1;
	p0 =	seq.s32 s7, s2  }
0x1e: {  	s7 =	smul.u32 @!p0 $0xF7A, s2;
	p2 =	seq.s32 @!p0 s5, $0x0  }
0x1f: {  	s9 =	smul.u32 $0xF7A, s1;
	s8 =	simm.s32 @!p0 $0x1BF5;
	p2 =	por !p2, p0  }
0x20: {  	[sflag:s8] =	ssyncset.s32 @!p0 $0xFFFFF086;
	s6 =	sadd.s32 @!p0 s3, s7;
	s7 =	simm.s32 @!p0 $0x108  }
0x21: {  	s3 =	sadd.s32 s3, s9;
	s6 =	sadd.s32 @!p0 $0x88, s6;
	s7 =	simm.s32 @p2 $0x1082  }
0x22: {  	[simem:s7], [sflag:s8] =	dma.local @!p0 [hbm:s6], $0xF7A  }
0x23: {  	s9 =	sor.u32 $0xD0000000, s2;
	s6 =	simm.s32 $0x108;
	_ =	swait.ge @!p0 [sflag:s8], $0x0  }
0x24: {  	s3 =	sadd.s32 $0x88, s3;
	s6 =	simm.s32 @!p1 $0x1082;
	[sflag:s4] =	ssyncset.s32 $0xFFFFF086  }
0x25: {  	[simem:s6], [sflag:s4] =	dma.local [hbm:s3], $0xF7A  }
0x26: {  	[smem:$0x3F99] =	sst s1;
	(tag) =	ssettag s2;
	_ =	strace s9  }
0x27: {  	s1 =	sld [smem:$0x3FA9]  }
0x28: {  	s2 =	sld [smem:$0x3FAA]  }
0x29: {  	s4 =	sld [smem:$0x3FAC]  }
0x2a: {  	p0 =	seq.s32 s5, $0x0;
	s5 =	sld [smem:$0x3FAD]  }
0x2b: {  	s6 =	sld [smem:$0x3FAE]  }
0x2c: {  	s7 =	sld [smem:$0x3FAF]  }
0x2d: {  	s3 =	simm.s32 $0x108;
	s8 =	sld [smem:$0x3FB0]  }
0x2e: {  	s3 =	simm.s32 @!p0 $0x1082;
	s9 =	sld [smem:$0x3FB1]  }
0x2f: {  	lr =	sadd.s32 s0, s3;
	s0 =	sld [smem:$0x3FA8]  }
0x30: {  	s3 =	sld [smem:$0x3FAB]  }
0x31: {  	[smem:$0x3FB4] =	sst s10  }
0x32: {  	s10 =	sld [smem:$0x3FB2];
	_ =	sdelay $0x3  }
0x33: {  	p0 =	seq.s32 s10, $0x1;
	s10 =	sld [smem:$0x3FB4];
	_ =	sdelay $0x3  }
0x34: {  	[smem:$0x3FB4] =	sst s10  }
0x35: {  	s10 =	sld [smem:$0x3FB3];
	_ =	sdelay $0x3  }
0x36: {  	p1 =	seq.s32 s10, $0x1;
	s10 =	sld [smem:$0x3FB4];
	_ =	sdelay $0x3  }
0x37: {  	[smem:$0x3FB4] =	sst s10  }
0x38: {  	s10 =	sld [smem:$0x3FB5]  }
0x39: {  	_ = 	snop;
	(pc) =	sbr.ind lr, $3  }
0x3a: {  	_ = 	snop  }
0x3b: {  	_ = 	snop  }
0x3c: {  	p2 =	seq.s32 s10, $0x1;
	s10 =	sld [smem:$0x3FB4]  }
0x3d: {  	_ =	shalt  }
0x3e: {  	_ =	shalt  }
0x3f: {  	_ =	shalt  }
0x40: {  	_ =	shalt  }
0x41: {  	_ =	shalt  }
0x42: {  	_ =	shalt  }
0x43: {  	_ =	shalt  }
0x44: {  	_ =	shalt  }
0x45: {  	_ =	shalt  }
0x46: {  	_ =	shalt  }
0x47: {  	_ =	shalt  }
0x48: {  	_ =	shalt  }
0x49: {  	_ =	shalt  }
0x4a: {  	_ =	shalt  }
0x4b: {  	_ =	shalt  }
0x4c: {  	_ =	shalt  }
0x4d: {  	_ =	shalt  }
0x4e: {  	_ =	shalt  }
0x4f: {  	_ =	shalt  }
0x50: {  	_ =	shalt  }
0x51: {  	_ =	shalt  }
0x52: {  	_ =	shalt  }
0x53: {  	_ =	shalt  }
0x54: {  	_ =	shalt  }
0x55: {  	_ =	shalt  }
0x56: {  	_ =	shalt  }
0x57: {  	_ =	shalt  }
0x58: {  	_ =	shalt  }
0x59: {  	_ =	shalt  }
0x5a: {  	_ =	shalt  }
0x5b: {  	_ =	shalt  }
0x5c: {  	_ =	shalt  }
0x5d: {  	_ =	shalt  }
0x5e: {  	_ =	shalt  }
0x5f: {  	_ =	shalt  }
0x60: {  	_ =	shalt  }
0x61: {  	_ =	shalt  }
0x62: {  	_ =	shalt  }
0x63: {  	_ =	shalt  }
0x64: {  	_ =	shalt  }
0x65: {  	_ =	shalt  }
0x66: {  	_ =	shalt  }
0x67: {  	_ =	shalt  }
0x68: {  	_ =	shalt  }
0x69: {  	_ =	shalt  }
0x6a: {  	_ =	shalt  }
0x6b: {  	_ =	shalt  }
0x6c: {  	_ =	shalt  }
0x6d: {  	_ =	shalt  }
0x6e: {  	_ =	shalt  }
0x6f: {  	_ =	shalt  }
0x70: {  	_ =	shalt  }
0x71: {  	_ =	shalt  }
0x72: {  	_ =	shalt  }
0x73: {  	_ =	shalt  }
0x74: {  	_ =	shalt  }
0x75: {  	_ =	shalt  }
0x76: {  	_ =	shalt  }
0x77: {  	_ =	shalt  }
0x78: {  	_ =	shalt  }
0x79: {  	_ =	shalt  }
0x7a: {  	_ =	shalt  }
0x7b: {  	_ =	shalt  }
0x7c: {  	_ =	shalt  }
0x7d: {  	_ =	shalt  }
0x7e: {  	_ =	shalt  }
0x7f: {  	_ =	shalt  }
0x80: {  	_ =	shalt  }
0x81: {  	_ =	shalt  }
0x82: {  	_ =	shalt  }
0x83: {  	_ =	shalt  }
0x84: {  	_ =	shalt  }
0x85: {  	_ =	shalt  }
0x86: {  	_ =	shalt  }
0x87: {  	_ =	shalt  }
.Lfunc_end0:
.L_simem_size_0:
called_computation.3_lowered:
.L_overlay_start_0:
0x88: {  	s2 =	sld [smem:$0x3FD9]  }
0x89: {  	s3 =	sld [smem:$0x3FFE];
	_ =	sdelay $0x1  }
0x8a: {  	s1 =	srdreg.scid  }
0x8b: {  	s0 =	sand.u32 $0x1, s1  }
0x8c: {  	s17 =	sshll.u32 s0, $0xA;
	s2 =	sadd.s32 s3, s2  }
0x8d: {  	s2 =	sadd.s32 s2, s17  }
0x8e: {  	[smem:$0x3FC0] =	sst s2  }
0x8f: {  	_ = 	snop  }
0x90: {  	s2 =	sld [smem:$0x3FD0];
	(tm) =	ssettm $0x1  }
0x91: {  	s18 =	sld [smem:$0x3FFB];
	_ =	sdelay $0x3  }
0x92: {  	_ =	strace s18  }
0x93: {  	s3 =	sld [smem:$0x3FFC];
	_ =	sdelay $0x3  }
0x94: {  	_ =	strace s3  }
0x95: {  	s3 =	sld [smem:$0x3FFD];
	_ =	sdelay $0x3  }
0x96: {  	_ =	strace s3  }
0x97: {  	_ =	strace $0x8FFFFFFF  }
0x98: {  	s19 =	sld [smem:$0x3FDB];
	_ =	sdelay $0x1  }
0x99: {  	s4 =	simm.s32 $_scs_section_size  }
0x9a: {  	s5 =	simm.s32 $_size__tile_overlayer_lowered;
	s6 =	simm.s32 $_tile_overlayer_lowered  }
0x9b: {  	s22 =	simm.s32 $0x1BFF;
	s21 =	sshll.u32 s6, $0x1;
	s3 =	sadd.s32 s4, s19  }
0x9c: {  	s7 =	simm.s32 $0x0;
	s20 =	sshll.u32 s5, $0x1;
	s5 =	sadd.s32 s21, s3  }
0x9d: {  	[timem:s7], [sflag:s22] =	dma.local [hbm:s5], s20  }
0x9e: {  	_ =	swait.ge [sflag:s22], s20  }
0x9f: {  	s4 =	ssub.s32 $0x0, s20;
	[sflag:s22] =	ssyncset.done $0x0  }
0xa0: {  	[sflag:s22] =	ssyncadd.s32 s4;
	_ =	sdelay $0x1  }
0xa1: {  	s23 =	simm.s32 $0x1B8B  }
0xa2: {  	_ =	swait.ge [sflag:s23], $0x1  }
0xa3: {  	[sflag:s23] =	ssyncset.done $0x0  }
0xa4: {  	s25 =	simm.s32 $0x1B8E;
	s24 =	sld [smem:$0x3FFE];
	[sflag:s23] =	ssyncadd.s32 $0xFFFFFFFF  }
0xa5: {  	s26 =	simm.s32 $execute0_lowered;
	[smem:$0x3FD2] =	sst s25  }
0xa6: {  	s5 =	sshll.u32 s26, $0x1;
	_ =	strace $0x8000004F;
	[dreg:$0x1] =	wrdreg $0xFFFFFFFF  }
0xa7: {  	s28 =	simm.s32 $_size_execute0_lowered;
	s3 =	sadd.s32 s3, s5;
	[dreg:$0x0] =	wrdreg $0x0  }
0xa8: {  	s5 =	sshll.u32 s28, $0x1;
	[dreg:$0x2] =	wrdreg s3  }
0xa9: {  	[dreg:$0x3] =	wrdreg s5  }
0xaa: {  	[dreg:$0x4] =	wrdreg $0xC0  }
0xab: {  	_ =	task [dreg:s7], $0x5FFFF  }
0xac: {  	[dreg:$0x1] =	wrdreg $0xFFFFFFFF  }
0xad: {  	[dreg:$0x0] =	wrdreg $0x60  }
0xae: {  	[dreg:$0x2] =	wrdreg s24  }
0xaf: {  	[dreg:$0x3] =	wrdreg s2  }
0xb0: {  	[dreg:$0x4] =	wrdreg $0xBC000  }
0xb1: {  	[dreg:$0x5] =	wrdreg $0x9  }
0xb2: {  	_ =	task.clear_ibuf [dreg:s7], $0x6FFFF;
	_ =	strace $0x9000004F  }
0xb3: {  	s29 =	simm.s32 $0x9;
	_ =	strace $0x80000051  }
0xb4: {  	_ =	swait.ge [sflag:s29], $0x1  }
0xb5: {  	[sflag:s29] =	ssyncadd.s32 $0xFFFFFFFF  }
0xb6: {  	_ =	strace $0x90000051  }
0xb7: {  	_ =	sfence  }
0xb8: {  	s30 =	sld [smem:$0x0];
	_ =	sdelay $0x2  }
0xb9: {  	s31 =	sshll.u32 s1, $0xD;
	s1 =	sshrl.u32 s1, $0x2  }
0xba: {  	s3 =	sand.u32 $0x4000, s31;
	s1 =	sadd.s32 s1, s30  }
0xbb: {  	s0 =	sor.u32 s3, s0;
	s1 =	sshll.u32 s1, $0x11  }
0xbc: {  	s0 =	sor.u32 s1, s0  }
0xbd: {  	s0 =	sadd.s32 $0x8F2B, s0  }
0xbe: {  	[sflag:s0] =	ssyncadd.remote.s32 $0x1  }
0xbf: {  	_ =	sfence.sel $0xFFFF  }
0xc0: {  	[dreg:$0x0] =	wrdreg $0xFFFFFFFF;
	(pc) =	sbr.abs _section_cstart, $3  }
0xc1: {  	[dreg:$0x1] =	wrdreg $0xFFFFFFFF  }
0xc2: {  	_ =	task.clear_ibuf [dreg:s7], $0x2FFFF;
	_ =	strace $0x9FFFFFFF  }
0xc3: {  	(tm) =	ssettm $0x7FFFFFFF  }
tec
execute0_lowered:
.L_overlay_start_1:
0x0: {  	(tag) =	ssettag $0x1  }
0x1: {  	s5 =	rddreg [dreg:$0x0]  }
0x2: {  	s6 =	rddreg [dreg:$0x1];
	s0 =	stileid.u32  }
0x3: {  	s1 =	srdreg.scid;
	s2 =	rddreg [dreg:$0x2]  }
0x4: {  	s3 =	simm.s32 $0x0;
	s15 =	simm.s32 $0x3C00;
	s16 =	simm.s32 $0x7C00  }
0x5: {  	s17 =	simm.s32 $0x2800;
	s18 =	simm.s32 $0x1;
	s19 =	simm.s32 $0x2  }
0x6: {  	s20 =	simm.s32 $0x3B00;
	s21 =	simm.s32 $0x3B80;
	s7 =	smul.u32 $0x2800, s0  }
0x7: {  	s8 =	sand.u32 $0x1, s1;
	s1 =	rddreg [dreg:$0x3];
	s10 =	smul.u32 $0x14000, s0  }
0x8: {  	s22 =	simm.s32 $0x0;
	[smem:$0x7FF] =	sst s3;
	s12 =	smul.u32 $0x50000, s0  }
0x9: {  	s4 =	sadd.s32 $0x7A00, s5;
	s31 =	sshll.u32 s0, $0x6;
	s9 =	smul.u32 $0x140000, s8  }
0xa: {  	_ =	strace $0x80000050;
	s29 =	smul.u32 $0x28000, s8;
	s30 =	ssub.s32 $0x2, s8  }
0xb: {  	s11 =	sshrl.u32 s7, $0x3;
	s8 =	sshrl.u32 s30, $0x1;
	s12 =	sshrl.u32 s12, $0x2  }
0xc: {  	s9 =	sadd.s32 s10, s9;
	s11 =	sadd.s32 s11, s5;
	s7 =	sadd.s32 s7, s29  }
0xd: {  	s13 =	ssub.s32 s30, s8;
	s14 =	sadd.s32 s12, s2;
	s12 =	sor.u32 $0x1C03, s31  }
0xe: {  	s9 =	sshrl.u32 s9, $0x3;
	s10 =	sshrl.u32 s7, $0x3;
	s8 =	sadd.s32 $0x2C80, s11  }
0xf: {  	s9 =	sadd.s32 s9, s5;
	s5 =	sadd.s32 s6, s10;
	s6 =	sadd.s32 s4, s7  }
0x10: {  	s7 =	sadd.s32 $0x2A00, s11;
	s10 =	smax.u32 s13, $0x1;
	s11 =	simm.s32 $0x3  }
0x11: {  	s13 =	sshrl.u32 s14, $0x3;
	s14 =	simm.s32 $0x80;
	s9 =	sadd.s32 $0x57A00, s9  }
.LBB2_1:
0x12: {  	[tilespmem:s3], [sflag:$0x3] =	stream.linear.gather [hbm4b:s5+s3], $0x2800, $0x38;
	[tilespmem:$0x1FC00] =	vst v63  }
0x13: {  	_ =	swait.ge [sflag:s11], $0x2800  }
0x14: {  	[sflag:s11] =	ssyncset.done $0x0  }
0x15: {  	[sflag:s11] =	ssyncadd.s32 $0xFFFFD800  }
0x16: {  	[spmem:s13], [sflag:s12] =	dma.local [hbm:s6], $0x2800  }
0x17: {  	_ =	swait.ge [sflag:s11], $0x2800  }
0x18: {  	[sflag:s11] =	ssyncset.done $0x0  }
0x19: {  	[sflag:s11] =	ssyncadd.s32 $0xFFFFD800  }
0x1a: {  	[bflag:$0x0] =	sbarrier.arrive $0xFFFF  }
0x1b: {  	[tilespmem:s15], [sflag:$0x1] =	stream.indirect.gather [hbm4b:s4+s14], $0x80, s3, s14, $0xb8;
	[tilespmem:$0x1FC00] =	vst v63  }
0x1c: {  	_ = 	snop  }
0x1d: {  	[tilespmem:s16], [sflag:$0x2] =	stream.indirect.gather [hbm4b:s4+s14], $0x80, s14, s14, $0xb8;
	[tilespmem:$0x1FC00] =	vst v63  }
0x1e: {  	_ = 	snop  }
0x1f: {  	[tilespmem:s17], [sflag:$0x3] =	stream.linear.gather [hbm4b:s7+s3], $0x1400, $0x38;
	[tilespmem:$0x1FC00] =	vst v63  }
0x20: {  	_ =	swait.ge [sflag:s11], $0x1400  }
0x21: {  	[sflag:s11] =	ssyncset.done $0x0  }
0x22: {  	[sflag:s11] =	ssyncadd.s32 $0xFFFFEC00  }
0x23: {  	_ =	swait.ge [sflag:s18], $0x4000  }
0x24: {  	[sflag:s18] =	ssyncset.done $0x0  }
0x25: {  	s23 =	simm.s32 $0x2800;
	[sflag:s18] =	ssyncadd.s32 $0xFFFFC000  }
0x26: {  	[spmem:s2] =	stream.indirect.scatter.add.f32 [tilespmem:s15], [sflag:$0x3], $0x80, s23, s14, $0xb8;
	[tilespmem:$0x1FC00] =	vst v63  }
0x27: {  	_ =	swait.ge [sflag:s11], $0x4000  }
0x28: {  	[sflag:s11] =	ssyncset.done $0x0  }
0x29: {  	s30 =	simm.s32 $0x100;
	[sflag:s11] =	ssyncadd.s32 $0xFFFFC000  }
0x2a: {  	[tilespmem:s15], [sflag:$0x1] =	stream.indirect.gather [hbm4b:s4+s14], $0x80, s30, s14, $0xb8;
	[tilespmem:$0x1FC00] =	vst v63  }
0x2b: {  	_ =	swait.ge [sflag:s19], $0x4000  }
0x2c: {  	[sflag:s19] =	ssyncset.done $0x0  }
0x2d: {  	s31 =	simm.s32 $0x2880;
	[sflag:s19] =	ssyncadd.s32 $0xFFFFC000  }
0x2e: {  	[spmem:s2] =	stream.indirect.scatter.add.f32 [tilespmem:s16], [sflag:$0x3], $0x80, s31, s14, $0xb8;
	[tilespmem:$0x1FC00] =	vst v63  }
0x2f: {  	_ =	swait.ge [sflag:s11], $0x4000  }
0x30: {  	[sflag:s11] =	ssyncset.done $0x0  }
0x31: {  	s24 =	simm.s32 $0x180;
	s23 =	simm.s32 $0x400;
	[sflag:s11] =	ssyncadd.s32 $0xFFFFC000  }
.LBB2_2:
0x32: {  	[tilespmem:s16], [sflag:$0x2] =	stream.indirect.gather [hbm4b:s4+s14], $0x80, s24, s14, $0xb8;
	[tilespmem:$0x1FC00] =	vst v63  }
0x33: {  	s24 =	smov.u32 s23  }
0x34: {  	p0 =	sne.s32 s23, $0x4C00;
	s23 =	sadd.s32 $0x400, s23;
	_ =	swait.ge [sflag:s18], $0x4000  }
0x35: {  	s24 =	sshra.s32 s24, $0x2;
	[sflag:s18] =	ssyncset.done $0x0  }
0x36: {  	s25 =	sadd.s32 $0x2800, s24;
	[sflag:s18] =	ssyncadd.s32 $0xFFFFC000  }
0x37: {  	[spmem:s2] =	stream.indirect.scatter.add.f32 [tilespmem:s15], [sflag:$0x3], $0x80, s25, s14, $0xb8;
	[tilespmem:$0x1FC00] =	vst v63  }
0x38: {  	_ =	swait.ge [sflag:s11], $0x4000  }
0x39: {  	[sflag:s11] =	ssyncset.done $0x0  }
0x3a: {  	s25 =	sadd.s32 $0x100, s24;
	[sflag:s11] =	ssyncadd.s32 $0xFFFFC000  }
0x3b: {  	[tilespmem:s15], [sflag:$0x1] =	stream.indirect.gather [hbm4b:s4+s14], $0x80, s25, s14, $0xb8;
	[tilespmem:$0x1FC00] =	vst v63  }
0x3c: {  	_ =	swait.ge [sflag:s19], $0x4000  }
0x3d: {  	[sflag:s19] =	ssyncset.done $0x0  }
.Ltmp0:
0x3e: {  	s25 =	sadd.s32 $0x2880, s24;
	[sflag:s19] =	ssyncadd.s32 $0xFFFFC000;
	(pc) =	sbr.rel @p0 .LBB2_2-.Ltmp0, $4  }
0x3f: {  	[spmem:s2] =	stream.indirect.scatter.add.f32 [tilespmem:s16], [sflag:$0x3], $0x80, s25, s14, $0xb8;
	[tilespmem:$0x1FC00] =	vst v63  }
0x40: {  	_ =	swait.ge [sflag:s11], $0x4000  }
0x41: {  	[sflag:s11] =	ssyncset.done $0x0  }
0x42: {  	s24 =	sadd.s32 $0x180, s24;
	[sflag:s11] =	ssyncadd.s32 $0xFFFFC000  }
0x43: {  	[tilespmem:s16], [sflag:$0x2] =	stream.indirect.gather [hbm4b:s4+s14], $0x80, s24, s14, $0xb8;
	[tilespmem:$0x1FC00] =	vst v63  }
0x44: {  	s23 =	simm.s32 $0x0  }
0x45: {  	[tilespmem:s17], [sflag:$0x3] =	stream.linear.gather [hbm4b:s8+s23], $0x1400, $0x38;
	[tilespmem:$0x1FC00] =	vst v63  }
0x46: {  	_ =	swait.ge [sflag:s11], $0x1400  }
0x47: {  	[sflag:s11] =	ssyncset.done $0x0  }
0x48: {  	[sflag:s11] =	ssyncadd.s32 $0xFFFFEC00  }
0x49: {  	_ =	swait.ge [sflag:s18], $0x4000  }
0x4a: {  	[sflag:s18] =	ssyncset.done $0x0  }
0x4b: {  	s29 =	simm.s32 $0x2800;
	[sflag:s18] =	ssyncadd.s32 $0xFFFFC000  }
0x4c: {  	[spmem:s2] =	stream.indirect.scatter.add.f32 [tilespmem:s15], [sflag:$0x3], $0x80, s29, s14, $0xb8;
	[tilespmem:$0x1FC00] =	vst v63  }
0x4d: {  	_ =	swait.ge [sflag:s11], $0x4000  }
0x4e: {  	[sflag:s11] =	ssyncset.done $0x0  }
0x4f: {  	s30 =	simm.s32 $0x1500;
	[sflag:s11] =	ssyncadd.s32 $0xFFFFC000  }
0x50: {  	[tilespmem:s15], [sflag:$0x1] =	stream.indirect.gather [hbm4b:s4+s14], $0x80, s30, s14, $0xb8;
	[tilespmem:$0x1FC00] =	vst v63  }
0x51: {  	_ =	swait.ge [sflag:s19], $0x4000  }
0x52: {  	[sflag:s19] =	ssyncset.done $0x0  }
0x53: {  	s31 =	simm.s32 $0x2880;
	[sflag:s19] =	ssyncadd.s32 $0xFFFFC000  }
0x54: {  	[spmem:s2] =	stream.indirect.scatter.add.f32 [tilespmem:s16], [sflag:$0x3], $0x80, s31, s14, $0xb8;
	[tilespmem:$0x1FC00] =	vst v63  }
0x55: {  	_ =	swait.ge [sflag:s11], $0x4000  }
0x56: {  	[sflag:s11] =	ssyncset.done $0x0  }
0x57: {  	s24 =	simm.s32 $0x1580;
	s23 =	simm.s32 $0x400;
	[sflag:s11] =	ssyncadd.s32 $0xFFFFC000  }
.LBB2_4:
0x58: {  	[tilespmem:s16], [sflag:$0x2] =	stream.indirect.gather [hbm4b:s4+s14], $0x80, s24, s14, $0xb8;
	[tilespmem:$0x1FC00] =	vst v63  }
0x59: {  	s24 =	smov.u32 s23  }
0x5a: {  	p0 =	sne.s32 s23, $0x4800;
	s23 =	sadd.s32 $0x400, s23;
	_ =	swait.ge [sflag:s18], $0x4000  }
0x5b: {  	s24 =	sshra.s32 s24, $0x2;
	[sflag:s18] =	ssyncset.done $0x0  }
0x5c: {  	s25 =	sadd.s32 $0x2800, s24;
	[sflag:s18] =	ssyncadd.s32 $0xFFFFC000  }
0x5d: {  	[spmem:s2] =	stream.indirect.scatter.add.f32 [tilespmem:s15], [sflag:$0x3], $0x80, s25, s14, $0xb8;
	[tilespmem:$0x1FC00] =	vst v63  }
0x5e: {  	_ =	swait.ge [sflag:s11], $0x4000  }
0x5f: {  	[sflag:s11] =	ssyncset.done $0x0  }
0x60: {  	s25 =	sadd.s32 $0x1500, s24;
	[sflag:s11] =	ssyncadd.s32 $0xFFFFC000  }
0x61: {  	[tilespmem:s15], [sflag:$0x1] =	stream.indirect.gather [hbm4b:s4+s14], $0x80, s25, s14, $0xb8;
	[tilespmem:$0x1FC00] =	vst v63  }
0x62: {  	_ =	swait.ge [sflag:s19], $0x4000  }
0x63: {  	[sflag:s19] =	ssyncset.done $0x0  }
.Ltmp1:
0x64: {  	s25 =	sadd.s32 $0x2880, s24;
	[sflag:s19] =	ssyncadd.s32 $0xFFFFC000;
	(pc) =	sbr.rel @p0 .LBB2_4-.Ltmp1, $4  }
0x65: {  	[spmem:s2] =	stream.indirect.scatter.add.f32 [tilespmem:s16], [sflag:$0x3], $0x80, s25, s14, $0xb8;
	[tilespmem:$0x1FC00] =	vst v63  }
0x66: {  	_ =	swait.ge [sflag:s11], $0x4000  }
0x67: {  	[sflag:s11] =	ssyncset.done $0x0  }
0x68: {  	s24 =	sadd.s32 $0x1580, s24;
	[sflag:s11] =	ssyncadd.s32 $0xFFFFC000  }
0x69: {  	[tilespmem:s16], [sflag:$0x2] =	stream.indirect.gather [hbm4b:s4+s14], $0x80, s24, s14, $0xb8;
	[tilespmem:$0x1FC00] =	vst v63  }
0x6a: {  	_ =	swait.ge [sflag:s18], $0x4000  }
0x6b: {  	[sflag:s18] =	ssyncset.done $0x0  }
0x6c: {  	[sflag:s18] =	ssyncadd.s32 $0xFFFFC000  }
0x6d: {  	[spmem:s2] =	stream.indirect.scatter.add.f32 [tilespmem:s15], [sflag:$0x3], $0x80, s20, s14, $0xb8;
	[tilespmem:$0x1FC00] =	vst v63  }
0x6e: {  	_ =	swait.ge [sflag:s11], $0x4000  }
0x6f: {  	[sflag:s11] =	ssyncset.done $0x0  }
0x70: {  	[sflag:s11] =	ssyncadd.s32 $0xFFFFC000  }
0x71: {  	_ =	swait.ge [sflag:s19], $0x4000  }
0x72: {  	[sflag:s19] =	ssyncset.done $0x0  }
0x73: {  	[sflag:s19] =	ssyncadd.s32 $0xFFFFC000  }
0x74: {  	[spmem:s2] =	stream.indirect.scatter.add.f32 [tilespmem:s16], [sflag:$0x3], $0x80, s21, s14, $0xb8;
	[tilespmem:$0x1FC00] =	vst v63  }
0x75: {  	_ =	swait.ge [sflag:s11], $0x4000  }
0x76: {  	[sflag:s11] =	ssyncset.done $0x0  }
0x77: {  	s22 =	sadd.s32 $0x1, s22;
	[sflag:s11] =	ssyncadd.s32 $0xFFFFC000  }
0x78: {  	p0 =	sne.s32 s22, s10;
	[bflag:$0x0] =	sbarrier.arrive $0xFFFF  }
0x79: {  	[hbm:s9], [sflag:s12] =	dma.local [spmem:s13], $0x2800  }
.Ltmp2:
0x7a: {  	_ =	swait.ge [sflag:s11], $0x2800;
	(pc) =	sbr.rel @p0 .LBB2_1-.Ltmp2, $3  }
0x7b: {  	[sflag:s11] =	ssyncset.done $0x0  }
0x7c: {  	[sflag:s11] =	ssyncadd.s32 $0xFFFFD800  }
0x7d: {  	[bflag:$0x0] =	sbarrier.arrive $0xFFFF;
	_ =	sdelay $0x1  }
0x7e: {  	_ =	sfence.sel $0x180000  }
0x7f: {  	[bflag:$0x0] =	sbarrier.arrive $0xFFFF  }
0x80: {  	p0 =	sne.s32 s0, $0x0;
	_ =	strace $0x90000050  }
0x81: {  	s0 =	sadd.s32 @!p0 $0x100000, s1;
	[bflag:$0x2] =	sbarrier.arrive $0xFFFF  }
0x82: {  	[sflag:s0] =	ssyncadd.tile.s32 @!p0 $0x1;
	_ =	shalt  }
.Lfunc_end2:
_tile_overlayer_lowered:
.L_overlay_start_2:
0x83: {  	(tag) =	ssettag $0x2  }
0x84: {  	s0 =	rddreg [dreg:$0x0];
	s2 =	stileid.u32  }
0x85: {  	s1 =	rddreg [dreg:$0x1];
	p0 =	sne.s32 s2, $0x0  }
0x86: {  	s3 =	rddreg [dreg:$0x2];
	[bflag:$0x3] =	sbarrier.arrive $0xFFFF;
	s2 =	simm.s32 @!p0 $0x1C03  }
0x87: {  	[timem:s3], [sflag:s2] =	dma.local @!p0 [hbm:s0], s1  }
0x88: {  	s0 =	simm.s32 @!p0 $0x3  }
0x89: {  	_ =	swait.ge @!p0 [sflag:s0], s1  }
0x8a: {  	s1 =	ssub.s32 @!p0 $0x0, s1;
	[sflag:s0] =	ssyncset.done @!p0 $0x0  }
0x8b: {  	[sflag:s0] =	ssyncadd.s32 @!p0 s1  }
0x8c: {  	[bflag:$0x3] =	sbarrier.arrive $0xFFFF  }
0x8d: {  	_ =	shalt  }

</sc_bundles>
